<compile_context>
chip_gen: v7x
topology: tpu7x:2x2x1
jax: 0.10.2.dev20260603
libtpu: 0.0.44.dev20260713+nightly
codegen_flags: <defaults>
</compile_context>

<pallas_src>
import functools

import jax
import jax.numpy as jnp
from jax import lax
from jax.experimental import pallas as pl
from jax.experimental.pallas import tpu as pltpu
from jax.experimental.pallas import tpu_sc as plsc

_B, _H, _W, _C = 8, 112, 112, 192
_HW = _H * _W
_HO, _WO = _H * 2, _W * 2
_P = _HO * _WO
_NPAIR = _B * _C
_NW = 32
_PPW = _NPAIR // _NW
_WPB = _NW // _B
_L = 16
_ZU = 4
_SU = 4


def _sc_unpool_scatter(u_t, m_t):
    mesh = plsc.VectorSubcoreMesh(core_axis_name="c", subcore_axis_name="s")

    @functools.partial(
        pl.kernel,
        out_type=jax.ShapeDtypeStruct((_B, _C, _HO, _WO), jnp.float32),
        mesh=mesh,
        compiler_params=pltpu.CompilerParams(needs_layout_passes=False),
        scratch_types=[
            pltpu.VMEM((_H, _W), jnp.float32),
            pltpu.VMEM((_H, _W), jnp.float32),
            pltpu.VMEM((_H, _W), jnp.int32),
            pltpu.VMEM((_H, _W), jnp.int32),
            pltpu.VMEM((_HO, _WO), jnp.float32),
            pltpu.SemaphoreType.DMA,
            pltpu.SemaphoreType.DMA,
        ],
    )
    def k(u_hbm, m_hbm, out_hbm, vals_a, vals_b, msk_a, msk_b, acc,
          sem_a, sem_b):
        wid = lax.axis_index("s") * 2 + lax.axis_index("c")
        b = wid // _WPB
        c0 = (wid % _WPB) * _PPW

        def fetch(j, vals, msk, sem):
            c = c0 + jnp.minimum(j, _PPW - 1)
            pltpu.make_async_copy(u_hbm.at[b, c], vals, sem).start()
            pltpu.make_async_copy(m_hbm.at[b, c], msk, sem).start()

        def process(j, vals, msk, sem, nvals, nmsk, nsem):
            fetch(j + 1, nvals, nmsk, nsem)

            @plsc.parallel_loop(0, _HO, unroll=_ZU)
            def zbody(r):
                for g in range(_WO // _L):
                    acc[r, pl.ds(g * _L, _L)] = jnp.zeros((_L,), jnp.float32)

            pltpu.make_async_copy(u_hbm.at[0, 0], vals, sem).wait()
            pltpu.make_async_copy(m_hbm.at[0, 0], msk, sem).wait()

            @plsc.parallel_loop(0, _H, unroll=_SU)
            def sbody(r):
                for g in range(_W // _L):
                    m = msk[r, pl.ds(g * _L, _L)]
                    v = vals[r, pl.ds(g * _L, _L)]
                    t = lax.shift_right_logical(m, 6)
                    p = (t.astype(jnp.float32) *
                         jnp.float32(1.0 / 3.0)).astype(jnp.int32)
                    u = lax.shift_right_logical(m, 11)
                    py = (u.astype(jnp.float32) *
                          jnp.float32(1.0 / 21.0)).astype(jnp.int32)
                    px = p - py * _WO
                    plsc.addupdate_scatter(acc, [py, px], v)

            pltpu.sync_copy(acc, out_hbm.at[b, c0 + j])

        fetch(0, vals_a, msk_a, sem_a)

        def pair_body(i, carry):
            j = 2 * i
            process(j, vals_a, msk_a, sem_a, vals_b, msk_b, sem_b)
            process(j + 1, vals_b, msk_b, sem_b, vals_a, msk_a, sem_a)
            return carry

        lax.fori_loop(0, _PPW // 2, pair_body, 0)

        pltpu.make_async_copy(u_hbm.at[0, 0], vals_a, sem_a).wait()
        pltpu.make_async_copy(m_hbm.at[0, 0], msk_a, sem_a).wait()

    return k(u_t, m_t)


def kernel(updates, mask):
    u_t = jnp.transpose(updates, (0, 3, 1, 2))
    m_t = jnp.transpose(mask, (0, 3, 1, 2))
    out_t = _sc_unpool_scatter(u_t, m_t)
    return out_t.transpose(0, 2, 3, 1)

# --- scband reference (transcript-rebuilt; emitter-appended) ---
"""Pipeline reference for scband-max-unpooling2-d-18614388261619 (READ-ONLY COPY).

The authoritative reference and input builder live on the scoring server;
editing this copy changes nothing except your own understanding.
"""

import jax, jax.numpy as jnp
import numpy as np

SIZE = (2, 2)
B, H, W, C = 8, 112, 112, 192


def setup_inputs(seed: int = 0) -> dict:
    key = jax.random.key(seed)
    k1, k2 = jax.random.split(key)
    updates = jax.random.normal(k1, (B, H, W, C), dtype=jnp.float32)
    Hout, Wout = H * SIZE[0], W * SIZE[1]
    mask = jax.random.randint(k2, (B, H, W, C), 0, Hout * Wout * C, dtype=jnp.int32)
    return {"updates": updates, "mask": mask}


def reference(updates, mask):
    # Faithful JAX translation of keras MaxUnpooling2D.call
    b_, h_, w_, c_ = updates.shape
    Hout = h_ * SIZE[0]
    Wout = w_ * SIZE[1]
    mask = mask.astype(jnp.int32)
    one_like_mask = jnp.ones_like(mask, dtype=jnp.int32)
    batch_range = jnp.arange(b_, dtype=jnp.int32).reshape(b_, 1, 1, 1)
    b = one_like_mask * batch_range
    y = mask // (Wout * c_)
    x = (mask // c_) % Wout
    feature_range = jnp.arange(c_, dtype=jnp.int32)
    f = one_like_mask * feature_range
    values = updates.reshape(-1)
    out = jnp.zeros((b_, Hout, Wout, c_), dtype=updates.dtype)
    # tf.scatter_nd accumulates duplicate indices -> .at[...].add
    out = out.at[b.reshape(-1), y.reshape(-1), x.reshape(-1), f.reshape(-1)].add(values)
    return out

if __name__ == "__main__":
    import jax
    _d = setup_inputs()
    print(jax.jit(kernel)(*tuple(_d.values())))

</pallas_src>

<mosaic_0001>
#map = affine_map<(d0, d1) -> (0, 0, 0, 0)>
module attributes {stable_mosaic.version = 14 : i64} {
  func.func @k(%arg0: i32, %arg1: i32, %arg2: memref<8x192x112x112xf32, #tpu.memory_space<hbm>>, %arg3: memref<8x192x112x112xi32, #tpu.memory_space<hbm>>, %arg4: memref<8x192x224x224xf32, #tpu.memory_space<hbm>>, %arg5: memref<112x112xf32, #tpu.memory_space<vmem>>, %arg6: memref<112x112xf32, #tpu.memory_space<vmem>>, %arg7: memref<112x112xi32, #tpu.memory_space<vmem>>, %arg8: memref<112x112xi32, #tpu.memory_space<vmem>>, %arg9: memref<224x224xf32, #tpu.memory_space<vmem>>, %arg10: memref<!tpu.dma_semaphore, #tpu.memory_space<semaphore_mem>>, %arg11: memref<!tpu.dma_semaphore, #tpu.memory_space<semaphore_mem>>) attributes {dimension_semantics = [#tpu.dimension_semantics<core_parallel>, #tpu.dimension_semantics<subcore_parallel>], iteration_bounds = array<i64: 2, 16>, scalar_prefetch = 0 : i64, scratch_operands = 7 : i64, tpu.core_type = #tpu.core_type<sc_vector_subcore>, window_params = [{transform_indices = #map}, {transform_indices = #map}, {transform_indices = #map}]} {
    %mul3A = arith.constant 2 : i32
    %mul3A_0 = arith.muli %arg1, %mul3A : i32
    %add3A = arith.addi %mul3A_0, %arg0 : i32
    %jit3A = arith.constant 4 : i32
    %div3A = arith.divsi %add3A, %jit3A : i32
    %sign3A = arith.constant 0 : i32
    %sign3A_1 = arith.cmpi sgt, %add3A, %sign3A : i32
    %sign3A_2 = arith.extui %sign3A_1 : i1 to i32
    %sign3A_3 = arith.constant 0 : i32
    %sign3A_4 = arith.cmpi slt, %add3A, %sign3A_3 : i32
    %sign3A_5 = arith.extui %sign3A_4 : i1 to i32
    %sign3A_6 = arith.subi %sign3A_2, %sign3A_5 : i32
    %sign3A_7 = arith.constant 0 : i32
    %sign3A_8 = arith.cmpi sgt, %jit3A, %sign3A_7 : i32
    %sign3A_9 = arith.extui %sign3A_8 : i1 to i32
    %sign3A_10 = arith.constant 0 : i32
    %sign3A_11 = arith.cmpi slt, %jit3A, %sign3A_10 : i32
    %sign3A_12 = arith.extui %sign3A_11 : i1 to i32
    %sign3A_13 = arith.subi %sign3A_9, %sign3A_12 : i32
    %ne3A = arith.cmpi ne, %sign3A_6, %sign3A_13 : i32
    %rem3A = arith.remsi %add3A, %jit3A : i32
    %ne3A_14 = arith.constant 0 : i32
    %ne3A_15 = arith.cmpi ne, %rem3A, %ne3A_14 : i32
    %and3A = arith.andi %ne3A, %ne3A_15 : i1
    %sub3A = arith.constant 1 : i32
    %sub3A_16 = arith.subi %div3A, %sub3A : i32
    %select_n3A = arith.select %and3A, %sub3A_16, %div3A : i32
    %jit3A_17 = arith.constant 4 : i32
    %eq3A = arith.constant 0 : i32
    %eq3A_18 = arith.cmpi eq, %jit3A_17, %eq3A : i32
    %jit3A_19 = arith.constant 1 : i32
    %select_n3A_20 = arith.select %eq3A_18, %jit3A_19, %jit3A_17 : i32
    %rem3A_21 = arith.remsi %add3A, %select_n3A_20 : i32
    %ne3A_22 = arith.constant 0 : i32
    %ne3A_23 = arith.cmpi ne, %rem3A_21, %ne3A_22 : i32
    %lt3A = arith.constant 0 : i32
    %lt3A_24 = arith.cmpi slt, %rem3A_21, %lt3A : i32
    %lt3A_25 = arith.constant 0 : i32
    %lt3A_26 = arith.cmpi slt, %select_n3A_20, %lt3A_25 : i32
    %ne3A_27 = arith.xori %lt3A_24, %lt3A_26 : i1
    %and3A_28 = arith.andi %ne3A_27, %ne3A_23 : i1
    %add3A_29 = arith.addi %rem3A_21, %select_n3A_20 : i32
    %select_n3A_30 = arith.select %and3A_28, %add3A_29, %rem3A_21 : i32
    %mul3A_31 = arith.constant 48 : i32
    %mul3A_32 = arith.muli %select_n3A_30, %mul3A_31 : i32
    %min3A = arith.constant 0 : i32
    %min3A_33 = arith.constant 47 : i32
    %min3A_34 = arith.minsi %min3A, %min3A_33 : i32
    %add3A_35 = arith.addi %mul3A_32, %min3A_34 : i32
    %dma_start3A = arith.constant 0 : i32
    %dma_start3A_36 = arith.constant 0 : i32
    %dma_start3A_37 = tpu.memref_slice %arg2[%select_n3A, %add3A_35, %dma_start3A, %dma_start3A_36] : memref<8x192x112x112xf32, #tpu.memory_space<hbm>> -> memref<1x1x112x112xf32, #tpu.memory_space<hbm>>
    %dma_start3A_38 = tpu.memref_squeeze %dma_start3A_37 : memref<1x1x112x112xf32, #tpu.memory_space<hbm>> -> memref<112x112xf32, #tpu.memory_space<hbm>>
    %dma_start3A_39 = arith.constant 0 : i32
    %dma_start3A_40 = arith.constant 0 : i32
    %dma_start3A_41 = tpu.memref_slice %arg2[%select_n3A, %add3A_35, %dma_start3A_39, %dma_start3A_40] : memref<8x192x112x112xf32, #tpu.memory_space<hbm>> -> memref<1x1x112x112xf32, #tpu.memory_space<hbm>>
    %dma_start3A_42 = tpu.memref_squeeze %dma_start3A_41 : memref<1x1x112x112xf32, #tpu.memory_space<hbm>> -> memref<112x112xf32, #tpu.memory_space<hbm>>
    tpu.enqueue_dma source(%dma_start3A_42 : memref<112x112xf32, #tpu.memory_space<hbm>>) target(%arg5 : memref<112x112xf32, #tpu.memory_space<vmem>>) target_semaphore(%arg10 : memref<!tpu.dma_semaphore, #tpu.memory_space<semaphore_mem>>)
    %dma_start3A_43 = arith.constant 0 : i32
    %dma_start3A_44 = arith.constant 0 : i32
    %dma_start3A_45 = tpu.memref_slice %arg3[%select_n3A, %add3A_35, %dma_start3A_43, %dma_start3A_44] : memref<8x192x112x112xi32, #tpu.memory_space<hbm>> -> memref<1x1x112x112xi32, #tpu.memory_space<hbm>>
    %dma_start3A_46 = tpu.memref_squeeze %dma_start3A_45 : memref<1x1x112x112xi32, #tpu.memory_space<hbm>> -> memref<112x112xi32, #tpu.memory_space<hbm>>
    %dma_start3A_47 = arith.constant 0 : i32
    %dma_start3A_48 = arith.constant 0 : i32
    %dma_start3A_49 = tpu.memref_slice %arg3[%select_n3A, %add3A_35, %dma_start3A_47, %dma_start3A_48] : memref<8x192x112x112xi32, #tpu.memory_space<hbm>> -> memref<1x1x112x112xi32, #tpu.memory_space<hbm>>
    %dma_start3A_50 = tpu.memref_squeeze %dma_start3A_49 : memref<1x1x112x112xi32, #tpu.memory_space<hbm>> -> memref<112x112xi32, #tpu.memory_space<hbm>>
    tpu.enqueue_dma source(%dma_start3A_50 : memref<112x112xi32, #tpu.memory_space<hbm>>) target(%arg7 : memref<112x112xi32, #tpu.memory_space<vmem>>) target_semaphore(%arg10 : memref<!tpu.dma_semaphore, #tpu.memory_space<semaphore_mem>>)
    %scan3A = arith.constant 0 : i32
    %scan3A_51 = arith.constant 0 : i32
    %scan3A_52 = arith.constant 24 : i32
    %scan3A_53 = arith.addi %scan3A_51, %scan3A_52 : i32
    %scan3A_54 = arith.constant 1 : i32
    scf.for %scan3A_75 = %scan3A_51 to %scan3A_53 step %scan3A_54  : i32 {
      %mul3A_76 = arith.constant 2 : i32
      %mul3A_77 = arith.muli %mul3A_76, %scan3A_75 : i32
      %add3A_78 = arith.constant 1 : i32
      %add3A_79 = arith.addi %mul3A_77, %add3A_78 : i32
      %min3A_80 = arith.constant 47 : i32
      %min3A_81 = arith.minsi %add3A_79, %min3A_80 : i32
      %add3A_82 = arith.addi %mul3A_32, %min3A_81 : i32
      %dma_start3A_83 = arith.constant 0 : i32
      %dma_start3A_84 = arith.constant 0 : i32
      %dma_start3A_85 = tpu.memref_slice %arg2[%select_n3A, %add3A_82, %dma_start3A_83, %dma_start3A_84] : memref<8x192x112x112xf32, #tpu.memory_space<hbm>> -> memref<1x1x112x112xf32, #tpu.memory_space<hbm>>
      %dma_start3A_86 = tpu.memref_squeeze %dma_start3A_85 : memref<1x1x112x112xf32, #tpu.memory_space<hbm>> -> memref<112x112xf32, #tpu.memory_space<hbm>>
      %dma_start3A_87 = arith.constant 0 : i32
      %dma_start3A_88 = arith.constant 0 : i32
      %dma_start3A_89 = tpu.memref_slice %arg2[%select_n3A, %add3A_82, %dma_start3A_87, %dma_start3A_88] : memref<8x192x112x112xf32, #tpu.memory_space<hbm>> -> memref<1x1x112x112xf32, #tpu.memory_space<hbm>>
      %dma_start3A_90 = tpu.memref_squeeze %dma_start3A_89 : memref<1x1x112x112xf32, #tpu.memory_space<hbm>> -> memref<112x112xf32, #tpu.memory_space<hbm>>
      tpu.enqueue_dma source(%dma_start3A_90 : memref<112x112xf32, #tpu.memory_space<hbm>>) target(%arg6 : memref<112x112xf32, #tpu.memory_space<vmem>>) target_semaphore(%arg11 : memref<!tpu.dma_semaphore, #tpu.memory_space<semaphore_mem>>)
      %dma_start3A_91 = arith.constant 0 : i32
      %dma_start3A_92 = arith.constant 0 : i32
      %dma_start3A_93 = tpu.memref_slice %arg3[%select_n3A, %add3A_82, %dma_start3A_91, %dma_start3A_92] : memref<8x192x112x112xi32, #tpu.memory_space<hbm>> -> memref<1x1x112x112xi32, #tpu.memory_space<hbm>>
      %dma_start3A_94 = tpu.memref_squeeze %dma_start3A_93 : memref<1x1x112x112xi32, #tpu.memory_space<hbm>> -> memref<112x112xi32, #tpu.memory_space<hbm>>
      %dma_start3A_95 = arith.constant 0 : i32
      %dma_start3A_96 = arith.constant 0 : i32
      %dma_start3A_97 = tpu.memref_slice %arg3[%select_n3A, %add3A_82, %dma_start3A_95, %dma_start3A_96] : memref<8x192x112x112xi32, #tpu.memory_space<hbm>> -> memref<1x1x112x112xi32, #tpu.memory_space<hbm>>
      %dma_start3A_98 = tpu.memref_squeeze %dma_start3A_97 : memref<1x1x112x112xi32, #tpu.memory_space<hbm>> -> memref<112x112xi32, #tpu.memory_space<hbm>>
      tpu.enqueue_dma source(%dma_start3A_98 : memref<112x112xi32, #tpu.memory_space<hbm>>) target(%arg8 : memref<112x112xi32, #tpu.memory_space<vmem>>) target_semaphore(%arg11 : memref<!tpu.dma_semaphore, #tpu.memory_space<semaphore_mem>>)
      %parallel_loop3A = arith.constant 0 : i32
      %parallel_loop3A_99 = arith.constant 224 : i32
      %parallel_loop3A_100 = arith.constant 1 : i32
      scf.for %parallel_loop3A_175 = %parallel_loop3A to %parallel_loop3A_99 step %parallel_loop3A_100  : i32 {
        %parallel_loop3A_176 = arith.constant 0.000000e+00 : f32
        %parallel_loop3A_177 = vector.broadcast %parallel_loop3A_176 : f32 to vector<16xf32>
        %parallel_loop3A_178 = arith.index_cast %parallel_loop3A_175 : i32 to index
        %parallel_loop3A_179 = arith.constant 0 : index
        %parallel_loop3A_180 = tpu.vector_load %arg9[%parallel_loop3A_178, %parallel_loop3A_179] {strides = array<i32>} : memref<224x224xf32, #tpu.memory_space<vmem>>, vector<16xf32>,
        tpu.vector_store %arg9[%parallel_loop3A_178, %parallel_loop3A_179], %parallel_loop3A_177 {strides = array<i32>} : memref<224x224xf32, #tpu.memory_space<vmem>>, vector<16xf32>,
        %parallel_loop3A_181 = arith.constant 0.000000e+00 : f32
        %parallel_loop3A_182 = vector.broadcast %parallel_loop3A_181 : f32 to vector<16xf32>
        %parallel_loop3A_183 = arith.index_cast %parallel_loop3A_175 : i32 to index
        %parallel_loop3A_184 = arith.constant 16 : index
        %parallel_loop3A_185 = tpu.vector_load %arg9[%parallel_loop3A_183, %parallel_loop3A_184] {strides = array<i32>} : memref<224x224xf32, #tpu.memory_space<vmem>>, vector<16xf32>,
        tpu.vector_store %arg9[%parallel_loop3A_183, %parallel_loop3A_184], %parallel_loop3A_182 {strides = array<i32>} : memref<224x224xf32, #tpu.memory_space<vmem>>, vector<16xf32>,
        %parallel_loop3A_186 = arith.constant 0.000000e+00 : f32
        %parallel_loop3A_187 = vector.broadcast %parallel_loop3A_186 : f32 to vector<16xf32>
        %parallel_loop3A_188 = arith.index_cast %parallel_loop3A_175 : i32 to index
        %parallel_loop3A_189 = arith.constant 32 : index
        %parallel_loop3A_190 = tpu.vector_load %arg9[%parallel_loop3A_188, %parallel_loop3A_189] {strides = array<i32>} : memref<224x224xf32, #tpu.memory_space<vmem>>, vector<16xf32>,
        tpu.vector_store %arg9[%parallel_loop3A_188, %parallel_loop3A_189], %parallel_loop3A_187 {strides = array<i32>} : memref<224x224xf32, #tpu.memory_space<vmem>>, vector<16xf32>,
        %parallel_loop3A_191 = arith.constant 0.000000e+00 : f32
        %parallel_loop3A_192 = vector.broadcast %parallel_loop3A_191 : f32 to vector<16xf32>
        %parallel_loop3A_193 = arith.index_cast %parallel_loop3A_175 : i32 to index
        %parallel_loop3A_194 = arith.constant 48 : index
        %parallel_loop3A_195 = tpu.vector_load %arg9[%parallel_loop3A_193, %parallel_loop3A_194] {strides = array<i32>} : memref<224x224xf32, #tpu.memory_space<vmem>>, vector<16xf32>,
        tpu.vector_store %arg9[%parallel_loop3A_193, %parallel_loop3A_194], %parallel_loop3A_192 {strides = array<i32>} : memref<224x224xf32, #tpu.memory_space<vmem>>, vector<16xf32>,
        %parallel_loop3A_196 = arith.constant 0.000000e+00 : f32
        %parallel_loop3A_197 = vector.broadcast %parallel_loop3A_196 : f32 to vector<16xf32>
        %parallel_loop3A_198 = arith.index_cast %parallel_loop3A_175 : i32 to index
        %parallel_loop3A_199 = arith.constant 64 : index
        %parallel_loop3A_200 = tpu.vector_load %arg9[%parallel_loop3A_198, %parallel_loop3A_199] {strides = array<i32>} : memref<224x224xf32, #tpu.memory_space<vmem>>, vector<16xf32>,
        tpu.vector_store %arg9[%parallel_loop3A_198, %parallel_loop3A_199], %parallel_loop3A_197 {strides = array<i32>} : memref<224x224xf32, #tpu.memory_space<vmem>>, vector<16xf32>,
        %parallel_loop3A_201 = arith.constant 0.000000e+00 : f32
        %parallel_loop3A_202 = vector.broadcast %parallel_loop3A_201 : f32 to vector<16xf32>
        %parallel_loop3A_203 = arith.index_cast %parallel_loop3A_175 : i32 to index
        %parallel_loop3A_204 = arith.constant 80 : index
        %parallel_loop3A_205 = tpu.vector_load %arg9[%parallel_loop3A_203, %parallel_loop3A_204] {strides = array<i32>} : memref<224x224xf32, #tpu.memory_space<vmem>>, vector<16xf32>,
        tpu.vector_store %arg9[%parallel_loop3A_203, %parallel_loop3A_204], %parallel_loop3A_202 {strides = array<i32>} : memref<224x224xf32, #tpu.memory_space<vmem>>, vector<16xf32>,
        %parallel_loop3A_206 = arith.constant 0.000000e+00 : f32
        %parallel_loop3A_207 = vector.broadcast %parallel_loop3A_206 : f32 to vector<16xf32>
        %parallel_loop3A_208 = arith.index_cast %parallel_loop3A_175 : i32 to index
        %parallel_loop3A_209 = arith.constant 96 : index
        %parallel_loop3A_210 = tpu.vector_load %arg9[%parallel_loop3A_208, %parallel_loop3A_209] {strides = array<i32>} : memref<224x224xf32, #tpu.memory_space<vmem>>, vector<16xf32>,
        tpu.vector_store %arg9[%parallel_loop3A_208, %parallel_loop3A_209], %parallel_loop3A_207 {strides = array<i32>} : memref<224x224xf32, #tpu.memory_space<vmem>>, vector<16xf32>,
        %parallel_loop3A_211 = arith.constant 0.000000e+00 : f32
        %parallel_loop3A_212 = vector.broadcast %parallel_loop3A_211 : f32 to vector<16xf32>
        %parallel_loop3A_213 = arith.index_cast %parallel_loop3A_175 : i32 to index
        %parallel_loop3A_214 = arith.constant 112 : index
        %parallel_loop3A_215 = tpu.vector_load %arg9[%parallel_loop3A_213, %parallel_loop3A_214] {strides = array<i32>} : memref<224x224xf32, #tpu.memory_space<vmem>>, vector<16xf32>,
        tpu.vector_store %arg9[%parallel_loop3A_213, %parallel_loop3A_214], %parallel_loop3A_212 {strides = array<i32>} : memref<224x224xf32, #tpu.memory_space<vmem>>, vector<16xf32>,
        %parallel_loop3A_216 = arith.constant 0.000000e+00 : f32
        %parallel_loop3A_217 = vector.broadcast %parallel_loop3A_216 : f32 to vector<16xf32>
        %parallel_loop3A_218 = arith.index_cast %parallel_loop3A_175 : i32 to index
        %parallel_loop3A_219 = arith.constant 128 : index
        %parallel_loop3A_220 = tpu.vector_load %arg9[%parallel_loop3A_218, %parallel_loop3A_219] {strides = array<i32>} : memref<224x224xf32, #tpu.memory_space<vmem>>, vector<16xf32>,
        tpu.vector_store %arg9[%parallel_loop3A_218, %parallel_loop3A_219], %parallel_loop3A_217 {strides = array<i32>} : memref<224x224xf32, #tpu.memory_space<vmem>>, vector<16xf32>,
        %parallel_loop3A_221 = arith.constant 0.000000e+00 : f32
        %parallel_loop3A_222 = vector.broadcast %parallel_loop3A_221 : f32 to vector<16xf32>
        %parallel_loop3A_223 = arith.index_cast %parallel_loop3A_175 : i32 to index
        %parallel_loop3A_224 = arith.constant 144 : index
        %parallel_loop3A_225 = tpu.vector_load %arg9[%parallel_loop3A_223, %parallel_loop3A_224] {strides = array<i32>} : memref<224x224xf32, #tpu.memory_space<vmem>>, vector<16xf32>,
        tpu.vector_store %arg9[%parallel_loop3A_223, %parallel_loop3A_224], %parallel_loop3A_222 {strides = array<i32>} : memref<224x224xf32, #tpu.memory_space<vmem>>, vector<16xf32>,
        %parallel_loop3A_226 = arith.constant 0.000000e+00 : f32
        %parallel_loop3A_227 = vector.broadcast %parallel_loop3A_226 : f32 to vector<16xf32>
        %parallel_loop3A_228 = arith.index_cast %parallel_loop3A_175 : i32 to index
        %parallel_loop3A_229 = arith.constant 160 : index
        %parallel_loop3A_230 = tpu.vector_load %arg9[%parallel_loop3A_228, %parallel_loop3A_229] {strides = array<i32>} : memref<224x224xf32, #tpu.memory_space<vmem>>, vector<16xf32>,
        tpu.vector_store %arg9[%parallel_loop3A_228, %parallel_loop3A_229], %parallel_loop3A_227 {strides = array<i32>} : memref<224x224xf32, #tpu.memory_space<vmem>>, vector<16xf32>,
        %parallel_loop3A_231 = arith.constant 0.000000e+00 : f32
        %parallel_loop3A_232 = vector.broadcast %parallel_loop3A_231 : f32 to vector<16xf32>
        %parallel_loop3A_233 = arith.index_cast %parallel_loop3A_175 : i32 to index
        %parallel_loop3A_234 = arith.constant 176 : index
        %parallel_loop3A_235 = tpu.vector_load %arg9[%parallel_loop3A_233, %parallel_loop3A_234] {strides = array<i32>} : memref<224x224xf32, #tpu.memory_space<vmem>>, vector<16xf32>,
        tpu.vector_store %arg9[%parallel_loop3A_233, %parallel_loop3A_234], %parallel_loop3A_232 {strides = array<i32>} : memref<224x224xf32, #tpu.memory_space<vmem>>, vector<16xf32>,
        %parallel_loop3A_236 = arith.constant 0.000000e+00 : f32
        %parallel_loop3A_237 = vector.broadcast %parallel_loop3A_236 : f32 to vector<16xf32>
        %parallel_loop3A_238 = arith.index_cast %parallel_loop3A_175 : i32 to index
        %parallel_loop3A_239 = arith.constant 192 : index
        %parallel_loop3A_240 = tpu.vector_load %arg9[%parallel_loop3A_238, %parallel_loop3A_239] {strides = array<i32>} : memref<224x224xf32, #tpu.memory_space<vmem>>, vector<16xf32>,
        tpu.vector_store %arg9[%parallel_loop3A_238, %parallel_loop3A_239], %parallel_loop3A_237 {strides = array<i32>} : memref<224x224xf32, #tpu.memory_space<vmem>>, vector<16xf32>,
        %parallel_loop3A_241 = arith.constant 0.000000e+00 : f32
        %parallel_loop3A_242 = vector.broadcast %parallel_loop3A_241 : f32 to vector<16xf32>
        %parallel_loop3A_243 = arith.index_cast %parallel_loop3A_175 : i32 to index
        %parallel_loop3A_244 = arith.constant 208 : index
        %parallel_loop3A_245 = tpu.vector_load %arg9[%parallel_loop3A_243, %parallel_loop3A_244] {strides = array<i32>} : memref<224x224xf32, #tpu.memory_space<vmem>>, vector<16xf32>,
        tpu.vector_store %arg9[%parallel_loop3A_243, %parallel_loop3A_244], %parallel_loop3A_242 {strides = array<i32>} : memref<224x224xf32, #tpu.memory_space<vmem>>, vector<16xf32>,
      } {sc.loop_unroll_factor = 4 : i64, sc.parallel_access}
      %dma_wait3A_101 = arith.constant 0 : i32
      %dma_wait3A_102 = arith.constant 0 : i32
      %dma_wait3A_103 = arith.constant 0 : i32
      %dma_wait3A_104 = arith.constant 0 : i32
      %dma_wait3A_105 = tpu.memref_slice %arg2[%dma_wait3A_101, %dma_wait3A_102, %dma_wait3A_103, %dma_wait3A_104] : memref<8x192x112x112xf32, #tpu.memory_space<hbm>> -> memref<1x1x112x112xf32, #tpu.memory_space<hbm>>
      %dma_wait3A_106 = tpu.memref_squeeze %dma_wait3A_105 : memref<1x1x112x112xf32, #tpu.memory_space<hbm>> -> memref<112x112xf32, #tpu.memory_space<hbm>>
      %dma_wait3A_107 = arith.constant 0 : i32
      %dma_wait3A_108 = arith.constant 0 : i32
      %dma_wait3A_109 = tpu.memref_slice %arg2[%dma_wait3A_101, %dma_wait3A_102, %dma_wait3A_107, %dma_wait3A_108] : memref<8x192x112x112xf32, #tpu.memory_space<hbm>> -> memref<1x1x112x112xf32, #tpu.memory_space<hbm>>
      %dma_wait3A_110 = tpu.memref_squeeze %dma_wait3A_109 : memref<1x1x112x112xf32, #tpu.memory_space<hbm>> -> memref<112x112xf32, #tpu.memory_space<hbm>>
      tpu.wait_dma2 semaphore(%arg10 : memref<!tpu.dma_semaphore, #tpu.memory_space<semaphore_mem>>) src(%dma_wait3A_110 : memref<112x112xf32, #tpu.memory_space<hbm>>) dst(%arg5 : memref<112x112xf32, #tpu.memory_space<vmem>>)
      %dma_wait3A_111 = arith.constant 0 : i32
      %dma_wait3A_112 = arith.constant 0 : i32
      %dma_wait3A_113 = arith.constant 0 : i32
      %dma_wait3A_114 = arith.constant 0 : i32
      %dma_wait3A_115 = tpu.memref_slice %arg3[%dma_wait3A_111, %dma_wait3A_112, %dma_wait3A_113, %dma_wait3A_114] : memref<8x192x112x112xi32, #tpu.memory_space<hbm>> -> memref<1x1x112x112xi32, #tpu.memory_space<hbm>>
      %dma_wait3A_116 = tpu.memref_squeeze %dma_wait3A_115 : memref<1x1x112x112xi32, #tpu.memory_space<hbm>> -> memref<112x112xi32, #tpu.memory_space<hbm>>
      %dma_wait3A_117 = arith.constant 0 : i32
      %dma_wait3A_118 = arith.constant 0 : i32
      %dma_wait3A_119 = tpu.memref_slice %arg3[%dma_wait3A_111, %dma_wait3A_112, %dma_wait3A_117, %dma_wait3A_118] : memref<8x192x112x112xi32, #tpu.memory_space<hbm>> -> memref<1x1x112x112xi32, #tpu.memory_space<hbm>>
      %dma_wait3A_120 = tpu.memref_squeeze %dma_wait3A_119 : memref<1x1x112x112xi32, #tpu.memory_space<hbm>> -> memref<112x112xi32, #tpu.memory_space<hbm>>
      tpu.wait_dma2 semaphore(%arg10 : memref<!tpu.dma_semaphore, #tpu.memory_space<semaphore_mem>>) src(%dma_wait3A_120 : memref<112x112xi32, #tpu.memory_space<hbm>>) dst(%arg7 : memref<112x112xi32, #tpu.memory_space<vmem>>)
      %parallel_loop3A_121 = arith.constant 0 : i32
      %parallel_loop3A_122 = arith.constant 112 : i32
      %parallel_loop3A_123 = arith.constant 1 : i32
      scf.for %parallel_loop3A_175 = %parallel_loop3A_121 to %parallel_loop3A_122 step %parallel_loop3A_123  : i32 {
        %parallel_loop3A_176 = arith.index_cast %parallel_loop3A_175 : i32 to index
        %parallel_loop3A_177 = arith.constant 0 : index
        %parallel_loop3A_178 = tpu.vector_load %arg7[%parallel_loop3A_176, %parallel_loop3A_177] {strides = array<i32>} : memref<112x112xi32, #tpu.memory_space<vmem>>, vector<16xi32>,
        %parallel_loop3A_179 = arith.index_cast %parallel_loop3A_175 : i32 to index
        %parallel_loop3A_180 = arith.constant 0 : index
        %parallel_loop3A_181 = tpu.vector_load %arg5[%parallel_loop3A_179, %parallel_loop3A_180] {strides = array<i32>} : memref<112x112xf32, #tpu.memory_space<vmem>>, vector<16xf32>,
        %parallel_loop3A_182 = arith.constant 6 : i32
        %parallel_loop3A_183 = vector.broadcast %parallel_loop3A_182 : i32 to vector<16xi32>
        %parallel_loop3A_184 = arith.shrui %parallel_loop3A_178, %parallel_loop3A_183 : vector<16xi32>
        %parallel_loop3A_185 = arith.sitofp %parallel_loop3A_184 : vector<16xi32> to vector<16xf32>
        %parallel_loop3A_186 = arith.constant 0.333333343 : f32
        %parallel_loop3A_187 = vector.broadcast %parallel_loop3A_186 : f32 to vector<16xf32>
        %parallel_loop3A_188 = arith.mulf %parallel_loop3A_185, %parallel_loop3A_187 : vector<16xf32>
        %parallel_loop3A_189 = arith.fptosi %parallel_loop3A_188 : vector<16xf32> to vector<16xi32>
        %parallel_loop3A_190 = arith.constant 11 : i32
        %parallel_loop3A_191 = vector.broadcast %parallel_loop3A_190 : i32 to vector<16xi32>
        %parallel_loop3A_192 = arith.shrui %parallel_loop3A_178, %parallel_loop3A_191 : vector<16xi32>
        %parallel_loop3A_193 = arith.sitofp %parallel_loop3A_192 : vector<16xi32> to vector<16xf32>
        %parallel_loop3A_194 = arith.constant 0.0476190485 : f32
        %parallel_loop3A_195 = vector.broadcast %parallel_loop3A_194 : f32 to vector<16xf32>
        %parallel_loop3A_196 = arith.mulf %parallel_loop3A_193, %parallel_loop3A_195 : vector<16xf32>
        %parallel_loop3A_197 = arith.fptosi %parallel_loop3A_196 : vector<16xf32> to vector<16xi32>
        %parallel_loop3A_198 = arith.constant 224 : i32
        %parallel_loop3A_199 = vector.broadcast %parallel_loop3A_198 : i32 to vector<16xi32>
        %parallel_loop3A_200 = arith.muli %parallel_loop3A_197, %parallel_loop3A_199 : vector<16xi32>
        %parallel_loop3A_201 = arith.subi %parallel_loop3A_189, %parallel_loop3A_200 : vector<16xi32>
        tpu.vector_store_idx %arg9[%parallel_loop3A_197, %parallel_loop3A_201], %parallel_loop3A_181 {add = true} : memref<224x224xf32, #tpu.memory_space<vmem>>[vector<16xi32>, vector<16xi32>], vector<16xf32>,
        %parallel_loop3A_202 = arith.index_cast %parallel_loop3A_175 : i32 to index
        %parallel_loop3A_203 = arith.constant 16 : index
        %parallel_loop3A_204 = tpu.vector_load %arg7[%parallel_loop3A_202, %parallel_loop3A_203] {strides = array<i32>} : memref<112x112xi32, #tpu.memory_space<vmem>>, vector<16xi32>,
        %parallel_loop3A_205 = arith.index_cast %parallel_loop3A_175 : i32 to index
        %parallel_loop3A_206 = arith.constant 16 : index
        %parallel_loop3A_207 = tpu.vector_load %arg5[%parallel_loop3A_205, %parallel_loop3A_206] {strides = array<i32>} : memref<112x112xf32, #tpu.memory_space<vmem>>, vector<16xf32>,
        %parallel_loop3A_208 = arith.constant 6 : i32
        %parallel_loop3A_209 = vector.broadcast %parallel_loop3A_208 : i32 to vector<16xi32>
        %parallel_loop3A_210 = arith.shrui %parallel_loop3A_204, %parallel_loop3A_209 : vector<16xi32>
        %parallel_loop3A_211 = arith.sitofp %parallel_loop3A_210 : vector<16xi32> to vector<16xf32>
        %parallel_loop3A_212 = arith.constant 0.333333343 : f32
        %parallel_loop3A_213 = vector.broadcast %parallel_loop3A_212 : f32 to vector<16xf32>
        %parallel_loop3A_214 = arith.mulf %parallel_loop3A_211, %parallel_loop3A_213 : vector<16xf32>
        %parallel_loop3A_215 = arith.fptosi %parallel_loop3A_214 : vector<16xf32> to vector<16xi32>
        %parallel_loop3A_216 = arith.constant 11 : i32
        %parallel_loop3A_217 = vector.broadcast %parallel_loop3A_216 : i32 to vector<16xi32>
        %parallel_loop3A_218 = arith.shrui %parallel_loop3A_204, %parallel_loop3A_217 : vector<16xi32>
        %parallel_loop3A_219 = arith.sitofp %parallel_loop3A_218 : vector<16xi32> to vector<16xf32>
        %parallel_loop3A_220 = arith.constant 0.0476190485 : f32
        %parallel_loop3A_221 = vector.broadcast %parallel_loop3A_220 : f32 to vector<16xf32>
        %parallel_loop3A_222 = arith.mulf %parallel_loop3A_219, %parallel_loop3A_221 : vector<16xf32>
        %parallel_loop3A_223 = arith.fptosi %parallel_loop3A_222 : vector<16xf32> to vector<16xi32>
        %parallel_loop3A_224 = arith.constant 224 : i32
        %parallel_loop3A_225 = vector.broadcast %parallel_loop3A_224 : i32 to vector<16xi32>
        %parallel_loop3A_226 = arith.muli %parallel_loop3A_223, %parallel_loop3A_225 : vector<16xi32>
        %parallel_loop3A_227 = arith.subi %parallel_loop3A_215, %parallel_loop3A_226 : vector<16xi32>
        tpu.vector_store_idx %arg9[%parallel_loop3A_223, %parallel_loop3A_227], %parallel_loop3A_207 {add = true} : memref<224x224xf32, #tpu.memory_space<vmem>>[vector<16xi32>, vector<16xi32>], vector<16xf32>,
        %parallel_loop3A_228 = arith.index_cast %parallel_loop3A_175 : i32 to index
        %parallel_loop3A_229 = arith.constant 32 : index
        %parallel_loop3A_230 = tpu.vector_load %arg7[%parallel_loop3A_228, %parallel_loop3A_229] {strides = array<i32>} : memref<112x112xi32, #tpu.memory_space<vmem>>, vector<16xi32>,
        %parallel_loop3A_231 = arith.index_cast %parallel_loop3A_175 : i32 to index
        %parallel_loop3A_232 = arith.constant 32 : index
        %parallel_loop3A_233 = tpu.vector_load %arg5[%parallel_loop3A_231, %parallel_loop3A_232] {strides = array<i32>} : memref<112x112xf32, #tpu.memory_space<vmem>>, vector<16xf32>,
        %parallel_loop3A_234 = arith.constant 6 : i32
        %parallel_loop3A_235 = vector.broadcast %parallel_loop3A_234 : i32 to vector<16xi32>
        %parallel_loop3A_236 = arith.shrui %parallel_loop3A_230, %parallel_loop3A_235 : vector<16xi32>
        %parallel_loop3A_237 = arith.sitofp %parallel_loop3A_236 : vector<16xi32> to vector<16xf32>
        %parallel_loop3A_238 = arith.constant 0.333333343 : f32
        %parallel_loop3A_239 = vector.broadcast %parallel_loop3A_238 : f32 to vector<16xf32>
        %parallel_loop3A_240 = arith.mulf %parallel_loop3A_237, %parallel_loop3A_239 : vector<16xf32>
        %parallel_loop3A_241 = arith.fptosi %parallel_loop3A_240 : vector<16xf32> to vector<16xi32>
        %parallel_loop3A_242 = arith.constant 11 : i32
        %parallel_loop3A_243 = vector.broadcast %parallel_loop3A_242 : i32 to vector<16xi32>
        %parallel_loop3A_244 = arith.shrui %parallel_loop3A_230, %parallel_loop3A_243 : vector<16xi32>
        %parallel_loop3A_245 = arith.sitofp %parallel_loop3A_244 : vector<16xi32> to vector<16xf32>
        %parallel_loop3A_246 = arith.constant 0.0476190485 : f32
        %parallel_loop3A_247 = vector.broadcast %parallel_loop3A_246 : f32 to vector<16xf32>
        %parallel_loop3A_248 = arith.mulf %parallel_loop3A_245, %parallel_loop3A_247 : vector<16xf32>
        %parallel_loop3A_249 = arith.fptosi %parallel_loop3A_248 : vector<16xf32> to vector<16xi32>
        %parallel_loop3A_250 = arith.constant 224 : i32
        %parallel_loop3A_251 = vector.broadcast %parallel_loop3A_250 : i32 to vector<16xi32>
        %parallel_loop3A_252 = arith.muli %parallel_loop3A_249, %parallel_loop3A_251 : vector<16xi32>
        %parallel_loop3A_253 = arith.subi %parallel_loop3A_241, %parallel_loop3A_252 : vector<16xi32>
        tpu.vector_store_idx %arg9[%parallel_loop3A_249, %parallel_loop3A_253], %parallel_loop3A_233 {add = true} : memref<224x224xf32, #tpu.memory_space<vmem>>[vector<16xi32>, vector<16xi32>], vector<16xf32>,
        %parallel_loop3A_254 = arith.index_cast %parallel_loop3A_175 : i32 to index
        %parallel_loop3A_255 = arith.constant 48 : index
        %parallel_loop3A_256 = tpu.vector_load %arg7[%parallel_loop3A_254, %parallel_loop3A_255] {strides = array<i32>} : memref<112x112xi32, #tpu.memory_space<vmem>>, vector<16xi32>,
        %parallel_loop3A_257 = arith.index_cast %parallel_loop3A_175 : i32 to index
        %parallel_loop3A_258 = arith.constant 48 : index
        %parallel_loop3A_259 = tpu.vector_load %arg5[%parallel_loop3A_257, %parallel_loop3A_258] {strides = array<i32>} : memref<112x112xf32, #tpu.memory_space<vmem>>, vector<16xf32>,
        %parallel_loop3A_260 = arith.constant 6 : i32
        %parallel_loop3A_261 = vector.broadcast %parallel_loop3A_260 : i32 to vector<16xi32>
        %parallel_loop3A_262 = arith.shrui %parallel_loop3A_256, %parallel_loop3A_261 : vector<16xi32>
        %parallel_loop3A_263 = arith.sitofp %parallel_loop3A_262 : vector<16xi32> to vector<16xf32>
        %parallel_loop3A_264 = arith.constant 0.333333343 : f32
        %parallel_loop3A_265 = vector.broadcast %parallel_loop3A_264 : f32 to vector<16xf32>
        %parallel_loop3A_266 = arith.mulf %parallel_loop3A_263, %parallel_loop3A_265 : vector<16xf32>
        %parallel_loop3A_267 = arith.fptosi %parallel_loop3A_266 : vector<16xf32> to vector<16xi32>
        %parallel_loop3A_268 = arith.constant 11 : i32
        %parallel_loop3A_269 = vector.broadcast %parallel_loop3A_268 : i32 to vector<16xi32>
        %parallel_loop3A_270 = arith.shrui %parallel_loop3A_256, %parallel_loop3A_269 : vector<16xi32>
        %parallel_loop3A_271 = arith.sitofp %parallel_loop3A_270 : vector<16xi32> to vector<16xf32>
        %parallel_loop3A_272 = arith.constant 0.0476190485 : f32
        %parallel_loop3A_273 = vector.broadcast %parallel_loop3A_272 : f32 to vector<16xf32>
        %parallel_loop3A_274 = arith.mulf %parallel_loop3A_271, %parallel_loop3A_273 : vector<16xf32>
        %parallel_loop3A_275 = arith.fptosi %parallel_loop3A_274 : vector<16xf32> to vector<16xi32>
        %parallel_loop3A_276 = arith.constant 224 : i32
        %parallel_loop3A_277 = vector.broadcast %parallel_loop3A_276 : i32 to vector<16xi32>
        %parallel_loop3A_278 = arith.muli %parallel_loop3A_275, %parallel_loop3A_277 : vector<16xi32>
        %parallel_loop3A_279 = arith.subi %parallel_loop3A_267, %parallel_loop3A_278 : vector<16xi32>
        tpu.vector_store_idx %arg9[%parallel_loop3A_275, %parallel_loop3A_279], %parallel_loop3A_259 {add = true} : memref<224x224xf32, #tpu.memory_space<vmem>>[vector<16xi32>, vector<16xi32>], vector<16xf32>,
        %parallel_loop3A_280 = arith.index_cast %parallel_loop3A_175 : i32 to index
        %parallel_loop3A_281 = arith.constant 64 : index
        %parallel_loop3A_282 = tpu.vector_load %arg7[%parallel_loop3A_280, %parallel_loop3A_281] {strides = array<i32>} : memref<112x112xi32, #tpu.memory_space<vmem>>, vector<16xi32>,
        %parallel_loop3A_283 = arith.index_cast %parallel_loop3A_175 : i32 to index
        %parallel_loop3A_284 = arith.constant 64 : index
        %parallel_loop3A_285 = tpu.vector_load %arg5[%parallel_loop3A_283, %parallel_loop3A_284] {strides = array<i32>} : memref<112x112xf32, #tpu.memory_space<vmem>>, vector<16xf32>,
        %parallel_loop3A_286 = arith.constant 6 : i32
        %parallel_loop3A_287 = vector.broadcast %parallel_loop3A_286 : i32 to vector<16xi32>
        %parallel_loop3A_288 = arith.shrui %parallel_loop3A_282, %parallel_loop3A_287 : vector<16xi32>
        %parallel_loop3A_289 = arith.sitofp %parallel_loop3A_288 : vector<16xi32> to vector<16xf32>
        %parallel_loop3A_290 = arith.constant 0.333333343 : f32
        %parallel_loop3A_291 = vector.broadcast %parallel_loop3A_290 : f32 to vector<16xf32>
        %parallel_loop3A_292 = arith.mulf %parallel_loop3A_289, %parallel_loop3A_291 : vector<16xf32>
        %parallel_loop3A_293 = arith.fptosi %parallel_loop3A_292 : vector<16xf32> to vector<16xi32>
        %parallel_loop3A_294 = arith.constant 11 : i32
        %parallel_loop3A_295 = vector.broadcast %parallel_loop3A_294 : i32 to vector<16xi32>
        %parallel_loop3A_296 = arith.shrui %parallel_loop3A_282, %parallel_loop3A_295 : vector<16xi32>
        %parallel_loop3A_297 = arith.sitofp %parallel_loop3A_296 : vector<16xi32> to vector<16xf32>
        %parallel_loop3A_298 = arith.constant 0.0476190485 : f32
        %parallel_loop3A_299 = vector.broadcast %parallel_loop3A_298 : f32 to vector<16xf32>
        %parallel_loop3A_300 = arith.mulf %parallel_loop3A_297, %parallel_loop3A_299 : vector<16xf32>
        %parallel_loop3A_301 = arith.fptosi %parallel_loop3A_300 : vector<16xf32> to vector<16xi32>
        %parallel_loop3A_302 = arith.constant 224 : i32
        %parallel_loop3A_303 = vector.broadcast %parallel_loop3A_302 : i32 to vector<16xi32>
        %parallel_loop3A_304 = arith.muli %parallel_loop3A_301, %parallel_loop3A_303 : vector<16xi32>
        %parallel_loop3A_305 = arith.subi %parallel_loop3A_293, %parallel_loop3A_304 : vector<16xi32>
        tpu.vector_store_idx %arg9[%parallel_loop3A_301, %parallel_loop3A_305], %parallel_loop3A_285 {add = true} : memref<224x224xf32, #tpu.memory_space<vmem>>[vector<16xi32>, vector<16xi32>], vector<16xf32>,
        %parallel_loop3A_306 = arith.index_cast %parallel_loop3A_175 : i32 to index
        %parallel_loop3A_307 = arith.constant 80 : index
        %parallel_loop3A_308 = tpu.vector_load %arg7[%parallel_loop3A_306, %parallel_loop3A_307] {strides = array<i32>} : memref<112x112xi32, #tpu.memory_space<vmem>>, vector<16xi32>,
        %parallel_loop3A_309 = arith.index_cast %parallel_loop3A_175 : i32 to index
        %parallel_loop3A_310 = arith.constant 80 : index
        %parallel_loop3A_311 = tpu.vector_load %arg5[%parallel_loop3A_309, %parallel_loop3A_310] {strides = array<i32>} : memref<112x112xf32, #tpu.memory_space<vmem>>, vector<16xf32>,
        %parallel_loop3A_312 = arith.constant 6 : i32
        %parallel_loop3A_313 = vector.broadcast %parallel_loop3A_312 : i32 to vector<16xi32>
        %parallel_loop3A_314 = arith.shrui %parallel_loop3A_308, %parallel_loop3A_313 : vector<16xi32>
        %parallel_loop3A_315 = arith.sitofp %parallel_loop3A_314 : vector<16xi32> to vector<16xf32>
        %parallel_loop3A_316 = arith.constant 0.333333343 : f32
        %parallel_loop3A_317 = vector.broadcast %parallel_loop3A_316 : f32 to vector<16xf32>
        %parallel_loop3A_318 = arith.mulf %parallel_loop3A_315, %parallel_loop3A_317 : vector<16xf32>
        %parallel_loop3A_319 = arith.fptosi %parallel_loop3A_318 : vector<16xf32> to vector<16xi32>
        %parallel_loop3A_320 = arith.constant 11 : i32
        %parallel_loop3A_321 = vector.broadcast %parallel_loop3A_320 : i32 to vector<16xi32>
        %parallel_loop3A_322 = arith.shrui %parallel_loop3A_308, %parallel_loop3A_321 : vector<16xi32>
        %parallel_loop3A_323 = arith.sitofp %parallel_loop3A_322 : vector<16xi32> to vector<16xf32>
        %parallel_loop3A_324 = arith.constant 0.0476190485 : f32
        %parallel_loop3A_325 = vector.broadcast %parallel_loop3A_324 : f32 to vector<16xf32>
        %parallel_loop3A_326 = arith.mulf %parallel_loop3A_323, %parallel_loop3A_325 : vector<16xf32>
        %parallel_loop3A_327 = arith.fptosi %parallel_loop3A_326 : vector<16xf32> to vector<16xi32>
        %parallel_loop3A_328 = arith.constant 224 : i32
        %parallel_loop3A_329 = vector.broadcast %parallel_loop3A_328 : i32 to vector<16xi32>
        %parallel_loop3A_330 = arith.muli %parallel_loop3A_327, %parallel_loop3A_329 : vector<16xi32>
        %parallel_loop3A_331 = arith.subi %parallel_loop3A_319, %parallel_loop3A_330 : vector<16xi32>
        tpu.vector_store_idx %arg9[%parallel_loop3A_327, %parallel_loop3A_331], %parallel_loop3A_311 {add = true} : memref<224x224xf32, #tpu.memory_space<vmem>>[vector<16xi32>, vector<16xi32>], vector<16xf32>,
        %parallel_loop3A_332 = arith.index_cast %parallel_loop3A_175 : i32 to index
        %parallel_loop3A_333 = arith.constant 96 : index
        %parallel_loop3A_334 = tpu.vector_load %arg7[%parallel_loop3A_332, %parallel_loop3A_333] {strides = array<i32>} : memref<112x112xi32, #tpu.memory_space<vmem>>, vector<16xi32>,
        %parallel_loop3A_335 = arith.index_cast %parallel_loop3A_175 : i32 to index
        %parallel_loop3A_336 = arith.constant 96 : index
        %parallel_loop3A_337 = tpu.vector_load %arg5[%parallel_loop3A_335, %parallel_loop3A_336] {strides = array<i32>} : memref<112x112xf32, #tpu.memory_space<vmem>>, vector<16xf32>,
        %parallel_loop3A_338 = arith.constant 6 : i32
        %parallel_loop3A_339 = vector.broadcast %parallel_loop3A_338 : i32 to vector<16xi32>
        %parallel_loop3A_340 = arith.shrui %parallel_loop3A_334, %parallel_loop3A_339 : vector<16xi32>
        %parallel_loop3A_341 = arith.sitofp %parallel_loop3A_340 : vector<16xi32> to vector<16xf32>
        %parallel_loop3A_342 = arith.constant 0.333333343 : f32
        %parallel_loop3A_343 = vector.broadcast %parallel_loop3A_342 : f32 to vector<16xf32>
        %parallel_loop3A_344 = arith.mulf %parallel_loop3A_341, %parallel_loop3A_343 : vector<16xf32>
        %parallel_loop3A_345 = arith.fptosi %parallel_loop3A_344 : vector<16xf32> to vector<16xi32>
        %parallel_loop3A_346 = arith.constant 11 : i32
        %parallel_loop3A_347 = vector.broadcast %parallel_loop3A_346 : i32 to vector<16xi32>
        %parallel_loop3A_348 = arith.shrui %parallel_loop3A_334, %parallel_loop3A_347 : vector<16xi32>
        %parallel_loop3A_349 = arith.sitofp %parallel_loop3A_348 : vector<16xi32> to vector<16xf32>
        %parallel_loop3A_350 = arith.constant 0.0476190485 : f32
        %parallel_loop3A_351 = vector.broadcast %parallel_loop3A_350 : f32 to vector<16xf32>
        %parallel_loop3A_352 = arith.mulf %parallel_loop3A_349, %parallel_loop3A_351 : vector<16xf32>
        %parallel_loop3A_353 = arith.fptosi %parallel_loop3A_352 : vector<16xf32> to vector<16xi32>
        %parallel_loop3A_354 = arith.constant 224 : i32
        %parallel_loop3A_355 = vector.broadcast %parallel_loop3A_354 : i32 to vector<16xi32>
        %parallel_loop3A_356 = arith.muli %parallel_loop3A_353, %parallel_loop3A_355 : vector<16xi32>
        %parallel_loop3A_357 = arith.subi %parallel_loop3A_345, %parallel_loop3A_356 : vector<16xi32>
        tpu.vector_store_idx %arg9[%parallel_loop3A_353, %parallel_loop3A_357], %parallel_loop3A_337 {add = true} : memref<224x224xf32, #tpu.memory_space<vmem>>[vector<16xi32>, vector<16xi32>], vector<16xf32>,
      } {sc.loop_unroll_factor = 4 : i64, sc.parallel_access}
      %add3A_124 = arith.addi %mul3A_32, %mul3A_77 : i32
      "tpu.region"() ({
        %run_scoped3A = tpu.sem_alloc : memref<!tpu.dma_semaphore, #tpu.memory_space<semaphore_mem>>
        %dma_start3A_175 = arith.constant 0 : i32
        %dma_start3A_176 = arith.constant 0 : i32
        %dma_start3A_177 = tpu.memref_slice %arg4[%select_n3A, %add3A_124, %dma_start3A_175, %dma_start3A_176] : memref<8x192x224x224xf32, #tpu.memory_space<hbm>> -> memref<1x1x224x224xf32, #tpu.memory_space<hbm>>
        %dma_start3A_178 = tpu.memref_squeeze %dma_start3A_177 : memref<1x1x224x224xf32, #tpu.memory_space<hbm>> -> memref<224x224xf32, #tpu.memory_space<hbm>>
        %dma_start3A_179 = arith.constant 0 : i32
        %dma_start3A_180 = arith.constant 0 : i32
        %dma_start3A_181 = tpu.memref_slice %arg4[%select_n3A, %add3A_124, %dma_start3A_179, %dma_start3A_180] : memref<8x192x224x224xf32, #tpu.memory_space<hbm>> -> memref<1x1x224x224xf32, #tpu.memory_space<hbm>>
        %dma_start3A_182 = tpu.memref_squeeze %dma_start3A_181 : memref<1x1x224x224xf32, #tpu.memory_space<hbm>> -> memref<224x224xf32, #tpu.memory_space<hbm>>
        tpu.enqueue_dma source(%arg9 : memref<224x224xf32, #tpu.memory_space<vmem>>) target(%dma_start3A_182 : memref<224x224xf32, #tpu.memory_space<hbm>>) target_semaphore(%run_scoped3A : memref<!tpu.dma_semaphore, #tpu.memory_space<semaphore_mem>>)
        %dma_wait3A_183 = arith.constant 0 : i32
        %dma_wait3A_184 = arith.constant 0 : i32
        %dma_wait3A_185 = tpu.memref_slice %arg4[%select_n3A, %add3A_124, %dma_wait3A_183, %dma_wait3A_184] : memref<8x192x224x224xf32, #tpu.memory_space<hbm>> -> memref<1x1x224x224xf32, #tpu.memory_space<hbm>>
        %dma_wait3A_186 = tpu.memref_squeeze %dma_wait3A_185 : memref<1x1x224x224xf32, #tpu.memory_space<hbm>> -> memref<224x224xf32, #tpu.memory_space<hbm>>
        %dma_wait3A_187 = arith.constant 0 : i32
        %dma_wait3A_188 = arith.constant 0 : i32
        %dma_wait3A_189 = tpu.memref_slice %arg4[%select_n3A, %add3A_124, %dma_wait3A_187, %dma_wait3A_188] : memref<8x192x224x224xf32, #tpu.memory_space<hbm>> -> memref<1x1x224x224xf32, #tpu.memory_space<hbm>>
        %dma_wait3A_190 = tpu.memref_squeeze %dma_wait3A_189 : memref<1x1x224x224xf32, #tpu.memory_space<hbm>> -> memref<224x224xf32, #tpu.memory_space<hbm>>
        tpu.wait_dma2 semaphore(%run_scoped3A : memref<!tpu.dma_semaphore, #tpu.memory_space<semaphore_mem>>) src(%arg9 : memref<224x224xf32, #tpu.memory_space<vmem>>) dst(%dma_wait3A_190 : memref<224x224xf32, #tpu.memory_space<hbm>>)
        tpu.yield
      }) : () -> ()
      %add3A_125 = arith.constant 1 : i32
      %add3A_126 = arith.addi %mul3A_77, %add3A_125 : i32
      %add3A_127 = arith.constant 1 : i32
      %add3A_128 = arith.addi %add3A_126, %add3A_127 : i32
      %min3A_129 = arith.constant 47 : i32
      %min3A_130 = arith.minsi %add3A_128, %min3A_129 : i32
      %add3A_131 = arith.addi %mul3A_32, %min3A_130 : i32
      %dma_start3A_132 = arith.constant 0 : i32
      %dma_start3A_133 = arith.constant 0 : i32
      %dma_start3A_134 = tpu.memref_slice %arg2[%select_n3A, %add3A_131, %dma_start3A_132, %dma_start3A_133] : memref<8x192x112x112xf32, #tpu.memory_space<hbm>> -> memref<1x1x112x112xf32, #tpu.memory_space<hbm>>
      %dma_start3A_135 = tpu.memref_squeeze %dma_start3A_134 : memref<1x1x112x112xf32, #tpu.memory_space<hbm>> -> memref<112x112xf32, #tpu.memory_space<hbm>>
      %dma_start3A_136 = arith.constant 0 : i32
      %dma_start3A_137 = arith.constant 0 : i32
      %dma_start3A_138 = tpu.memref_slice %arg2[%select_n3A, %add3A_131, %dma_start3A_136, %dma_start3A_137] : memref<8x192x112x112xf32, #tpu.memory_space<hbm>> -> memref<1x1x112x112xf32, #tpu.memory_space<hbm>>
      %dma_start3A_139 = tpu.memref_squeeze %dma_start3A_138 : memref<1x1x112x112xf32, #tpu.memory_space<hbm>> -> memref<112x112xf32, #tpu.memory_space<hbm>>
      tpu.enqueue_dma source(%dma_start3A_139 : memref<112x112xf32, #tpu.memory_space<hbm>>) target(%arg5 : memref<112x112xf32, #tpu.memory_space<vmem>>) target_semaphore(%arg10 : memref<!tpu.dma_semaphore, #tpu.memory_space<semaphore_mem>>)
      %dma_start3A_140 = arith.constant 0 : i32
      %dma_start3A_141 = arith.constant 0 : i32
      %dma_start3A_142 = tpu.memref_slice %arg3[%select_n3A, %add3A_131, %dma_start3A_140, %dma_start3A_141] : memref<8x192x112x112xi32, #tpu.memory_space<hbm>> -> memref<1x1x112x112xi32, #tpu.memory_space<hbm>>
      %dma_start3A_143 = tpu.memref_squeeze %dma_start3A_142 : memref<1x1x112x112xi32, #tpu.memory_space<hbm>> -> memref<112x112xi32, #tpu.memory_space<hbm>>
      %dma_start3A_144 = arith.constant 0 : i32
      %dma_start3A_145 = arith.constant 0 : i32
      %dma_start3A_146 = tpu.memref_slice %arg3[%select_n3A, %add3A_131, %dma_start3A_144, %dma_start3A_145] : memref<8x192x112x112xi32, #tpu.memory_space<hbm>> -> memref<1x1x112x112xi32, #tpu.memory_space<hbm>>
      %dma_start3A_147 = tpu.memref_squeeze %dma_start3A_146 : memref<1x1x112x112xi32, #tpu.memory_space<hbm>> -> memref<112x112xi32, #tpu.memory_space<hbm>>
      tpu.enqueue_dma source(%dma_start3A_147 : memref<112x112xi32, #tpu.memory_space<hbm>>) target(%arg7 : memref<112x112xi32, #tpu.memory_space<vmem>>) target_semaphore(%arg10 : memref<!tpu.dma_semaphore, #tpu.memory_space<semaphore_mem>>)
      %parallel_loop3A_148 = arith.constant 0 : i32
      %parallel_loop3A_149 = arith.constant 224 : i32
      %parallel_loop3A_150 = arith.constant 1 : i32
      scf.for %parallel_loop3A_175 = %parallel_loop3A_148 to %parallel_loop3A_149 step %parallel_loop3A_150  : i32 {
        %parallel_loop3A_176 = arith.constant 0.000000e+00 : f32
        %parallel_loop3A_177 = vector.broadcast %parallel_loop3A_176 : f32 to vector<16xf32>
        %parallel_loop3A_178 = arith.index_cast %parallel_loop3A_175 : i32 to index
        %parallel_loop3A_179 = arith.constant 0 : index
        %parallel_loop3A_180 = tpu.vector_load %arg9[%parallel_loop3A_178, %parallel_loop3A_179] {strides = array<i32>} : memref<224x224xf32, #tpu.memory_space<vmem>>, vector<16xf32>,
        tpu.vector_store %arg9[%parallel_loop3A_178, %parallel_loop3A_179], %parallel_loop3A_177 {strides = array<i32>} : memref<224x224xf32, #tpu.memory_space<vmem>>, vector<16xf32>,
        %parallel_loop3A_181 = arith.constant 0.000000e+00 : f32
        %parallel_loop3A_182 = vector.broadcast %parallel_loop3A_181 : f32 to vector<16xf32>
        %parallel_loop3A_183 = arith.index_cast %parallel_loop3A_175 : i32 to index
        %parallel_loop3A_184 = arith.constant 16 : index
        %parallel_loop3A_185 = tpu.vector_load %arg9[%parallel_loop3A_183, %parallel_loop3A_184] {strides = array<i32>} : memref<224x224xf32, #tpu.memory_space<vmem>>, vector<16xf32>,
        tpu.vector_store %arg9[%parallel_loop3A_183, %parallel_loop3A_184], %parallel_loop3A_182 {strides = array<i32>} : memref<224x224xf32, #tpu.memory_space<vmem>>, vector<16xf32>,
        %parallel_loop3A_186 = arith.constant 0.000000e+00 : f32
        %parallel_loop3A_187 = vector.broadcast %parallel_loop3A_186 : f32 to vector<16xf32>
        %parallel_loop3A_188 = arith.index_cast %parallel_loop3A_175 : i32 to index
        %parallel_loop3A_189 = arith.constant 32 : index
        %parallel_loop3A_190 = tpu.vector_load %arg9[%parallel_loop3A_188, %parallel_loop3A_189] {strides = array<i32>} : memref<224x224xf32, #tpu.memory_space<vmem>>, vector<16xf32>,
        tpu.vector_store %arg9[%parallel_loop3A_188, %parallel_loop3A_189], %parallel_loop3A_187 {strides = array<i32>} : memref<224x224xf32, #tpu.memory_space<vmem>>, vector<16xf32>,
        %parallel_loop3A_191 = arith.constant 0.000000e+00 : f32
        %parallel_loop3A_192 = vector.broadcast %parallel_loop3A_191 : f32 to vector<16xf32>
        %parallel_loop3A_193 = arith.index_cast %parallel_loop3A_175 : i32 to index
        %parallel_loop3A_194 = arith.constant 48 : index
        %parallel_loop3A_195 = tpu.vector_load %arg9[%parallel_loop3A_193, %parallel_loop3A_194] {strides = array<i32>} : memref<224x224xf32, #tpu.memory_space<vmem>>, vector<16xf32>,
        tpu.vector_store %arg9[%parallel_loop3A_193, %parallel_loop3A_194], %parallel_loop3A_192 {strides = array<i32>} : memref<224x224xf32, #tpu.memory_space<vmem>>, vector<16xf32>,
        %parallel_loop3A_196 = arith.constant 0.000000e+00 : f32
        %parallel_loop3A_197 = vector.broadcast %parallel_loop3A_196 : f32 to vector<16xf32>
        %parallel_loop3A_198 = arith.index_cast %parallel_loop3A_175 : i32 to index
        %parallel_loop3A_199 = arith.constant 64 : index
        %parallel_loop3A_200 = tpu.vector_load %arg9[%parallel_loop3A_198, %parallel_loop3A_199] {strides = array<i32>} : memref<224x224xf32, #tpu.memory_space<vmem>>, vector<16xf32>,
        tpu.vector_store %arg9[%parallel_loop3A_198, %parallel_loop3A_199], %parallel_loop3A_197 {strides = array<i32>} : memref<224x224xf32, #tpu.memory_space<vmem>>, vector<16xf32>,
        %parallel_loop3A_201 = arith.constant 0.000000e+00 : f32
        %parallel_loop3A_202 = vector.broadcast %parallel_loop3A_201 : f32 to vector<16xf32>
        %parallel_loop3A_203 = arith.index_cast %parallel_loop3A_175 : i32 to index
        %parallel_loop3A_204 = arith.constant 80 : index
        %parallel_loop3A_205 = tpu.vector_load %arg9[%parallel_loop3A_203, %parallel_loop3A_204] {strides = array<i32>} : memref<224x224xf32, #tpu.memory_space<vmem>>, vector<16xf32>,
        tpu.vector_store %arg9[%parallel_loop3A_203, %parallel_loop3A_204], %parallel_loop3A_202 {strides = array<i32>} : memref<224x224xf32, #tpu.memory_space<vmem>>, vector<16xf32>,
        %parallel_loop3A_206 = arith.constant 0.000000e+00 : f32
        %parallel_loop3A_207 = vector.broadcast %parallel_loop3A_206 : f32 to vector<16xf32>
        %parallel_loop3A_208 = arith.index_cast %parallel_loop3A_175 : i32 to index
        %parallel_loop3A_209 = arith.constant 96 : index
        %parallel_loop3A_210 = tpu.vector_load %arg9[%parallel_loop3A_208, %parallel_loop3A_209] {strides = array<i32>} : memref<224x224xf32, #tpu.memory_space<vmem>>, vector<16xf32>,
        tpu.vector_store %arg9[%parallel_loop3A_208, %parallel_loop3A_209], %parallel_loop3A_207 {strides = array<i32>} : memref<224x224xf32, #tpu.memory_space<vmem>>, vector<16xf32>,
        %parallel_loop3A_211 = arith.constant 0.000000e+00 : f32
        %parallel_loop3A_212 = vector.broadcast %parallel_loop3A_211 : f32 to vector<16xf32>
        %parallel_loop3A_213 = arith.index_cast %parallel_loop3A_175 : i32 to index
        %parallel_loop3A_214 = arith.constant 112 : index
        %parallel_loop3A_215 = tpu.vector_load %arg9[%parallel_loop3A_213, %parallel_loop3A_214] {strides = array<i32>} : memref<224x224xf32, #tpu.memory_space<vmem>>, vector<16xf32>,
        tpu.vector_store %arg9[%parallel_loop3A_213, %parallel_loop3A_214], %parallel_loop3A_212 {strides = array<i32>} : memref<224x224xf32, #tpu.memory_space<vmem>>, vector<16xf32>,
        %parallel_loop3A_216 = arith.constant 0.000000e+00 : f32
        %parallel_loop3A_217 = vector.broadcast %parallel_loop3A_216 : f32 to vector<16xf32>
        %parallel_loop3A_218 = arith.index_cast %parallel_loop3A_175 : i32 to index
        %parallel_loop3A_219 = arith.constant 128 : index
        %parallel_loop3A_220 = tpu.vector_load %arg9[%parallel_loop3A_218, %parallel_loop3A_219] {strides = array<i32>} : memref<224x224xf32, #tpu.memory_space<vmem>>, vector<16xf32>,
        tpu.vector_store %arg9[%parallel_loop3A_218, %parallel_loop3A_219], %parallel_loop3A_217 {strides = array<i32>} : memref<224x224xf32, #tpu.memory_space<vmem>>, vector<16xf32>,
        %parallel_loop3A_221 = arith.constant 0.000000e+00 : f32
        %parallel_loop3A_222 = vector.broadcast %parallel_loop3A_221 : f32 to vector<16xf32>
        %parallel_loop3A_223 = arith.index_cast %parallel_loop3A_175 : i32 to index
        %parallel_loop3A_224 = arith.constant 144 : index
        %parallel_loop3A_225 = tpu.vector_load %arg9[%parallel_loop3A_223, %parallel_loop3A_224] {strides = array<i32>} : memref<224x224xf32, #tpu.memory_space<vmem>>, vector<16xf32>,
        tpu.vector_store %arg9[%parallel_loop3A_223, %parallel_loop3A_224], %parallel_loop3A_222 {strides = array<i32>} : memref<224x224xf32, #tpu.memory_space<vmem>>, vector<16xf32>,
        %parallel_loop3A_226 = arith.constant 0.000000e+00 : f32
        %parallel_loop3A_227 = vector.broadcast %parallel_loop3A_226 : f32 to vector<16xf32>
        %parallel_loop3A_228 = arith.index_cast %parallel_loop3A_175 : i32 to index
        %parallel_loop3A_229 = arith.constant 160 : index
        %parallel_loop3A_230 = tpu.vector_load %arg9[%parallel_loop3A_228, %parallel_loop3A_229] {strides = array<i32>} : memref<224x224xf32, #tpu.memory_space<vmem>>, vector<16xf32>,
        tpu.vector_store %arg9[%parallel_loop3A_228, %parallel_loop3A_229], %parallel_loop3A_227 {strides = array<i32>} : memref<224x224xf32, #tpu.memory_space<vmem>>, vector<16xf32>,
        %parallel_loop3A_231 = arith.constant 0.000000e+00 : f32
        %parallel_loop3A_232 = vector.broadcast %parallel_loop3A_231 : f32 to vector<16xf32>
        %parallel_loop3A_233 = arith.index_cast %parallel_loop3A_175 : i32 to index
        %parallel_loop3A_234 = arith.constant 176 : index
        %parallel_loop3A_235 = tpu.vector_load %arg9[%parallel_loop3A_233, %parallel_loop3A_234] {strides = array<i32>} : memref<224x224xf32, #tpu.memory_space<vmem>>, vector<16xf32>,
        tpu.vector_store %arg9[%parallel_loop3A_233, %parallel_loop3A_234], %parallel_loop3A_232 {strides = array<i32>} : memref<224x224xf32, #tpu.memory_space<vmem>>, vector<16xf32>,
        %parallel_loop3A_236 = arith.constant 0.000000e+00 : f32
        %parallel_loop3A_237 = vector.broadcast %parallel_loop3A_236 : f32 to vector<16xf32>
        %parallel_loop3A_238 = arith.index_cast %parallel_loop3A_175 : i32 to index
        %parallel_loop3A_239 = arith.constant 192 : index
        %parallel_loop3A_240 = tpu.vector_load %arg9[%parallel_loop3A_238, %parallel_loop3A_239] {strides = array<i32>} : memref<224x224xf32, #tpu.memory_space<vmem>>, vector<16xf32>,
        tpu.vector_store %arg9[%parallel_loop3A_238, %parallel_loop3A_239], %parallel_loop3A_237 {strides = array<i32>} : memref<224x224xf32, #tpu.memory_space<vmem>>, vector<16xf32>,
        %parallel_loop3A_241 = arith.constant 0.000000e+00 : f32
        %parallel_loop3A_242 = vector.broadcast %parallel_loop3A_241 : f32 to vector<16xf32>
        %parallel_loop3A_243 = arith.index_cast %parallel_loop3A_175 : i32 to index
        %parallel_loop3A_244 = arith.constant 208 : index
        %parallel_loop3A_245 = tpu.vector_load %arg9[%parallel_loop3A_243, %parallel_loop3A_244] {strides = array<i32>} : memref<224x224xf32, #tpu.memory_space<vmem>>, vector<16xf32>,
        tpu.vector_store %arg9[%parallel_loop3A_243, %parallel_loop3A_244], %parallel_loop3A_242 {strides = array<i32>} : memref<224x224xf32, #tpu.memory_space<vmem>>, vector<16xf32>,
      } {sc.loop_unroll_factor = 4 : i64, sc.parallel_access}
      %dma_wait3A_151 = arith.constant 0 : i32
      %dma_wait3A_152 = arith.constant 0 : i32
      %dma_wait3A_153 = arith.constant 0 : i32
      %dma_wait3A_154 = arith.constant 0 : i32
      %dma_wait3A_155 = tpu.memref_slice %arg2[%dma_wait3A_151, %dma_wait3A_152, %dma_wait3A_153, %dma_wait3A_154] : memref<8x192x112x112xf32, #tpu.memory_space<hbm>> -> memref<1x1x112x112xf32, #tpu.memory_space<hbm>>
      %dma_wait3A_156 = tpu.memref_squeeze %dma_wait3A_155 : memref<1x1x112x112xf32, #tpu.memory_space<hbm>> -> memref<112x112xf32, #tpu.memory_space<hbm>>
      %dma_wait3A_157 = arith.constant 0 : i32
      %dma_wait3A_158 = arith.constant 0 : i32
      %dma_wait3A_159 = tpu.memref_slice %arg2[%dma_wait3A_151, %dma_wait3A_152, %dma_wait3A_157, %dma_wait3A_158] : memref<8x192x112x112xf32, #tpu.memory_space<hbm>> -> memref<1x1x112x112xf32, #tpu.memory_space<hbm>>
      %dma_wait3A_160 = tpu.memref_squeeze %dma_wait3A_159 : memref<1x1x112x112xf32, #tpu.memory_space<hbm>> -> memref<112x112xf32, #tpu.memory_space<hbm>>
      tpu.wait_dma2 semaphore(%arg11 : memref<!tpu.dma_semaphore, #tpu.memory_space<semaphore_mem>>) src(%dma_wait3A_160 : memref<112x112xf32, #tpu.memory_space<hbm>>) dst(%arg6 : memref<112x112xf32, #tpu.memory_space<vmem>>)
      %dma_wait3A_161 = arith.constant 0 : i32
      %dma_wait3A_162 = arith.constant 0 : i32
      %dma_wait3A_163 = arith.constant 0 : i32
      %dma_wait3A_164 = arith.constant 0 : i32
      %dma_wait3A_165 = tpu.memref_slice %arg3[%dma_wait3A_161, %dma_wait3A_162, %dma_wait3A_163, %dma_wait3A_164] : memref<8x192x112x112xi32, #tpu.memory_space<hbm>> -> memref<1x1x112x112xi32, #tpu.memory_space<hbm>>
      %dma_wait3A_166 = tpu.memref_squeeze %dma_wait3A_165 : memref<1x1x112x112xi32, #tpu.memory_space<hbm>> -> memref<112x112xi32, #tpu.memory_space<hbm>>
      %dma_wait3A_167 = arith.constant 0 : i32
      %dma_wait3A_168 = arith.constant 0 : i32
      %dma_wait3A_169 = tpu.memref_slice %arg3[%dma_wait3A_161, %dma_wait3A_162, %dma_wait3A_167, %dma_wait3A_168] : memref<8x192x112x112xi32, #tpu.memory_space<hbm>> -> memref<1x1x112x112xi32, #tpu.memory_space<hbm>>
      %dma_wait3A_170 = tpu.memref_squeeze %dma_wait3A_169 : memref<1x1x112x112xi32, #tpu.memory_space<hbm>> -> memref<112x112xi32, #tpu.memory_space<hbm>>
      tpu.wait_dma2 semaphore(%arg11 : memref<!tpu.dma_semaphore, #tpu.memory_space<semaphore_mem>>) src(%dma_wait3A_170 : memref<112x112xi32, #tpu.memory_space<hbm>>) dst(%arg8 : memref<112x112xi32, #tpu.memory_space<vmem>>)
      %parallel_loop3A_171 = arith.constant 0 : i32
      %parallel_loop3A_172 = arith.constant 112 : i32
      %parallel_loop3A_173 = arith.constant 1 : i32
      scf.for %parallel_loop3A_175 = %parallel_loop3A_171 to %parallel_loop3A_172 step %parallel_loop3A_173  : i32 {
        %parallel_loop3A_176 = arith.index_cast %parallel_loop3A_175 : i32 to index
        %parallel_loop3A_177 = arith.constant 0 : index
        %parallel_loop3A_178 = tpu.vector_load %arg8[%parallel_loop3A_176, %parallel_loop3A_177] {strides = array<i32>} : memref<112x112xi32, #tpu.memory_space<vmem>>, vector<16xi32>,
        %parallel_loop3A_179 = arith.index_cast %parallel_loop3A_175 : i32 to index
        %parallel_loop3A_180 = arith.constant 0 : index
        %parallel_loop3A_181 = tpu.vector_load %arg6[%parallel_loop3A_179, %parallel_loop3A_180] {strides = array<i32>} : memref<112x112xf32, #tpu.memory_space<vmem>>, vector<16xf32>,
        %parallel_loop3A_182 = arith.constant 6 : i32
        %parallel_loop3A_183 = vector.broadcast %parallel_loop3A_182 : i32 to vector<16xi32>
        %parallel_loop3A_184 = arith.shrui %parallel_loop3A_178, %parallel_loop3A_183 : vector<16xi32>
        %parallel_loop3A_185 = arith.sitofp %parallel_loop3A_184 : vector<16xi32> to vector<16xf32>
        %parallel_loop3A_186 = arith.constant 0.333333343 : f32
        %parallel_loop3A_187 = vector.broadcast %parallel_loop3A_186 : f32 to vector<16xf32>
        %parallel_loop3A_188 = arith.mulf %parallel_loop3A_185, %parallel_loop3A_187 : vector<16xf32>
        %parallel_loop3A_189 = arith.fptosi %parallel_loop3A_188 : vector<16xf32> to vector<16xi32>
        %parallel_loop3A_190 = arith.constant 11 : i32
        %parallel_loop3A_191 = vector.broadcast %parallel_loop3A_190 : i32 to vector<16xi32>
        %parallel_loop3A_192 = arith.shrui %parallel_loop3A_178, %parallel_loop3A_191 : vector<16xi32>
        %parallel_loop3A_193 = arith.sitofp %parallel_loop3A_192 : vector<16xi32> to vector<16xf32>
        %parallel_loop3A_194 = arith.constant 0.0476190485 : f32
        %parallel_loop3A_195 = vector.broadcast %parallel_loop3A_194 : f32 to vector<16xf32>
        %parallel_loop3A_196 = arith.mulf %parallel_loop3A_193, %parallel_loop3A_195 : vector<16xf32>
        %parallel_loop3A_197 = arith.fptosi %parallel_loop3A_196 : vector<16xf32> to vector<16xi32>
        %parallel_loop3A_198 = arith.constant 224 : i32
        %parallel_loop3A_199 = vector.broadcast %parallel_loop3A_198 : i32 to vector<16xi32>
        %parallel_loop3A_200 = arith.muli %parallel_loop3A_197, %parallel_loop3A_199 : vector<16xi32>
        %parallel_loop3A_201 = arith.subi %parallel_loop3A_189, %parallel_loop3A_200 : vector<16xi32>
        tpu.vector_store_idx %arg9[%parallel_loop3A_197, %parallel_loop3A_201], %parallel_loop3A_181 {add = true} : memref<224x224xf32, #tpu.memory_space<vmem>>[vector<16xi32>, vector<16xi32>], vector<16xf32>,
        %parallel_loop3A_202 = arith.index_cast %parallel_loop3A_175 : i32 to index
        %parallel_loop3A_203 = arith.constant 16 : index
        %parallel_loop3A_204 = tpu.vector_load %arg8[%parallel_loop3A_202, %parallel_loop3A_203] {strides = array<i32>} : memref<112x112xi32, #tpu.memory_space<vmem>>, vector<16xi32>,
        %parallel_loop3A_205 = arith.index_cast %parallel_loop3A_175 : i32 to index
        %parallel_loop3A_206 = arith.constant 16 : index
        %parallel_loop3A_207 = tpu.vector_load %arg6[%parallel_loop3A_205, %parallel_loop3A_206] {strides = array<i32>} : memref<112x112xf32, #tpu.memory_space<vmem>>, vector<16xf32>,
        %parallel_loop3A_208 = arith.constant 6 : i32
        %parallel_loop3A_209 = vector.broadcast %parallel_loop3A_208 : i32 to vector<16xi32>
        %parallel_loop3A_210 = arith.shrui %parallel_loop3A_204, %parallel_loop3A_209 : vector<16xi32>
        %parallel_loop3A_211 = arith.sitofp %parallel_loop3A_210 : vector<16xi32> to vector<16xf32>
        %parallel_loop3A_212 = arith.constant 0.333333343 : f32
        %parallel_loop3A_213 = vector.broadcast %parallel_loop3A_212 : f32 to vector<16xf32>
        %parallel_loop3A_214 = arith.mulf %parallel_loop3A_211, %parallel_loop3A_213 : vector<16xf32>
        %parallel_loop3A_215 = arith.fptosi %parallel_loop3A_214 : vector<16xf32> to vector<16xi32>
        %parallel_loop3A_216 = arith.constant 11 : i32
        %parallel_loop3A_217 = vector.broadcast %parallel_loop3A_216 : i32 to vector<16xi32>
        %parallel_loop3A_218 = arith.shrui %parallel_loop3A_204, %parallel_loop3A_217 : vector<16xi32>
        %parallel_loop3A_219 = arith.sitofp %parallel_loop3A_218 : vector<16xi32> to vector<16xf32>
        %parallel_loop3A_220 = arith.constant 0.0476190485 : f32
        %parallel_loop3A_221 = vector.broadcast %parallel_loop3A_220 : f32 to vector<16xf32>
        %parallel_loop3A_222 = arith.mulf %parallel_loop3A_219, %parallel_loop3A_221 : vector<16xf32>
        %parallel_loop3A_223 = arith.fptosi %parallel_loop3A_222 : vector<16xf32> to vector<16xi32>
        %parallel_loop3A_224 = arith.constant 224 : i32
        %parallel_loop3A_225 = vector.broadcast %parallel_loop3A_224 : i32 to vector<16xi32>
        %parallel_loop3A_226 = arith.muli %parallel_loop3A_223, %parallel_loop3A_225 : vector<16xi32>
        %parallel_loop3A_227 = arith.subi %parallel_loop3A_215, %parallel_loop3A_226 : vector<16xi32>
        tpu.vector_store_idx %arg9[%parallel_loop3A_223, %parallel_loop3A_227], %parallel_loop3A_207 {add = true} : memref<224x224xf32, #tpu.memory_space<vmem>>[vector<16xi32>, vector<16xi32>], vector<16xf32>,
        %parallel_loop3A_228 = arith.index_cast %parallel_loop3A_175 : i32 to index
        %parallel_loop3A_229 = arith.constant 32 : index
        %parallel_loop3A_230 = tpu.vector_load %arg8[%parallel_loop3A_228, %parallel_loop3A_229] {strides = array<i32>} : memref<112x112xi32, #tpu.memory_space<vmem>>, vector<16xi32>,
        %parallel_loop3A_231 = arith.index_cast %parallel_loop3A_175 : i32 to index
        %parallel_loop3A_232 = arith.constant 32 : index
        %parallel_loop3A_233 = tpu.vector_load %arg6[%parallel_loop3A_231, %parallel_loop3A_232] {strides = array<i32>} : memref<112x112xf32, #tpu.memory_space<vmem>>, vector<16xf32>,
        %parallel_loop3A_234 = arith.constant 6 : i32
        %parallel_loop3A_235 = vector.broadcast %parallel_loop3A_234 : i32 to vector<16xi32>
        %parallel_loop3A_236 = arith.shrui %parallel_loop3A_230, %parallel_loop3A_235 : vector<16xi32>
        %parallel_loop3A_237 = arith.sitofp %parallel_loop3A_236 : vector<16xi32> to vector<16xf32>
        %parallel_loop3A_238 = arith.constant 0.333333343 : f32
        %parallel_loop3A_239 = vector.broadcast %parallel_loop3A_238 : f32 to vector<16xf32>
        %parallel_loop3A_240 = arith.mulf %parallel_loop3A_237, %parallel_loop3A_239 : vector<16xf32>
        %parallel_loop3A_241 = arith.fptosi %parallel_loop3A_240 : vector<16xf32> to vector<16xi32>
        %parallel_loop3A_242 = arith.constant 11 : i32
        %parallel_loop3A_243 = vector.broadcast %parallel_loop3A_242 : i32 to vector<16xi32>
        %parallel_loop3A_244 = arith.shrui %parallel_loop3A_230, %parallel_loop3A_243 : vector<16xi32>
        %parallel_loop3A_245 = arith.sitofp %parallel_loop3A_244 : vector<16xi32> to vector<16xf32>
        %parallel_loop3A_246 = arith.constant 0.0476190485 : f32
        %parallel_loop3A_247 = vector.broadcast %parallel_loop3A_246 : f32 to vector<16xf32>
        %parallel_loop3A_248 = arith.mulf %parallel_loop3A_245, %parallel_loop3A_247 : vector<16xf32>
        %parallel_loop3A_249 = arith.fptosi %parallel_loop3A_248 : vector<16xf32> to vector<16xi32>
        %parallel_loop3A_250 = arith.constant 224 : i32
        %parallel_loop3A_251 = vector.broadcast %parallel_loop3A_250 : i32 to vector<16xi32>
        %parallel_loop3A_252 = arith.muli %parallel_loop3A_249, %parallel_loop3A_251 : vector<16xi32>
        %parallel_loop3A_253 = arith.subi %parallel_loop3A_241, %parallel_loop3A_252 : vector<16xi32>
        tpu.vector_store_idx %arg9[%parallel_loop3A_249, %parallel_loop3A_253], %parallel_loop3A_233 {add = true} : memref<224x224xf32, #tpu.memory_space<vmem>>[vector<16xi32>, vector<16xi32>], vector<16xf32>,
        %parallel_loop3A_254 = arith.index_cast %parallel_loop3A_175 : i32 to index
        %parallel_loop3A_255 = arith.constant 48 : index
        %parallel_loop3A_256 = tpu.vector_load %arg8[%parallel_loop3A_254, %parallel_loop3A_255] {strides = array<i32>} : memref<112x112xi32, #tpu.memory_space<vmem>>, vector<16xi32>,
        %parallel_loop3A_257 = arith.index_cast %parallel_loop3A_175 : i32 to index
        %parallel_loop3A_258 = arith.constant 48 : index
        %parallel_loop3A_259 = tpu.vector_load %arg6[%parallel_loop3A_257, %parallel_loop3A_258] {strides = array<i32>} : memref<112x112xf32, #tpu.memory_space<vmem>>, vector<16xf32>,
        %parallel_loop3A_260 = arith.constant 6 : i32
        %parallel_loop3A_261 = vector.broadcast %parallel_loop3A_260 : i32 to vector<16xi32>
        %parallel_loop3A_262 = arith.shrui %parallel_loop3A_256, %parallel_loop3A_261 : vector<16xi32>
        %parallel_loop3A_263 = arith.sitofp %parallel_loop3A_262 : vector<16xi32> to vector<16xf32>
        %parallel_loop3A_264 = arith.constant 0.333333343 : f32
        %parallel_loop3A_265 = vector.broadcast %parallel_loop3A_264 : f32 to vector<16xf32>
        %parallel_loop3A_266 = arith.mulf %parallel_loop3A_263, %parallel_loop3A_265 : vector<16xf32>
        %parallel_loop3A_267 = arith.fptosi %parallel_loop3A_266 : vector<16xf32> to vector<16xi32>
        %parallel_loop3A_268 = arith.constant 11 : i32
        %parallel_loop3A_269 = vector.broadcast %parallel_loop3A_268 : i32 to vector<16xi32>
        %parallel_loop3A_270 = arith.shrui %parallel_loop3A_256, %parallel_loop3A_269 : vector<16xi32>
        %parallel_loop3A_271 = arith.sitofp %parallel_loop3A_270 : vector<16xi32> to vector<16xf32>
        %parallel_loop3A_272 = arith.constant 0.0476190485 : f32
        %parallel_loop3A_273 = vector.broadcast %parallel_loop3A_272 : f32 to vector<16xf32>
        %parallel_loop3A_274 = arith.mulf %parallel_loop3A_271, %parallel_loop3A_273 : vector<16xf32>
        %parallel_loop3A_275 = arith.fptosi %parallel_loop3A_274 : vector<16xf32> to vector<16xi32>
        %parallel_loop3A_276 = arith.constant 224 : i32
        %parallel_loop3A_277 = vector.broadcast %parallel_loop3A_276 : i32 to vector<16xi32>
        %parallel_loop3A_278 = arith.muli %parallel_loop3A_275, %parallel_loop3A_277 : vector<16xi32>
        %parallel_loop3A_279 = arith.subi %parallel_loop3A_267, %parallel_loop3A_278 : vector<16xi32>
        tpu.vector_store_idx %arg9[%parallel_loop3A_275, %parallel_loop3A_279], %parallel_loop3A_259 {add = true} : memref<224x224xf32, #tpu.memory_space<vmem>>[vector<16xi32>, vector<16xi32>], vector<16xf32>,
        %parallel_loop3A_280 = arith.index_cast %parallel_loop3A_175 : i32 to index
        %parallel_loop3A_281 = arith.constant 64 : index
        %parallel_loop3A_282 = tpu.vector_load %arg8[%parallel_loop3A_280, %parallel_loop3A_281] {strides = array<i32>} : memref<112x112xi32, #tpu.memory_space<vmem>>, vector<16xi32>,
        %parallel_loop3A_283 = arith.index_cast %parallel_loop3A_175 : i32 to index
        %parallel_loop3A_284 = arith.constant 64 : index
        %parallel_loop3A_285 = tpu.vector_load %arg6[%parallel_loop3A_283, %parallel_loop3A_284] {strides = array<i32>} : memref<112x112xf32, #tpu.memory_space<vmem>>, vector<16xf32>,
        %parallel_loop3A_286 = arith.constant 6 : i32
        %parallel_loop3A_287 = vector.broadcast %parallel_loop3A_286 : i32 to vector<16xi32>
        %parallel_loop3A_288 = arith.shrui %parallel_loop3A_282, %parallel_loop3A_287 : vector<16xi32>
        %parallel_loop3A_289 = arith.sitofp %parallel_loop3A_288 : vector<16xi32> to vector<16xf32>
        %parallel_loop3A_290 = arith.constant 0.333333343 : f32
        %parallel_loop3A_291 = vector.broadcast %parallel_loop3A_290 : f32 to vector<16xf32>
        %parallel_loop3A_292 = arith.mulf %parallel_loop3A_289, %parallel_loop3A_291 : vector<16xf32>
        %parallel_loop3A_293 = arith.fptosi %parallel_loop3A_292 : vector<16xf32> to vector<16xi32>
        %parallel_loop3A_294 = arith.constant 11 : i32
        %parallel_loop3A_295 = vector.broadcast %parallel_loop3A_294 : i32 to vector<16xi32>
        %parallel_loop3A_296 = arith.shrui %parallel_loop3A_282, %parallel_loop3A_295 : vector<16xi32>
        %parallel_loop3A_297 = arith.sitofp %parallel_loop3A_296 : vector<16xi32> to vector<16xf32>
        %parallel_loop3A_298 = arith.constant 0.0476190485 : f32
        %parallel_loop3A_299 = vector.broadcast %parallel_loop3A_298 : f32 to vector<16xf32>
        %parallel_loop3A_300 = arith.mulf %parallel_loop3A_297, %parallel_loop3A_299 : vector<16xf32>
        %parallel_loop3A_301 = arith.fptosi %parallel_loop3A_300 : vector<16xf32> to vector<16xi32>
        %parallel_loop3A_302 = arith.constant 224 : i32
        %parallel_loop3A_303 = vector.broadcast %parallel_loop3A_302 : i32 to vector<16xi32>
        %parallel_loop3A_304 = arith.muli %parallel_loop3A_301, %parallel_loop3A_303 : vector<16xi32>
        %parallel_loop3A_305 = arith.subi %parallel_loop3A_293, %parallel_loop3A_304 : vector<16xi32>
        tpu.vector_store_idx %arg9[%parallel_loop3A_301, %parallel_loop3A_305], %parallel_loop3A_285 {add = true} : memref<224x224xf32, #tpu.memory_space<vmem>>[vector<16xi32>, vector<16xi32>], vector<16xf32>,
        %parallel_loop3A_306 = arith.index_cast %parallel_loop3A_175 : i32 to index
        %parallel_loop3A_307 = arith.constant 80 : index
        %parallel_loop3A_308 = tpu.vector_load %arg8[%parallel_loop3A_306, %parallel_loop3A_307] {strides = array<i32>} : memref<112x112xi32, #tpu.memory_space<vmem>>, vector<16xi32>,
        %parallel_loop3A_309 = arith.index_cast %parallel_loop3A_175 : i32 to index
        %parallel_loop3A_310 = arith.constant 80 : index
        %parallel_loop3A_311 = tpu.vector_load %arg6[%parallel_loop3A_309, %parallel_loop3A_310] {strides = array<i32>} : memref<112x112xf32, #tpu.memory_space<vmem>>, vector<16xf32>,
        %parallel_loop3A_312 = arith.constant 6 : i32
        %parallel_loop3A_313 = vector.broadcast %parallel_loop3A_312 : i32 to vector<16xi32>
        %parallel_loop3A_314 = arith.shrui %parallel_loop3A_308, %parallel_loop3A_313 : vector<16xi32>
        %parallel_loop3A_315 = arith.sitofp %parallel_loop3A_314 : vector<16xi32> to vector<16xf32>
        %parallel_loop3A_316 = arith.constant 0.333333343 : f32
        %parallel_loop3A_317 = vector.broadcast %parallel_loop3A_316 : f32 to vector<16xf32>
        %parallel_loop3A_318 = arith.mulf %parallel_loop3A_315, %parallel_loop3A_317 : vector<16xf32>
        %parallel_loop3A_319 = arith.fptosi %parallel_loop3A_318 : vector<16xf32> to vector<16xi32>
        %parallel_loop3A_320 = arith.constant 11 : i32
        %parallel_loop3A_321 = vector.broadcast %parallel_loop3A_320 : i32 to vector<16xi32>
        %parallel_loop3A_322 = arith.shrui %parallel_loop3A_308, %parallel_loop3A_321 : vector<16xi32>
        %parallel_loop3A_323 = arith.sitofp %parallel_loop3A_322 : vector<16xi32> to vector<16xf32>
        %parallel_loop3A_324 = arith.constant 0.0476190485 : f32
        %parallel_loop3A_325 = vector.broadcast %parallel_loop3A_324 : f32 to vector<16xf32>
        %parallel_loop3A_326 = arith.mulf %parallel_loop3A_323, %parallel_loop3A_325 : vector<16xf32>
        %parallel_loop3A_327 = arith.fptosi %parallel_loop3A_326 : vector<16xf32> to vector<16xi32>
        %parallel_loop3A_328 = arith.constant 224 : i32
        %parallel_loop3A_329 = vector.broadcast %parallel_loop3A_328 : i32 to vector<16xi32>
        %parallel_loop3A_330 = arith.muli %parallel_loop3A_327, %parallel_loop3A_329 : vector<16xi32>
        %parallel_loop3A_331 = arith.subi %parallel_loop3A_319, %parallel_loop3A_330 : vector<16xi32>
        tpu.vector_store_idx %arg9[%parallel_loop3A_327, %parallel_loop3A_331], %parallel_loop3A_311 {add = true} : memref<224x224xf32, #tpu.memory_space<vmem>>[vector<16xi32>, vector<16xi32>], vector<16xf32>,
        %parallel_loop3A_332 = arith.index_cast %parallel_loop3A_175 : i32 to index
        %parallel_loop3A_333 = arith.constant 96 : index
        %parallel_loop3A_334 = tpu.vector_load %arg8[%parallel_loop3A_332, %parallel_loop3A_333] {strides = array<i32>} : memref<112x112xi32, #tpu.memory_space<vmem>>, vector<16xi32>,
        %parallel_loop3A_335 = arith.index_cast %parallel_loop3A_175 : i32 to index
        %parallel_loop3A_336 = arith.constant 96 : index
        %parallel_loop3A_337 = tpu.vector_load %arg6[%parallel_loop3A_335, %parallel_loop3A_336] {strides = array<i32>} : memref<112x112xf32, #tpu.memory_space<vmem>>, vector<16xf32>,
        %parallel_loop3A_338 = arith.constant 6 : i32
        %parallel_loop3A_339 = vector.broadcast %parallel_loop3A_338 : i32 to vector<16xi32>
        %parallel_loop3A_340 = arith.shrui %parallel_loop3A_334, %parallel_loop3A_339 : vector<16xi32>
        %parallel_loop3A_341 = arith.sitofp %parallel_loop3A_340 : vector<16xi32> to vector<16xf32>
        %parallel_loop3A_342 = arith.constant 0.333333343 : f32
        %parallel_loop3A_343 = vector.broadcast %parallel_loop3A_342 : f32 to vector<16xf32>
        %parallel_loop3A_344 = arith.mulf %parallel_loop3A_341, %parallel_loop3A_343 : vector<16xf32>
        %parallel_loop3A_345 = arith.fptosi %parallel_loop3A_344 : vector<16xf32> to vector<16xi32>
        %parallel_loop3A_346 = arith.constant 11 : i32
        %parallel_loop3A_347 = vector.broadcast %parallel_loop3A_346 : i32 to vector<16xi32>
        %parallel_loop3A_348 = arith.shrui %parallel_loop3A_334, %parallel_loop3A_347 : vector<16xi32>
        %parallel_loop3A_349 = arith.sitofp %parallel_loop3A_348 : vector<16xi32> to vector<16xf32>
        %parallel_loop3A_350 = arith.constant 0.0476190485 : f32
        %parallel_loop3A_351 = vector.broadcast %parallel_loop3A_350 : f32 to vector<16xf32>
        %parallel_loop3A_352 = arith.mulf %parallel_loop3A_349, %parallel_loop3A_351 : vector<16xf32>
        %parallel_loop3A_353 = arith.fptosi %parallel_loop3A_352 : vector<16xf32> to vector<16xi32>
        %parallel_loop3A_354 = arith.constant 224 : i32
        %parallel_loop3A_355 = vector.broadcast %parallel_loop3A_354 : i32 to vector<16xi32>
        %parallel_loop3A_356 = arith.muli %parallel_loop3A_353, %parallel_loop3A_355 : vector<16xi32>
        %parallel_loop3A_357 = arith.subi %parallel_loop3A_345, %parallel_loop3A_356 : vector<16xi32>
        tpu.vector_store_idx %arg9[%parallel_loop3A_353, %parallel_loop3A_357], %parallel_loop3A_337 {add = true} : memref<224x224xf32, #tpu.memory_space<vmem>>[vector<16xi32>, vector<16xi32>], vector<16xf32>,
      } {sc.loop_unroll_factor = 4 : i64, sc.parallel_access}
      %add3A_174 = arith.addi %mul3A_32, %add3A_126 : i32
      "tpu.region"() ({
        %run_scoped3A = tpu.sem_alloc : memref<!tpu.dma_semaphore, #tpu.memory_space<semaphore_mem>>
        %dma_start3A_175 = arith.constant 0 : i32
        %dma_start3A_176 = arith.constant 0 : i32
        %dma_start3A_177 = tpu.memref_slice %arg4[%select_n3A, %add3A_174, %dma_start3A_175, %dma_start3A_176] : memref<8x192x224x224xf32, #tpu.memory_space<hbm>> -> memref<1x1x224x224xf32, #tpu.memory_space<hbm>>
        %dma_start3A_178 = tpu.memref_squeeze %dma_start3A_177 : memref<1x1x224x224xf32, #tpu.memory_space<hbm>> -> memref<224x224xf32, #tpu.memory_space<hbm>>
        %dma_start3A_179 = arith.constant 0 : i32
        %dma_start3A_180 = arith.constant 0 : i32
        %dma_start3A_181 = tpu.memref_slice %arg4[%select_n3A, %add3A_174, %dma_start3A_179, %dma_start3A_180] : memref<8x192x224x224xf32, #tpu.memory_space<hbm>> -> memref<1x1x224x224xf32, #tpu.memory_space<hbm>>
        %dma_start3A_182 = tpu.memref_squeeze %dma_start3A_181 : memref<1x1x224x224xf32, #tpu.memory_space<hbm>> -> memref<224x224xf32, #tpu.memory_space<hbm>>
        tpu.enqueue_dma source(%arg9 : memref<224x224xf32, #tpu.memory_space<vmem>>) target(%dma_start3A_182 : memref<224x224xf32, #tpu.memory_space<hbm>>) target_semaphore(%run_scoped3A : memref<!tpu.dma_semaphore, #tpu.memory_space<semaphore_mem>>)
        %dma_wait3A_183 = arith.constant 0 : i32
        %dma_wait3A_184 = arith.constant 0 : i32
        %dma_wait3A_185 = tpu.memref_slice %arg4[%select_n3A, %add3A_174, %dma_wait3A_183, %dma_wait3A_184] : memref<8x192x224x224xf32, #tpu.memory_space<hbm>> -> memref<1x1x224x224xf32, #tpu.memory_space<hbm>>
        %dma_wait3A_186 = tpu.memref_squeeze %dma_wait3A_185 : memref<1x1x224x224xf32, #tpu.memory_space<hbm>> -> memref<224x224xf32, #tpu.memory_space<hbm>>
        %dma_wait3A_187 = arith.constant 0 : i32
        %dma_wait3A_188 = arith.constant 0 : i32
        %dma_wait3A_189 = tpu.memref_slice %arg4[%select_n3A, %add3A_174, %dma_wait3A_187, %dma_wait3A_188] : memref<8x192x224x224xf32, #tpu.memory_space<hbm>> -> memref<1x1x224x224xf32, #tpu.memory_space<hbm>>
        %dma_wait3A_190 = tpu.memref_squeeze %dma_wait3A_189 : memref<1x1x224x224xf32, #tpu.memory_space<hbm>> -> memref<224x224xf32, #tpu.memory_space<hbm>>
        tpu.wait_dma2 semaphore(%run_scoped3A : memref<!tpu.dma_semaphore, #tpu.memory_space<semaphore_mem>>) src(%arg9 : memref<224x224xf32, #tpu.memory_space<vmem>>) dst(%dma_wait3A_190 : memref<224x224xf32, #tpu.memory_space<hbm>>)
        tpu.yield
      }) : () -> ()
    }
    %scan3A_55 = arith.constant 24 : i32
    %dma_wait3A = arith.constant 0 : i32
    %dma_wait3A_56 = arith.constant 0 : i32
    %dma_wait3A_57 = arith.constant 0 : i32
    %dma_wait3A_58 = arith.constant 0 : i32
    %dma_wait3A_59 = tpu.memref_slice %arg2[%dma_wait3A, %dma_wait3A_56, %dma_wait3A_57, %dma_wait3A_58] : memref<8x192x112x112xf32, #tpu.memory_space<hbm>> -> memref<1x1x112x112xf32, #tpu.memory_space<hbm>>
    %dma_wait3A_60 = tpu.memref_squeeze %dma_wait3A_59 : memref<1x1x112x112xf32, #tpu.memory_space<hbm>> -> memref<112x112xf32, #tpu.memory_space<hbm>>
    %dma_wait3A_61 = arith.constant 0 : i32
    %dma_wait3A_62 = arith.constant 0 : i32
    %dma_wait3A_63 = tpu.memref_slice %arg2[%dma_wait3A, %dma_wait3A_56, %dma_wait3A_61, %dma_wait3A_62] : memref<8x192x112x112xf32, #tpu.memory_space<hbm>> -> memref<1x1x112x112xf32, #tpu.memory_space<hbm>>
    %dma_wait3A_64 = tpu.memref_squeeze %dma_wait3A_63 : memref<1x1x112x112xf32, #tpu.memory_space<hbm>> -> memref<112x112xf32, #tpu.memory_space<hbm>>
    tpu.wait_dma2 semaphore(%arg10 : memref<!tpu.dma_semaphore, #tpu.memory_space<semaphore_mem>>) src(%dma_wait3A_64 : memref<112x112xf32, #tpu.memory_space<hbm>>) dst(%arg5 : memref<112x112xf32, #tpu.memory_space<vmem>>)
    %dma_wait3A_65 = arith.constant 0 : i32
    %dma_wait3A_66 = arith.constant 0 : i32
    %dma_wait3A_67 = arith.constant 0 : i32
    %dma_wait3A_68 = arith.constant 0 : i32
    %dma_wait3A_69 = tpu.memref_slice %arg3[%dma_wait3A_65, %dma_wait3A_66, %dma_wait3A_67, %dma_wait3A_68] : memref<8x192x112x112xi32, #tpu.memory_space<hbm>> -> memref<1x1x112x112xi32, #tpu.memory_space<hbm>>
    %dma_wait3A_70 = tpu.memref_squeeze %dma_wait3A_69 : memref<1x1x112x112xi32, #tpu.memory_space<hbm>> -> memref<112x112xi32, #tpu.memory_space<hbm>>
    %dma_wait3A_71 = arith.constant 0 : i32
    %dma_wait3A_72 = arith.constant 0 : i32
    %dma_wait3A_73 = tpu.memref_slice %arg3[%dma_wait3A_65, %dma_wait3A_66, %dma_wait3A_71, %dma_wait3A_72] : memref<8x192x112x112xi32, #tpu.memory_space<hbm>> -> memref<1x1x112x112xi32, #tpu.memory_space<hbm>>
    %dma_wait3A_74 = tpu.memref_squeeze %dma_wait3A_73 : memref<1x1x112x112xi32, #tpu.memory_space<hbm>> -> memref<112x112xi32, #tpu.memory_space<hbm>>
    tpu.wait_dma2 semaphore(%arg10 : memref<!tpu.dma_semaphore, #tpu.memory_space<semaphore_mem>>) src(%dma_wait3A_74 : memref<112x112xi32, #tpu.memory_space<hbm>>) dst(%arg7 : memref<112x112xi32, #tpu.memory_space<vmem>>)
    return
  }
}

</mosaic_0001>

<sc_bundles>
// kernel: kernel.3.cloned.1.call-start
scs
__scs_entry_jumppad:
0x0: {  	(pc) =	sbr.rel $0x88, $3  }
0x1: {  	(tag) =	ssettag $0x0;
	lr =	simm.s32 $0x1  }
0x2: {  	[smem:$0x3F9F] =	sst lr;
	_ =	strace $0xD0000000  }
0x3: {  	_ = 	snop  }
0x4: {  	_ = 	snop  }
0x5: {  	_ = 	snop  }
0x6: {  	_ = 	snop  }
0x7: {  	_ = 	snop  }
__scs_overlays_trampoline_lowered:
0x8: {  	[smem:$0x3FAE] =	sst s0  }
0x9: {  	[smem:$0x3FAF] =	sst s1  }
0xa: {  	[smem:$0x3FB0] =	sst s2  }
0xb: {  	[smem:$0x3FB1] =	sst s3  }
0xc: {  	[smem:$0x3FB2] =	sst s4  }
0xd: {  	[smem:$0x3FB3] =	sst s5  }
0xe: {  	[smem:$0x3FB4] =	sst s6  }
0xf: {  	[smem:$0x3FB5] =	sst s7  }
0x10: {  	[smem:$0x3FB6] =	sst s8  }
0x11: {  	[smem:$0x3FB7] =	sst s9;
	s0 =	simm.s32 @!p0 $0x0  }
0x12: {  	s1 =	sld [smem:$0x3F9D];
	s0 =	simm.s32 @p0 $0x1  }
0x13: {  	[smem:$0x3FB8] =	sst s0;
	s0 =	simm.s32 @!p1 $0x0  }
0x14: {  	s2 =	sld [smem:$0x3F9C];
	s0 =	simm.s32 @p1 $0x1  }
0x15: {  	[smem:$0x3FB9] =	sst s0;
	s0 =	simm.s32 @!p2 $0x0  }
0x16: {  	s3 =	sld [smem:$0x3FDB];
	s0 =	simm.s32 @p2 $0x1  }
0x17: {  	s4 =	simm.s32 $0x1BF5;
	[smem:$0x3FBB] =	sst s0  }
0x18: {  	s0 =	sld [smem:$0x3F9E];
	_ =	swait.ge [sflag:s4], $0x0  }
0x19: {  	s7 =	sld [smem:$0x3F9F]  }
0x1a: {  	s8 =	sadd.s32 $0xFFFFE003, lr  }
0x1b: {  	s9 =	sadd.s32 $0xFFFFFEF7, lr;
	s5 =	simm.s32 $0xFFFFFFFF;
	p2 =	slt.u32 s8, $0xFFFFF086  }
0x1c: {  	p1 =	slt.u32 s9, $0xF7A;
	s5 =	simm.s32 @!p2 $0x0  }
0x1d: {  	s5 =	simm.s32 @p1 $0x1;
	p0 =	seq.s32 s7, s2  }
0x1e: {  	s7 =	smul.u32 @!p0 $0xF7A, s2;
	p2 =	seq.s32 @!p0 s5, $0x0  }
0x1f: {  	s9 =	smul.u32 $0xF7A, s1;
	s8 =	simm.s32 @!p0 $0x1BF5;
	p2 =	por !p2, p0  }
0x20: {  	[sflag:s8] =	ssyncset.s32 @!p0 $0xFFFFF086;
	s6 =	sadd.s32 @!p0 s3, s7;
	s7 =	simm.s32 @!p0 $0x108  }
0x21: {  	s3 =	sadd.s32 s3, s9;
	s6 =	sadd.s32 @!p0 $0x88, s6;
	s7 =	simm.s32 @p2 $0x1082  }
0x22: {  	[simem:s7], [sflag:s8] =	dma.local @!p0 [hbm:s6], $0xF7A  }
0x23: {  	s9 =	sor.u32 $0xD0000000, s2;
	s6 =	simm.s32 $0x108;
	_ =	swait.ge @!p0 [sflag:s8], $0x0  }
0x24: {  	s3 =	sadd.s32 $0x88, s3;
	s6 =	simm.s32 @!p1 $0x1082;
	[sflag:s4] =	ssyncset.s32 $0xFFFFF086  }
0x25: {  	[simem:s6], [sflag:s4] =	dma.local [hbm:s3], $0xF7A  }
0x26: {  	[smem:$0x3F9F] =	sst s1;
	(tag) =	ssettag s2;
	_ =	strace s9  }
0x27: {  	s1 =	sld [smem:$0x3FAF]  }
0x28: {  	s2 =	sld [smem:$0x3FB0]  }
0x29: {  	s4 =	sld [smem:$0x3FB2]  }
0x2a: {  	p0 =	seq.s32 s5, $0x0;
	s5 =	sld [smem:$0x3FB3]  }
0x2b: {  	s6 =	sld [smem:$0x3FB4]  }
0x2c: {  	s7 =	sld [smem:$0x3FB5]  }
0x2d: {  	s3 =	simm.s32 $0x108;
	s8 =	sld [smem:$0x3FB6]  }
0x2e: {  	s3 =	simm.s32 @!p0 $0x1082;
	s9 =	sld [smem:$0x3FB7]  }
0x2f: {  	lr =	sadd.s32 s0, s3;
	s0 =	sld [smem:$0x3FAE]  }
0x30: {  	s3 =	sld [smem:$0x3FB1]  }
0x31: {  	[smem:$0x3FBA] =	sst s10  }
0x32: {  	s10 =	sld [smem:$0x3FB8];
	_ =	sdelay $0x3  }
0x33: {  	p0 =	seq.s32 s10, $0x1;
	s10 =	sld [smem:$0x3FBA];
	_ =	sdelay $0x3  }
0x34: {  	[smem:$0x3FBA] =	sst s10  }
0x35: {  	s10 =	sld [smem:$0x3FB9];
	_ =	sdelay $0x3  }
0x36: {  	p1 =	seq.s32 s10, $0x1;
	s10 =	sld [smem:$0x3FBA];
	_ =	sdelay $0x3  }
0x37: {  	[smem:$0x3FBA] =	sst s10  }
0x38: {  	s10 =	sld [smem:$0x3FBB]  }
0x39: {  	_ = 	snop;
	(pc) =	sbr.ind lr, $3  }
0x3a: {  	_ = 	snop  }
0x3b: {  	_ = 	snop  }
0x3c: {  	p2 =	seq.s32 s10, $0x1;
	s10 =	sld [smem:$0x3FBA]  }
0x3d: {  	_ =	shalt  }
0x3e: {  	_ =	shalt  }
0x3f: {  	_ =	shalt  }
0x40: {  	_ =	shalt  }
0x41: {  	_ =	shalt  }
0x42: {  	_ =	shalt  }
0x43: {  	_ =	shalt  }
0x44: {  	_ =	shalt  }
0x45: {  	_ =	shalt  }
0x46: {  	_ =	shalt  }
0x47: {  	_ =	shalt  }
0x48: {  	_ =	shalt  }
0x49: {  	_ =	shalt  }
0x4a: {  	_ =	shalt  }
0x4b: {  	_ =	shalt  }
0x4c: {  	_ =	shalt  }
0x4d: {  	_ =	shalt  }
0x4e: {  	_ =	shalt  }
0x4f: {  	_ =	shalt  }
0x50: {  	_ =	shalt  }
0x51: {  	_ =	shalt  }
0x52: {  	_ =	shalt  }
0x53: {  	_ =	shalt  }
0x54: {  	_ =	shalt  }
0x55: {  	_ =	shalt  }
0x56: {  	_ =	shalt  }
0x57: {  	_ =	shalt  }
0x58: {  	_ =	shalt  }
0x59: {  	_ =	shalt  }
0x5a: {  	_ =	shalt  }
0x5b: {  	_ =	shalt  }
0x5c: {  	_ =	shalt  }
0x5d: {  	_ =	shalt  }
0x5e: {  	_ =	shalt  }
0x5f: {  	_ =	shalt  }
0x60: {  	_ =	shalt  }
0x61: {  	_ =	shalt  }
0x62: {  	_ =	shalt  }
0x63: {  	_ =	shalt  }
0x64: {  	_ =	shalt  }
0x65: {  	_ =	shalt  }
0x66: {  	_ =	shalt  }
0x67: {  	_ =	shalt  }
0x68: {  	_ =	shalt  }
0x69: {  	_ =	shalt  }
0x6a: {  	_ =	shalt  }
0x6b: {  	_ =	shalt  }
0x6c: {  	_ =	shalt  }
0x6d: {  	_ =	shalt  }
0x6e: {  	_ =	shalt  }
0x6f: {  	_ =	shalt  }
0x70: {  	_ =	shalt  }
0x71: {  	_ =	shalt  }
0x72: {  	_ =	shalt  }
0x73: {  	_ =	shalt  }
0x74: {  	_ =	shalt  }
0x75: {  	_ =	shalt  }
0x76: {  	_ =	shalt  }
0x77: {  	_ =	shalt  }
0x78: {  	_ =	shalt  }
0x79: {  	_ =	shalt  }
0x7a: {  	_ =	shalt  }
0x7b: {  	_ =	shalt  }
0x7c: {  	_ =	shalt  }
0x7d: {  	_ =	shalt  }
0x7e: {  	_ =	shalt  }
0x7f: {  	_ =	shalt  }
0x80: {  	_ =	shalt  }
0x81: {  	_ =	shalt  }
0x82: {  	_ =	shalt  }
0x83: {  	_ =	shalt  }
0x84: {  	_ =	shalt  }
0x85: {  	_ =	shalt  }
0x86: {  	_ =	shalt  }
0x87: {  	_ =	shalt  }
.Lfunc_end0:
.L_simem_size_0:
called_computation.1_lowered:
.L_overlay_start_0:
0x88: {  	s2 =	sld [smem:$0x3FD9]  }
0x89: {  	s3 =	sld [smem:$0x3FFE];
	_ =	sdelay $0x1  }
0x8a: {  	s1 =	srdreg.scid  }
0x8b: {  	s0 =	sand.u32 $0x1, s1  }
0x8c: {  	s17 =	sshll.u32 s0, $0xA;
	s2 =	sadd.s32 s3, s2  }
0x8d: {  	s2 =	sadd.s32 s2, s17  }
0x8e: {  	[smem:$0x3FC6] =	sst s2  }
0x8f: {  	_ = 	snop  }
0x90: {  	s2 =	sld [smem:$0x3FD0];
	(tm) =	ssettm $0x1  }
0x91: {  	s18 =	sld [smem:$0x3FFB];
	_ =	sdelay $0x3  }
0x92: {  	_ =	strace s18  }
0x93: {  	s3 =	sld [smem:$0x3FFC];
	_ =	sdelay $0x3  }
0x94: {  	_ =	strace s3  }
0x95: {  	s3 =	sld [smem:$0x3FFD];
	_ =	sdelay $0x3  }
0x96: {  	_ =	strace s3  }
0x97: {  	_ =	strace $0x8FFFFFFF  }
0x98: {  	s19 =	sld [smem:$0x3FDB];
	_ =	sdelay $0x1  }
0x99: {  	s4 =	simm.s32 $_scs_section_size  }
0x9a: {  	s5 =	simm.s32 $_size__tile_overlayer_lowered;
	s6 =	simm.s32 $_tile_overlayer_lowered  }
0x9b: {  	s22 =	simm.s32 $0x1BFF;
	s21 =	sshll.u32 s6, $0x1;
	s3 =	sadd.s32 s4, s19  }
0x9c: {  	s7 =	simm.s32 $0x0;
	s20 =	sshll.u32 s5, $0x1;
	s5 =	sadd.s32 s21, s3  }
0x9d: {  	[timem:s7], [sflag:s22] =	dma.local [hbm:s5], s20  }
0x9e: {  	_ =	swait.ge [sflag:s22], s20  }
0x9f: {  	s4 =	ssub.s32 $0x0, s20;
	[sflag:s22] =	ssyncset.done $0x0  }
0xa0: {  	[sflag:s22] =	ssyncadd.s32 s4;
	_ =	sdelay $0x1  }
0xa1: {  	s23 =	simm.s32 $0x1B8B  }
0xa2: {  	_ =	swait.ge [sflag:s23], $0x1  }
0xa3: {  	[sflag:s23] =	ssyncset.done $0x0  }
0xa4: {  	s25 =	simm.s32 $0x1B8E;
	s24 =	sld [smem:$0x3FFE];
	[sflag:s23] =	ssyncadd.s32 $0xFFFFFFFF  }
0xa5: {  	s26 =	simm.s32 $execute0_lowered;
	[smem:$0x3FD2] =	sst s25  }
0xa6: {  	s5 =	sshll.u32 s26, $0x1;
	_ =	strace $0x80000046;
	[dreg:$0x1] =	wrdreg $0xFFFFFFFF  }
0xa7: {  	s28 =	simm.s32 $_size_execute0_lowered;
	s3 =	sadd.s32 s3, s5;
	[dreg:$0x0] =	wrdreg $0x0  }
0xa8: {  	s5 =	sshll.u32 s28, $0x1;
	[dreg:$0x2] =	wrdreg s3  }
0xa9: {  	[dreg:$0x3] =	wrdreg s5  }
0xaa: {  	[dreg:$0x4] =	wrdreg $0xC0  }
0xab: {  	_ =	task [dreg:s7], $0x5FFFF  }
0xac: {  	[dreg:$0x1] =	wrdreg $0xFFFFFFFF  }
0xad: {  	[dreg:$0x0] =	wrdreg $0x60  }
0xae: {  	[dreg:$0x2] =	wrdreg s2  }
0xaf: {  	[dreg:$0x3] =	wrdreg s24  }
0xb0: {  	[dreg:$0x4] =	wrdreg $0x9  }
0xb1: {  	_ =	task.clear_ibuf [dreg:s7], $0x5FFFF;
	_ =	strace $0x90000046  }
0xb2: {  	s29 =	simm.s32 $0x9;
	_ =	strace $0x80000048  }
0xb3: {  	_ =	swait.ge [sflag:s29], $0x1  }
0xb4: {  	[sflag:s29] =	ssyncadd.s32 $0xFFFFFFFF  }
0xb5: {  	_ =	strace $0x90000048  }
0xb6: {  	_ =	sfence  }
0xb7: {  	s30 =	sld [smem:$0x0];
	_ =	sdelay $0x2  }
0xb8: {  	s31 =	sshll.u32 s1, $0xD;
	s1 =	sshrl.u32 s1, $0x2  }
0xb9: {  	s3 =	sand.u32 $0x4000, s31;
	s1 =	sadd.s32 s1, s30  }
0xba: {  	s0 =	sor.u32 s3, s0;
	s1 =	sshll.u32 s1, $0x11  }
0xbb: {  	s0 =	sor.u32 s1, s0  }
0xbc: {  	s0 =	sadd.s32 $0x8F2B, s0  }
0xbd: {  	[sflag:s0] =	ssyncadd.remote.s32 $0x1  }
0xbe: {  	_ =	sfence.sel $0xFFFF  }
0xbf: {  	[dreg:$0x0] =	wrdreg $0xFFFFFFFF;
	(pc) =	sbr.abs _section_cstart, $3  }
0xc0: {  	[dreg:$0x1] =	wrdreg $0xFFFFFFFF  }
0xc1: {  	_ =	task.clear_ibuf [dreg:s7], $0x2FFFF;
	_ =	strace $0x9FFFFFFF  }
0xc2: {  	(tm) =	ssettm $0x7FFFFFFF  }
0xc3: {  	_ =	shalt  }
tec
execute0_lowered:
.L_overlay_start_1:
0x0: {  	(tag) =	ssettag $0x1  }
0x1: {  	s2 =	rddreg [dreg:$0x0]  }
0x2: {  	s0 =	rddreg [dreg:$0x1]  }
0x3: {  	s4 =	stileid.u32;
	s1 =	srdreg.scid;
	s16 =	simm.s32 $0x1  }
0x4: {  	s17 =	simm.s32 $0xE000;
	s18 =	simm.s32 $0x3;
	s3 =	sshll.u32 s4, $0x1  }
0x5: {  	s1 =	sand.u32 $0x1, s1;
	s8 =	sshrl.u32 s4, $0x1;
	s28 =	sand.u32 $0x2, s3  }
0x6: {  	s19 =	simm.s32 $0x2;
	s4 =	smul.u32 $0x2A0000, s8;
	s6 =	sor.u32 s1, s28  }
0x7: {  	s3 =	simm.s32 $0x0;
	s1 =	ssub.s32 $0x2, s1;
	s7 =	smul.u32 $0xA8000, s6  }
0x8: {  	s5 =	sadd.s32 $0x800, s0;
	[smem:$0x7FF] =	sst s3;
	s9 =	sshrl.u32 s1, $0x1  }
0x9: {  	_ =	strace $0x80000047;
	s29 =	ssub.s32 s1, s9;
	s7 =	sadd.s32 s4, s7  }
0xa: {  	s10 =	sshrl.u32 s7, $0x3;
	s7 =	sadd.s32 $0x2A0800, s0;
	s0 =	smax.u32 s29, $0x1  }
0xb: {  	s6 =	smul.u32 $0x30, s6;
	s30 =	sadd.s32 s2, s10;
	[dreg:$0x5] =	wrdreg s0  }
0xc: {  	s1 =	simm.s32 $0x0;
	s31 =	sadd.s32 s5, s10;
	[dreg:$0x3] =	wrdreg s30  }
0xd: {  	v0 =	vimm.f32 $0.0e+00;
	s11 =	sor.u32 $0x2, s6;
	s10 =	smul.u32 $0xA80000, s8;
	[dreg:$0x4] =	wrdreg s31  }
.LBB2_1:
0xe: {  	[dreg:$0x6] =	wrdreg s1  }
0xf: {  	s0 =	rddreg [dreg:$0x3]  }
0x10: {  	[tilespmem:s3], [sflag:$0x1] =	stream.linear.gather [hbm4b:s0+s3], $0x3800, $0x38;
	[tilespmem:$0x1C000] =	vst v63  }
0x11: {  	s30 =	rddreg [dreg:$0x4];
	s31 =	simm.s32 $0x7000;
	s21 =	simm.s32 $0x0  }
0x12: {  	[tilespmem:s31], [sflag:$0x1] =	stream.linear.gather [hbm4b:s30+s3], $0x3800, $0x38;
	[tilespmem:$0x1C000] =	vst v63  }
.LBB2_2:
0x13: {  	s23 =	sshll.u32 s21, $0x1  }
0x14: {  	s0 =	sadd.s32 s23, s6  }
0x15: {  	s22 =	sadd.s32 $0x1, s0  }
0x16: {  	s0 =	smul.u32 $0x3800, s22;
	_ =	sdelay $0x1  }
0x17: {  	s0 =	sadd.s32 s4, s0  }
0x18: {  	s8 =	simm.s32 $0x0;
	s0 =	sshrl.u32 s0, $0x3  }
0x19: {  	s9 =	simm.s32 $0x3800;
	s30 =	simm.s32 $0xA800;
	s1 =	sadd.s32 s2, s0  }
0x1a: {  	[tilespmem:s9], [sflag:$0x2] =	stream.linear.gather [hbm4b:s1+s8], $0x3800, $0x38;
	[tilespmem:$0x1C000] =	vst v63  }
0x1b: {  	s12 =	sand.u32 $0x200, s8;
	s0 =	sadd.s32 s5, s0;
	s9 =	sand.u32 $0xF800, s8  }
0x1c: {  	[tilespmem:s30], [sflag:$0x2] =	stream.linear.gather [hbm4b:s0+s8], $0x3800, $0x38;
	[tilespmem:$0x1C000] =	vst v63  }
0x1d: {  	s0 =	sor.u32 s12, s9  }
0x1e: {  	[tilespmem:s0+$0xE1C0] =	vst v0  }
0x1f: {  	[tilespmem:s0+$0xE1F0] =	vst v0  }
0x20: {  	[tilespmem:s0+$0xE1E0] =	vst v0  }
0x21: {  	[tilespmem:s0+$0xE1D0] =	vst v0  }
0x22: {  	[tilespmem:s0+$0xE1B0] =	vst v0  }
0x23: {  	[tilespmem:s0+$0xE1A0] =	vst v0  }
0x24: {  	[tilespmem:s0+$0xE180] =	vst v0  }
0x25: {  	[tilespmem:s0+$0xE190] =	vst v0  }
0x26: {  	[tilespmem:s0+$0xE160] =	vst v0  }
0x27: {  	[tilespmem:s0+$0xE040] =	vst v0  }
0x28: {  	[tilespmem:s0+$0xE050] =	vst v0  }
0x29: {  	[tilespmem:s0+$0xE130] =	vst v0  }
0x2a: {  	[tilespmem:s0+$0xE120] =	vst v0  }
0x2b: {  	[tilespmem:s0+$0xE110] =	vst v0  }
0x2c: {  	[tilespmem:s0+$0xE100] =	vst v0  }
0x2d: {  	[tilespmem:s0+$0xE060] =	vst v0  }
0x2e: {  	[tilespmem:s0+$0xE010] =	vst v0  }
0x2f: {  	[tilespmem:s0+$0xE070] =	vst v0  }
0x30: {  	[tilespmem:s0+$0xE030] =	vst v0  }
0x31: {  	[tilespmem:s0+$0xE000] =	vst v0  }
0x32: {  	[tilespmem:s0+$0xE0C0] =	vst v0  }
0x33: {  	[tilespmem:s0+$0xE0F0] =	vst v0  }
0x34: {  	[tilespmem:s0+$0xE0E0] =	vst v0  }
0x35: {  	[tilespmem:s0+$0xE020] =	vst v0  }
0x36: {  	p0 =	por $0x0, $0x0;
	s1 =	simm.s32 $0x1;
	[tilespmem:s0+$0xE090] =	vst v0  }
0x37: {  	s1 =	simm.s32 @!p0 $0x0;
	[tilespmem:s0+$0xE080] =	vst v0  }
0x38: {  	s1 =	sshll.u32 s1, $0x9;
	[tilespmem:s0+$0xE0D0] =	vst v0  }
0x39: {  	s1 =	sadd.s32 $0x0, s1;
	[tilespmem:s0+$0xE0A0] =	vst v0  }
0x3a: {  	[tilespmem:s0+$0xE0B0] =	vst v0;
	s13 =	sadd.s32 $0x180, s1;
	s28 =	sor.u32 $0x400, s1  }
0x3b: {  	s14 =	sor.u32 $0x400, s13;
	[tilespmem:s28+$0xE000] =	vst v0  }
0x3c: {  	s29 =	sor.u32 $0x410, s1;
	[tilespmem:s14+$0xE000] =	vst v0  }
0x3d: {  	s15 =	sor.u32 $0x410, s13;
	[tilespmem:s29+$0xE000] =	vst v0  }
0x3e: {  	s30 =	sor.u32 $0x420, s1;
	[tilespmem:s15+$0xE000] =	vst v0  }
0x3f: {  	s20 =	sor.u32 $0x420, s13;
	[tilespmem:s30+$0xE000] =	vst v0  }
0x40: {  	s12 =	sor.u32 $0x430, s1;
	[tilespmem:s20+$0xE000] =	vst v0  }
0x41: {  	s24 =	sor.u32 $0x430, s13;
	[tilespmem:s12+$0xE000] =	vst v0  }
0x42: {  	s25 =	sor.u32 $0x440, s13;
	s8 =	sor.u32 $0x450, s13;
	s13 =	sor.u32 $0x440, s1;
	[tilespmem:s24+$0xE000] =	vst v0  }
0x43: {  	[tilespmem:s13+$0xE000] =	vst v0  }
0x44: {  	[tilespmem:s25+$0xE000] =	vst v0  }
0x45: {  	s14 =	sor.u32 $0x450, s1;
	[tilespmem:s8+$0xE000] =	vst v0;
	s8 =	sadd.s32 $0x100, s1  }
0x46: {  	[tilespmem:s14+$0xE000] =	vst v0;
	s1 =	sadd.s32 $0x80, s1;
	s26 =	sor.u32 $0x400, s8  }
0x47: {  	s25 =	sor.u32 $0x400, s1;
	[tilespmem:s26+$0xE000] =	vst v0  }
0x48: {  	[tilespmem:s25+$0xE000] =	vst v0  }
0x49: {  	[tilespmem:s0+$0xE170] =	vst v0  }
0x4a: {  	[tilespmem:s0+$0xE150] =	vst v0  }
0x4b: {  	s26 =	sor.u32 $0x410, s1;
	[tilespmem:s0+$0xE140] =	vst v0  }
0x4c: {  	s15 =	sor.u32 $0x410, s8;
	[tilespmem:s26+$0xE000] =	vst v0  }
0x4d: {  	s28 =	sor.u32 $0x420, s1;
	[tilespmem:s15+$0xE000] =	vst v0  }
0x4e: {  	s12 =	sor.u32 $0x420, s8;
	[tilespmem:s28+$0xE000] =	vst v0  }
0x4f: {  	s29 =	sor.u32 $0x430, s1;
	[tilespmem:s12+$0xE000] =	vst v0  }
0x50: {  	s20 =	sor.u32 $0x430, s8;
	[tilespmem:s29+$0xE000] =	vst v0  }
0x51: {  	p0 =	por !p0, !p0;
	s30 =	sor.u32 $0x440, s1;
	[tilespmem:s20+$0xE000] =	vst v0  }
0x52: {  	s24 =	sor.u32 $0x440, s8;
	s31 =	sor.u32 $0x450, s1;
	s25 =	simm.s32 $0x200;
	[tilespmem:s30+$0xE000] =	vst v0  }
0x53: {  	s0 =	sor.u32 $0x450, s8;
	s26 =	simm.s32 $0x400;
	[tilespmem:s24+$0xE000] =	vst v0;
	s24 =	simm.s32 $0x0  }
.LBB2_3:
0x54: {  	s1 =	simm.s32 $0x1  }
0x55: {  	s8 =	sand.u32 $0xF800, s26;
	s9 =	sand.u32 $0x200, s25;
	[tilespmem:s31+$0xE000] =	vst v0;
	s1 =	simm.s32 @!p0 $0x0  }
0x56: {  	s24 =	sadd.s32 $0x4, s24;
	s29 =	sor.u32 s9, s8;
	s1 =	sshll.u32 s1, $0x9;
	[tilespmem:s0+$0xE000] =	vst v0  }
0x57: {  	p1 =	slt.u32 s24, $0xDC;
	s0 =	sadd.s32 s1, s26;
	[tilespmem:s29+$0xE1C0] =	vst v0  }
0x58: {  	s31 =	sadd.s32 $0x80, s0;
	s28 =	sadd.s32 $0x100, s0;
	[tilespmem:s29+$0xE1F0] =	vst v0;
	s8 =	sadd.s32 $0x180, s0  }
0x59: {  	s30 =	sor.u32 $0x400, s31;
	[tilespmem:s29+$0xE1E0] =	vst v0  }
0x5a: {  	s20 =	sor.u32 $0x400, s28;
	[tilespmem:s29+$0xE1D0] =	vst v0  }
0x5b: {  	[tilespmem:s29+$0xE1B0] =	vst v0  }
0x5c: {  	[tilespmem:s29+$0xE1A0] =	vst v0  }
0x5d: {  	[tilespmem:s29+$0xE180] =	vst v0  }
0x5e: {  	s1 =	sor.u32 $0x400, s8;
	[tilespmem:s29+$0xE190] =	vst v0  }
0x5f: {  	[tilespmem:s1+$0xE000] =	vst v0;
	s1 =	sor.u32 $0x410, s8  }
0x60: {  	[tilespmem:s1+$0xE000] =	vst v0;
	s1 =	sor.u32 $0x420, s8  }
0x61: {  	s14 =	sor.u32 $0x400, s0;
	[tilespmem:s1+$0xE000] =	vst v0;
	s1 =	sor.u32 $0x430, s8  }
0x62: {  	s9 =	sor.u32 $0x440, s8;
	[tilespmem:s1+$0xE000] =	vst v0  }
0x63: {  	s1 =	sor.u32 $0x410, s31;
	[tilespmem:s9+$0xE000] =	vst v0;
	s9 =	sor.u32 $0x450, s8  }
0x64: {  	s8 =	sor.u32 $0x420, s31;
	[tilespmem:s9+$0xE000] =	vst v0  }
0x65: {  	s9 =	sor.u32 $0x430, s31;
	[tilespmem:s29+$0xE160] =	vst v0  }
0x66: {  	s12 =	sor.u32 $0x440, s31;
	[tilespmem:s29+$0xE040] =	vst v0  }
0x67: {  	s31 =	sor.u32 $0x450, s31;
	[tilespmem:s29+$0xE050] =	vst v0  }
0x68: {  	[tilespmem:s29+$0xE130] =	vst v0  }
0x69: {  	[tilespmem:s29+$0xE120] =	vst v0  }
0x6a: {  	[tilespmem:s29+$0xE110] =	vst v0  }
0x6b: {  	[tilespmem:s29+$0xE100] =	vst v0  }
0x6c: {  	[tilespmem:s20+$0xE000] =	vst v0  }
0x6d: {  	[tilespmem:s29+$0xE060] =	vst v0  }
0x6e: {  	s20 =	sor.u32 $0x410, s28;
	[tilespmem:s29+$0xE010] =	vst v0  }
0x6f: {  	s15 =	sor.u32 $0x420, s28;
	[tilespmem:s29+$0xE070] =	vst v0  }
0x70: {  	s13 =	sor.u32 $0x430, s28;
	[tilespmem:s29+$0xE170] =	vst v0  }
0x71: {  	[tilespmem:s29+$0xE030] =	vst v0  }
0x72: {  	[tilespmem:s29+$0xE150] =	vst v0  }
0x73: {  	[tilespmem:s29+$0xE140] =	vst v0  }
0x74: {  	[tilespmem:s29+$0xE000] =	vst v0  }
0x75: {  	[tilespmem:s29+$0xE0C0] =	vst v0  }
0x76: {  	[tilespmem:s29+$0xE0F0] =	vst v0  }
0x77: {  	[tilespmem:s29+$0xE0E0] =	vst v0  }
0x78: {  	[tilespmem:s29+$0xE020] =	vst v0  }
0x79: {  	[tilespmem:s14+$0xE000] =	vst v0;
	s14 =	sor.u32 $0x410, s0  }
0x7a: {  	[tilespmem:s14+$0xE000] =	vst v0;
	s14 =	sor.u32 $0x420, s0  }
0x7b: {  	[tilespmem:s14+$0xE000] =	vst v0;
	s14 =	sor.u32 $0x430, s0  }
0x7c: {  	[tilespmem:s14+$0xE000] =	vst v0;
	s14 =	sor.u32 $0x440, s0  }
0x7d: {  	s0 =	sor.u32 $0x450, s0;
	[tilespmem:s14+$0xE000] =	vst v0  }
0x7e: {  	[tilespmem:s0+$0xE000] =	vst v0  }
0x7f: {  	[tilespmem:s29+$0xE090] =	vst v0  }
0x80: {  	[tilespmem:s29+$0xE080] =	vst v0  }
0x81: {  	[tilespmem:s29+$0xE0D0] =	vst v0  }
0x82: {  	[tilespmem:s29+$0xE0A0] =	vst v0  }
0x83: {  	[tilespmem:s20+$0xE000] =	vst v0  }
0x84: {  	[tilespmem:s15+$0xE000] =	vst v0  }
0x85: {  	s0 =	sor.u32 $0x440, s28;
	[tilespmem:s13+$0xE000] =	vst v0  }
0x86: {  	[tilespmem:s0+$0xE000] =	vst v0  }
0x87: {  	[tilespmem:s29+$0xE0B0] =	vst v0  }
.Ltmp0:
0x88: {  	[tilespmem:s30+$0xE000] =	vst v0;
	(pc) =	sbr.rel @p1 .LBB2_3-.Ltmp0, $4  }
0x89: {  	[tilespmem:s1+$0xE000] =	vst v0  }
0x8a: {  	[tilespmem:s8+$0xE000] =	vst v0  }
0x8b: {  	p0 =	por !p0, !p0;
	[tilespmem:s9+$0xE000] =	vst v0  }
0x8c: {  	s25 =	sadd.s32 $0x200, s25;
	s26 =	sadd.s32 $0x400, s26;
	s0 =	sor.u32 $0x450, s28;
	[tilespmem:s12+$0xE000] =	vst v0  }
0x8d: {  	[tilespmem:s31+$0xE000] =	vst v0  }
0x8e: {  	[tilespmem:s0+$0xE000] =	vst v0  }
0x8f: {  	_ =	swait.ge [sflag:s16], $0x3800  }
0x90: {  	[sflag:s16] =	ssyncset.done $0x0  }
0x91: {  	[sflag:s16] =	ssyncadd.s32 $0xFFFFC800  }
0x92: {  	_ =	swait.ge [sflag:s16], $0x3800  }
0x93: {  	[sflag:s16] =	ssyncset.done $0x0  }
0x94: {  	s30 =	simm.s32 $0x7100;
	[sflag:s16] =	ssyncadd.s32 $0xFFFFC800  }
0x95: {  	v1 =	vld [tilespmem:s30+$0x80]  }
0x96: {  	v2 =	vld [tilespmem:s30+$0xFFFFFF80]  }
0x97: {  	v3 =	vld [tilespmem:s30+$0x0]  }
0x98: {  	v5 =	vld [tilespmem:s30+$0xFFFFFF00];
	_ =	sdelay $0x2  }
0x99: {  	v4 =	vshrl.u32 v1, $0xB;
	v1 =	vshrl.u32 v1, $0x6  }
0x9a: {  	v6 =	vshrl.u32 v2, $0xB;
	v7 =	vshrl.u32 v3, $0xB;
	v4 =	vcvt.s32.f32 v4  }
0x9b: {  	v8 =	vshrl.u32 v5, $0xB;
	v1 =	vcvt.s32.f32 v1;
	v6 =	vcvt.s32.f32 v6  }
0x9c: {  	v5 =	vshrl.u32 v5, $0x6;
	v8 =	vcvt.s32.f32 v8;
	v4 =	vmul.f32 $4.761904850e-02, v4  }
0x9d: {  	v7 =	vcvt.s32.f32 v7;
	v5 =	vcvt.s32.f32 v5  }
0x9e: {  	v2 =	vshrl.u32 v2, $0x6;
	v1 =	vmul.f32 $3.333333430e-01, v1;
	v4 =	vtrunc.f32 v4  }
0x9f: {  	v3 =	vshrl.u32 v3, $0x6;
	v2 =	vcvt.s32.f32 v2;
	v4 =	vcvt.f32.s32 v4  }
0xa0: {  	v3 =	vcvt.s32.f32 v3;
	v1 =	vtrunc.f32 v1  }
0xa1: {  	v8 =	vmul.f32 $4.761904850e-02, v8;
	v1 =	vcvt.f32.s32 v1;
	v9 =	vmul.u32 $0xFFFFFF20, v4  }
0xa2: {  	v6 =	vmul.f32 $4.761904850e-02, v6;
	v7 =	vmul.f32 $4.761904850e-02, v7  }
0xa3: {  	v2 =	vmul.f32 $3.333333430e-01, v2;
	v3 =	vmul.f32 $3.333333430e-01, v3;
	v1 =	vadd.s32 v1, v9  }
0xa4: {  	v8 =	vtrunc.f32 v8;
	v9 =	vshll.u32 v4, $0x8;
	v10 =	vshll.u32 v1, $0x3  }
0xa5: {  	v4 =	vshll.u32 v4, $0x7;
	v9 =	vand.u32 $0xFFFFF800, v9;
	v10 =	vand.u32 $0xFFFFFC00, v10  }
0xa6: {  	v6 =	vtrunc.f32 v6;
	v4 =	vand.u32 $0x380, v4;
	v9 =	vadd.s32 v9, v10  }
0xa7: {  	s25 =	simm.s32 $0x100;
	v7 =	vtrunc.f32 v7;
	v1 =	vand.u32 $0x7F, v1;
	v4 =	vor.u32 v4, v9  }
0xa8: {  	v2 =	vtrunc.f32 v2;
	v3 =	vtrunc.f32 v3;
	v9 =	vld [tilespmem:s25+$0x80];
	v1 =	vor.u32 v1, v4  }
0xa9: {  	v6 =	vcvt.f32.s32 v6;
	v7 =	vcvt.f32.s32 v7  }
0xaa: {  	v4 =	vmul.f32 $3.333333430e-01, v5;
	v5 =	vcvt.f32.s32 v8  }
0xab: {  	v2 =	vcvt.f32.s32 v2;
	v3 =	vcvt.f32.s32 v3;
	v12 =	vshll.u32 v7, $0x8  }
0xac: {  	v12 =	vand.u32 $0xFFFFF800, v12;
	v4 =	vtrunc.f32 v4;
	v8 =	vmul.u32 $0xFFFFFF20, v5  }
0xad: {  	v10 =	vshll.u32 v5, $0x8;
	v5 =	vshll.u32 v5, $0x7;
	v4 =	vcvt.f32.s32 v4;
	[tilespmem:v1+s17+$0x0] =	vst.idx.add.f32.msk $0xffff, v9  }
0xae: {  	v10 =	vand.u32 $0xFFFFF800, v10;
	v5 =	vand.u32 $0x380, v5;
	v1 =	vmul.u32 $0xFFFFFF20, v6;
	v11 =	vld [tilespmem:s30+$0x90]  }
0xaf: {  	v9 =	vmul.u32 $0xFFFFFF20, v7;
	v4 =	vadd.s32 v4, v8;
	v8 =	vshll.u32 v6, $0x8  }
0xb0: {  	v6 =	vshll.u32 v6, $0x7;
	v7 =	vshll.u32 v7, $0x7;
	v13 =	vshll.u32 v4, $0x3  }
0xb1: {  	v8 =	vand.u32 $0xFFFFF800, v8;
	v6 =	vand.u32 $0x380, v6;
	v7 =	vand.u32 $0x380, v7  }
0xb2: {  	v1 =	vadd.s32 v2, v1;
	v2 =	vadd.s32 v3, v9;
	v3 =	vand.u32 $0xFFFFFC00, v13  }
0xb3: {  	v9 =	vshll.u32 v1, $0x3;
	v13 =	vshll.u32 v2, $0x3;
	v14 =	vshrl.u32 v11, $0xB  }
0xb4: {  	v3 =	vadd.s32 v10, v3;
	v1 =	vand.u32 $0x7F, v1;
	v14 =	vcvt.s32.f32 v14  }
0xb5: {  	v2 =	vand.u32 $0x7F, v2;
	v9 =	vand.u32 $0xFFFFFC00, v9;
	v11 =	vshrl.u32 v11, $0x6  }
0xb6: {  	v13 =	vand.u32 $0xFFFFFC00, v13;
	v11 =	vcvt.s32.f32 v11;
	v14 =	vmul.f32 $4.761904850e-02, v14  }
0xb7: {  	v3 =	vor.u32 v5, v3;
	v8 =	vadd.s32 v8, v9;
	v9 =	vadd.s32 v12, v13  }
0xb8: {  	v6 =	vor.u32 v6, v8;
	v10 =	vmul.f32 $3.333333430e-01, v11;
	v11 =	vtrunc.f32 v14  }
0xb9: {  	v7 =	vor.u32 v7, v9;
	v1 =	vor.u32 v1, v6;
	v6 =	vld [tilespmem:s25+$0xFFFFFF80];
	v5 =	vcvt.f32.s32 v11  }
0xba: {  	v9 =	vld [tilespmem:s25+$0x0];
	v2 =	vor.u32 v2, v7;
	v8 =	vtrunc.f32 v10  }
0xbb: {  	v4 =	vand.u32 $0x7F, v4;
	v8 =	vcvt.f32.s32 v8;
	v10 =	vmul.u32 $0xFFFFFF20, v5  }
0xbc: {  	v3 =	vor.u32 v4, v3;
	v11 =	vld [tilespmem:s25+$0xFFFFFF00]  }
0xbd: {  	v4 =	vadd.s32 v8, v10  }
0xbe: {  	[tilespmem:v1+s17+$0x0] =	vst.idx.add.f32.msk $0xffff, v6;
	v7 =	vshll.u32 v5, $0x8;
	v8 =	vshll.u32 v4, $0x3  }
0xbf: {  	[tilespmem:v2+s17+$0x0] =	vst.idx.add.f32.msk $0xffff, v9;
	v5 =	vshll.u32 v5, $0x7;
	v7 =	vand.u32 $0xFFFFF800, v7;
	v8 =	vand.u32 $0xFFFFFC00, v8  }
0xc0: {  	v2 =	vld [tilespmem:s30+$0xFFFFFF90];
	v5 =	vand.u32 $0x380, v5;
	v7 =	vadd.s32 v7, v8  }
0xc1: {  	[tilespmem:v3+s17+$0x0] =	vst.idx.add.f32.msk $0xffff, v11;
	v3 =	vand.u32 $0x7F, v4;
	v4 =	vor.u32 v5, v7  }
0xc2: {  	v5 =	vld [tilespmem:s25+$0x90];
	v3 =	vor.u32 v3, v4;
	_ =	sdelay $0x3  }
0xc3: {  	v1 =	vld [tilespmem:s30+$0xFFFFFF10];
	v6 =	vshrl.u32 v2, $0xB  }
0xc4: {  	v2 =	vshrl.u32 v2, $0x6;
	v6 =	vcvt.s32.f32 v6;
	[tilespmem:v3+s17+$0x0] =	vst.idx.add.f32.msk $0xffff, v5  }
0xc5: {  	v2 =	vcvt.s32.f32 v2;
	v3 =	vld [tilespmem:s30+$0xA0]  }
0xc6: {  	v4 =	vld [tilespmem:s30+$0x10];
	v6 =	vmul.f32 $4.761904850e-02, v6  }
0xc7: {  	v2 =	vmul.f32 $3.333333430e-01, v2  }
0xc8: {  	v6 =	vtrunc.f32 v6  }
0xc9: {  	v2 =	vtrunc.f32 v2;
	v6 =	vcvt.f32.s32 v6  }
0xca: {  	v2 =	vcvt.f32.s32 v2;
	v5 =	vshrl.u32 v1, $0xB;
	v7 =	vshrl.u32 v3, $0xB  }
0xcb: {  	v1 =	vshrl.u32 v1, $0x6;
	v8 =	vshrl.u32 v4, $0xB;
	v7 =	vcvt.s32.f32 v7  }
0xcc: {  	v5 =	vcvt.s32.f32 v5;
	v8 =	vcvt.s32.f32 v8;
	v3 =	vshrl.u32 v3, $0x6  }
0xcd: {  	v4 =	vshrl.u32 v4, $0x6;
	v3 =	vcvt.s32.f32 v3;
	v7 =	vmul.f32 $4.761904850e-02, v7  }
0xce: {  	v1 =	vcvt.s32.f32 v1;
	v4 =	vcvt.s32.f32 v4  }
0xcf: {  	v3 =	vmul.f32 $3.333333430e-01, v3;
	v7 =	vtrunc.f32 v7  }
0xd0: {  	v5 =	vmul.f32 $4.761904850e-02, v5;
	v7 =	vcvt.f32.s32 v7  }
0xd1: {  	v8 =	vmul.f32 $4.761904850e-02, v8;
	v3 =	vtrunc.f32 v3  }
0xd2: {  	v1 =	vmul.f32 $3.333333430e-01, v1;
	v3 =	vcvt.f32.s32 v3;
	v9 =	vmul.u32 $0xFFFFFF20, v7  }
0xd3: {  	v4 =	vmul.f32 $3.333333430e-01, v4;
	v5 =	vtrunc.f32 v5  }
0xd4: {  	v8 =	vtrunc.f32 v8;
	v1 =	vtrunc.f32 v1;
	v3 =	vadd.s32 v3, v9  }
0xd5: {  	v4 =	vtrunc.f32 v4;
	v9 =	vshll.u32 v7, $0x8;
	v10 =	vshll.u32 v3, $0x3  }
0xd6: {  	v7 =	vshll.u32 v7, $0x7;
	v9 =	vand.u32 $0xFFFFF800, v9;
	v10 =	vand.u32 $0xFFFFFC00, v10  }
0xd7: {  	v5 =	vcvt.f32.s32 v5;
	v7 =	vand.u32 $0x380, v7;
	v9 =	vadd.s32 v9, v10  }
0xd8: {  	v8 =	vcvt.f32.s32 v8;
	v3 =	vand.u32 $0x7F, v3;
	v7 =	vor.u32 v7, v9  }
0xd9: {  	v1 =	vcvt.f32.s32 v1;
	v4 =	vcvt.f32.s32 v4;
	v9 =	vld [tilespmem:s25+$0xA0];
	v3 =	vor.u32 v3, v7  }
0xda: {  	v11 =	vmul.u32 $0xFFFFFF20, v8;
	v12 =	vshll.u32 v5, $0x8;
	v13 =	vshll.u32 v8, $0x8  }
0xdb: {  	v8 =	vshll.u32 v8, $0x7;
	v12 =	vand.u32 $0xFFFFF800, v12;
	v10 =	vmul.u32 $0xFFFFFF20, v6  }
0xdc: {  	v13 =	vand.u32 $0xFFFFF800, v13;
	v8 =	vand.u32 $0x380, v8;
	v4 =	vadd.s32 v4, v11  }
0xdd: {  	v7 =	vmul.u32 $0xFFFFFF20, v5;
	v2 =	vadd.s32 v2, v10;
	v10 =	vshll.u32 v4, $0x3  }
0xde: {  	v5 =	vshll.u32 v5, $0x7;
	v4 =	vand.u32 $0x7F, v4;
	v10 =	vand.u32 $0xFFFFFC00, v10;
	[tilespmem:v3+s17+$0x0] =	vst.idx.add.f32.msk $0xffff, v9  }
0xdf: {  	v5 =	vand.u32 $0x380, v5;
	v1 =	vadd.s32 v1, v7;
	v7 =	vshll.u32 v6, $0x8;
	v11 =	vld [tilespmem:s30+$0xB0]  }
0xe0: {  	v6 =	vshll.u32 v6, $0x7;
	v14 =	vshll.u32 v1, $0x3;
	v7 =	vand.u32 $0xFFFFF800, v7  }
0xe1: {  	v1 =	vand.u32 $0x7F, v1;
	v3 =	vand.u32 $0xFFFFFC00, v14;
	v9 =	vshll.u32 v2, $0x3  }
0xe2: {  	v2 =	vand.u32 $0x7F, v2;
	v9 =	vand.u32 $0xFFFFFC00, v9;
	v3 =	vadd.s32 v12, v3  }
0xe3: {  	v7 =	vadd.s32 v7, v9;
	v3 =	vor.u32 v5, v3;
	v5 =	vand.u32 $0x380, v6  }
0xe4: {  	v9 =	vadd.s32 v13, v10;
	v5 =	vor.u32 v5, v7;
	v6 =	vshrl.u32 v11, $0xB  }
0xe5: {  	v10 =	vld [tilespmem:s25+$0xFFFFFF10];
	v1 =	vor.u32 v1, v3;
	v8 =	vor.u32 v8, v9;
	v6 =	vcvt.s32.f32 v6  }
0xe6: {  	v2 =	vor.u32 v2, v5;
	v5 =	vld [tilespmem:s25+$0x10];
	v4 =	vor.u32 v4, v8;
	v7 =	vshrl.u32 v11, $0x6  }
0xe7: {  	v3 =	vcvt.s32.f32 v7;
	v7 =	vld [tilespmem:s25+$0xFFFFFF90];
	v6 =	vmul.f32 $4.761904850e-02, v6;
	_ =	sdelay $0x1  }
0xe8: {  	v3 =	vmul.f32 $3.333333430e-01, v3;
	v6 =	vtrunc.f32 v6  }
0xe9: {  	[tilespmem:v1+s17+$0x0] =	vst.idx.add.f32.msk $0xffff, v10;
	v6 =	vcvt.f32.s32 v6  }
0xea: {  	[tilespmem:v4+s17+$0x0] =	vst.idx.add.f32.msk $0xffff, v5;
	v3 =	vtrunc.f32 v3  }
0xeb: {  	v1 =	vcvt.f32.s32 v3;
	[tilespmem:v2+s17+$0x0] =	vst.idx.add.f32.msk $0xffff, v7;
	v3 =	vmul.u32 $0xFFFFFF20, v6  }
0xec: {  	v7 =	vld [tilespmem:s30+$0x20]  }
0xed: {  	v5 =	vld [tilespmem:s30+$0xFFFFFFA0];
	v1 =	vadd.s32 v1, v3  }
0xee: {  	v2 =	vld [tilespmem:s30+$0xFFFFFF20];
	v3 =	vshll.u32 v6, $0x8;
	v4 =	vshll.u32 v1, $0x3  }
0xef: {  	v6 =	vshll.u32 v6, $0x7;
	v3 =	vand.u32 $0xFFFFF800, v3;
	v4 =	vand.u32 $0xFFFFFC00, v4  }
0xf0: {  	v3 =	vadd.s32 v3, v4;
	v4 =	vand.u32 $0x380, v6  }
0xf1: {  	v1 =	vand.u32 $0x7F, v1;
	v8 =	vshrl.u32 v7, $0xB;
	v3 =	vor.u32 v4, v3  }
0xf2: {  	v8 =	vcvt.s32.f32 v8;
	v6 =	vshrl.u32 v5, $0xB;
	v4 =	vld [tilespmem:s25+$0xB0];
	v1 =	vor.u32 v1, v3  }
0xf3: {  	v5 =	vshrl.u32 v5, $0x6;
	v6 =	vcvt.s32.f32 v6;
	v3 =	vshrl.u32 v2, $0xB  }
0xf4: {  	v5 =	vcvt.s32.f32 v5;
	v2 =	vshrl.u32 v2, $0x6;
	v3 =	vcvt.s32.f32 v3  }
0xf5: {  	v6 =	vmul.f32 $4.761904850e-02, v6;
	v2 =	vcvt.s32.f32 v2  }
0xf6: {  	v5 =	vmul.f32 $3.333333430e-01, v5;
	v3 =	vmul.f32 $4.761904850e-02, v3  }
0xf7: {  	v6 =	vtrunc.f32 v6;
	v2 =	vmul.f32 $3.333333430e-01, v2;
	[tilespmem:v1+s17+$0x0] =	vst.idx.add.f32.msk $0xffff, v4  }
0xf8: {  	v5 =	vtrunc.f32 v5;
	v6 =	vcvt.f32.s32 v6;
	v1 =	vshrl.u32 v7, $0x6;
	v7 =	vld [tilespmem:s30+$0xC0]  }
0xf9: {  	v5 =	vcvt.f32.s32 v5;
	v4 =	vmul.f32 $4.761904850e-02, v8  }
0xfa: {  	v3 =	vtrunc.f32 v3;
	v2 =	vtrunc.f32 v2  }
0xfb: {  	v1 =	vcvt.s32.f32 v1;
	v3 =	vcvt.f32.s32 v3  }
0xfc: {  	v2 =	vcvt.f32.s32 v2;
	v10 =	vmul.u32 $0xFFFFFF20, v6;
	v4 =	vtrunc.f32 v4  }
0xfd: {  	v1 =	vmul.f32 $3.333333430e-01, v1;
	v4 =	vcvt.f32.s32 v4;
	v8 =	vshrl.u32 v7, $0xB  }
0xfe: {  	v9 =	vmul.u32 $0xFFFFFF20, v3;
	v12 =	vshll.u32 v3, $0x8;
	v8 =	vcvt.s32.f32 v8  }
0xff: {  	v5 =	vadd.s32 v5, v10;
	v1 =	vtrunc.f32 v1;
	v7 =	vshrl.u32 v7, $0x6  }
0x100: {  	v3 =	vshll.u32 v3, $0x7;
	v7 =	vcvt.s32.f32 v7;
	v8 =	vmul.f32 $4.761904850e-02, v8  }
0x101: {  	v12 =	vand.u32 $0xFFFFF800, v12;
	v11 =	vmul.u32 $0xFFFFFF20, v4;
	v1 =	vcvt.f32.s32 v1  }
0x102: {  	v2 =	vadd.s32 v2, v9;
	v7 =	vmul.f32 $3.333333430e-01, v7;
	v8 =	vtrunc.f32 v8  }
0x103: {  	v3 =	vand.u32 $0x380, v3;
	v13 =	vshll.u32 v2, $0x3;
	v8 =	vcvt.f32.s32 v8  }
0x104: {  	v2 =	vand.u32 $0x7F, v2;
	v1 =	vadd.s32 v1, v11;
	v7 =	vtrunc.f32 v7  }
0x105: {  	v14 =	vshll.u32 v1, $0x3;
	v7 =	vcvt.f32.s32 v7;
	v9 =	vmul.u32 $0xFFFFFF20, v8  }
0x106: {  	v14 =	vand.u32 $0xFFFFFC00, v14;
	v10 =	vshll.u32 v8, $0x8;
	v8 =	vshll.u32 v8, $0x7  }
0x107: {  	v10 =	vand.u32 $0xFFFFF800, v10;
	v8 =	vand.u32 $0x380, v8;
	v7 =	vadd.s32 v7, v9  }
0x108: {  	v9 =	vshll.u32 v5, $0x3;
	v5 =	vand.u32 $0x7F, v5;
	v11 =	vshll.u32 v7, $0x3  }
0x109: {  	v7 =	vand.u32 $0x7F, v7;
	v9 =	vand.u32 $0xFFFFFC00, v9;
	v11 =	vand.u32 $0xFFFFFC00, v11  }
0x10a: {  	v10 =	vadd.s32 v10, v11;
	v11 =	vshll.u32 v6, $0x8;
	v6 =	vshll.u32 v6, $0x7  }
0x10b: {  	v8 =	vor.u32 v8, v10;
	v10 =	vand.u32 $0xFFFFFC00, v13;
	v11 =	vand.u32 $0xFFFFF800, v11  }
0x10c: {  	v13 =	vld [tilespmem:s25+$0xC0];
	v6 =	vand.u32 $0x380, v6;
	v7 =	vor.u32 v7, v8;
	v10 =	vadd.s32 v12, v10  }
0x10d: {  	v8 =	vshll.u32 v4, $0x8;
	v9 =	vadd.s32 v11, v9;
	v3 =	vor.u32 v3, v10  }
0x10e: {  	v15 =	vld [tilespmem:s25+$0xFFFFFF20];
	v4 =	vshll.u32 v4, $0x7;
	v2 =	vor.u32 v2, v3;
	v3 =	vand.u32 $0xFFFFF800, v8  }
0x10f: {  	v11 =	vld [tilespmem:s25+$0xFFFFFFA0];
	v6 =	vor.u32 v6, v9;
	v4 =	vand.u32 $0x380, v4;
	v3 =	vadd.s32 v3, v14  }
0x110: {  	v1 =	vand.u32 $0x7F, v1;
	v5 =	vor.u32 v5, v6;
	v3 =	vor.u32 v4, v3;
	v4 =	vld [tilespmem:s25+$0x20]  }
0x111: {  	[tilespmem:v7+s17+$0x0] =	vst.idx.add.f32.msk $0xffff, v13;
	v1 =	vor.u32 v1, v3  }
0x112: {  	v6 =	vld [tilespmem:s30+$0xD0]  }
0x113: {  	[tilespmem:v2+s17+$0x0] =	vst.idx.add.f32.msk $0xffff, v15  }
0x114: {  	v3 =	vld [tilespmem:s30+$0xFFFFFF30]  }
0x115: {  	[tilespmem:v5+s17+$0x0] =	vst.idx.add.f32.msk $0xffff, v11  }
0x116: {  	[tilespmem:v1+s17+$0x0] =	vst.idx.add.f32.msk $0xffff, v4  }
0x117: {  	v2 =	vshrl.u32 v6, $0xB;
	v5 =	vshrl.u32 v6, $0x6;
	v6 =	vld [tilespmem:s30+$0xFFFFFFB0]  }
0x118: {  	v4 =	vld [tilespmem:s30+$0x30];
	v2 =	vcvt.s32.f32 v2;
	v1 =	vcvt.s32.f32 v5  }
0x119: {  	v5 =	vshrl.u32 v3, $0x6  }
0x11a: {  	v3 =	vshrl.u32 v3, $0xB;
	v2 =	vmul.f32 $4.761904850e-02, v2;
	v1 =	vmul.f32 $3.333333430e-01, v1  }
0x11b: {  	v3 =	vcvt.s32.f32 v3;
	v5 =	vcvt.s32.f32 v5  }
0x11c: {  	v2 =	vtrunc.f32 v2;
	v1 =	vtrunc.f32 v1;
	v7 =	vshrl.u32 v6, $0xB  }
0x11d: {  	v9 =	vshrl.u32 v4, $0xB;
	v3 =	vmul.f32 $4.761904850e-02, v3;
	v5 =	vmul.f32 $3.333333430e-01, v5  }
0x11e: {  	v6 =	vshrl.u32 v6, $0x6;
	v2 =	vcvt.f32.s32 v2;
	v1 =	vcvt.f32.s32 v1  }
0x11f: {  	v4 =	vshrl.u32 v4, $0x6;
	v7 =	vcvt.s32.f32 v7;
	v9 =	vcvt.s32.f32 v9  }
0x120: {  	v6 =	vcvt.s32.f32 v6;
	v4 =	vcvt.s32.f32 v4  }
0x121: {  	v3 =	vtrunc.f32 v3;
	v5 =	vtrunc.f32 v5  }
0x122: {  	v8 =	vmul.u32 $0xFFFFFF20, v2;
	v7 =	vmul.f32 $4.761904850e-02, v7;
	v9 =	vmul.f32 $4.761904850e-02, v9  }
0x123: {  	v6 =	vmul.f32 $3.333333430e-01, v6;
	v4 =	vmul.f32 $3.333333430e-01, v4  }
0x124: {  	v3 =	vcvt.f32.s32 v3;
	v5 =	vcvt.f32.s32 v5;
	v1 =	vadd.s32 v1, v8  }
0x125: {  	v8 =	vshll.u32 v2, $0x8;
	v7 =	vtrunc.f32 v7;
	v9 =	vtrunc.f32 v9  }
0x126: {  	v2 =	vshll.u32 v2, $0x7;
	v6 =	vtrunc.f32 v6;
	v4 =	vtrunc.f32 v4  }
0x127: {  	v11 =	vshll.u32 v3, $0x8;
	v10 =	vshll.u32 v1, $0x3;
	v8 =	vand.u32 $0xFFFFF800, v8  }
0x128: {  	v2 =	vand.u32 $0x380, v2;
	v1 =	vand.u32 $0x7F, v1;
	v10 =	vand.u32 $0xFFFFFC00, v10  }
0x129: {  	v7 =	vcvt.f32.s32 v7;
	v6 =	vcvt.f32.s32 v6;
	v8 =	vadd.s32 v8, v10  }
0x12a: {  	v4 =	vcvt.f32.s32 v4;
	v11 =	vand.u32 $0xFFFFF800, v11;
	v2 =	vor.u32 v2, v8  }
0x12b: {  	v8 =	vmul.u32 $0xFFFFFF20, v3;
	v3 =	vshll.u32 v3, $0x7;
	v1 =	vor.u32 v1, v2  }
0x12c: {  	v14 =	vld [tilespmem:s25+$0xD0];
	v2 =	vcvt.f32.s32 v9;
	v9 =	vmul.u32 $0xFFFFFF20, v7;
	v3 =	vand.u32 $0x380, v3  }
0x12d: {  	v5 =	vadd.s32 v5, v8;
	v8 =	vshll.u32 v7, $0x8;
	v7 =	vshll.u32 v7, $0x7  }
0x12e: {  	v10 =	vmul.u32 $0xFFFFFF20, v2;
	v12 =	vshll.u32 v2, $0x8;
	v6 =	vadd.s32 v6, v9  }
0x12f: {  	v9 =	vshll.u32 v5, $0x3;
	v8 =	vand.u32 $0xFFFFF800, v8;
	v2 =	vshll.u32 v2, $0x7  }
0x130: {  	v9 =	vand.u32 $0xFFFFFC00, v9;
	v4 =	vadd.s32 v4, v10;
	v10 =	vshll.u32 v6, $0x3  }
0x131: {  	v5 =	vand.u32 $0x7F, v5;
	v9 =	vadd.s32 v11, v9;
	v10 =	vand.u32 $0xFFFFFC00, v10;
	[tilespmem:v1+s17+$0x0] =	vst.idx.add.f32.msk $0xffff, v14  }
0x132: {  	v13 =	vshll.u32 v4, $0x3;
	v3 =	vor.u32 v3, v9;
	v8 =	vadd.s32 v8, v10;
	v10 =	vld [tilespmem:s25+$0xFFFFFF30]  }
0x133: {  	s28 =	simm.s32 $0x7300;
	v12 =	vand.u32 $0xFFFFF800, v12;
	v13 =	vand.u32 $0xFFFFFC00, v13;
	v3 =	vor.u32 v5, v3;
	v5 =	vld [tilespmem:s30+$0xE0]  }
0x134: {  	v7 =	vand.u32 $0x380, v7;
	v2 =	vand.u32 $0x380, v2;
	v11 =	vadd.s32 v12, v13;
	v13 =	vld [tilespmem:s28+$0xFFFFFF00]  }
0x135: {  	v6 =	vand.u32 $0x7F, v6;
	v7 =	vor.u32 v7, v8;
	v1 =	vor.u32 v2, v11;
	v11 =	vld [tilespmem:s28+$0xFFFFFF80]  }
0x136: {  	v12 =	vld [tilespmem:s25+$0xFFFFFFB0];
	v2 =	vand.u32 $0x7F, v4;
	v4 =	vor.u32 v6, v7  }
0x137: {  	v9 =	vld [tilespmem:s25+$0x30];
	v1 =	vor.u32 v2, v1;
	_ =	sdelay $0x1  }
0x138: {  	[tilespmem:v3+s17+$0x0] =	vst.idx.add.f32.msk $0xffff, v10;
	v2 =	vshrl.u32 v5, $0xB  }
0x139: {  	v3 =	vld [tilespmem:s30+$0xFFFFFF40];
	v16 =	vshrl.u32 v13, $0xB;
	v13 =	vshrl.u32 v13, $0x6;
	v14 =	vshrl.u32 v11, $0xB  }
0x13a: {  	[tilespmem:v4+s17+$0x0] =	vst.idx.add.f32.msk $0xffff, v12;
	v11 =	vshrl.u32 v11, $0x6;
	v16 =	vcvt.s32.f32 v16;
	v13 =	vcvt.s32.f32 v13  }
0x13b: {  	[tilespmem:v1+s17+$0x0] =	vst.idx.add.f32.msk $0xffff, v9;
	v1 =	vcvt.s32.f32 v2;
	v2 =	vshrl.u32 v5, $0x6;
	v11 =	vcvt.s32.f32 v11  }
0x13c: {  	v2 =	vcvt.s32.f32 v2;
	v5 =	vld [tilespmem:s30+$0x40];
	v16 =	vmul.f32 $4.761904850e-02, v16  }
0x13d: {  	v4 =	vld [tilespmem:s30+$0xFFFFFFC0];
	v1 =	vmul.f32 $4.761904850e-02, v1;
	v11 =	vmul.f32 $3.333333430e-01, v11  }
0x13e: {  	v2 =	vmul.f32 $3.333333430e-01, v2;
	v6 =	vshrl.u32 v3, $0xB;
	v16 =	vtrunc.f32 v16  }
0x13f: {  	v3 =	vshrl.u32 v3, $0x6;
	v1 =	vtrunc.f32 v1;
	v6 =	vcvt.s32.f32 v6  }
0x140: {  	v3 =	vcvt.s32.f32 v3;
	v16 =	vcvt.f32.s32 v16  }
0x141: {  	v11 =	vtrunc.f32 v11;
	v1 =	vcvt.f32.s32 v1;
	v8 =	vshrl.u32 v5, $0xB  }
0x142: {  	v9 =	vld [tilespmem:s28+$0x80];
	v2 =	vtrunc.f32 v2;
	v7 =	vshrl.u32 v4, $0xB;
	v8 =	vcvt.s32.f32 v8  }
0x143: {  	v4 =	vshrl.u32 v4, $0x6;
	v11 =	vcvt.f32.s32 v11;
	v7 =	vcvt.s32.f32 v7  }
0x144: {  	v6 =	vmul.f32 $4.761904850e-02, v6;
	v5 =	vshrl.u32 v5, $0x6;
	v8 =	vmul.f32 $4.761904850e-02, v8  }
0x145: {  	v4 =	vcvt.s32.f32 v4;
	v5 =	vcvt.s32.f32 v5  }
0x146: {  	v3 =	vmul.f32 $3.333333430e-01, v3;
	v8 =	vtrunc.f32 v8  }
0x147: {  	v12 =	vmul.f32 $3.333333430e-01, v5;
	v5 =	vcvt.f32.s32 v8;
	v8 =	vshrl.u32 v9, $0xB  }
0x148: {  	v7 =	vmul.f32 $4.761904850e-02, v7;
	v8 =	vcvt.s32.f32 v8  }
0x149: {  	v6 =	vtrunc.f32 v6;
	v10 =	vmul.f32 $3.333333430e-01, v4;
	v9 =	vshrl.u32 v9, $0x6  }
0x14a: {  	v9 =	vcvt.s32.f32 v9;
	v8 =	vmul.f32 $4.761904850e-02, v8  }
0x14b: {  	v4 =	vcvt.f32.s32 v6;
	v7 =	vtrunc.f32 v7  }
0x14c: {  	v9 =	vmul.f32 $3.333333430e-01, v9;
	v8 =	vtrunc.f32 v8  }
0x14d: {  	v6 =	vcvt.f32.s32 v7;
	v7 =	vld [tilespmem:s28+$0x0];
	v8 =	vcvt.f32.s32 v8  }
0x14e: {  	v2 =	vcvt.f32.s32 v2;
	v21 =	vmul.u32 $0xFFFFFF20, v16;
	v9 =	vtrunc.f32 v9  }
0x14f: {  	v3 =	vtrunc.f32 v3;
	v9 =	vcvt.f32.s32 v9;
	v17 =	vmul.u32 $0xFFFFFF20, v8  }
0x150: {  	v22 =	vshll.u32 v16, $0x8;
	v15 =	vcvt.f32.s32 v3;
	v3 =	vcvt.s32.f32 v14  }
0x151: {  	v10 =	vtrunc.f32 v10;
	v12 =	vtrunc.f32 v12;
	v9 =	vadd.s32 v9, v17  }
0x152: {  	v14 =	vshrl.u32 v7, $0xB;
	v17 =	vshll.u32 v8, $0x8;
	v18 =	vshll.u32 v9, $0x3  }
0x153: {  	v8 =	vshll.u32 v8, $0x7;
	v17 =	vand.u32 $0xFFFFF800, v17;
	v18 =	vand.u32 $0xFFFFFC00, v18  }
0x154: {  	v7 =	vshrl.u32 v7, $0x6;
	v8 =	vand.u32 $0x380, v8;
	v17 =	vadd.s32 v17, v18  }
0x155: {  	s29 =	simm.s32 $0x300;
	v14 =	vcvt.s32.f32 v14;
	v9 =	vand.u32 $0x7F, v9;
	v8 =	vor.u32 v8, v17  }
0x156: {  	v3 =	vmul.f32 $4.761904850e-02, v3;
	v7 =	vcvt.s32.f32 v7;
	v18 =	vld [tilespmem:s29+$0x80];
	v8 =	vor.u32 v9, v8  }
0x157: {  	v16 =	vshll.u32 v16, $0x7;
	v10 =	vcvt.f32.s32 v10;
	v14 =	vmul.f32 $4.761904850e-02, v14  }
0x158: {  	v22 =	vand.u32 $0xFFFFF800, v22;
	v12 =	vcvt.f32.s32 v12;
	v7 =	vmul.f32 $3.333333430e-01, v7  }
0x159: {  	v16 =	vand.u32 $0x380, v16;
	v14 =	vtrunc.f32 v14;
	v9 =	vmul.f32 $3.333333430e-01, v13  }
0x15a: {  	v19 =	vmul.u32 $0xFFFFFF20, v6;
	v14 =	vcvt.f32.s32 v14;
	v17 =	vtrunc.f32 v3  }
0x15b: {  	v20 =	vmul.u32 $0xFFFFFF20, v5;
	v17 =	vcvt.f32.s32 v17;
	v9 =	vtrunc.f32 v9;
	[tilespmem:v8+s17+$0x0] =	vst.idx.add.f32.msk $0xffff, v18  }
0x15c: {  	v7 =	vtrunc.f32 v7;
	v24 =	vshll.u32 v14, $0x8;
	v9 =	vcvt.f32.s32 v9;
	v23 =	vld [tilespmem:s28+$0x90]  }
0x15d: {  	v7 =	vcvt.f32.s32 v7;
	v24 =	vand.u32 $0xFFFFF800, v24;
	v8 =	vmul.u32 $0xFFFFFF20, v17  }
0x15e: {  	v18 =	vmul.u32 $0xFFFFFF20, v14;
	v9 =	vadd.s32 v9, v21;
	v21 =	vshll.u32 v17, $0x8  }
0x15f: {  	v17 =	vshll.u32 v17, $0x7;
	v14 =	vshll.u32 v14, $0x7;
	v25 =	vshll.u32 v9, $0x3  }
0x160: {  	v21 =	vand.u32 $0xFFFFF800, v21;
	v17 =	vand.u32 $0x380, v17;
	v14 =	vand.u32 $0x380, v14  }
0x161: {  	v9 =	vand.u32 $0x7F, v9;
	v8 =	vadd.s32 v11, v8;
	v26 =	vshrl.u32 v23, $0xB  }
0x162: {  	v7 =	vadd.s32 v7, v18;
	v11 =	vand.u32 $0xFFFFFC00, v25;
	v26 =	vcvt.s32.f32 v26  }
0x163: {  	v18 =	vshll.u32 v8, $0x3;
	v25 =	vshll.u32 v7, $0x3;
	v23 =	vshrl.u32 v23, $0x6  }
0x164: {  	v11 =	vadd.s32 v22, v11;
	v23 =	vcvt.s32.f32 v23;
	v26 =	vmul.f32 $4.761904850e-02, v26  }
0x165: {  	v7 =	vand.u32 $0x7F, v7;
	v18 =	vand.u32 $0xFFFFFC00, v18;
	v25 =	vand.u32 $0xFFFFFC00, v25  }
0x166: {  	v11 =	vor.u32 v16, v11;
	v22 =	vmul.f32 $3.333333430e-01, v23;
	v23 =	vtrunc.f32 v26  }
0x167: {  	v18 =	vadd.s32 v21, v18;
	v21 =	vadd.s32 v24, v25;
	v16 =	vcvt.f32.s32 v23  }
0x168: {  	v17 =	vor.u32 v17, v18;
	v14 =	vor.u32 v14, v21;
	v18 =	vtrunc.f32 v22  }
0x169: {  	v21 =	vld [tilespmem:s29+$0x0];
	v7 =	vor.u32 v7, v14;
	v18 =	vcvt.f32.s32 v18;
	v22 =	vmul.u32 $0xFFFFFF20, v16  }
0x16a: {  	v10 =	vadd.s32 v10, v19;
	v3 =	vmul.u32 $0xFFFFFF20, v1;
	v9 =	vor.u32 v9, v11;
	v23 =	vld [tilespmem:s29+$0xFFFFFF00]  }
0x16b: {  	v13 =	vmul.u32 $0xFFFFFF20, v4;
	v8 =	vand.u32 $0x7F, v8;
	v11 =	vadd.s32 v18, v22  }
0x16c: {  	v8 =	vor.u32 v8, v17;
	v17 =	vld [tilespmem:s29+$0xFFFFFF80];
	v14 =	vshll.u32 v16, $0x8;
	v18 =	vshll.u32 v11, $0x3  }
0x16d: {  	v16 =	vshll.u32 v16, $0x7;
	v14 =	vand.u32 $0xFFFFF800, v14;
	v18 =	vand.u32 $0xFFFFFC00, v18  }
0x16e: {  	v13 =	vadd.s32 v15, v13;
	[tilespmem:v7+s17+$0x0] =	vst.idx.add.f32.msk $0xffff, v21;
	v16 =	vand.u32 $0x380, v16;
	v14 =	vadd.s32 v14, v18  }
0x16f: {  	v15 =	vshll.u32 v13, $0x3;
	[tilespmem:v9+s17+$0x0] =	vst.idx.add.f32.msk $0xffff, v23;
	v9 =	vand.u32 $0x7F, v11;
	v11 =	vor.u32 v16, v14  }
0x170: {  	v7 =	vadd.s32 v12, v20;
	v22 =	vshll.u32 v4, $0x8;
	v16 =	vld [tilespmem:s29+$0x90];
	v9 =	vor.u32 v9, v11  }
0x171: {  	[tilespmem:v8+s17+$0x0] =	vst.idx.add.f32.msk $0xffff, v17;
	v12 =	vand.u32 $0xFFFFFC00, v15;
	v4 =	vshll.u32 v4, $0x7;
	v8 =	vand.u32 $0xFFFFF800, v22  }
0x172: {  	v17 =	vshll.u32 v10, $0x3;
	v19 =	vld [tilespmem:s28+$0xFFFFFF90];
	v4 =	vand.u32 $0x380, v4;
	v8 =	vadd.s32 v8, v12  }
0x173: {  	v15 =	vand.u32 $0xFFFFFC00, v17;
	v17 =	vld [tilespmem:s28+$0xFFFFFF10];
	v18 =	vshll.u32 v7, $0x3;
	v4 =	vor.u32 v4, v8  }
0x174: {  	v8 =	vand.u32 $0x7F, v13;
	v7 =	vand.u32 $0x7F, v7;
	v14 =	vshll.u32 v6, $0x8  }
0x175: {  	v18 =	vand.u32 $0xFFFFFC00, v18;
	v6 =	vshll.u32 v6, $0x7;
	v11 =	vshll.u32 v5, $0x8;
	[tilespmem:v9+s17+$0x0] =	vst.idx.add.f32.msk $0xffff, v16  }
0x176: {  	v14 =	vand.u32 $0xFFFFF800, v14;
	v5 =	vshll.u32 v5, $0x7;
	v11 =	vand.u32 $0xFFFFF800, v11;
	v12 =	vld [tilespmem:s28+$0xA0]  }
0x177: {  	v6 =	vand.u32 $0x380, v6;
	v5 =	vand.u32 $0x380, v5;
	v11 =	vadd.s32 v11, v18  }
0x178: {  	v13 =	vshrl.u32 v17, $0x6;
	v5 =	vor.u32 v5, v11;
	v11 =	vshrl.u32 v19, $0xB  }
0x179: {  	v13 =	vcvt.s32.f32 v13;
	v11 =	vcvt.s32.f32 v11;
	v9 =	vadd.s32 v14, v15  }
0x17a: {  	v6 =	vor.u32 v6, v9;
	v9 =	vshrl.u32 v17, $0xB;
	v17 =	vshrl.u32 v19, $0x6  }
0x17b: {  	v11 =	vmul.f32 $4.761904850e-02, v11;
	v9 =	vcvt.s32.f32 v9;
	v15 =	vshrl.u32 v12, $0xB  }
0x17c: {  	v5 =	vor.u32 v7, v5;
	v14 =	vld [tilespmem:s28+$0x10];
	v17 =	vcvt.s32.f32 v17;
	v15 =	vcvt.s32.f32 v15  }
0x17d: {  	v7 =	vtrunc.f32 v11;
	v11 =	vmul.f32 $3.333333430e-01, v13;
	v12 =	vshrl.u32 v12, $0x6  }
0x17e: {  	v10 =	vand.u32 $0x7F, v10;
	v12 =	vcvt.s32.f32 v12;
	v15 =	vmul.f32 $4.761904850e-02, v15  }
0x17f: {  	v4 =	vor.u32 v8, v4;
	v9 =	vmul.f32 $4.761904850e-02, v9;
	v7 =	vcvt.f32.s32 v7  }
0x180: {  	v6 =	vor.u32 v10, v6;
	v8 =	vmul.f32 $3.333333430e-01, v12;
	v12 =	vtrunc.f32 v15  }
0x181: {  	v16 =	vshrl.u32 v14, $0xB;
	v11 =	vtrunc.f32 v11;
	v12 =	vcvt.f32.s32 v12  }
0x182: {  	v14 =	vshrl.u32 v14, $0x6;
	v16 =	vcvt.s32.f32 v16;
	v8 =	vtrunc.f32 v8  }
0x183: {  	v10 =	vcvt.s32.f32 v14;
	v8 =	vcvt.f32.s32 v8;
	v14 =	vmul.u32 $0xFFFFFF20, v12  }
0x184: {  	v2 =	vadd.s32 v2, v3;
	v9 =	vtrunc.f32 v9;
	v11 =	vcvt.f32.s32 v11  }
0x185: {  	v9 =	vcvt.f32.s32 v9;
	v10 =	vmul.f32 $3.333333430e-01, v10;
	v8 =	vadd.s32 v8, v14  }
0x186: {  	v15 =	vmul.f32 $4.761904850e-02, v16;
	v14 =	vshll.u32 v12, $0x8;
	v16 =	vshll.u32 v8, $0x3  }
0x187: {  	v12 =	vshll.u32 v12, $0x7;
	v14 =	vand.u32 $0xFFFFF800, v14;
	v16 =	vand.u32 $0xFFFFFC00, v16  }
0x188: {  	v13 =	vtrunc.f32 v15;
	v12 =	vand.u32 $0x380, v12;
	v14 =	vadd.s32 v14, v16  }
0x189: {  	v18 =	vld [tilespmem:s25+$0xFFFFFF40];
	v13 =	vcvt.f32.s32 v13;
	v8 =	vand.u32 $0x7F, v8;
	v12 =	vor.u32 v12, v14  }
0x18a: {  	v10 =	vtrunc.f32 v10;
	v15 =	vmul.f32 $3.333333430e-01, v17;
	v14 =	vld [tilespmem:s29+$0xA0];
	v8 =	vor.u32 v8, v12  }
0x18b: {  	v19 =	vshll.u32 v9, $0x8;
	v10 =	vcvt.f32.s32 v10;
	v17 =	vmul.u32 $0xFFFFFF20, v13  }
0x18c: {  	v21 =	vshll.u32 v13, $0x8;
	v12 =	vtrunc.f32 v15;
	v15 =	vmul.u32 $0xFFFFFF20, v9  }
0x18d: {  	v20 =	vld [tilespmem:s25+$0xFFFFFFC0];
	v19 =	vand.u32 $0xFFFFF800, v19;
	v13 =	vshll.u32 v13, $0x7;
	v21 =	vand.u32 $0xFFFFF800, v21  }
0x18e: {  	[tilespmem:v4+s17+$0x0] =	vst.idx.add.f32.msk $0xffff, v18;
	v10 =	vadd.s32 v10, v17;
	v16 =	vmul.u32 $0xFFFFFF20, v7;
	v11 =	vadd.s32 v11, v15  }
0x18f: {  	v9 =	vshll.u32 v9, $0x7;
	v12 =	vcvt.f32.s32 v12;
	v22 =	vshll.u32 v11, $0x3;
	[tilespmem:v8+s17+$0x0] =	vst.idx.add.f32.msk $0xffff, v14  }
0x190: {  	v4 =	vand.u32 $0x380, v9;
	v15 =	vshll.u32 v7, $0x8;
	v8 =	vand.u32 $0xFFFFFC00, v22;
	v22 =	vld [tilespmem:s25+$0x40]  }
0x191: {  	v7 =	vshll.u32 v7, $0x7;
	v12 =	vadd.s32 v12, v16;
	v16 =	vshll.u32 v10, $0x3;
	v17 =	vld [tilespmem:s28+$0xB0]  }
0x192: {  	[tilespmem:v6+s17+$0x0] =	vst.idx.add.f32.msk $0xffff, v20;
	v15 =	vand.u32 $0xFFFFF800, v15;
	v6 =	vand.u32 $0x380, v7;
	v14 =	vshll.u32 v12, $0x3  }
0x193: {  	v10 =	vand.u32 $0x7F, v10;
	v14 =	vand.u32 $0xFFFFFC00, v14;
	v8 =	vadd.s32 v19, v8  }
0x194: {  	v9 =	vadd.s32 v15, v14;
	v4 =	vor.u32 v4, v8;
	v8 =	vand.u32 $0x7F, v11;
	v11 =	vld [tilespmem:s30+$0xFFFFFF50]  }
0x195: {  	v24 =	vld [tilespmem:s29+$0xFFFFFF90];
	v16 =	vand.u32 $0xFFFFFC00, v16;
	v6 =	vor.u32 v6, v9;
	v9 =	vand.u32 $0x7F, v12  }
0x196: {  	v14 =	vadd.s32 v21, v16;
	v6 =	vor.u32 v9, v6;
	[tilespmem:v5+s17+$0x0] =	vst.idx.add.f32.msk $0xffff, v22;
	v7 =	vshrl.u32 v17, $0xB  }
0x197: {  	v5 =	vand.u32 $0x380, v13;
	v13 =	vld [tilespmem:s30+$0xFFFFFFD0];
	v12 =	vshrl.u32 v17, $0x6;
	v7 =	vcvt.s32.f32 v7  }
0x198: {  	v23 =	vld [tilespmem:s29+$0xFFFFFF10];
	v4 =	vor.u32 v8, v4;
	v5 =	vor.u32 v5, v14;
	v8 =	vcvt.s32.f32 v12  }
0x199: {  	v9 =	vld [tilespmem:s29+$0x10];
	v5 =	vor.u32 v10, v5;
	v14 =	vshrl.u32 v11, $0xB;
	v7 =	vmul.f32 $4.761904850e-02, v7  }
0x19a: {  	v3 =	vshll.u32 v1, $0x8;
	v1 =	vshll.u32 v1, $0x7;
	v12 =	vld [tilespmem:s30+$0x50];
	v14 =	vcvt.s32.f32 v14  }
0x19b: {  	v3 =	vand.u32 $0xFFFFF800, v3;
	v8 =	vmul.f32 $3.333333430e-01, v8;
	v7 =	vtrunc.f32 v7  }
0x19c: {  	[tilespmem:v6+s17+$0x0] =	vst.idx.add.f32.msk $0xffff, v24;
	v6 =	vshrl.u32 v11, $0x6;
	v15 =	vshrl.u32 v13, $0xB;
	v7 =	vcvt.f32.s32 v7  }
0x19d: {  	[tilespmem:v4+s17+$0x0] =	vst.idx.add.f32.msk $0xffff, v23;
	v11 =	vshrl.u32 v13, $0x6;
	v6 =	vcvt.s32.f32 v6;
	v8 =	vtrunc.f32 v8  }
0x19e: {  	v11 =	vcvt.s32.f32 v11;
	v4 =	vcvt.f32.s32 v8;
	[tilespmem:v5+s17+$0x0] =	vst.idx.add.f32.msk $0xffff, v9;
	v8 =	vmul.u32 $0xFFFFFF20, v7  }
0x19f: {  	v16 =	vshrl.u32 v12, $0xB;
	v5 =	vcvt.s32.f32 v15;
	v6 =	vmul.f32 $3.333333430e-01, v6;
	v17 =	vld [tilespmem:s28+$0x20]  }
0x1a0: {  	v16 =	vcvt.s32.f32 v16;
	v9 =	vshll.u32 v7, $0x8;
	v4 =	vadd.s32 v4, v8  }
0x1a1: {  	v15 =	vld [tilespmem:s28+$0xFFFFFFA0];
	v7 =	vshll.u32 v7, $0x7;
	v5 =	vmul.f32 $4.761904850e-02, v5;
	v13 =	vshll.u32 v4, $0x3  }
0x1a2: {  	v9 =	vand.u32 $0xFFFFF800, v9;
	v7 =	vand.u32 $0x380, v7;
	v8 =	vld [tilespmem:s28+$0xFFFFFF20];
	v13 =	vand.u32 $0xFFFFFC00, v13  }
0x1a3: {  	v5 =	vtrunc.f32 v5;
	v4 =	vand.u32 $0x7F, v4;
	v9 =	vadd.s32 v9, v13  }
0x1a4: {  	v18 =	vshrl.u32 v17, $0xB;
	v13 =	vmul.f32 $4.761904850e-02, v14;
	v7 =	vor.u32 v7, v9  }
0x1a5: {  	v14 =	vld [tilespmem:s29+$0xB0];
	v18 =	vcvt.s32.f32 v18;
	v9 =	vmul.f32 $4.761904850e-02, v16;
	v4 =	vor.u32 v4, v7  }
0x1a6: {  	v16 =	vshrl.u32 v15, $0xB;
	v15 =	vshrl.u32 v15, $0x6;
	v7 =	vshrl.u32 v12, $0x6  }
0x1a7: {  	v12 =	vtrunc.f32 v13;
	v13 =	vshrl.u32 v8, $0xB;
	v16 =	vcvt.s32.f32 v16  }
0x1a8: {  	v8 =	vshrl.u32 v8, $0x6;
	v15 =	vcvt.s32.f32 v15;
	v13 =	vcvt.s32.f32 v13  }
0x1a9: {  	v1 =	vand.u32 $0x380, v1;
	v8 =	vcvt.s32.f32 v8;
	v16 =	vmul.f32 $4.761904850e-02, v16  }
0x1aa: {  	v10 =	vshll.u32 v2, $0x3;
	v7 =	vcvt.s32.f32 v7;
	v13 =	vmul.f32 $4.761904850e-02, v13;
	[tilespmem:v4+s17+$0x0] =	vst.idx.add.f32.msk $0xffff, v14  }
0x1ab: {  	v8 =	vmul.f32 $3.333333430e-01, v8;
	v16 =	vtrunc.f32 v16;
	v4 =	vshrl.u32 v17, $0x6;
	v17 =	vld [tilespmem:s28+$0xC0]  }
0x1ac: {  	v2 =	vand.u32 $0x7F, v2;
	v14 =	vmul.f32 $4.761904850e-02, v18;
	v13 =	vtrunc.f32 v13  }
0x1ad: {  	v10 =	vand.u32 $0xFFFFFC00, v10;
	v8 =	vtrunc.f32 v8;
	v4 =	vcvt.s32.f32 v4  }
0x1ae: {  	v3 =	vadd.s32 v3, v10;
	v13 =	vcvt.f32.s32 v13;
	v8 =	vcvt.f32.s32 v8  }
0x1af: {  	v1 =	vor.u32 v1, v3;
	v10 =	vtrunc.f32 v14;
	v14 =	vmul.f32 $3.333333430e-01, v15  }
0x1b0: {  	v15 =	vcvt.f32.s32 v16;
	v4 =	vmul.f32 $3.333333430e-01, v4;
	v16 =	vshrl.u32 v17, $0xB  }
0x1b1: {  	v10 =	vcvt.f32.s32 v10;
	v20 =	vshll.u32 v13, $0x8;
	v16 =	vcvt.s32.f32 v16  }
0x1b2: {  	v14 =	vtrunc.f32 v14;
	v4 =	vtrunc.f32 v4;
	v17 =	vshrl.u32 v17, $0x6  }
0x1b3: {  	v18 =	vmul.u32 $0xFFFFFF20, v15;
	v3 =	vcvt.s32.f32 v17;
	v16 =	vmul.f32 $4.761904850e-02, v16  }
0x1b4: {  	v20 =	vand.u32 $0xFFFFF800, v20;
	v14 =	vcvt.f32.s32 v14;
	v4 =	vcvt.f32.s32 v4  }
0x1b5: {  	v19 =	vmul.u32 $0xFFFFFF20, v10;
	v3 =	vmul.f32 $3.333333430e-01, v3;
	v16 =	vtrunc.f32 v16  }
0x1b6: {  	v17 =	vmul.u32 $0xFFFFFF20, v13;
	v14 =	vadd.s32 v14, v18;
	v16 =	vcvt.f32.s32 v16  }
0x1b7: {  	v13 =	vshll.u32 v13, $0x7;
	v4 =	vadd.s32 v4, v19;
	v3 =	vtrunc.f32 v3  }
0x1b8: {  	v8 =	vadd.s32 v8, v17;
	v3 =	vcvt.f32.s32 v3;
	v17 =	vmul.u32 $0xFFFFFF20, v16  }
0x1b9: {  	v18 =	vshll.u32 v14, $0x3;
	v13 =	vand.u32 $0x380, v13;
	v14 =	vand.u32 $0x7F, v14  }
0x1ba: {  	v19 =	vshll.u32 v4, $0x3;
	v18 =	vand.u32 $0xFFFFFC00, v18;
	v3 =	vadd.s32 v3, v17  }
0x1bb: {  	v21 =	vshll.u32 v8, $0x3;
	v22 =	vshll.u32 v16, $0x8;
	v23 =	vshll.u32 v3, $0x3  }
0x1bc: {  	v16 =	vshll.u32 v16, $0x7;
	v22 =	vand.u32 $0xFFFFF800, v22;
	v23 =	vand.u32 $0xFFFFFC00, v23  }
0x1bd: {  	v21 =	vand.u32 $0xFFFFFC00, v21;
	v16 =	vand.u32 $0x380, v16;
	v22 =	vadd.s32 v22, v23  }
0x1be: {  	v17 =	vshll.u32 v15, $0x8;
	v3 =	vand.u32 $0x7F, v3;
	v16 =	vor.u32 v16, v22  }
0x1bf: {  	v15 =	vshll.u32 v15, $0x7;
	v17 =	vand.u32 $0xFFFFF800, v17;
	v23 =	vld [tilespmem:s29+$0xC0];
	v3 =	vor.u32 v3, v16  }
0x1c0: {  	v20 =	vadd.s32 v20, v21;
	v15 =	vand.u32 $0x380, v15;
	v17 =	vadd.s32 v17, v18  }
0x1c1: {  	v8 =	vand.u32 $0x7F, v8;
	v13 =	vor.u32 v13, v20;
	v15 =	vor.u32 v15, v17  }
0x1c2: {  	v8 =	vor.u32 v8, v13;
	v18 =	vld [tilespmem:s29+$0xFFFFFFA0];
	v22 =	vshll.u32 v10, $0x8;
	v13 =	vor.u32 v14, v15  }
0x1c3: {  	v10 =	vshll.u32 v10, $0x7;
	v16 =	vand.u32 $0xFFFFFC00, v19;
	v19 =	vand.u32 $0xFFFFF800, v22;
	v22 =	vld [tilespmem:s29+$0xFFFFFF20]  }
0x1c4: {  	v7 =	vmul.f32 $3.333333430e-01, v7;
	v10 =	vand.u32 $0x380, v10;
	[tilespmem:v3+s17+$0x0] =	vst.idx.add.f32.msk $0xffff, v23;
	v3 =	vadd.s32 v19, v16  }
0x1c5: {  	v9 =	vtrunc.f32 v9;
	v4 =	vand.u32 $0x7F, v4;
	v14 =	vld [tilespmem:s28+$0xD0];
	v3 =	vor.u32 v10, v3  }
0x1c6: {  	v7 =	vtrunc.f32 v7;
	v10 =	vmul.f32 $3.333333430e-01, v11;
	v11 =	vld [tilespmem:s29+$0x20];
	v15 =	vor.u32 v4, v3  }
0x1c7: {  	v1 =	vor.u32 v2, v1;
	v2 =	vcvt.f32.s32 v9;
	v7 =	vcvt.f32.s32 v7;
	[tilespmem:v13+s17+$0x0] =	vst.idx.add.f32.msk $0xffff, v18  }
0x1c8: {  	[tilespmem:v8+s17+$0x0] =	vst.idx.add.f32.msk $0xffff, v22;
	v3 =	vcvt.f32.s32 v12;
	v4 =	vcvt.f32.s32 v5  }
0x1c9: {  	v5 =	vtrunc.f32 v6;
	v6 =	vtrunc.f32 v10;
	v10 =	vld [tilespmem:s28+$0xFFFFFF30]  }
0x1ca: {  	v5 =	vcvt.f32.s32 v5;
	v8 =	vshrl.u32 v14, $0xB;
	v13 =	vshrl.u32 v14, $0x6;
	v14 =	vld [tilespmem:s28+$0xFFFFFFB0]  }
0x1cb: {  	v9 =	vmul.u32 $0xFFFFFF20, v3;
	v8 =	vcvt.s32.f32 v8;
	[tilespmem:v15+s17+$0x0] =	vst.idx.add.f32.msk $0xffff, v11;
	v11 =	vcvt.s32.f32 v13  }
0x1cc: {  	v16 =	vmul.u32 $0xFFFFFF20, v2;
	v12 =	vmul.u32 $0xFFFFFF20, v4;
	v13 =	vcvt.f32.s32 v6  }
0x1cd: {  	v6 =	vadd.s32 v5, v9;
	v5 =	vld [tilespmem:s28+$0x30];
	v8 =	vmul.f32 $4.761904850e-02, v8;
	v11 =	vmul.f32 $3.333333430e-01, v11  }
0x1ce: {  	v12 =	vadd.s32 v13, v12;
	v13 =	vshrl.u32 v10, $0x6;
	v10 =	vshrl.u32 v10, $0xB  }
0x1cf: {  	v9 =	vshll.u32 v3, $0x8;
	v3 =	vshll.u32 v3, $0x7;
	v10 =	vcvt.s32.f32 v10  }
0x1d0: {  	v8 =	vtrunc.f32 v8;
	v11 =	vtrunc.f32 v11;
	v15 =	vshrl.u32 v14, $0xB  }
0x1d1: {  	v14 =	vshrl.u32 v14, $0x6;
	v8 =	vcvt.f32.s32 v8;
	v11 =	vcvt.f32.s32 v11  }
0x1d2: {  	v15 =	vcvt.s32.f32 v15;
	v10 =	vmul.f32 $4.761904850e-02, v10;
	v18 =	vshrl.u32 v5, $0xB  }
0x1d3: {  	v3 =	vand.u32 $0x380, v3;
	v14 =	vcvt.s32.f32 v14;
	v18 =	vcvt.s32.f32 v18  }
0x1d4: {  	v17 =	vmul.u32 $0xFFFFFF20, v8;
	v15 =	vmul.f32 $4.761904850e-02, v15;
	v10 =	vtrunc.f32 v10  }
0x1d5: {  	v19 =	vshrl.u32 v5, $0x6;
	v14 =	vmul.f32 $3.333333430e-01, v14;
	v10 =	vcvt.f32.s32 v10  }
0x1d6: {  	v11 =	vadd.s32 v11, v17;
	v17 =	vshll.u32 v8, $0x8;
	v8 =	vshll.u32 v8, $0x7  }
0x1d7: {  	v15 =	vtrunc.f32 v15;
	v14 =	vtrunc.f32 v14;
	v5 =	vshll.u32 v11, $0x3  }
0x1d8: {  	v17 =	vand.u32 $0xFFFFF800, v17;
	v8 =	vand.u32 $0x380, v8;
	v11 =	vand.u32 $0x7F, v11  }
0x1d9: {  	v15 =	vcvt.f32.s32 v15;
	v23 =	vshll.u32 v10, $0x8;
	v5 =	vand.u32 $0xFFFFFC00, v5  }
0x1da: {  	v14 =	vcvt.f32.s32 v14;
	v23 =	vand.u32 $0xFFFFF800, v23;
	v5 =	vadd.s32 v17, v5  }
0x1db: {  	v21 =	vmul.u32 $0xFFFFFF20, v15;
	v5 =	vor.u32 v8, v5;
	v8 =	vcvt.s32.f32 v13  }
0x1dc: {  	v17 =	vld [tilespmem:s29+$0xD0];
	v13 =	vmul.f32 $4.761904850e-02, v18;
	v18 =	vshll.u32 v4, $0x8;
	v11 =	vor.u32 v11, v5  }
0x1dd: {  	v4 =	vshll.u32 v4, $0x7;
	v5 =	vadd.s32 v7, v16;
	v7 =	vcvt.s32.f32 v19  }
0x1de: {  	v16 =	vshll.u32 v6, $0x3;
	v19 =	vshll.u32 v12, $0x3;
	v8 =	vmul.f32 $3.333333430e-01, v8  }
0x1df: {  	v14 =	vadd.s32 v14, v21;
	v13 =	vtrunc.f32 v13;
	v7 =	vmul.f32 $3.333333430e-01, v7  }
0x1e0: {  	v25 =	vshll.u32 v14, $0x3;
	v14 =	vand.u32 $0x7F, v14;
	v8 =	vtrunc.f32 v8  }
0x1e1: {  	v25 =	vand.u32 $0xFFFFFC00, v25;
	v7 =	vtrunc.f32 v7;
	[tilespmem:v11+s17+$0x0] =	vst.idx.add.f32.msk $0xffff, v17;
	v11 =	vcvt.f32.s32 v13  }
0x1e2: {  	v8 =	vcvt.f32.s32 v8;
	v17 =	vmul.u32 $0xFFFFFF20, v10;
	v10 =	vshll.u32 v10, $0x7  }
0x1e3: {  	v7 =	vcvt.f32.s32 v7;
	v10 =	vand.u32 $0x380, v10;
	v22 =	vmul.u32 $0xFFFFFF20, v11  }
0x1e4: {  	v13 =	vld [tilespmem:s28+$0xE0];
	v8 =	vadd.s32 v8, v17;
	v17 =	vshll.u32 v15, $0x8;
	v24 =	vshll.u32 v11, $0x8  }
0x1e5: {  	v15 =	vshll.u32 v15, $0x7;
	v11 =	vshll.u32 v11, $0x7;
	v17 =	vand.u32 $0xFFFFF800, v17  }
0x1e6: {  	v24 =	vand.u32 $0xFFFFF800, v24;
	v7 =	vadd.s32 v7, v22;
	v22 =	vshll.u32 v8, $0x3  }
0x1e7: {  	v15 =	vand.u32 $0x380, v15;
	v11 =	vand.u32 $0x380, v11;
	v22 =	vand.u32 $0xFFFFFC00, v22  }
0x1e8: {  	v17 =	vadd.s32 v17, v25;
	v8 =	vand.u32 $0x7F, v8;
	v22 =	vadd.s32 v23, v22  }
0x1e9: {  	v26 =	vshll.u32 v7, $0x3;
	v21 =	vshrl.u32 v13, $0xB;
	v10 =	vor.u32 v10, v22  }
0x1ea: {  	v15 =	vor.u32 v15, v17;
	v21 =	vcvt.s32.f32 v21;
	v22 =	vld [tilespmem:s29+$0xFFFFFF30];
	v8 =	vor.u32 v8, v10  }
0x1eb: {  	v13 =	vshrl.u32 v13, $0x6;
	v26 =	vand.u32 $0xFFFFFC00, v26;
	v14 =	vor.u32 v14, v15;
	v10 =	vld [tilespmem:s29+$0xFFFFFFB0]  }
0x1ec: {  	v13 =	vcvt.s32.f32 v13;
	v17 =	vadd.s32 v24, v26;
	v21 =	vmul.f32 $4.761904850e-02, v21  }
0x1ed: {  	v4 =	vand.u32 $0x380, v4;
	v7 =	vand.u32 $0x7F, v7;
	v23 =	vld [tilespmem:s25+$0xFFFFFF50];
	v11 =	vor.u32 v11, v17  }
0x1ee: {  	v13 =	vmul.f32 $3.333333430e-01, v13;
	v11 =	vor.u32 v7, v11;
	v15 =	vtrunc.f32 v21;
	v21 =	vld [tilespmem:s29+$0x30]  }
0x1ef: {  	v20 =	vshll.u32 v5, $0x3;
	v16 =	vand.u32 $0xFFFFFC00, v16;
	v19 =	vand.u32 $0xFFFFFC00, v19;
	[tilespmem:v8+s17+$0x0] =	vst.idx.add.f32.msk $0xffff, v22  }
0x1f0: {  	v7 =	vtrunc.f32 v13;
	v13 =	vand.u32 $0xFFFFFC00, v20;
	v8 =	vand.u32 $0xFFFFF800, v9;
	[tilespmem:v14+s17+$0x0] =	vst.idx.add.f32.msk $0xffff, v10  }
0x1f1: {  	v15 =	vcvt.f32.s32 v15;
	v9 =	vand.u32 $0xFFFFF800, v18;
	v14 =	vld [tilespmem:s28+$0xFFFFFF40];
	v8 =	vadd.s32 v8, v16  }
0x1f2: {  	v9 =	vadd.s32 v9, v19;
	v3 =	vor.u32 v3, v8;
	v8 =	vand.u32 $0x7F, v12;
	v12 =	vld [tilespmem:s25+$0xFFFFFFD0]  }
0x1f3: {  	v7 =	vcvt.f32.s32 v7;
	v20 =	vmul.u32 $0xFFFFFF20, v15;
	v4 =	vor.u32 v4, v9;
	[tilespmem:v11+s17+$0x0] =	vst.idx.add.f32.msk $0xffff, v21  }
0x1f4: {  	s24 =	simm.s32 $0x7500;
	v6 =	vand.u32 $0x7F, v6;
	v11 =	vld [tilespmem:s28+$0xFFFFFFC0];
	v4 =	vor.u32 v8, v4  }
0x1f5: {  	v17 =	vshll.u32 v2, $0x8;
	v7 =	vadd.s32 v7, v20;
	v3 =	vor.u32 v6, v3;
	v20 =	vld [tilespmem:s24+$0x80]  }
0x1f6: {  	v2 =	vshll.u32 v2, $0x7;
	v17 =	vand.u32 $0xFFFFF800, v17;
	v9 =	vshll.u32 v15, $0x8;
	v6 =	vld [tilespmem:s28+$0x40]  }
0x1f7: {  	v13 =	vadd.s32 v17, v13;
	v8 =	vand.u32 $0xFFFFF800, v9;
	v16 =	vshrl.u32 v14, $0xB  }
0x1f8: {  	v9 =	vshll.u32 v15, $0x7;
	v14 =	vshrl.u32 v14, $0x6;
	v15 =	vcvt.s32.f32 v16  }
0x1f9: {  	v16 =	vshrl.u32 v11, $0xB;
	v11 =	vshrl.u32 v11, $0x6;
	[tilespmem:v4+s17+$0x0] =	vst.idx.add.f32.msk $0xffff, v12;
	v12 =	vcvt.s32.f32 v14  }
0x1fa: {  	[tilespmem:v3+s17+$0x0] =	vst.idx.add.f32.msk $0xffff, v23;
	v14 =	vand.u32 $0x380, v2;
	v27 =	vshrl.u32 v20, $0xB;
	v3 =	vcvt.s32.f32 v16  }
0x1fb: {  	v16 =	vshrl.u32 v6, $0xB;
	v15 =	vmul.f32 $4.761904850e-02, v15;
	v11 =	vcvt.s32.f32 v11  }
0x1fc: {  	v6 =	vshrl.u32 v6, $0x6;
	v27 =	vcvt.s32.f32 v27;
	v4 =	vcvt.s32.f32 v16  }
0x1fd: {  	v13 =	vor.u32 v14, v13;
	v14 =	vcvt.s32.f32 v6;
	v19 =	vmul.f32 $3.333333430e-01, v12  }
0x1fe: {  	v16 =	vmul.f32 $4.761904850e-02, v3;
	v15 =	vtrunc.f32 v15  }
0x1ff: {  	v2 =	vld [tilespmem:s30+$0xFFFFFF60];
	v11 =	vmul.f32 $3.333333430e-01, v11;
	v27 =	vmul.f32 $4.761904850e-02, v27  }
0x200: {  	v4 =	vmul.f32 $4.761904850e-02, v4;
	v6 =	vcvt.f32.s32 v15  }
0x201: {  	v14 =	vmul.f32 $3.333333430e-01, v14;
	v15 =	vtrunc.f32 v19  }
0x202: {  	v5 =	vand.u32 $0x7F, v5;
	v17 =	vtrunc.f32 v16;
	v11 =	vtrunc.f32 v11  }
0x203: {  	v3 =	vld [tilespmem:s30+$0xFFFFFFE0];
	v16 =	vor.u32 v5, v13;
	v15 =	vcvt.f32.s32 v15;
	v18 =	vtrunc.f32 v4  }
0x204: {  	v4 =	vshrl.u32 v2, $0xB;
	v13 =	vcvt.f32.s32 v17;
	v17 =	vmul.u32 $0xFFFFFF20, v6  }
0x205: {  	v14 =	vtrunc.f32 v14;
	v22 =	vshll.u32 v6, $0x8;
	v11 =	vcvt.f32.s32 v11  }
0x206: {  	v6 =	vshll.u32 v6, $0x7;
	v2 =	vshrl.u32 v2, $0x6;
	v12 =	vcvt.f32.s32 v18  }
0x207: {  	v24 =	vcvt.f32.s32 v14;
	v6 =	vand.u32 $0x380, v6;
	v4 =	vcvt.s32.f32 v4  }
0x208: {  	v21 =	vld [tilespmem:s24+$0xFFFFFF80];
	v5 =	vshrl.u32 v3, $0xB;
	v18 =	vmul.u32 $0xFFFFFF20, v13;
	v23 =	vshll.u32 v13, $0x8  }
0x209: {  	v26 =	vld [tilespmem:s24+$0x0];
	v14 =	vadd.s32 v15, v17;
	v17 =	vand.u32 $0xFFFFF800, v22;
	v13 =	vshll.u32 v13, $0x7  }
0x20a: {  	v3 =	vshrl.u32 v3, $0x6;
	v19 =	vmul.u32 $0xFFFFFF20, v12;
	v25 =	vshll.u32 v12, $0x8  }
0x20b: {  	v23 =	vand.u32 $0xFFFFF800, v23;
	v12 =	vshll.u32 v12, $0x7;
	v13 =	vand.u32 $0x380, v13  }
0x20c: {  	v22 =	vld [tilespmem:s24+$0xFFFFFF00];
	v5 =	vcvt.s32.f32 v5;
	v15 =	vadd.s32 v11, v18;
	v11 =	vshrl.u32 v20, $0x6  }
0x20d: {  	v20 =	vshrl.u32 v21, $0xB;
	v28 =	vcvt.s32.f32 v11;
	v11 =	vadd.s32 v24, v19  }
0x20e: {  	v19 =	vcvt.s32.f32 v20;
	v24 =	vtrunc.f32 v27;
	v27 =	vshrl.u32 v26, $0xB  }
0x20f: {  	v20 =	vshrl.u32 v21, $0x6;
	v24 =	vcvt.f32.s32 v24;
	v27 =	vcvt.s32.f32 v27  }
0x210: {  	v26 =	vshrl.u32 v26, $0x6;
	v20 =	vcvt.s32.f32 v20;
	v21 =	vmul.f32 $3.333333430e-01, v28  }
0x211: {  	v26 =	vcvt.s32.f32 v26;
	v28 =	vshrl.u32 v22, $0xB;
	v19 =	vmul.f32 $4.761904850e-02, v19  }
0x212: {  	v22 =	vshrl.u32 v22, $0x6;
	v28 =	vcvt.s32.f32 v28;
	v21 =	vtrunc.f32 v21  }
0x213: {  	v30 =	vmul.u32 $0xFFFFFF20, v24;
	v27 =	vmul.f32 $4.761904850e-02, v27;
	v21 =	vcvt.f32.s32 v21  }
0x214: {  	v18 =	vshll.u32 v14, $0x3;
	v22 =	vcvt.s32.f32 v22;
	v20 =	vmul.f32 $3.333333430e-01, v20  }
0x215: {  	v26 =	vmul.f32 $3.333333430e-01, v26;
	v19 =	vtrunc.f32 v19;
	v21 =	vadd.s32 v21, v30  }
0x216: {  	v28 =	vmul.f32 $4.761904850e-02, v28;
	v30 =	vshll.u32 v24, $0x8;
	v31 =	vshll.u32 v21, $0x3  }
0x217: {  	v24 =	vshll.u32 v24, $0x7;
	v30 =	vand.u32 $0xFFFFF800, v30;
	v31 =	vand.u32 $0xFFFFFC00, v31  }
0x218: {  	v27 =	vtrunc.f32 v27;
	v24 =	vand.u32 $0x380, v24;
	v30 =	vadd.s32 v30, v31  }
0x219: {  	s26 =	simm.s32 $0x500;
	v22 =	vmul.f32 $3.333333430e-01, v22;
	v21 =	vand.u32 $0x7F, v21;
	v24 =	vor.u32 v24, v30  }
0x21a: {  	v19 =	vcvt.f32.s32 v19;
	v20 =	vtrunc.f32 v20;
	v30 =	vld [tilespmem:s26+$0x80];
	v21 =	vor.u32 v21, v24  }
0x21b: {  	v25 =	vand.u32 $0xFFFFF800, v25;
	v26 =	vtrunc.f32 v26;
	v27 =	vcvt.f32.s32 v27  }
0x21c: {  	v12 =	vand.u32 $0x380, v12;
	v20 =	vcvt.f32.s32 v20;
	v28 =	vtrunc.f32 v28  }
0x21d: {  	v29 =	vshll.u32 v15, $0x3;
	v22 =	vtrunc.f32 v22;
	v28 =	vcvt.f32.s32 v28  }
0x21e: {  	v18 =	vand.u32 $0xFFFFFC00, v18;
	v26 =	vcvt.f32.s32 v26;
	v22 =	vcvt.f32.s32 v22  }
0x21f: {  	v34 =	vshll.u32 v27, $0x8;
	v31 =	vmul.u32 $0xFFFFFF20, v28;
	v32 =	vshll.u32 v28, $0x8;
	[tilespmem:v21+s17+$0x0] =	vst.idx.add.f32.msk $0xffff, v30  }
0x220: {  	v34 =	vand.u32 $0xFFFFF800, v34;
	v28 =	vshll.u32 v28, $0x7;
	v32 =	vand.u32 $0xFFFFF800, v32;
	v33 =	vld [tilespmem:s24+$0x90]  }
0x221: {  	v28 =	vand.u32 $0x380, v28;
	v22 =	vadd.s32 v22, v31;
	v21 =	vmul.u32 $0xFFFFFF20, v19  }
0x222: {  	v31 =	vshll.u32 v19, $0x8;
	v35 =	vshll.u32 v22, $0x3;
	v30 =	vmul.u32 $0xFFFFFF20, v27  }
0x223: {  	v31 =	vand.u32 $0xFFFFF800, v31;
	v22 =	vand.u32 $0x7F, v22;
	v20 =	vadd.s32 v20, v21  }
0x224: {  	v19 =	vshll.u32 v19, $0x7;
	v21 =	vadd.s32 v26, v30;
	v30 =	vshll.u32 v20, $0x3  }
0x225: {  	v27 =	vshll.u32 v27, $0x7;
	v30 =	vand.u32 $0xFFFFFC00, v30;
	v36 =	vshrl.u32 v33, $0xB  }
0x226: {  	v19 =	vand.u32 $0x380, v19;
	v30 =	vadd.s32 v31, v30;
	v31 =	vld [tilespmem:s25+$0x50];
	v36 =	vcvt.s32.f32 v36  }
0x227: {  	v27 =	vand.u32 $0x380, v27;
	v26 =	vand.u32 $0xFFFFFC00, v35;
	v33 =	vshrl.u32 v33, $0x6  }
0x228: {  	v53 =	vshll.u32 v21, $0x3;
	v33 =	vcvt.s32.f32 v33;
	v36 =	vmul.f32 $4.761904850e-02, v36  }
0x229: {  	v26 =	vadd.s32 v32, v26;
	v20 =	vand.u32 $0x7F, v20;
	v35 =	vand.u32 $0xFFFFFC00, v53  }
0x22a: {  	v57 =	vld [tilespmem:s26+$0xFFFFFF00];
	v26 =	vor.u32 v28, v26;
	v33 =	vmul.f32 $3.333333430e-01, v33;
	v55 =	vtrunc.f32 v36  }
0x22b: {  	v22 =	vor.u32 v22, v26;
	v19 =	vor.u32 v19, v30;
	[tilespmem:v16+s17+$0x0] =	vst.idx.add.f32.msk $0xffff, v31;
	v28 =	vcvt.f32.s32 v55  }
0x22c: {  	v19 =	vor.u32 v20, v19;
	v16 =	vand.u32 $0x7F, v21;
	v21 =	vld [tilespmem:s26+$0xFFFFFF80];
	v30 =	vtrunc.f32 v33  }
0x22d: {  	v54 =	vadd.s32 v34, v35;
	v30 =	vcvt.f32.s32 v30;
	v56 =	vmul.u32 $0xFFFFFF20, v28  }
0x22e: {  	v17 =	vadd.s32 v17, v18;
	v24 =	vand.u32 $0xFFFFFC00, v29;
	v27 =	vor.u32 v27, v54;
	v31 =	vld [tilespmem:s30+$0x60]  }
0x22f: {  	v29 =	vshll.u32 v11, $0x3;
	v16 =	vor.u32 v16, v27;
	v20 =	vadd.s32 v30, v56;
	v30 =	vld [tilespmem:s26+$0x0]  }
0x230: {  	v18 =	vadd.s32 v23, v24;
	[tilespmem:v22+s17+$0x0] =	vst.idx.add.f32.msk $0xffff, v57;
	v26 =	vshll.u32 v28, $0x8;
	v27 =	vshll.u32 v20, $0x3  }
0x231: {  	v28 =	vshll.u32 v28, $0x7;
	v26 =	vand.u32 $0xFFFFF800, v26;
	[tilespmem:v19+s17+$0x0] =	vst.idx.add.f32.msk $0xffff, v21;
	v27 =	vand.u32 $0xFFFFFC00, v27  }
0x232: {  	v13 =	vor.u32 v13, v18;
	v18 =	vld [tilespmem:s24+$0xFFFFFF90];
	v26 =	vadd.s32 v26, v27;
	v27 =	vand.u32 $0x380, v28  }
0x233: {  	v20 =	vand.u32 $0x7F, v20;
	v28 =	vand.u32 $0xFFFFFC00, v29;
	v22 =	vor.u32 v27, v26;
	v26 =	vld [tilespmem:s26+$0x90]  }
0x234: {  	v20 =	vor.u32 v20, v22;
	[tilespmem:v16+s17+$0x0] =	vst.idx.add.f32.msk $0xffff, v30;
	v16 =	vor.u32 v6, v17;
	v6 =	vshrl.u32 v31, $0xB  }
0x235: {  	v15 =	vand.u32 $0x7F, v15;
	v19 =	vadd.s32 v25, v28;
	v17 =	vld [tilespmem:s24+$0xFFFFFF10];
	v6 =	vcvt.s32.f32 v6  }
0x236: {  	v21 =	vmul.f32 $4.761904850e-02, v5;
	v12 =	vor.u32 v12, v19;
	v19 =	vmul.f32 $4.761904850e-02, v4;
	v22 =	vld [tilespmem:s24+$0x10]  }
0x237: {  	v11 =	vand.u32 $0x7F, v11;
	v4 =	vcvt.s32.f32 v2;
	v23 =	vmul.f32 $4.761904850e-02, v6  }
0x238: {  	v6 =	vcvt.s32.f32 v3;
	v3 =	vtrunc.f32 v21;
	v21 =	vshrl.u32 v18, $0xB  }
0x239: {  	v5 =	vtrunc.f32 v19;
	v18 =	vshrl.u32 v18, $0x6;
	v21 =	vcvt.s32.f32 v21;
	[tilespmem:v20+s17+$0x0] =	vst.idx.add.f32.msk $0xffff, v26  }
0x23a: {  	v18 =	vcvt.s32.f32 v18;
	v19 =	vshrl.u32 v17, $0xB;
	v17 =	vshrl.u32 v17, $0x6;
	v20 =	vld [tilespmem:s24+$0xA0]  }
0x23b: {  	v19 =	vcvt.s32.f32 v19;
	v25 =	vshrl.u32 v22, $0xB;
	v17 =	vcvt.s32.f32 v17  }
0x23c: {  	v21 =	vmul.f32 $4.761904850e-02, v21;
	v22 =	vshrl.u32 v22, $0x6;
	v18 =	vmul.f32 $3.333333430e-01, v18  }
0x23d: {  	v13 =	vor.u32 v15, v13;
	v25 =	vcvt.s32.f32 v25;
	v15 =	vcvt.s32.f32 v22  }
0x23e: {  	v11 =	vor.u32 v11, v12;
	v19 =	vmul.f32 $4.761904850e-02, v19;
	v12 =	vtrunc.f32 v21  }
0x23f: {  	v17 =	vmul.f32 $3.333333430e-01, v17;
	v18 =	vtrunc.f32 v18;
	v24 =	vshrl.u32 v20, $0xB  }
0x240: {  	v15 =	vmul.f32 $3.333333430e-01, v15;
	v24 =	vcvt.s32.f32 v24  }
0x241: {  	v12 =	vcvt.f32.s32 v12;
	v19 =	vtrunc.f32 v19;
	v20 =	vshrl.u32 v20, $0x6  }
0x242: {  	v20 =	vcvt.s32.f32 v20;
	v24 =	vmul.f32 $4.761904850e-02, v24  }
0x243: {  	v14 =	vand.u32 $0x7F, v14;
	v18 =	vcvt.f32.s32 v18;
	v19 =	vcvt.f32.s32 v19  }
0x244: {  	v14 =	vor.u32 v14, v16;
	v16 =	vmul.f32 $3.333333430e-01, v20;
	v20 =	vtrunc.f32 v24  }
0x245: {  	v2 =	vshrl.u32 v31, $0x6;
	v17 =	vtrunc.f32 v17;
	v20 =	vcvt.f32.s32 v20  }
0x246: {  	v15 =	vtrunc.f32 v15;
	v28 =	vshll.u32 v19, $0x8;
	v16 =	vtrunc.f32 v16  }
0x247: {  	v24 =	vmul.f32 $4.761904850e-02, v25;
	v16 =	vcvt.f32.s32 v16;
	v22 =	vmul.u32 $0xFFFFFF20, v20  }
0x248: {  	v17 =	vcvt.f32.s32 v17;
	v15 =	vcvt.f32.s32 v15;
	v28 =	vand.u32 $0xFFFFF800, v28  }
0x249: {  	v25 =	vmul.u32 $0xFFFFFF20, v12;
	v21 =	vtrunc.f32 v24;
	v16 =	vadd.s32 v16, v22  }
0x24a: {  	v21 =	vcvt.f32.s32 v21;
	v22 =	vshll.u32 v20, $0x8;
	v24 =	vshll.u32 v16, $0x3  }
0x24b: {  	v20 =	vshll.u32 v20, $0x7;
	v22 =	vand.u32 $0xFFFFF800, v22;
	v24 =	vand.u32 $0xFFFFFC00, v24  }
0x24c: {  	v26 =	vmul.u32 $0xFFFFFF20, v21;
	v20 =	vand.u32 $0x380, v20;
	v22 =	vadd.s32 v22, v24;
	v24 =	vld [tilespmem:s29+$0xFFFFFF40]  }
0x24d: {  	v27 =	vld [tilespmem:s29+$0xFFFFFFC0];
	v18 =	vadd.s32 v18, v25;
	v16 =	vand.u32 $0x7F, v16;
	v20 =	vor.u32 v20, v22  }
0x24e: {  	v15 =	vadd.s32 v15, v26;
	v22 =	vld [tilespmem:s26+$0xA0];
	v16 =	vor.u32 v16, v20;
	v20 =	vmul.u32 $0xFFFFFF20, v19  }
0x24f: {  	v29 =	vld [tilespmem:s29+$0x40];
	v30 =	vshll.u32 v21, $0x8;
	v25 =	vshll.u32 v15, $0x3;
	v15 =	vand.u32 $0x7F, v15  }
0x250: {  	v25 =	vand.u32 $0xFFFFFC00, v25;
	v17 =	vadd.s32 v17, v20;
	v20 =	vshll.u32 v12, $0x8  }
0x251: {  	v12 =	vshll.u32 v12, $0x7;
	v31 =	vshll.u32 v17, $0x3;
	[tilespmem:v14+s17+$0x0] =	vst.idx.add.f32.msk $0xffff, v24;
	v14 =	vshll.u32 v19, $0x7  }
0x252: {  	[tilespmem:v13+s17+$0x0] =	vst.idx.add.f32.msk $0xffff, v27;
	v19 =	vand.u32 $0xFFFFF800, v20;
	v20 =	vand.u32 $0xFFFFF800, v30;
	v12 =	vand.u32 $0x380, v12  }
0x253: {  	v17 =	vand.u32 $0x7F, v17;
	[tilespmem:v16+s17+$0x0] =	vst.idx.add.f32.msk $0xffff, v22;
	v16 =	vand.u32 $0xFFFFFC00, v31;
	v22 =	vshll.u32 v18, $0x3  }
0x254: {  	[tilespmem:v11+s17+$0x0] =	vst.idx.add.f32.msk $0xffff, v29;
	v11 =	vand.u32 $0x380, v14;
	v22 =	vand.u32 $0xFFFFFC00, v22;
	v13 =	vadd.s32 v28, v16  }
0x255: {  	v26 =	vld [tilespmem:s24+$0xB0];
	v16 =	vshll.u32 v21, $0x7;
	v14 =	vadd.s32 v19, v22;
	v19 =	vadd.s32 v20, v25  }
0x256: {  	v24 =	vld [tilespmem:s26+$0xFFFFFF10];
	v11 =	vor.u32 v11, v13;
	v16 =	vand.u32 $0x380, v16;
	v12 =	vor.u32 v12, v14  }
0x257: {  	v20 =	vld [tilespmem:s28+$0xFFFFFF50];
	v14 =	vand.u32 $0x7F, v18;
	v17 =	vor.u32 v17, v11;
	v16 =	vor.u32 v16, v19  }
0x258: {  	v12 =	vor.u32 v14, v12;
	v14 =	vld [tilespmem:s26+$0x10];
	v15 =	vor.u32 v15, v16  }
0x259: {  	v21 =	vld [tilespmem:s28+$0xFFFFFFD0]  }
0x25a: {  	v22 =	vld [tilespmem:s28+$0x50];
	v13 =	vshrl.u32 v26, $0xB;
	v18 =	vshrl.u32 v26, $0x6  }
0x25b: {  	v13 =	vcvt.s32.f32 v13;
	v11 =	vcvt.s32.f32 v18;
	v18 =	vld [tilespmem:s26+$0xFFFFFF90]  }
0x25c: {  	v2 =	vcvt.s32.f32 v2;
	v4 =	vmul.f32 $3.333333430e-01, v4;
	v19 =	vshrl.u32 v20, $0xB;
	[tilespmem:v17+s17+$0x0] =	vst.idx.add.f32.msk $0xffff, v24  }
0x25d: {  	v19 =	vcvt.s32.f32 v19;
	v13 =	vmul.f32 $4.761904850e-02, v13;
	[tilespmem:v15+s17+$0x0] =	vst.idx.add.f32.msk $0xffff, v14  }
0x25e: {  	v16 =	vmul.f32 $3.333333430e-01, v11;
	v11 =	vtrunc.f32 v23;
	v23 =	vshrl.u32 v21, $0xB;
	v24 =	vld [tilespmem:s24+$0x20]  }
0x25f: {  	v25 =	vshrl.u32 v22, $0xB;
	v23 =	vcvt.s32.f32 v23;
	v13 =	vtrunc.f32 v13  }
0x260: {  	v20 =	vshrl.u32 v20, $0x6;
	v15 =	vmul.f32 $4.761904850e-02, v19;
	v13 =	vcvt.f32.s32 v13  }
0x261: {  	v21 =	vshrl.u32 v21, $0x6;
	v16 =	vtrunc.f32 v16;
	[tilespmem:v12+s17+$0x0] =	vst.idx.add.f32.msk $0xffff, v18;
	v12 =	vcvt.s32.f32 v25  }
0x262: {  	v16 =	vcvt.f32.s32 v16;
	v18 =	vshrl.u32 v22, $0x6;
	v17 =	vmul.u32 $0xFFFFFF20, v13  }
0x263: {  	v23 =	vmul.f32 $4.761904850e-02, v23;
	v22 =	vld [tilespmem:s24+$0xFFFFFFA0];
	v12 =	vmul.f32 $4.761904850e-02, v12;
	v25 =	vshrl.u32 v24, $0xB  }
0x264: {  	v14 =	vadd.s32 v16, v17;
	v17 =	vshll.u32 v13, $0x8;
	v13 =	vshll.u32 v13, $0x7  }
0x265: {  	v12 =	vtrunc.f32 v12;
	v25 =	vcvt.s32.f32 v25;
	v19 =	vshll.u32 v14, $0x3  }
0x266: {  	v16 =	vld [tilespmem:s24+$0xFFFFFF20];
	v17 =	vand.u32 $0xFFFFF800, v17;
	v13 =	vand.u32 $0x380, v13;
	v19 =	vand.u32 $0xFFFFFC00, v19  }
0x267: {  	v14 =	vand.u32 $0x7F, v14;
	v17 =	vadd.s32 v17, v19;
	v19 =	vcvt.s32.f32 v21  }
0x268: {  	v21 =	vtrunc.f32 v23;
	v23 =	vshrl.u32 v22, $0xB;
	v13 =	vor.u32 v13, v17  }
0x269: {  	v22 =	vshrl.u32 v22, $0x6;
	v17 =	vcvt.s32.f32 v20;
	v20 =	vld [tilespmem:s26+$0xB0];
	v13 =	vor.u32 v14, v13  }
0x26a: {  	v23 =	vcvt.s32.f32 v23;
	v22 =	vcvt.s32.f32 v22  }
0x26b: {  	v14 =	vtrunc.f32 v15;
	v15 =	vcvt.s32.f32 v18;
	v18 =	vshrl.u32 v16, $0xB  }
0x26c: {  	v16 =	vshrl.u32 v16, $0x6;
	v18 =	vcvt.s32.f32 v18;
	v23 =	vmul.f32 $4.761904850e-02, v23  }
0x26d: {  	v10 =	vshll.u32 v7, $0x3;
	v16 =	vcvt.s32.f32 v16;
	v22 =	vmul.f32 $3.333333430e-01, v22  }
0x26e: {  	v9 =	vand.u32 $0x380, v9;
	v14 =	vcvt.f32.s32 v14;
	v15 =	vmul.f32 $3.333333430e-01, v15;
	[tilespmem:v13+s17+$0x0] =	vst.idx.add.f32.msk $0xffff, v20  }
0x26f: {  	v18 =	vmul.f32 $4.761904850e-02, v18;
	v16 =	vmul.f32 $3.333333430e-01, v16;
	v13 =	vshrl.u32 v24, $0x6;
	v24 =	vld [tilespmem:s24+$0xC0]  }
0x270: {  	v10 =	vand.u32 $0xFFFFFC00, v10;
	v15 =	vtrunc.f32 v15;
	v20 =	vmul.f32 $4.761904850e-02, v25  }
0x271: {  	v8 =	vadd.s32 v8, v10;
	v16 =	vtrunc.f32 v16;
	v10 =	vcvt.s32.f32 v13  }
0x272: {  	v7 =	vand.u32 $0x7F, v7;
	v13 =	vtrunc.f32 v18;
	v18 =	vtrunc.f32 v23  }
0x273: {  	v8 =	vor.u32 v9, v8;
	v16 =	vcvt.f32.s32 v16;
	v9 =	vmul.f32 $3.333333430e-01, v10  }
0x274: {  	v10 =	vcvt.f32.s32 v13;
	v13 =	vcvt.f32.s32 v18;
	v18 =	vshrl.u32 v24, $0xB  }
0x275: {  	v7 =	vor.u32 v7, v8;
	v20 =	vtrunc.f32 v20;
	v18 =	vcvt.s32.f32 v18  }
0x276: {  	v8 =	vcvt.f32.s32 v20;
	v20 =	vtrunc.f32 v22;
	v22 =	vshrl.u32 v24, $0x6  }
0x277: {  	v22 =	vcvt.s32.f32 v22;
	v18 =	vmul.f32 $4.761904850e-02, v18  }
0x278: {  	v20 =	vcvt.f32.s32 v20;
	v9 =	vtrunc.f32 v9  }
0x279: {  	v22 =	vmul.f32 $3.333333430e-01, v22;
	v18 =	vtrunc.f32 v18  }
0x27a: {  	v23 =	vmul.u32 $0xFFFFFF20, v10;
	v25 =	vmul.u32 $0xFFFFFF20, v8;
	v18 =	vcvt.f32.s32 v18  }
0x27b: {  	v24 =	vmul.u32 $0xFFFFFF20, v13;
	v9 =	vcvt.f32.s32 v9;
	v22 =	vtrunc.f32 v22  }
0x27c: {  	v16 =	vadd.s32 v16, v23;
	v22 =	vcvt.f32.s32 v22;
	v23 =	vmul.u32 $0xFFFFFF20, v18  }
0x27d: {  	v26 =	vshll.u32 v10, $0x8;
	v28 =	vshll.u32 v13, $0x8;
	v20 =	vadd.s32 v20, v24  }
0x27e: {  	v9 =	vadd.s32 v9, v25;
	v25 =	vshll.u32 v20, $0x3;
	v22 =	vadd.s32 v22, v23  }
0x27f: {  	v23 =	vand.u32 $0xFFFFFC00, v25;
	v25 =	vshll.u32 v18, $0x8;
	v29 =	vshll.u32 v22, $0x3  }
0x280: {  	v18 =	vshll.u32 v18, $0x7;
	v25 =	vand.u32 $0xFFFFF800, v25;
	v29 =	vand.u32 $0xFFFFFC00, v29  }
0x281: {  	v30 =	vshll.u32 v8, $0x8;
	v18 =	vand.u32 $0x380, v18;
	v25 =	vadd.s32 v25, v29  }
0x282: {  	v27 =	vshll.u32 v9, $0x3;
	v22 =	vand.u32 $0x7F, v22;
	v18 =	vor.u32 v18, v25  }
0x283: {  	v25 =	vand.u32 $0xFFFFFC00, v27;
	v27 =	vand.u32 $0xFFFFF800, v28;
	v28 =	vld [tilespmem:s26+$0xC0];
	v18 =	vor.u32 v22, v18  }
0x284: {  	v10 =	vshll.u32 v10, $0x7;
	v8 =	vshll.u32 v8, $0x7;
	v26 =	vand.u32 $0xFFFFF800, v26  }
0x285: {  	v13 =	vshll.u32 v13, $0x7;
	v10 =	vand.u32 $0x380, v10;
	v24 =	vshll.u32 v16, $0x3  }
0x286: {  	v13 =	vand.u32 $0x380, v13;
	v24 =	vand.u32 $0xFFFFFC00, v24;
	v22 =	vand.u32 $0xFFFFF800, v30  }
0x287: {  	v16 =	vand.u32 $0x7F, v16;
	v24 =	vadd.s32 v26, v24;
	v22 =	vadd.s32 v22, v25;
	v25 =	vld [tilespmem:s26+$0xFFFFFF20]  }
0x288: {  	v20 =	vand.u32 $0x7F, v20;
	v10 =	vor.u32 v10, v24;
	v23 =	vadd.s32 v27, v23;
	[tilespmem:v18+s17+$0x0] =	vst.idx.add.f32.msk $0xffff, v28  }
0x289: {  	v10 =	vor.u32 v16, v10;
	v16 =	vmul.f32 $3.333333430e-01, v17;
	v13 =	vor.u32 v13, v23;
	v17 =	vld [tilespmem:s24+$0xD0]  }
0x28a: {  	v8 =	vand.u32 $0x380, v8;
	v13 =	vor.u32 v20, v13;
	v18 =	vmul.f32 $3.333333430e-01, v19;
	v19 =	vld [tilespmem:s26+$0xFFFFFFA0]  }
0x28b: {  	v9 =	vand.u32 $0x7F, v9;
	v16 =	vtrunc.f32 v16;
	v8 =	vor.u32 v8, v22  }
0x28c: {  	v16 =	vcvt.f32.s32 v16;
	v20 =	vcvt.f32.s32 v21;
	v21 =	vor.u32 v9, v8  }
0x28d: {  	v8 =	vcvt.f32.s32 v12;
	v12 =	vmul.u32 $0xFFFFFF20, v14;
	v9 =	vtrunc.f32 v18;
	v18 =	vld [tilespmem:s26+$0x20]  }
0x28e: {  	v22 =	vmul.u32 $0xFFFFFF20, v20;
	[tilespmem:v10+s17+$0x0] =	vst.idx.add.f32.msk $0xffff, v25;
	v9 =	vcvt.f32.s32 v9;
	v10 =	vshrl.u32 v17, $0xB  }
0x28f: {  	v23 =	vmul.u32 $0xFFFFFF20, v8;
	[tilespmem:v13+s17+$0x0] =	vst.idx.add.f32.msk $0xffff, v19;
	v13 =	vcvt.f32.s32 v15;
	v15 =	vcvt.s32.f32 v10  }
0x290: {  	v19 =	vld [tilespmem:s24+$0xFFFFFF30];
	v17 =	vshrl.u32 v17, $0x6;
	v10 =	vadd.s32 v16, v12;
	v12 =	vadd.s32 v9, v22  }
0x291: {  	v9 =	vadd.s32 v13, v23;
	v13 =	vld [tilespmem:s24+$0xFFFFFFB0];
	v17 =	vcvt.s32.f32 v17;
	v15 =	vmul.f32 $4.761904850e-02, v15  }
0x292: {  	v2 =	vmul.f32 $3.333333430e-01, v2;
	v6 =	vmul.f32 $3.333333430e-01, v6;
	[tilespmem:v21+s17+$0x0] =	vst.idx.add.f32.msk $0xffff, v18  }
0x293: {  	v16 =	vshll.u32 v14, $0x8;
	v22 =	vld [tilespmem:s24+$0x30];
	v17 =	vmul.f32 $3.333333430e-01, v17;
	v15 =	vtrunc.f32 v15  }
0x294: {  	v18 =	vshll.u32 v10, $0x3;
	v24 =	vshll.u32 v9, $0x3;
	v15 =	vcvt.f32.s32 v15  }
0x295: {  	v26 =	vshrl.u32 v19, $0x6;
	v19 =	vshrl.u32 v19, $0xB;
	v17 =	vtrunc.f32 v17  }
0x296: {  	v19 =	vcvt.s32.f32 v19;
	v17 =	vcvt.f32.s32 v17;
	v28 =	vmul.u32 $0xFFFFFF20, v15  }
0x297: {  	v26 =	vcvt.s32.f32 v26;
	v27 =	vshrl.u32 v13, $0xB;
	v13 =	vshrl.u32 v13, $0x6  }
0x298: {  	v27 =	vcvt.s32.f32 v27;
	v29 =	vshrl.u32 v22, $0xB;
	v17 =	vadd.s32 v17, v28  }
0x299: {  	v19 =	vmul.f32 $4.761904850e-02, v19;
	v28 =	vshll.u32 v15, $0x8;
	v30 =	vshll.u32 v17, $0x3  }
0x29a: {  	v15 =	vshll.u32 v15, $0x7;
	v28 =	vand.u32 $0xFFFFF800, v28;
	v30 =	vand.u32 $0xFFFFFC00, v30  }
0x29b: {  	v29 =	vcvt.s32.f32 v29;
	v15 =	vand.u32 $0x380, v15;
	v28 =	vadd.s32 v28, v30  }
0x29c: {  	v13 =	vcvt.s32.f32 v13;
	v17 =	vand.u32 $0x7F, v17;
	v15 =	vor.u32 v15, v28  }
0x29d: {  	v26 =	vmul.f32 $3.333333430e-01, v26;
	v28 =	vmul.f32 $4.761904850e-02, v29;
	v29 =	vld [tilespmem:s26+$0xD0];
	v15 =	vor.u32 v17, v15  }
0x29e: {  	v16 =	vand.u32 $0xFFFFF800, v16;
	v19 =	vtrunc.f32 v19;
	v13 =	vmul.f32 $3.333333430e-01, v13  }
0x29f: {  	v22 =	vshrl.u32 v22, $0x6;
	v27 =	vmul.f32 $4.761904850e-02, v27;
	v19 =	vcvt.f32.s32 v19  }
0x2a0: {  	v18 =	vand.u32 $0xFFFFFC00, v18;
	v13 =	vtrunc.f32 v13;
	v17 =	vcvt.s32.f32 v22  }
0x2a1: {  	v22 =	vand.u32 $0xFFFFFC00, v24;
	v24 =	vtrunc.f32 v27;
	v27 =	vtrunc.f32 v28  }
0x2a2: {  	v16 =	vadd.s32 v16, v18;
	v24 =	vcvt.f32.s32 v24;
	v17 =	vmul.f32 $3.333333430e-01, v17;
	[tilespmem:v15+s17+$0x0] =	vst.idx.add.f32.msk $0xffff, v29  }
0x2a3: {  	v31 =	vshll.u32 v19, $0x8;
	v15 =	vtrunc.f32 v26;
	v26 =	vcvt.f32.s32 v27;
	v27 =	vld [tilespmem:s24+$0xE0]  }
0x2a4: {  	v13 =	vcvt.f32.s32 v13;
	v31 =	vand.u32 $0xFFFFF800, v31;
	v28 =	vmul.u32 $0xFFFFFF20, v19  }
0x2a5: {  	v19 =	vshll.u32 v19, $0x7;
	v17 =	vtrunc.f32 v17;
	v29 =	vmul.u32 $0xFFFFFF20, v24  }
0x2a6: {  	v19 =	vand.u32 $0x380, v19;
	v17 =	vcvt.f32.s32 v17;
	v15 =	vcvt.f32.s32 v15  }
0x2a7: {  	v30 =	vmul.u32 $0xFFFFFF20, v26;
	v58 =	vshll.u32 v26, $0x8;
	v13 =	vadd.s32 v13, v29  }
0x2a8: {  	v26 =	vshll.u32 v26, $0x7;
	v15 =	vadd.s32 v15, v28;
	v29 =	vshrl.u32 v27, $0xB  }
0x2a9: {  	v28 =	vshll.u32 v24, $0x8;
	v59 =	vshll.u32 v13, $0x3;
	v29 =	vcvt.s32.f32 v29  }
0x2aa: {  	v32 =	vand.u32 $0xFFFFF800, v58;
	v24 =	vshll.u32 v24, $0x7;
	v27 =	vshrl.u32 v27, $0x6  }
0x2ab: {  	v26 =	vand.u32 $0x380, v26;
	v27 =	vcvt.s32.f32 v27;
	v29 =	vmul.f32 $4.761904850e-02, v29  }
0x2ac: {  	v17 =	vadd.s32 v17, v30;
	v30 =	vshll.u32 v15, $0x3;
	v33 =	vand.u32 $0xFFFFFC00, v59  }
0x2ad: {  	v28 =	vand.u32 $0xFFFFF800, v28;
	v27 =	vmul.f32 $3.333333430e-01, v27;
	v29 =	vtrunc.f32 v29  }
0x2ae: {  	v24 =	vand.u32 $0x380, v24;
	v15 =	vand.u32 $0x7F, v15;
	v29 =	vcvt.f32.s32 v29  }
0x2af: {  	v62 =	vld [tilespmem:s29+$0xE0];
	v30 =	vand.u32 $0xFFFFFC00, v30;
	v60 =	vshll.u32 v17, $0x3;
	v27 =	vtrunc.f32 v27  }
0x2b0: {  	v30 =	vadd.s32 v31, v30;
	v31 =	vld [tilespmem:s25+$0xE0];
	v27 =	vcvt.f32.s32 v27;
	v61 =	vmul.u32 $0xFFFFFF20, v29  }
0x2b1: {  	v28 =	vadd.s32 v28, v33;
	v17 =	vand.u32 $0x7F, v17;
	v34 =	vand.u32 $0xFFFFFC00, v60  }
0x2b2: {  	v24 =	vor.u32 v24, v28;
	v32 =	vadd.s32 v32, v34;
	v27 =	vadd.s32 v27, v61  }
0x2b3: {  	v19 =	vor.u32 v19, v30;
	v30 =	vshll.u32 v29, $0x8;
	v28 =	vshll.u32 v27, $0x3  }
0x2b4: {  	[tilespmem:v7+s17+$0x0] =	vst.idx.add.f32.msk $0xffff, v62;
	v29 =	vshll.u32 v29, $0x7;
	v30 =	vand.u32 $0xFFFFF800, v30;
	v28 =	vand.u32 $0xFFFFFC00, v28  }
0x2b5: {  	v26 =	vor.u32 v26, v32;
	[tilespmem:v1+s17+$0x0] =	vst.idx.add.f32.msk $0xffff, v31;
	v1 =	vadd.s32 v30, v28;
	v28 =	vand.u32 $0x380, v29  }
0x2b6: {  	v18 =	vld [tilespmem:s26+$0x30];
	v17 =	vor.u32 v17, v26;
	v7 =	vand.u32 $0x7F, v27;
	v1 =	vor.u32 v28, v1  }
0x2b7: {  	v13 =	vand.u32 $0x7F, v13;
	v27 =	vld [tilespmem:s26+$0xFFFFFF30];
	v28 =	vor.u32 v7, v1;
	v7 =	vor.u32 v15, v19  }
0x2b8: {  	v6 =	vtrunc.f32 v6;
	v14 =	vshll.u32 v14, $0x7;
	v13 =	vor.u32 v13, v24;
	v15 =	vld [tilespmem:s26+$0xFFFFFFB0]  }
0x2b9: {  	v6 =	vcvt.f32.s32 v6;
	v25 =	vshll.u32 v8, $0x8;
	v14 =	vand.u32 $0x380, v14  }
0x2ba: {  	v8 =	vshll.u32 v8, $0x7;
	v25 =	vand.u32 $0xFFFFF800, v25;
	v14 =	vor.u32 v14, v16;
	v16 =	vld [tilespmem:s29+$0xFFFFFF50]  }
0x2bb: {  	v21 =	vshll.u32 v20, $0x8;
	v23 =	vshll.u32 v12, $0x3;
	v10 =	vand.u32 $0x7F, v10;
	[tilespmem:v17+s17+$0x0] =	vst.idx.add.f32.msk $0xffff, v18  }
0x2bc: {  	v21 =	vand.u32 $0xFFFFF800, v21;
	v23 =	vand.u32 $0xFFFFFC00, v23;
	v10 =	vor.u32 v10, v14;
	[tilespmem:v7+s17+$0x0] =	vst.idx.add.f32.msk $0xffff, v27  }
0x2bd: {  	v8 =	vand.u32 $0x380, v8;
	v19 =	vadd.s32 v21, v23;
	v21 =	vadd.s32 v25, v22;
	[tilespmem:v13+s17+$0x0] =	vst.idx.add.f32.msk $0xffff, v15  }
0x2be: {  	v20 =	vshll.u32 v20, $0x7;
	v8 =	vor.u32 v8, v21;
	v7 =	vand.u32 $0x7F, v9;
	v9 =	vld [tilespmem:s24+$0x40]  }
0x2bf: {  	v20 =	vand.u32 $0x380, v20;
	v21 =	vcvt.f32.s32 v5;
	v5 =	vor.u32 v7, v8;
	v7 =	vld [tilespmem:s24+$0xFFFFFF40]  }
0x2c0: {  	v12 =	vand.u32 $0x7F, v12;
	v19 =	vor.u32 v20, v19;
	v20 =	vcvt.f32.s32 v3;
	v8 =	vld [tilespmem:s24+$0xFFFFFFC0]  }
0x2c1: {  	v3 =	vtrunc.f32 v4;
	v14 =	vor.u32 v12, v19;
	v19 =	vcvt.f32.s32 v11  }
0x2c2: {  	[tilespmem:v10+s17+$0x0] =	vst.idx.add.f32.msk $0xffff, v16;
	v23 =	vcvt.f32.s32 v3;
	v4 =	vmul.u32 $0xFFFFFF20, v21;
	v13 =	vtrunc.f32 v2  }
0x2c3: {  	v18 =	vld [tilespmem:s29+$0xFFFFFFD0];
	v17 =	vmul.u32 $0xFFFFFF20, v19;
	v13 =	vcvt.f32.s32 v13;
	v16 =	vshrl.u32 v9, $0x6  }
0x2c4: {  	v1 =	vld [tilespmem:s25+$0xFFFFFF60];
	v24 =	vshrl.u32 v7, $0x6;
	v25 =	vshrl.u32 v7, $0xB;
	v7 =	vadd.s32 v23, v4  }
0x2c5: {  	v27 =	vld [tilespmem:s29+$0x50];
	v23 =	vcvt.s32.f32 v25;
	v25 =	vshrl.u32 v8, $0x6;
	v8 =	vshrl.u32 v8, $0xB  }
0x2c6: {  	v3 =	vld [tilespmem:s25+$0x60];
	v11 =	vmul.u32 $0xFFFFFF20, v20;
	v16 =	vcvt.s32.f32 v16;
	v10 =	vcvt.s32.f32 v8  }
0x2c7: {  	v4 =	vld [tilespmem:s26+$0xE0];
	v8 =	vshrl.u32 v9, $0xB;
	v9 =	vadd.s32 v13, v17;
	v17 =	vcvt.s32.f32 v25  }
0x2c8: {  	v12 =	vshll.u32 v21, $0x8;
	[tilespmem:v14+s17+$0x0] =	vst.idx.add.f32.msk $0xffff, v18;
	v29 =	vmul.f32 $3.333333430e-01, v16;
	v14 =	vmul.f32 $4.761904850e-02, v23  }
0x2c9: {  	v2 =	vld [tilespmem:s25+$0xFFFFFFE0];
	v18 =	vcvt.s32.f32 v8;
	v8 =	vadd.s32 v6, v11;
	v6 =	vcvt.s32.f32 v24  }
0x2ca: {  	v22 =	vshll.u32 v19, $0x8;
	[tilespmem:v5+s17+$0x0] =	vst.idx.add.f32.msk $0xffff, v27;
	v23 =	vmul.f32 $4.761904850e-02, v10;
	v29 =	vtrunc.f32 v29  }
0x2cb: {  	v15 =	vshll.u32 v20, $0x8;
	v11 =	vld [tilespmem:s28+$0xFFFFFFE0];
	v18 =	vmul.f32 $4.761904850e-02, v18;
	v25 =	vtrunc.f32 v14  }
0x2cc: {  	v24 =	vshll.u32 v7, $0x3;
	[tilespmem:v28+s17+$0x0] =	vst.idx.add.f32.msk $0xffff, v4;
	v6 =	vmul.f32 $3.333333430e-01, v6;
	v28 =	vmul.f32 $3.333333430e-01, v17  }
0x2cd: {  	v10 =	vld [tilespmem:s28+$0xFFFFFF60];
	v13 =	vshll.u32 v8, $0x3;
	v36 =	vcvt.f32.s32 v29;
	v4 =	vtrunc.f32 v23  }
0x2ce: {  	v16 =	vld [tilespmem:s28+$0x60];
	v14 =	vshll.u32 v9, $0x3;
	v30 =	vcvt.f32.s32 v25;
	v26 =	vtrunc.f32 v18  }
0x2cf: {  	v17 =	vand.u32 $0xFFFFFC00, v24;
	v24 =	vld [tilespmem:s26+$0xFFFFFFC0];
	v31 =	vcvt.f32.s32 v4;
	v4 =	vtrunc.f32 v6  }
0x2d0: {  	v23 =	vld [tilespmem:s26+$0xFFFFFF40];
	v5 =	vtrunc.f32 v28;
	v32 =	vcvt.f32.s32 v26;
	v26 =	vshrl.u32 v11, $0xB  }
0x2d1: {  	v25 =	vld [tilespmem:s26+$0x40];
	v27 =	vmul.u32 $0xFFFFFF20, v30;
	v63 =	vcvt.f32.s32 v4;
	v38 =	vshll.u32 v30, $0x8  }
0x2d2: {  	v6 =	vld [tilespmem:s29+$0xFFFFFF60];
	v39 =	vcvt.f32.s32 v5;
	v18 =	vshrl.u32 v10, $0xB;
	v37 =	vmul.u32 $0xFFFFFF20, v31  }
0x2d3: {  	v4 =	vld [tilespmem:s29+$0xFFFFFFE0];
	v34 =	vshll.u32 v31, $0x8;
	v33 =	vand.u32 $0xFFFFF800, v38;
	v28 =	vmul.u32 $0xFFFFFF20, v32  }
0x2d4: {  	s25 =	simm.s32 $0x500;
	s28 =	simm.s32 $0x8;
	v5 =	vld [tilespmem:s29+$0x60];
	s29 =	simm.s32 $0x7700;
	v35 =	vshll.u32 v32, $0x8;
	v29 =	vadd.s32 v63, v27;
	v27 =	vadd.s32 v39, v37  }
.LBB2_5:
0x2d5: {  	v37 =	vld [tilespmem:s29+$0x80];
	s28 =	sadd.s32 $0x4, s28;
	v38 =	vshll.u32 v29, $0x3;
	v39 =	vshll.u32 v27, $0x3;
	v28 =	vadd.s32 v36, v28  }
0x2d6: {  	v36 =	vld [tilespmem:s29+$0xFFFFFF80];
	p0 =	slt.u32 s28, $0x6C;
	v38 =	vand.u32 $0xFFFFFC00, v38;
	v39 =	vand.u32 $0xFFFFFC00, v39;
	v40 =	vshll.u32 v28, $0x3  }
0x2d7: {  	v34 =	vand.u32 $0xFFFFF800, v34;
	v35 =	vand.u32 $0xFFFFF800, v35;
	v41 =	vld [tilespmem:s29+$0x0];
	v40 =	vand.u32 $0xFFFFFC00, v40  }
0x2d8: {  	v30 =	vshll.u32 v30, $0x7;
	v31 =	vshll.u32 v31, $0x7;
	v32 =	vshll.u32 v32, $0x7;
	v42 =	vld [tilespmem:s29+$0xFFFFFF00]  }
0x2d9: {  	v33 =	vadd.s32 v33, v38;
	v34 =	vadd.s32 v34, v39;
	v35 =	vadd.s32 v35, v40  }
0x2da: {  	v30 =	vand.u32 $0x380, v30;
	v31 =	vand.u32 $0x380, v31;
	v38 =	vshrl.u32 v37, $0xB  }
0x2db: {  	v39 =	vshrl.u32 v36, $0x6;
	v36 =	vshrl.u32 v36, $0xB;
	v38 =	vcvt.s32.f32 v38  }
0x2dc: {  	v37 =	vshrl.u32 v37, $0x6;
	v36 =	vcvt.s32.f32 v36;
	v40 =	vshrl.u32 v41, $0xB  }
0x2dd: {  	v37 =	vcvt.s32.f32 v37;
	v43 =	vshrl.u32 v42, $0xB;
	v38 =	vmul.f32 $4.761904850e-02, v38  }
0x2de: {  	v42 =	vshrl.u32 v42, $0x6;
	v40 =	vcvt.s32.f32 v40;
	v43 =	vcvt.s32.f32 v43  }
0x2df: {  	v41 =	vshrl.u32 v41, $0x6;
	v37 =	vmul.f32 $3.333333430e-01, v37;
	v38 =	vtrunc.f32 v38  }
0x2e0: {  	v32 =	vand.u32 $0x380, v32;
	v43 =	vmul.f32 $4.761904850e-02, v43;
	v38 =	vcvt.f32.s32 v38  }
0x2e1: {  	v30 =	vor.u32 v30, v33;
	v36 =	vmul.f32 $4.761904850e-02, v36;
	v37 =	vtrunc.f32 v37  }
0x2e2: {  	v33 =	vmul.f32 $4.761904850e-02, v40;
	v37 =	vcvt.f32.s32 v37;
	v40 =	vmul.u32 $0xFFFFFF20, v38  }
0x2e3: {  	v31 =	vor.u32 v31, v34;
	v39 =	vcvt.s32.f32 v39;
	v42 =	vcvt.s32.f32 v42  }
0x2e4: {  	v41 =	vcvt.s32.f32 v41;
	v34 =	vtrunc.f32 v43;
	v37 =	vadd.s32 v37, v40  }
0x2e5: {  	v36 =	vtrunc.f32 v36;
	v40 =	vshll.u32 v38, $0x8;
	v43 =	vshll.u32 v37, $0x3  }
0x2e6: {  	v38 =	vshll.u32 v38, $0x7;
	v40 =	vand.u32 $0xFFFFF800, v40;
	v43 =	vand.u32 $0xFFFFFC00, v43  }
0x2e7: {  	v33 =	vtrunc.f32 v33;
	v38 =	vand.u32 $0x380, v38;
	v40 =	vadd.s32 v40, v43  }
0x2e8: {  	s26 =	sadd.s32 $0x200, s26;
	v42 =	vmul.f32 $3.333333430e-01, v42;
	v37 =	vand.u32 $0x7F, v37;
	v38 =	vor.u32 v38, v40  }
0x2e9: {  	v39 =	vmul.f32 $3.333333430e-01, v39;
	v40 =	vmul.f32 $3.333333430e-01, v41;
	v41 =	vld [tilespmem:s26+$0x80];
	v37 =	vor.u32 v37, v38  }
0x2ea: {  	v32 =	vor.u32 v32, v35;
	v36 =	vcvt.f32.s32 v36;
	v34 =	vcvt.f32.s32 v34;
	v38 =	vld [tilespmem:s26+$0xFFFFFF00]  }
0x2eb: {  	v29 =	vand.u32 $0x7F, v29;
	v35 =	vtrunc.f32 v42;
	v33 =	vcvt.f32.s32 v33;
	v42 =	vld [tilespmem:s26+$0xFFFFFF80]  }
0x2ec: {  	v39 =	vtrunc.f32 v39;
	v43 =	vmul.u32 $0xFFFFFF20, v34;
	v40 =	vtrunc.f32 v40;
	v44 =	vld [tilespmem:s26+$0x0]  }
0x2ed: {  	v35 =	vcvt.f32.s32 v35;
	v45 =	vmul.u32 $0xFFFFFF20, v36;
	v46 =	vmul.u32 $0xFFFFFF20, v33  }
0x2ee: {  	v39 =	vcvt.f32.s32 v39;
	v47 =	vshll.u32 v34, $0x8;
	v40 =	vcvt.f32.s32 v40;
	[tilespmem:v37+s17+$0x0] =	vst.idx.add.f32.msk $0xffff, v41  }
0x2ef: {  	v35 =	vadd.s32 v35, v43;
	v37 =	vshll.u32 v36, $0x8;
	v41 =	vshll.u32 v33, $0x8;
	v43 =	vld [tilespmem:s29+$0x90]  }
0x2f0: {  	v39 =	vadd.s32 v39, v45;
	v48 =	vshll.u32 v35, $0x3;
	v40 =	vadd.s32 v40, v46  }
0x2f1: {  	v45 =	vand.u32 $0xFFFFFC00, v48;
	v46 =	vshll.u32 v39, $0x3;
	v48 =	vshll.u32 v40, $0x3  }
0x2f2: {  	v47 =	vand.u32 $0xFFFFF800, v47;
	v46 =	vand.u32 $0xFFFFFC00, v46;
	v48 =	vand.u32 $0xFFFFFC00, v48  }
0x2f3: {  	v34 =	vshll.u32 v34, $0x7;
	v37 =	vand.u32 $0xFFFFF800, v37;
	v41 =	vand.u32 $0xFFFFF800, v41  }
0x2f4: {  	v36 =	vshll.u32 v36, $0x7;
	v33 =	vshll.u32 v33, $0x7;
	v49 =	vshrl.u32 v43, $0xB  }
0x2f5: {  	v45 =	vadd.s32 v47, v45;
	v37 =	vadd.s32 v37, v46;
	v46 =	vcvt.s32.f32 v49  }
0x2f6: {  	v34 =	vand.u32 $0x380, v34;
	v41 =	vadd.s32 v41, v48;
	v43 =	vshrl.u32 v43, $0x6  }
0x2f7: {  	v36 =	vand.u32 $0x380, v36;
	v43 =	vcvt.s32.f32 v43;
	v46 =	vmul.f32 $4.761904850e-02, v46  }
0x2f8: {  	v34 =	vor.u32 v34, v45;
	v33 =	vand.u32 $0x380, v33;
	v36 =	vor.u32 v36, v37  }
0x2f9: {  	v33 =	vor.u32 v33, v41;
	v37 =	vmul.f32 $3.333333430e-01, v43;
	v41 =	vtrunc.f32 v46  }
0x2fa: {  	v35 =	vand.u32 $0x7F, v35;
	v39 =	vand.u32 $0x7F, v39;
	v41 =	vcvt.f32.s32 v41  }
0x2fb: {  	v34 =	vor.u32 v35, v34;
	v35 =	vand.u32 $0x7F, v40;
	v37 =	vtrunc.f32 v37  }
0x2fc: {  	v36 =	vor.u32 v39, v36;
	v37 =	vcvt.f32.s32 v37;
	v39 =	vmul.u32 $0xFFFFFF20, v41  }
0x2fd: {  	v27 =	vand.u32 $0x7F, v27;
	v28 =	vand.u32 $0x7F, v28;
	v33 =	vor.u32 v35, v33  }
0x2fe: {  	v30 =	vor.u32 v29, v30;
	v31 =	vor.u32 v27, v31;
	v35 =	vadd.s32 v37, v39  }
0x2ff: {  	v32 =	vor.u32 v28, v32;
	v27 =	vshll.u32 v41, $0x8;
	v29 =	vshll.u32 v35, $0x3  }
0x300: {  	v27 =	vand.u32 $0xFFFFF800, v27;
	[tilespmem:v34+s17+$0x0] =	vst.idx.add.f32.msk $0xffff, v38;
	v28 =	vand.u32 $0xFFFFFC00, v29;
	v29 =	vshll.u32 v41, $0x7  }
0x301: {  	[tilespmem:v36+s17+$0x0] =	vst.idx.add.f32.msk $0xffff, v42;
	v27 =	vadd.s32 v27, v28;
	v28 =	vand.u32 $0x380, v29;
	v29 =	vshrl.u32 v16, $0xB  }
0x302: {  	v18 =	vcvt.s32.f32 v18;
	[tilespmem:v33+s17+$0x0] =	vst.idx.add.f32.msk $0xffff, v44;
	v33 =	vand.u32 $0x7F, v35;
	v27 =	vor.u32 v28, v27  }
0x303: {  	v26 =	vcvt.s32.f32 v26;
	v28 =	vld [tilespmem:s26+$0x90];
	v33 =	vor.u32 v33, v27;
	v27 =	vcvt.s32.f32 v29  }
0x304: {  	v10 =	vshrl.u32 v10, $0x6;
	v11 =	vshrl.u32 v11, $0x6;
	v16 =	vshrl.u32 v16, $0x6;
	v29 =	vld [tilespmem:s29+$0xFFFFFF10]  }
0x305: {  	v18 =	vmul.f32 $4.761904850e-02, v18;
	v36 =	vand.u32 $0xFFFFFC00, v13;
	v35 =	vmul.f32 $4.761904850e-02, v26;
	v34 =	vld [tilespmem:s29+$0xFFFFFF90]  }
0x306: {  	v10 =	vcvt.s32.f32 v10;
	v26 =	vand.u32 $0xFFFFFC00, v14;
	v38 =	vmul.f32 $4.761904850e-02, v27;
	v37 =	vld [tilespmem:s29+$0x10]  }
0x307: {  	v39 =	vand.u32 $0xFFFFF800, v12;
	v13 =	vcvt.s32.f32 v11;
	v11 =	vcvt.s32.f32 v16;
	v27 =	vld [tilespmem:s26+$0xFFFFFF10]  }
0x308: {  	v14 =	vtrunc.f32 v18;
	v18 =	vand.u32 $0xFFFFF800, v15;
	v12 =	vtrunc.f32 v35;
	[tilespmem:v33+s17+$0x0] =	vst.idx.add.f32.msk $0xffff, v28  }
0x309: {  	v15 =	vtrunc.f32 v38;
	v16 =	vshrl.u32 v29, $0x6;
	v28 =	vshrl.u32 v29, $0xB;
	v33 =	vld [tilespmem:s29+$0xA0]  }
0x30a: {  	v35 =	vcvt.s32.f32 v28;
	v28 =	vld [tilespmem:s26+$0xFFFFFF90];
	v38 =	vshrl.u32 v34, $0x6;
	v29 =	vshrl.u32 v34, $0xB  }
0x30b: {  	v34 =	vcvt.s32.f32 v29;
	v29 =	vld [tilespmem:s26+$0x10];
	v40 =	vshrl.u32 v37, $0x6;
	v37 =	vshrl.u32 v37, $0xB  }
0x30c: {  	v35 =	vmul.f32 $4.761904850e-02, v35;
	v37 =	vcvt.s32.f32 v37;
	[tilespmem:v30+s17+$0x0] =	vst.idx.add.f32.msk $0xffff, v23;
	v30 =	vand.u32 $0xFFFFF800, v22  }
0x30d: {  	v16 =	vcvt.s32.f32 v16;
	v22 =	vshll.u32 v21, $0x7;
	v34 =	vmul.f32 $4.761904850e-02, v34;
	[tilespmem:v31+s17+$0x0] =	vst.idx.add.f32.msk $0xffff, v24  }
0x30e: {  	v24 =	vcvt.s32.f32 v38;
	v21 =	vmul.f32 $4.761904850e-02, v37;
	v23 =	vshrl.u32 v33, $0xB;
	[tilespmem:v32+s17+$0x0] =	vst.idx.add.f32.msk $0xffff, v25  }
0x30f: {  	v25 =	vcvt.s32.f32 v40;
	v31 =	vcvt.s32.f32 v23;
	v32 =	vld [tilespmem:s24+$0xFFFFFF50];
	v23 =	vshll.u32 v20, $0x7  }
0x310: {  	v35 =	vtrunc.f32 v35;
	v34 =	vtrunc.f32 v34;
	v20 =	vshrl.u32 v33, $0x6;
	v33 =	vld [tilespmem:s24+$0xFFFFFFD0]  }
0x311: {  	v19 =	vshll.u32 v19, $0x7;
	v37 =	vcvt.s32.f32 v20;
	v31 =	vmul.f32 $4.761904850e-02, v31;
	v38 =	vld [tilespmem:s24+$0x50]  }
0x312: {  	v40 =	vmul.f32 $3.333333430e-01, v16;
	v41 =	vtrunc.f32 v21;
	v20 =	vadd.s32 v39, v17;
	v16 =	vld [tilespmem:s25+$0xFFFFFF50]  }
0x313: {  	v21 =	vadd.s32 v18, v36;
	v37 =	vmul.f32 $3.333333430e-01, v37;
	v31 =	vtrunc.f32 v31;
	v17 =	vld [tilespmem:s25+$0xFFFFFFD0]  }
0x314: {  	v24 =	vmul.f32 $3.333333430e-01, v24;
	v31 =	vcvt.f32.s32 v31;
	v36 =	vshrl.u32 v32, $0xB;
	v18 =	vld [tilespmem:s25+$0x50]  }
0x315: {  	v25 =	vmul.f32 $3.333333430e-01, v25;
	v37 =	vtrunc.f32 v37;
	v39 =	vshrl.u32 v33, $0xB  }
0x316: {  	v35 =	vcvt.f32.s32 v35;
	v37 =	vcvt.f32.s32 v37;
	v42 =	vmul.u32 $0xFFFFFF20, v31  }
0x317: {  	v34 =	vcvt.f32.s32 v34;
	v41 =	vcvt.f32.s32 v41;
	v43 =	vshrl.u32 v38, $0xB  }
0x318: {  	v40 =	vtrunc.f32 v40;
	v24 =	vtrunc.f32 v24;
	v37 =	vadd.s32 v37, v42  }
0x319: {  	v25 =	vtrunc.f32 v25;
	v42 =	vshll.u32 v31, $0x8;
	v44 =	vshll.u32 v37, $0x3  }
0x31a: {  	v31 =	vshll.u32 v31, $0x7;
	v42 =	vand.u32 $0xFFFFF800, v42;
	v44 =	vand.u32 $0xFFFFFC00, v44  }
0x31b: {  	v45 =	vmul.u32 $0xFFFFFF20, v35;
	v31 =	vand.u32 $0x380, v31;
	v42 =	vadd.s32 v42, v44  }
0x31c: {  	v37 =	vand.u32 $0x7F, v37;
	v44 =	vmul.u32 $0xFFFFFF20, v34;
	v31 =	vor.u32 v31, v42  }
0x31d: {  	v40 =	vcvt.f32.s32 v40;
	v42 =	vmul.u32 $0xFFFFFF20, v41;
	v46 =	vld [tilespmem:s26+$0xA0];
	v31 =	vor.u32 v37, v31  }
0x31e: {  	v24 =	vcvt.f32.s32 v24;
	v25 =	vcvt.f32.s32 v25;
	v37 =	vshll.u32 v35, $0x8  }
0x31f: {  	v40 =	vadd.s32 v40, v45;
	v45 =	vshll.u32 v34, $0x8;
	v47 =	vshll.u32 v41, $0x8  }
0x320: {  	v48 =	vshll.u32 v40, $0x3;
	v24 =	vadd.s32 v24, v44;
	v25 =	vadd.s32 v25, v42  }
0x321: {  	v42 =	vand.u32 $0xFFFFFC00, v48;
	v44 =	vshll.u32 v24, $0x3;
	v48 =	vshll.u32 v25, $0x3  }
0x322: {  	v37 =	vand.u32 $0xFFFFF800, v37;
	v44 =	vand.u32 $0xFFFFFC00, v44;
	v48 =	vand.u32 $0xFFFFFC00, v48;
	[tilespmem:v31+s17+$0x0] =	vst.idx.add.f32.msk $0xffff, v46  }
0x323: {  	v31 =	vshll.u32 v35, $0x7;
	v35 =	vand.u32 $0xFFFFF800, v45;
	v45 =	vand.u32 $0xFFFFF800, v47;
	v46 =	vld [tilespmem:s29+$0xB0]  }
0x324: {  	v34 =	vshll.u32 v34, $0x7;
	v41 =	vshll.u32 v41, $0x7;
	v37 =	vadd.s32 v37, v42  }
0x325: {  	v31 =	vand.u32 $0x380, v31;
	v35 =	vadd.s32 v35, v44;
	v42 =	vadd.s32 v45, v48  }
0x326: {  	v34 =	vand.u32 $0x380, v34;
	v31 =	vor.u32 v31, v37;
	v37 =	vand.u32 $0x380, v41  }
0x327: {  	v40 =	vand.u32 $0x7F, v40;
	v34 =	vor.u32 v34, v35;
	v35 =	vor.u32 v37, v42  }
0x328: {  	v24 =	vand.u32 $0x7F, v24;
	v25 =	vand.u32 $0x7F, v25;
	v37 =	vshrl.u32 v46, $0xB  }
0x329: {  	v31 =	vor.u32 v40, v31;
	v24 =	vor.u32 v24, v34;
	v34 =	vcvt.s32.f32 v37  }
0x32a: {  	v36 =	vcvt.s32.f32 v36;
	v25 =	vor.u32 v25, v35;
	v35 =	vshrl.u32 v46, $0x6  }
0x32b: {  	v32 =	vshrl.u32 v32, $0x6;
	v35 =	vcvt.s32.f32 v35;
	v34 =	vmul.f32 $4.761904850e-02, v34  }
0x32c: {  	v33 =	vshrl.u32 v33, $0x6;
	v37 =	vcvt.s32.f32 v39;
	v39 =	vcvt.s32.f32 v43  }
0x32d: {  	v38 =	vshrl.u32 v38, $0x6;
	v35 =	vmul.f32 $3.333333430e-01, v35;
	v34 =	vtrunc.f32 v34  }
0x32e: {  	[tilespmem:v31+s17+$0x0] =	vst.idx.add.f32.msk $0xffff, v27;
	v31 =	vcvt.f32.s32 v34;
	v34 =	vmul.f32 $4.761904850e-02, v36;
	v36 =	vadd.s32 v30, v26  }
0x32f: {  	v30 =	vmul.f32 $4.761904850e-02, v37;
	[tilespmem:v24+s17+$0x0] =	vst.idx.add.f32.msk $0xffff, v28;
	v24 =	vtrunc.f32 v35;
	v35 =	vand.u32 $0x380, v22  }
0x330: {  	v37 =	vmul.f32 $4.761904850e-02, v39;
	[tilespmem:v25+s17+$0x0] =	vst.idx.add.f32.msk $0xffff, v29;
	v22 =	vcvt.f32.s32 v24;
	v24 =	vmul.u32 $0xFFFFFF20, v31  }
0x331: {  	v27 =	vcvt.s32.f32 v32;
	v32 =	vand.u32 $0x380, v23;
	v25 =	vcvt.s32.f32 v33;
	v39 =	vld [tilespmem:s29+$0xFFFFFF20]  }
0x332: {  	v28 =	vcvt.s32.f32 v38;
	v26 =	vtrunc.f32 v34;
	v33 =	vld [tilespmem:s29+$0xFFFFFFA0];
	v40 =	vadd.s32 v22, v24  }
0x333: {  	v23 =	vshll.u32 v31, $0x8;
	v29 =	vtrunc.f32 v30;
	v34 =	vld [tilespmem:s29+$0x20];
	v24 =	vshll.u32 v40, $0x3  }
0x334: {  	v31 =	vshll.u32 v31, $0x7;
	v30 =	vand.u32 $0xFFFFF800, v23;
	v22 =	vld [tilespmem:s26+$0xFFFFFF20];
	v24 =	vand.u32 $0xFFFFFC00, v24  }
0x335: {  	v31 =	vand.u32 $0x380, v31;
	v23 =	vld [tilespmem:s26+$0xFFFFFFA0];
	v38 =	vadd.s32 v30, v24;
	v30 =	vtrunc.f32 v37  }
0x336: {  	v40 =	vand.u32 $0x7F, v40;
	v37 =	vshrl.u32 v39, $0xB;
	v24 =	vld [tilespmem:s26+$0x20];
	v31 =	vor.u32 v31, v38  }
0x337: {  	v37 =	vcvt.s32.f32 v37;
	v38 =	vshrl.u32 v33, $0xB;
	v41 =	vld [tilespmem:s26+$0xB0];
	v31 =	vor.u32 v40, v31  }
0x338: {  	v39 =	vshrl.u32 v39, $0x6;
	v38 =	vcvt.s32.f32 v38;
	v40 =	vshrl.u32 v34, $0xB  }
0x339: {  	v33 =	vshrl.u32 v33, $0x6;
	v34 =	vshrl.u32 v34, $0x6;
	v40 =	vcvt.s32.f32 v40  }
0x33a: {  	v19 =	vand.u32 $0x380, v19;
	v37 =	vmul.f32 $4.761904850e-02, v37;
	v38 =	vmul.f32 $4.761904850e-02, v38  }
0x33b: {  	v20 =	vor.u32 v35, v20;
	v39 =	vcvt.s32.f32 v39;
	v40 =	vmul.f32 $4.761904850e-02, v40  }
0x33c: {  	v21 =	vor.u32 v32, v21;
	v33 =	vcvt.s32.f32 v33;
	v34 =	vcvt.s32.f32 v34;
	[tilespmem:v31+s17+$0x0] =	vst.idx.add.f32.msk $0xffff, v41  }
0x33d: {  	v19 =	vor.u32 v19, v36;
	v31 =	vtrunc.f32 v37;
	v32 =	vtrunc.f32 v38;
	v35 =	vld [tilespmem:s29+$0xC0]  }
0x33e: {  	v7 =	vand.u32 $0x7F, v7;
	v36 =	vmul.f32 $3.333333430e-01, v39;
	v37 =	vtrunc.f32 v40  }
0x33f: {  	v8 =	vand.u32 $0x7F, v8;
	v33 =	vmul.f32 $3.333333430e-01, v33;
	v34 =	vmul.f32 $3.333333430e-01, v34  }
0x340: {  	v9 =	vand.u32 $0x7F, v9;
	v31 =	vcvt.f32.s32 v31;
	v32 =	vcvt.f32.s32 v32  }
0x341: {  	v7 =	vor.u32 v7, v20;
	v36 =	vtrunc.f32 v36;
	v37 =	vcvt.f32.s32 v37  }
0x342: {  	v20 =	vtrunc.f32 v33;
	v33 =	vtrunc.f32 v34;
	v34 =	vshrl.u32 v35, $0xB  }
0x343: {  	v38 =	vmul.u32 $0xFFFFFF20, v31;
	v39 =	vmul.u32 $0xFFFFFF20, v32;
	v34 =	vcvt.s32.f32 v34  }
0x344: {  	v36 =	vcvt.f32.s32 v36;
	v40 =	vmul.u32 $0xFFFFFF20, v37;
	v35 =	vshrl.u32 v35, $0x6  }
0x345: {  	v41 =	vshll.u32 v31, $0x8;
	v35 =	vcvt.s32.f32 v35;
	v34 =	vmul.f32 $4.761904850e-02, v34  }
0x346: {  	v20 =	vcvt.f32.s32 v20;
	v33 =	vcvt.f32.s32 v33;
	v36 =	vadd.s32 v36, v38;
	[tilespmem:v7+s17+$0x0] =	vst.idx.add.f32.msk $0xffff, v1;
	v1 =	vmovc v6  }
0x347: {  	v6 =	vshll.u32 v36, $0x3;
	v7 =	vmul.f32 $3.333333430e-01, v35;
	v34 =	vtrunc.f32 v34  }
0x348: {  	v20 =	vadd.s32 v20, v39;
	v33 =	vadd.s32 v33, v40;
	v34 =	vcvt.f32.s32 v34  }
0x349: {  	v38 =	vshll.u32 v33, $0x3;
	v35 =	vshll.u32 v20, $0x3;
	v7 =	vtrunc.f32 v7  }
0x34a: {  	v39 =	vshll.u32 v32, $0x8;
	v7 =	vcvt.f32.s32 v7;
	v40 =	vmul.u32 $0xFFFFFF20, v34  }
0x34b: {  	v42 =	vshll.u32 v37, $0x8;
	v6 =	vand.u32 $0xFFFFFC00, v6;
	v35 =	vand.u32 $0xFFFFFC00, v35  }
0x34c: {  	v41 =	vand.u32 $0xFFFFF800, v41;
	v38 =	vand.u32 $0xFFFFFC00, v38;
	v7 =	vadd.s32 v7, v40  }
0x34d: {  	v39 =	vand.u32 $0xFFFFF800, v39;
	v40 =	vshll.u32 v34, $0x8;
	v43 =	vshll.u32 v7, $0x3  }
0x34e: {  	v34 =	vshll.u32 v34, $0x7;
	v40 =	vand.u32 $0xFFFFF800, v40;
	v43 =	vand.u32 $0xFFFFFC00, v43  }
0x34f: {  	v42 =	vand.u32 $0xFFFFF800, v42;
	v34 =	vand.u32 $0x380, v34;
	v40 =	vadd.s32 v40, v43  }
0x350: {  	v31 =	vshll.u32 v31, $0x7;
	v7 =	vand.u32 $0x7F, v7;
	v34 =	vor.u32 v34, v40  }
0x351: {  	v37 =	vshll.u32 v37, $0x7;
	v32 =	vshll.u32 v32, $0x7;
	v40 =	vld [tilespmem:s26+$0xC0];
	v7 =	vor.u32 v7, v34  }
0x352: {  	v6 =	vadd.s32 v41, v6;
	v34 =	vadd.s32 v39, v35;
	v35 =	vadd.s32 v42, v38  }
0x353: {  	v31 =	vand.u32 $0x380, v31;
	v37 =	vand.u32 $0x380, v37;
	v32 =	vand.u32 $0x380, v32  }
0x354: {  	v6 =	vor.u32 v31, v6;
	v31 =	vor.u32 v32, v34;
	v32 =	vor.u32 v37, v35  }
0x355: {  	v33 =	vand.u32 $0x7F, v33;
	v20 =	vand.u32 $0x7F, v20;
	v34 =	vand.u32 $0x7F, v36  }
0x356: {  	v34 =	vor.u32 v34, v6;
	v20 =	vor.u32 v20, v31;
	v6 =	vmul.f32 $3.333333430e-01, v27;
	[tilespmem:v7+s17+$0x0] =	vst.idx.add.f32.msk $0xffff, v40  }
0x357: {  	v28 =	vmul.f32 $3.333333430e-01, v28;
	v25 =	vmul.f32 $3.333333430e-01, v25;
	v7 =	vor.u32 v33, v32;
	v27 =	vld [tilespmem:s29+$0xD0]  }
0x358: {  	v26 =	vcvt.f32.s32 v26;
	v29 =	vcvt.f32.s32 v29;
	v31 =	vor.u32 v8, v21  }
0x359: {  	v8 =	vtrunc.f32 v6;
	v6 =	vcvt.f32.s32 v30;
	v30 =	vor.u32 v9, v19  }
0x35a: {  	v21 =	vtrunc.f32 v28;
	v9 =	vmul.u32 $0xFFFFFF20, v26;
	v19 =	vtrunc.f32 v25  }
0x35b: {  	v8 =	vcvt.f32.s32 v8;
	v25 =	vmul.u32 $0xFFFFFF20, v6;
	[tilespmem:v34+s17+$0x0] =	vst.idx.add.f32.msk $0xffff, v22;
	v22 =	vmul.u32 $0xFFFFFF20, v29  }
0x35c: {  	v21 =	vcvt.f32.s32 v21;
	v19 =	vcvt.f32.s32 v19;
	[tilespmem:v20+s17+$0x0] =	vst.idx.add.f32.msk $0xffff, v23;
	v20 =	vshrl.u32 v27, $0xB  }
0x35d: {  	v8 =	vadd.s32 v8, v9;
	[tilespmem:v7+s17+$0x0] =	vst.idx.add.f32.msk $0xffff, v24;
	v20 =	vcvt.s32.f32 v20;
	v24 =	vshll.u32 v26, $0x8  }
0x35e: {  	v23 =	vshrl.u32 v27, $0x6;
	v9 =	vadd.s32 v19, v22;
	v7 =	vadd.s32 v21, v25;
	v28 =	vld [tilespmem:s29+$0xFFFFFF30]  }
0x35f: {  	v21 =	vcvt.s32.f32 v23;
	v22 =	vshll.u32 v8, $0x3;
	v25 =	vld [tilespmem:s29+$0xFFFFFFB0];
	v20 =	vmul.f32 $4.761904850e-02, v20  }
0x360: {  	v32 =	vshll.u32 v29, $0x8;
	v23 =	vshll.u32 v9, $0x3;
	v33 =	vshll.u32 v7, $0x3;
	v27 =	vld [tilespmem:s29+$0x30]  }
0x361: {  	v35 =	vshll.u32 v6, $0x8;
	v34 =	vmul.f32 $3.333333430e-01, v21;
	v19 =	vld [tilespmem:s26+$0xFFFFFF30];
	v21 =	vtrunc.f32 v20  }
0x362: {  	v22 =	vand.u32 $0xFFFFFC00, v22;
	v23 =	vand.u32 $0xFFFFFC00, v23;
	v20 =	vld [tilespmem:s26+$0xFFFFFFB0];
	v36 =	vcvt.f32.s32 v21  }
0x363: {  	v34 =	vtrunc.f32 v34;
	v37 =	vshrl.u32 v28, $0x6;
	v28 =	vshrl.u32 v28, $0xB;
	v21 =	vld [tilespmem:s26+$0x30]  }
0x364: {  	v34 =	vcvt.f32.s32 v34;
	v38 =	vshrl.u32 v25, $0xB;
	v39 =	vmul.u32 $0xFFFFFF20, v36;
	[tilespmem:v31+s17+$0x0] =	vst.idx.add.f32.msk $0xffff, v2;
	v2 =	vmovc v4  }
0x365: {  	v4 =	vcvt.s32.f32 v28;
	v28 =	vcvt.s32.f32 v38;
	v31 =	vshrl.u32 v27, $0xB;
	[tilespmem:v30+s17+$0x0] =	vst.idx.add.f32.msk $0xffff, v3;
	v3 =	vmovc v5  }
0x366: {  	v5 =	vshrl.u32 v25, $0x6;
	v25 =	vcvt.s32.f32 v31;
	v30 =	vadd.s32 v34, v39  }
0x367: {  	v27 =	vshrl.u32 v27, $0x6;
	v31 =	vshll.u32 v36, $0x8;
	v34 =	vshll.u32 v30, $0x3  }
0x368: {  	v36 =	vshll.u32 v36, $0x7;
	v31 =	vand.u32 $0xFFFFF800, v31;
	v34 =	vand.u32 $0xFFFFFC00, v34  }
0x369: {  	v4 =	vmul.f32 $4.761904850e-02, v4;
	v31 =	vadd.s32 v31, v34;
	v34 =	vand.u32 $0x380, v36  }
0x36a: {  	v28 =	vmul.f32 $4.761904850e-02, v28;
	v30 =	vand.u32 $0x7F, v30;
	v31 =	vor.u32 v34, v31  }
0x36b: {  	v25 =	vmul.f32 $4.761904850e-02, v25;
	v34 =	vcvt.s32.f32 v37;
	v36 =	vld [tilespmem:s26+$0xD0];
	v30 =	vor.u32 v30, v31  }
0x36c: {  	v5 =	vcvt.s32.f32 v5;
	v27 =	vcvt.s32.f32 v27;
	v31 =	vand.u32 $0xFFFFFC00, v33  }
0x36d: {  	v24 =	vand.u32 $0xFFFFF800, v24;
	v4 =	vtrunc.f32 v4;
	v28 =	vtrunc.f32 v28  }
0x36e: {  	v32 =	vand.u32 $0xFFFFF800, v32;
	v25 =	vtrunc.f32 v25;
	v33 =	vmul.f32 $3.333333430e-01, v34  }
0x36f: {  	v5 =	vmul.f32 $3.333333430e-01, v5;
	v27 =	vmul.f32 $3.333333430e-01, v27;
	v34 =	vand.u32 $0xFFFFF800, v35  }
0x370: {  	v26 =	vshll.u32 v26, $0x7;
	v4 =	vcvt.f32.s32 v4;
	v28 =	vcvt.f32.s32 v28;
	[tilespmem:v30+s17+$0x0] =	vst.idx.add.f32.msk $0xffff, v36  }
0x371: {  	v29 =	vshll.u32 v29, $0x7;
	v25 =	vcvt.f32.s32 v25;
	v30 =	vtrunc.f32 v33;
	v33 =	vld [tilespmem:s29+$0xE0]  }
0x372: {  	v5 =	vtrunc.f32 v5;
	v27 =	vtrunc.f32 v27;
	v35 =	vmul.u32 $0xFFFFFF20, v4  }
0x373: {  	v37 =	vmul.u32 $0xFFFFFF20, v25;
	v36 =	vmul.u32 $0xFFFFFF20, v28;
	v30 =	vcvt.f32.s32 v30  }
0x374: {  	v38 =	vshll.u32 v4, $0x8;
	v5 =	vcvt.f32.s32 v5;
	v27 =	vcvt.f32.s32 v27  }
0x375: {  	v39 =	vshll.u32 v25, $0x8;
	v30 =	vadd.s32 v30, v35;
	v35 =	vshll.u32 v28, $0x8  }
0x376: {  	v27 =	vadd.s32 v27, v37;
	v5 =	vadd.s32 v5, v36;
	v36 =	vshrl.u32 v33, $0xB  }
0x377: {  	v40 =	vshll.u32 v5, $0x3;
	v37 =	vshll.u32 v30, $0x3;
	v36 =	vcvt.s32.f32 v36  }
0x378: {  	v41 =	vshll.u32 v27, $0x3;
	v37 =	vand.u32 $0xFFFFFC00, v37;
	v33 =	vshrl.u32 v33, $0x6  }
0x379: {  	v40 =	vand.u32 $0xFFFFFC00, v40;
	v33 =	vcvt.s32.f32 v33;
	v36 =	vmul.f32 $4.761904850e-02, v36  }
0x37a: {  	v38 =	vand.u32 $0xFFFFF800, v38;
	v41 =	vand.u32 $0xFFFFFC00, v41;
	v35 =	vand.u32 $0xFFFFF800, v35  }
0x37b: {  	v39 =	vand.u32 $0xFFFFF800, v39;
	v33 =	vmul.f32 $3.333333430e-01, v33;
	v36 =	vtrunc.f32 v36  }
0x37c: {  	v4 =	vshll.u32 v4, $0x7;
	v28 =	vshll.u32 v28, $0x7;
	v36 =	vcvt.f32.s32 v36  }
0x37d: {  	v25 =	vshll.u32 v25, $0x7;
	v37 =	vadd.s32 v38, v37;
	v33 =	vtrunc.f32 v33  }
0x37e: {  	v35 =	vadd.s32 v35, v40;
	v33 =	vcvt.f32.s32 v33;
	v38 =	vmul.u32 $0xFFFFFF20, v36  }
0x37f: {  	v4 =	vand.u32 $0x380, v4;
	v39 =	vadd.s32 v39, v41;
	v28 =	vand.u32 $0x380, v28  }
0x380: {  	v25 =	vand.u32 $0x380, v25;
	v4 =	vor.u32 v4, v37;
	v33 =	vadd.s32 v33, v38  }
0x381: {  	v28 =	vor.u32 v28, v35;
	v35 =	vshll.u32 v36, $0x8;
	v37 =	vshll.u32 v33, $0x3  }
0x382: {  	v36 =	vshll.u32 v36, $0x7;
	v35 =	vand.u32 $0xFFFFF800, v35;
	v37 =	vand.u32 $0xFFFFFC00, v37  }
0x383: {  	v25 =	vor.u32 v25, v39;
	v36 =	vand.u32 $0x380, v36;
	v35 =	vadd.s32 v35, v37  }
0x384: {  	v30 =	vand.u32 $0x7F, v30;
	v33 =	vand.u32 $0x7F, v33;
	v35 =	vor.u32 v36, v35  }
0x385: {  	v27 =	vand.u32 $0x7F, v27;
	v5 =	vand.u32 $0x7F, v5;
	v36 =	vld [tilespmem:s26+$0xE0];
	v33 =	vor.u32 v33, v35  }
0x386: {  	v25 =	vor.u32 v27, v25;
	v5 =	vor.u32 v5, v28;
	v4 =	vor.u32 v30, v4  }
0x387: {  	v6 =	vshll.u32 v6, $0x7;
	v22 =	vadd.s32 v24, v22;
	v23 =	vadd.s32 v32, v23  }
0x388: {  	v24 =	vand.u32 $0x380, v26;
	v26 =	vand.u32 $0x380, v29;
	v27 =	vadd.s32 v34, v31  }
0x389: {  	v6 =	vand.u32 $0x380, v6;
	v22 =	vor.u32 v24, v22;
	v23 =	vor.u32 v26, v23  }
0x38a: {  	v8 =	vand.u32 $0x7F, v8;
	v9 =	vand.u32 $0x7F, v9;
	v6 =	vor.u32 v6, v27;
	[tilespmem:v33+s17+$0x0] =	vst.idx.add.f32.msk $0xffff, v36  }
0x38b: {  	v7 =	vand.u32 $0x7F, v7;
	[tilespmem:v4+s17+$0x0] =	vst.idx.add.f32.msk $0xffff, v19;
	v4 =	vor.u32 v8, v22;
	v8 =	vor.u32 v9, v23  }
0x38c: {  	[tilespmem:v5+s17+$0x0] =	vst.idx.add.f32.msk $0xffff, v20;
	v5 =	vor.u32 v7, v6;
	v6 =	vmul.f32 $3.333333430e-01, v10;
	v7 =	vmul.f32 $3.333333430e-01, v13  }
0x38d: {  	v9 =	vmul.f32 $3.333333430e-01, v11;
	[tilespmem:v25+s17+$0x0] =	vst.idx.add.f32.msk $0xffff, v21;
	v21 =	vcvt.f32.s32 v14  }
0x38e: {  	v19 =	vcvt.f32.s32 v15;
	v20 =	vcvt.f32.s32 v12;
	v10 =	vld [tilespmem:s29+$0xFFFFFF40]  }
0x38f: {  	v6 =	vtrunc.f32 v6;
	v7 =	vtrunc.f32 v7;
	v11 =	vld [tilespmem:s29+$0xFFFFFFC0];
	v13 =	vmul.u32 $0xFFFFFF20, v21  }
0x390: {  	v9 =	vtrunc.f32 v9;
	v27 =	vmul.u32 $0xFFFFFF20, v19;
	v26 =	vmul.u32 $0xFFFFFF20, v20;
	v14 =	vld [tilespmem:s29+$0x40]  }
0x391: {  	v6 =	vcvt.f32.s32 v6;
	v12 =	vshll.u32 v21, $0x8;
	v28 =	vcvt.f32.s32 v7;
	v23 =	vld [tilespmem:s26+$0xFFFFFF40]  }
0x392: {  	v22 =	vshll.u32 v19, $0x8;
	v15 =	vshll.u32 v20, $0x8;
	v9 =	vcvt.f32.s32 v9;
	v24 =	vld [tilespmem:s26+$0xFFFFFFC0]  }
0x393: {  	v7 =	vadd.s32 v6, v13;
	v29 =	vshrl.u32 v10, $0x6;
	v10 =	vshrl.u32 v10, $0xB;
	v25 =	vld [tilespmem:s26+$0x40]  }
0x394: {  	v6 =	vcvt.s32.f32 v10;
	v13 =	vshrl.u32 v11, $0x6;
	v10 =	vshrl.u32 v11, $0xB;
	[tilespmem:v4+s17+$0x0] =	vst.idx.add.f32.msk $0xffff, v16  }
0x395: {  	v4 =	vcvt.s32.f32 v10;
	v16 =	vshrl.u32 v14, $0x6;
	v10 =	vshrl.u32 v14, $0xB;
	[tilespmem:v8+s17+$0x0] =	vst.idx.add.f32.msk $0xffff, v17  }
0x396: {  	v8 =	vadd.s32 v28, v26;
	v6 =	vmul.f32 $4.761904850e-02, v6;
	v11 =	vcvt.s32.f32 v10;
	[tilespmem:v5+s17+$0x0] =	vst.idx.add.f32.msk $0xffff, v18  }
0x397: {  	v9 =	vadd.s32 v9, v27;
	v5 =	vcvt.s32.f32 v29;
	v4 =	vmul.f32 $4.761904850e-02, v4;
	v10 =	vld [tilespmem:s24+$0xFFFFFF60]  }
0x398: {  	v17 =	vcvt.s32.f32 v13;
	v18 =	vshll.u32 v7, $0x3;
	v14 =	vmul.f32 $4.761904850e-02, v11;
	v11 =	vld [tilespmem:s24+$0xFFFFFFE0]  }
0x399: {  	v27 =	vcvt.s32.f32 v16;
	v13 =	vshll.u32 v8, $0x3;
	v26 =	vtrunc.f32 v6;
	v16 =	vld [tilespmem:s24+$0x60];
	s24 =	smov.u32 s29  }
0x39a: {  	v28 =	vtrunc.f32 v4;
	v29 =	vtrunc.f32 v14;
	v6 =	vld [tilespmem:s25+$0xFFFFFF60];
	v14 =	vshll.u32 v9, $0x3  }
0x39b: {  	v34 =	vmul.f32 $3.333333430e-01, v17;
	v17 =	vand.u32 $0xFFFFFC00, v18;
	v33 =	vmul.f32 $3.333333430e-01, v5;
	v4 =	vld [tilespmem:s25+$0xFFFFFFE0]  }
0x39c: {  	v27 =	vmul.f32 $3.333333430e-01, v27;
	v30 =	vcvt.f32.s32 v26;
	v18 =	vshrl.u32 v10, $0xB;
	v5 =	vld [tilespmem:s25+$0x60];
	s25 =	smov.u32 s26  }
0x39d: {  	v31 =	vcvt.f32.s32 v28;
	v32 =	vcvt.f32.s32 v29;
	v26 =	vshrl.u32 v11, $0xB  }
.Ltmp1:
0x39e: {  	v34 =	vtrunc.f32 v34;
	v29 =	vtrunc.f32 v33;
	v33 =	vmul.u32 $0xFFFFFF20, v30;
	(pc) =	sbr.rel @p0 .LBB2_5-.Ltmp1, $4  }
0x39f: {  	v27 =	vtrunc.f32 v27;
	v37 =	vmul.u32 $0xFFFFFF20, v31;
	v28 =	vmul.u32 $0xFFFFFF20, v32  }
0x3a0: {  	v39 =	vcvt.f32.s32 v34;
	v38 =	vshll.u32 v30, $0x8;
	v29 =	vcvt.f32.s32 v29  }
0x3a1: {  	v36 =	vcvt.f32.s32 v27;
	v34 =	vshll.u32 v31, $0x8;
	v35 =	vshll.u32 v32, $0x8  }
0x3a2: {  	s29 =	sadd.s32 $0x200, s29;
	v29 =	vadd.s32 v29, v33;
	v33 =	vand.u32 $0xFFFFF800, v38;
	v27 =	vadd.s32 v39, v37  }
0x3a3: {  	v37 =	vshll.u32 v29, $0x3;
	v38 =	vshll.u32 v27, $0x3;
	v28 =	vadd.s32 v36, v28  }
0x3a4: {  	v34 =	vand.u32 $0xFFFFF800, v34;
	v35 =	vand.u32 $0xFFFFF800, v35;
	v30 =	vshll.u32 v30, $0x7  }
0x3a5: {  	v31 =	vshll.u32 v31, $0x7;
	v32 =	vshll.u32 v32, $0x7;
	v62 =	vand.u32 $0x7F, v29  }
0x3a6: {  	v63 =	vand.u32 $0x7F, v27;
	v18 =	vcvt.s32.f32 v18;
	v36 =	vcvt.s32.f32 v26  }
0x3a7: {  	v10 =	vshrl.u32 v10, $0x6;
	v11 =	vshrl.u32 v11, $0x6;
	v13 =	vand.u32 $0xFFFFFC00, v13  }
0x3a8: {  	v14 =	vand.u32 $0xFFFFFC00, v14;
	v12 =	vand.u32 $0xFFFFF800, v12;
	v59 =	vand.u32 $0xFFFFFC00, v37  }
0x3a9: {  	v60 =	vand.u32 $0xFFFFFC00, v38;
	v61 =	vshll.u32 v28, $0x3;
	v30 =	vand.u32 $0x380, v30  }
0x3aa: {  	v31 =	vand.u32 $0x380, v31;
	v32 =	vand.u32 $0x380, v32;
	v33 =	vadd.s32 v33, v59  }
0x3ab: {  	v38 =	vand.u32 $0xFFFFFC00, v61;
	v34 =	vadd.s32 v34, v60;
	v30 =	vor.u32 v30, v33  }
0x3ac: {  	v35 =	vadd.s32 v35, v38;
	v31 =	vor.u32 v31, v34;
	v29 =	vor.u32 v62, v30  }
0x3ad: {  	v28 =	vand.u32 $0x7F, v28;
	v33 =	vor.u32 v32, v35;
	v27 =	vor.u32 v63, v31  }
0x3ae: {  	v15 =	vand.u32 $0xFFFFF800, v15;
	v22 =	vand.u32 $0xFFFFF800, v22;
	v28 =	vor.u32 v28, v33  }
0x3af: {  	v21 =	vshll.u32 v21, $0x7;
	v20 =	vshll.u32 v20, $0x7;
	v19 =	vshll.u32 v19, $0x7  }
0x3b0: {  	v7 =	vand.u32 $0x7F, v7;
	v8 =	vand.u32 $0x7F, v8;
	v10 =	vcvt.s32.f32 v10  }
0x3b1: {  	v11 =	vcvt.s32.f32 v11;
	v18 =	vmul.f32 $4.761904850e-02, v18;
	v38 =	vshrl.u32 v16, $0x6;
	[tilespmem:v29+s17+$0x0] =	vst.idx.add.f32.msk $0xffff, v23  }
0x3b2: {  	v34 =	vshrl.u32 v16, $0xB;
	v10 =	vmul.f32 $3.333333430e-01, v10;
	v16 =	vcvt.s32.f32 v38;
	[tilespmem:v27+s17+$0x0] =	vst.idx.add.f32.msk $0xffff, v24  }
0x3b3: {  	v13 =	vadd.s32 v15, v13;
	v11 =	vmul.f32 $3.333333430e-01, v11;
	v18 =	vtrunc.f32 v18;
	[tilespmem:v28+s17+$0x0] =	vst.idx.add.f32.msk $0xffff, v25  }
0x3b4: {  	v20 =	vand.u32 $0x380, v20;
	v61 =	vcvt.f32.s32 v18;
	v62 =	vmul.f32 $3.333333430e-01, v16;
	v35 =	vld [tilespmem:s24+$0xFFFFFF50]  }
0x3b5: {  	v13 =	vor.u32 v20, v13;
	v10 =	vtrunc.f32 v10;
	v11 =	vtrunc.f32 v11;
	v37 =	vld [tilespmem:s24+$0xFFFFFFD0]  }
0x3b6: {  	v8 =	vor.u32 v8, v13;
	v10 =	vcvt.f32.s32 v10;
	v13 =	vtrunc.f32 v62;
	v39 =	vld [tilespmem:s24+$0x50]  }
0x3b7: {  	v9 =	vand.u32 $0x7F, v9;
	v23 =	vcvt.s32.f32 v34;
	v25 =	vmul.f32 $4.761904850e-02, v36  }
0x3b8: {  	v12 =	vadd.s32 v12, v17;
	v11 =	vcvt.f32.s32 v11;
	v13 =	vcvt.f32.s32 v13  }
0x3b9: {  	v23 =	vmul.f32 $4.761904850e-02, v23;
	v25 =	vtrunc.f32 v25;
	v40 =	vshrl.u32 v35, $0xB  }
0x3ba: {  	v41 =	vshrl.u32 v37, $0xB;
	v24 =	vshrl.u32 v35, $0x6;
	v26 =	vshrl.u32 v37, $0x6  }
0x3bb: {  	v42 =	vshrl.u32 v39, $0xB;
	v28 =	vcvt.s32.f32 v40;
	v29 =	vcvt.s32.f32 v41  }
0x3bc: {  	v27 =	vshrl.u32 v39, $0x6;
	v24 =	vcvt.s32.f32 v24;
	v26 =	vcvt.s32.f32 v26  }
0x3bd: {  	v14 =	vadd.s32 v22, v14;
	v30 =	vcvt.s32.f32 v42;
	v27 =	vcvt.s32.f32 v27  }
0x3be: {  	v21 =	vand.u32 $0x380, v21;
	v28 =	vmul.f32 $4.761904850e-02, v28;
	v29 =	vmul.f32 $4.761904850e-02, v29  }
0x3bf: {  	v19 =	vand.u32 $0x380, v19;
	v24 =	vmul.f32 $3.333333430e-01, v24;
	v26 =	vmul.f32 $3.333333430e-01, v26  }
0x3c0: {  	v12 =	vor.u32 v21, v12;
	v30 =	vmul.f32 $4.761904850e-02, v30;
	v43 =	vmul.f32 $3.333333430e-01, v27  }
0x3c1: {  	v14 =	vor.u32 v19, v14;
	v28 =	vtrunc.f32 v28;
	v29 =	vtrunc.f32 v29  }
0x3c2: {  	v7 =	vor.u32 v7, v12;
	v24 =	vtrunc.f32 v24;
	v26 =	vtrunc.f32 v26  }
0x3c3: {  	v9 =	vor.u32 v9, v14;
	v30 =	vtrunc.f32 v30;
	v44 =	vcvt.f32.s32 v28  }
0x3c4: {  	v12 =	vshll.u32 v61, $0x7;
	v45 =	vcvt.f32.s32 v29;
	v17 =	vtrunc.f32 v43  }
0x3c5: {  	v12 =	vand.u32 $0x380, v12;
	v24 =	vcvt.f32.s32 v24;
	v26 =	vcvt.f32.s32 v26  }
0x3c6: {  	v46 =	vcvt.f32.s32 v30;
	v17 =	vcvt.f32.s32 v17;
	v47 =	vmul.u32 $0xFFFFFF20, v44  }
0x3c7: {  	v48 =	vmul.u32 $0xFFFFFF20, v45;
	v51 =	vshll.u32 v44, $0x8;
	v52 =	vshll.u32 v45, $0x8  }
0x3c8: {  	v27 =	vshll.u32 v44, $0x7;
	v15 =	vshll.u32 v45, $0x7;
	v49 =	vmul.u32 $0xFFFFFF20, v46  }
0x3c9: {  	v55 =	vshll.u32 v46, $0x8;
	v30 =	vand.u32 $0xFFFFF800, v52;
	v28 =	vshll.u32 v46, $0x7  }
0x3ca: {  	v27 =	vand.u32 $0x380, v27;
	v15 =	vand.u32 $0x380, v15;
	v50 =	vadd.s32 v24, v47  }
0x3cb: {  	v26 =	vadd.s32 v26, v48;
	v24 =	vand.u32 $0xFFFFF800, v51;
	v29 =	vshll.u32 v50, $0x3  }
0x3cc: {  	v17 =	vadd.s32 v17, v49;
	v53 =	vshll.u32 v26, $0x3;
	v29 =	vand.u32 $0xFFFFFC00, v29  }
0x3cd: {  	v22 =	vand.u32 $0x7F, v50;
	v31 =	vand.u32 $0xFFFFFC00, v53;
	v24 =	vadd.s32 v24, v29  }
0x3ce: {  	v26 =	vand.u32 $0x7F, v26;
	v56 =	vadd.s32 v30, v31;
	v24 =	vor.u32 v27, v24  }
0x3cf: {  	v58 =	vld [tilespmem:s25+$0xFFFFFF50];
	v54 =	vshll.u32 v17, $0x3;
	v15 =	vor.u32 v15, v56;
	v22 =	vor.u32 v22, v24  }
0x3d0: {  	v59 =	vld [tilespmem:s25+$0xFFFFFFD0];
	v33 =	vand.u32 $0xFFFFF800, v55;
	v32 =	vand.u32 $0xFFFFFC00, v54;
	v15 =	vor.u32 v26, v15  }
0x3d1: {  	v63 =	vcvt.f32.s32 v25;
	v28 =	vand.u32 $0x380, v28;
	v57 =	vadd.s32 v33, v32  }
0x3d2: {  	v23 =	vtrunc.f32 v23;
	v17 =	vand.u32 $0x7F, v17;
	v28 =	vor.u32 v28, v57  }
0x3d3: {  	v60 =	vld [tilespmem:s25+$0x50];
	v37 =	vshll.u32 v61, $0x8;
	v38 =	vshll.u32 v63, $0x8;
	v17 =	vor.u32 v17, v28  }
0x3d4: {  	v14 =	vshll.u32 v63, $0x7;
	v30 =	vcvt.f32.s32 v23;
	v31 =	vmul.u32 $0xFFFFFF20, v61;
	[tilespmem:v22+s17+$0x0] =	vst.idx.add.f32.msk $0xffff, v58  }
0x3d5: {  	v14 =	vand.u32 $0x380, v14;
	v23 =	vand.u32 $0xFFFFF800, v38;
	v33 =	vmul.u32 $0xFFFFFF20, v63;
	[tilespmem:v15+s17+$0x0] =	vst.idx.add.f32.msk $0xffff, v59  }
0x3d6: {  	v35 =	vmul.u32 $0xFFFFFF20, v30;
	v39 =	vshll.u32 v30, $0x8;
	v10 =	vadd.s32 v10, v31;
	v32 =	vld [tilespmem:s24+$0xFFFFFF60]  }
0x3d7: {  	v11 =	vadd.s32 v11, v33;
	v16 =	vshll.u32 v10, $0x3;
	v24 =	vand.u32 $0xFFFFF800, v39;
	v34 =	vld [tilespmem:s24+$0xFFFFFFE0]  }
0x3d8: {  	v10 =	vand.u32 $0x7F, v10;
	v13 =	vadd.s32 v13, v35;
	v18 =	vshll.u32 v11, $0x3;
	[tilespmem:v17+s17+$0x0] =	vst.idx.add.f32.msk $0xffff, v60  }
0x3d9: {  	v16 =	vand.u32 $0xFFFFFC00, v16;
	v11 =	vand.u32 $0x7F, v11;
	v20 =	vshll.u32 v13, $0x3;
	v36 =	vld [tilespmem:s24+$0x60]  }
0x3da: {  	v18 =	vand.u32 $0xFFFFFC00, v18;
	v13 =	vand.u32 $0x7F, v13;
	v20 =	vand.u32 $0xFFFFFC00, v20  }
0x3db: {  	v18 =	vadd.s32 v23, v18;
	v22 =	vand.u32 $0xFFFFF800, v37;
	v15 =	vshll.u32 v30, $0x7  }
0x3dc: {  	v20 =	vadd.s32 v24, v20;
	v40 =	vshrl.u32 v32, $0xB;
	v41 =	vshrl.u32 v34, $0xB  }
0x3dd: {  	v17 =	vshrl.u32 v32, $0x6;
	v19 =	vshrl.u32 v34, $0x6;
	v25 =	vcvt.s32.f32 v40  }
0x3de: {  	v42 =	vshrl.u32 v36, $0xB;
	v26 =	vcvt.s32.f32 v41;
	v17 =	vcvt.s32.f32 v17  }
0x3df: {  	v21 =	vshrl.u32 v36, $0x6;
	v19 =	vcvt.s32.f32 v19;
	v27 =	vcvt.s32.f32 v42  }
0x3e0: {  	v14 =	vor.u32 v14, v18;
	v21 =	vcvt.s32.f32 v21;
	v25 =	vmul.f32 $4.761904850e-02, v25  }
0x3e1: {  	v16 =	vadd.s32 v22, v16;
	v26 =	vmul.f32 $4.761904850e-02, v26;
	v43 =	vmul.f32 $3.333333430e-01, v17  }
0x3e2: {  	v15 =	vand.u32 $0x380, v15;
	v44 =	vmul.f32 $3.333333430e-01, v19;
	v27 =	vmul.f32 $4.761904850e-02, v27  }
0x3e3: {  	v12 =	vor.u32 v12, v16;
	v46 =	vmul.f32 $3.333333430e-01, v21;
	v25 =	vtrunc.f32 v25  }
0x3e4: {  	v10 =	vor.u32 v10, v12;
	v26 =	vtrunc.f32 v26;
	v12 =	vtrunc.f32 v43  }
0x3e5: {  	v11 =	vor.u32 v11, v14;
	v14 =	vtrunc.f32 v44;
	v27 =	vtrunc.f32 v27  }
0x3e6: {  	v15 =	vor.u32 v15, v20;
	v45 =	vcvt.f32.s32 v25;
	v47 =	vcvt.f32.s32 v26  }
0x3e7: {  	v13 =	vor.u32 v13, v15;
	v15 =	vtrunc.f32 v46;
	v12 =	vcvt.f32.s32 v12  }
0x3e8: {  	v14 =	vcvt.f32.s32 v14;
	v48 =	vcvt.f32.s32 v27  }
0x3e9: {  	v15 =	vcvt.f32.s32 v15;
	v49 =	vmul.u32 $0xFFFFFF20, v45;
	v50 =	vmul.u32 $0xFFFFFF20, v47  }
0x3ea: {  	v52 =	vshll.u32 v45, $0x8;
	v53 =	vshll.u32 v47, $0x8;
	v55 =	vshll.u32 v45, $0x7  }
0x3eb: {  	v56 =	vshll.u32 v47, $0x7;
	v51 =	vmul.u32 $0xFFFFFF20, v48;
	v54 =	vshll.u32 v48, $0x8  }
0x3ec: {  	[tilespmem:v8+s17+$0x0] =	vst.idx.add.f32.msk $0xffff, v2;
	v22 =	vand.u32 $0xFFFFF800, v52;
	v23 =	vand.u32 $0xFFFFF800, v53;
	v2 =	vshll.u32 v48, $0x7  }
0x3ed: {  	[tilespmem:v9+s17+$0x0] =	vst.idx.add.f32.msk $0xffff, v3;
	v3 =	vand.u32 $0x380, v55;
	v59 =	vand.u32 $0x380, v56;
	v12 =	vadd.s32 v12, v49  }
0x3ee: {  	[tilespmem:v7+s17+$0x0] =	vst.idx.add.f32.msk $0xffff, v1;
	v14 =	vadd.s32 v14, v50;
	v1 =	vand.u32 $0xFFFFF800, v54;
	v2 =	vand.u32 $0x380, v2  }
0x3ef: {  	v15 =	vadd.s32 v15, v51;
	v19 =	vshll.u32 v12, $0x3;
	v20 =	vshll.u32 v14, $0x3  }
0x3f0: {  	v61 =	vand.u32 $0x7F, v12;
	v14 =	vand.u32 $0x7F, v14;
	v19 =	vand.u32 $0xFFFFFC00, v19  }
0x3f1: {  	v21 =	vshll.u32 v15, $0x3;
	v20 =	vand.u32 $0xFFFFFC00, v20;
	v57 =	vadd.s32 v22, v19  }
0x3f2: {  	v60 =	vld [tilespmem:s25+$0xFFFFFF60];
	v21 =	vand.u32 $0xFFFFFC00, v21;
	v58 =	vadd.s32 v23, v20;
	v3 =	vor.u32 v3, v57  }
0x3f3: {  	v62 =	vld [tilespmem:s25+$0xFFFFFFE0];
	v1 =	vadd.s32 v1, v21;
	v7 =	vor.u32 v59, v58;
	v3 =	vor.u32 v61, v3  }
0x3f4: {  	v63 =	vld [tilespmem:s25+$0x60];
	v1 =	vor.u32 v2, v1;
	v2 =	vand.u32 $0x7F, v15;
	v7 =	vor.u32 v14, v7  }
0x3f5: {  	s0 =	sadd.s32 s6, s23;
	[tilespmem:v11+s17+$0x0] =	vst.idx.add.f32.msk $0xffff, v4;
	v1 =	vor.u32 v2, v1  }
0x3f6: {  	s0 =	smul.u32 $0xE000, s0;
	[tilespmem:v10+s17+$0x0] =	vst.idx.add.f32.msk $0xffff, v6  }
0x3f7: {  	[tilespmem:v13+s17+$0x0] =	vst.idx.add.f32.msk $0xffff, v5  }
0x3f8: {  	s1 =	smin.u32 s23, $0x2D;
	s0 =	sadd.s32 s10, s0;
	[tilespmem:v3+s17+$0x0] =	vst.idx.add.f32.msk $0xffff, v60  }
0x3f9: {  	s1 =	sadd.s32 s1, s11;
	s0 =	sshrl.u32 s0, $0x3;
	[tilespmem:v7+s17+$0x0] =	vst.idx.add.f32.msk $0xffff, v62  }
0x3fa: {  	s8 =	simm.s32 $0x0;
	s1 =	smul.u32 $0x3800, s1;
	s0 =	sadd.s32 s7, s0;
	[tilespmem:v1+s17+$0x0] =	vst.idx.add.f32.msk $0xffff, v63  }
0x3fb: {  	[hbm4b:s0+s8] =	stream.linear.scatter [tilespmem:s17], [sflag:$0x3], $0xE000, $0x38;
	[tilespmem:$0x1C000] =	vst v63  }
0x3fc: {  	s9 =	sadd.s32 s4, s1;
	_ =	swait.ge [sflag:s18], $0xE000  }
0x3fd: {  	s0 =	sshrl.u32 s9, $0x3;
	[sflag:s18] =	ssyncset.done $0x0  }
0x3fe: {  	s13 =	simm.s32 $0x7000;
	s12 =	sadd.s32 s2, s0;
	[sflag:s18] =	ssyncadd.s32 $0xFFFF2000  }
0x3ff: {  	[tilespmem:s8], [sflag:$0x1] =	stream.linear.gather [hbm4b:s12+s8], $0x3800, $0x38;
	[tilespmem:$0x1C000] =	vst v63  }
0x400: {  	s14 =	sand.u32 $0xF800, s8;
	s15 =	sand.u32 $0x200, s8;
	s0 =	sadd.s32 s5, s0  }
0x401: {  	[tilespmem:s13], [sflag:$0x1] =	stream.linear.gather [hbm4b:s0+s8], $0x3800, $0x38;
	[tilespmem:$0x1C000] =	vst v63  }
0x402: {  	s0 =	sor.u32 s15, s14  }
0x403: {  	[tilespmem:s0+$0xE1C0] =	vst v0  }
0x404: {  	[tilespmem:s0+$0xE1F0] =	vst v0  }
0x405: {  	[tilespmem:s0+$0xE1E0] =	vst v0  }
0x406: {  	[tilespmem:s0+$0xE1D0] =	vst v0  }
0x407: {  	[tilespmem:s0+$0xE1B0] =	vst v0  }
0x408: {  	[tilespmem:s0+$0xE1A0] =	vst v0  }
0x409: {  	[tilespmem:s0+$0xE180] =	vst v0  }
0x40a: {  	[tilespmem:s0+$0xE190] =	vst v0  }
0x40b: {  	[tilespmem:s0+$0xE160] =	vst v0  }
0x40c: {  	[tilespmem:s0+$0xE040] =	vst v0  }
0x40d: {  	[tilespmem:s0+$0xE050] =	vst v0  }
0x40e: {  	[tilespmem:s0+$0xE130] =	vst v0  }
0x40f: {  	[tilespmem:s0+$0xE120] =	vst v0  }
0x410: {  	[tilespmem:s0+$0xE110] =	vst v0  }
0x411: {  	[tilespmem:s0+$0xE100] =	vst v0  }
0x412: {  	[tilespmem:s0+$0xE060] =	vst v0  }
0x413: {  	[tilespmem:s0+$0xE010] =	vst v0  }
0x414: {  	[tilespmem:s0+$0xE070] =	vst v0  }
0x415: {  	[tilespmem:s0+$0xE030] =	vst v0  }
0x416: {  	[tilespmem:s0+$0xE000] =	vst v0  }
0x417: {  	[tilespmem:s0+$0xE0C0] =	vst v0  }
0x418: {  	[tilespmem:s0+$0xE0F0] =	vst v0  }
0x419: {  	[tilespmem:s0+$0xE0E0] =	vst v0  }
0x41a: {  	p0 =	por $0x0, $0x0;
	s1 =	simm.s32 $0x1;
	[tilespmem:s0+$0xE020] =	vst v0  }
0x41b: {  	s1 =	simm.s32 @!p0 $0x0;
	[tilespmem:s0+$0xE090] =	vst v0  }
0x41c: {  	s1 =	sshll.u32 s1, $0x9;
	[tilespmem:s0+$0xE080] =	vst v0  }
0x41d: {  	s1 =	sadd.s32 $0x0, s1;
	[tilespmem:s0+$0xE0D0] =	vst v0  }
0x41e: {  	s20 =	sadd.s32 $0x180, s1;
	[tilespmem:s0+$0xE0A0] =	vst v0  }
0x41f: {  	s9 =	sor.u32 $0x400, s20;
	[tilespmem:s0+$0xE0B0] =	vst v0  }
0x420: {  	s29 =	sor.u32 $0x400, s1;
	[tilespmem:s9+$0xE000] =	vst v0  }
0x421: {  	s23 =	sor.u32 $0x410, s20;
	[tilespmem:s29+$0xE000] =	vst v0  }
0x422: {  	s31 =	sor.u32 $0x410, s1;
	[tilespmem:s23+$0xE000] =	vst v0  }
0x423: {  	s24 =	sor.u32 $0x420, s20;
	[tilespmem:s31+$0xE000] =	vst v0  }
0x424: {  	s12 =	sor.u32 $0x420, s1;
	[tilespmem:s24+$0xE000] =	vst v0  }
0x425: {  	s25 =	sor.u32 $0x430, s20;
	[tilespmem:s12+$0xE000] =	vst v0  }
0x426: {  	s13 =	sor.u32 $0x430, s1;
	[tilespmem:s25+$0xE000] =	vst v0  }
0x427: {  	s26 =	sor.u32 $0x440, s20;
	[tilespmem:s13+$0xE000] =	vst v0  }
0x428: {  	s14 =	sor.u32 $0x440, s1;
	[tilespmem:s26+$0xE000] =	vst v0  }
0x429: {  	s8 =	sor.u32 $0x450, s20;
	[tilespmem:s14+$0xE000] =	vst v0  }
0x42a: {  	s15 =	sor.u32 $0x450, s1;
	[tilespmem:s8+$0xE000] =	vst v0;
	s8 =	sadd.s32 $0x100, s1  }
0x42b: {  	[tilespmem:s15+$0xE000] =	vst v0;
	s1 =	sadd.s32 $0x80, s1;
	s28 =	sor.u32 $0x400, s8  }
0x42c: {  	s25 =	sor.u32 $0x400, s1;
	[tilespmem:s28+$0xE000] =	vst v0  }
0x42d: {  	[tilespmem:s25+$0xE000] =	vst v0  }
0x42e: {  	[tilespmem:s0+$0xE170] =	vst v0  }
0x42f: {  	[tilespmem:s0+$0xE150] =	vst v0  }
0x430: {  	s26 =	sor.u32 $0x410, s1;
	[tilespmem:s0+$0xE140] =	vst v0  }
0x431: {  	s20 =	sor.u32 $0x410, s8;
	[tilespmem:s26+$0xE000] =	vst v0  }
0x432: {  	s28 =	sor.u32 $0x420, s1;
	[tilespmem:s20+$0xE000] =	vst v0  }
0x433: {  	s12 =	sor.u32 $0x420, s8;
	[tilespmem:s28+$0xE000] =	vst v0  }
0x434: {  	s29 =	sor.u32 $0x430, s1;
	[tilespmem:s12+$0xE000] =	vst v0  }
0x435: {  	s23 =	sor.u32 $0x430, s8;
	[tilespmem:s29+$0xE000] =	vst v0  }
0x436: {  	p0 =	por !p0, !p0;
	s31 =	sor.u32 $0x440, s1;
	[tilespmem:s23+$0xE000] =	vst v0  }
0x437: {  	s24 =	sor.u32 $0x440, s8;
	s30 =	sor.u32 $0x450, s1;
	s25 =	simm.s32 $0x400;
	[tilespmem:s31+$0xE000] =	vst v0  }
0x438: {  	s0 =	sor.u32 $0x450, s8;
	s23 =	simm.s32 $0x0;
	[tilespmem:s24+$0xE000] =	vst v0;
	s24 =	simm.s32 $0x200  }
.LBB2_7:
0x439: {  	s1 =	simm.s32 $0x1  }
0x43a: {  	s8 =	sand.u32 $0xF800, s25;
	s9 =	sand.u32 $0x200, s24;
	[tilespmem:s30+$0xE000] =	vst v0;
	s1 =	simm.s32 @!p0 $0x0  }
0x43b: {  	s23 =	sadd.s32 $0x4, s23;
	s28 =	sor.u32 s9, s8;
	s1 =	sshll.u32 s1, $0x9;
	[tilespmem:s0+$0xE000] =	vst v0  }
0x43c: {  	p1 =	slt.u32 s23, $0xDC;
	s0 =	sadd.s32 s1, s25;
	[tilespmem:s28+$0xE1C0] =	vst v0  }
0x43d: {  	s13 =	sadd.s32 $0x80, s0;
	s26 =	sadd.s32 $0x100, s0;
	[tilespmem:s28+$0xE1F0] =	vst v0;
	s8 =	sadd.s32 $0x180, s0  }
0x43e: {  	s29 =	sor.u32 $0x400, s13;
	[tilespmem:s28+$0xE1E0] =	vst v0  }
0x43f: {  	s14 =	sor.u32 $0x400, s26;
	[tilespmem:s28+$0xE1D0] =	vst v0  }
0x440: {  	[tilespmem:s28+$0xE1B0] =	vst v0  }
0x441: {  	[tilespmem:s28+$0xE1A0] =	vst v0  }
0x442: {  	[tilespmem:s28+$0xE180] =	vst v0  }
0x443: {  	s1 =	sor.u32 $0x400, s8;
	[tilespmem:s28+$0xE190] =	vst v0  }
0x444: {  	[tilespmem:s1+$0xE000] =	vst v0;
	s1 =	sor.u32 $0x410, s8  }
0x445: {  	[tilespmem:s1+$0xE000] =	vst v0;
	s1 =	sor.u32 $0x420, s8  }
0x446: {  	s15 =	sor.u32 $0x400, s0;
	[tilespmem:s1+$0xE000] =	vst v0;
	s1 =	sor.u32 $0x430, s8  }
0x447: {  	s9 =	sor.u32 $0x440, s8;
	[tilespmem:s1+$0xE000] =	vst v0  }
0x448: {  	s1 =	sor.u32 $0x410, s13;
	[tilespmem:s9+$0xE000] =	vst v0;
	s9 =	sor.u32 $0x450, s8  }
0x449: {  	s8 =	sor.u32 $0x420, s13;
	[tilespmem:s9+$0xE000] =	vst v0  }
0x44a: {  	s9 =	sor.u32 $0x430, s13;
	[tilespmem:s28+$0xE160] =	vst v0  }
0x44b: {  	s12 =	sor.u32 $0x440, s13;
	[tilespmem:s28+$0xE040] =	vst v0  }
0x44c: {  	s30 =	sor.u32 $0x450, s13;
	[tilespmem:s28+$0xE050] =	vst v0  }
0x44d: {  	[tilespmem:s28+$0xE130] =	vst v0  }
0x44e: {  	[tilespmem:s28+$0xE120] =	vst v0  }
0x44f: {  	[tilespmem:s28+$0xE110] =	vst v0  }
0x450: {  	[tilespmem:s28+$0xE100] =	vst v0  }
0x451: {  	[tilespmem:s14+$0xE000] =	vst v0  }
0x452: {  	[tilespmem:s28+$0xE060] =	vst v0  }
0x453: {  	s13 =	sor.u32 $0x410, s26;
	[tilespmem:s28+$0xE010] =	vst v0  }
0x454: {  	s14 =	sor.u32 $0x420, s26;
	[tilespmem:s28+$0xE070] =	vst v0  }
0x455: {  	s20 =	sor.u32 $0x430, s26;
	[tilespmem:s28+$0xE170] =	vst v0  }
0x456: {  	[tilespmem:s28+$0xE030] =	vst v0  }
0x457: {  	[tilespmem:s28+$0xE150] =	vst v0  }
0x458: {  	[tilespmem:s28+$0xE140] =	vst v0  }
0x459: {  	[tilespmem:s28+$0xE000] =	vst v0  }
0x45a: {  	[tilespmem:s28+$0xE0C0] =	vst v0  }
0x45b: {  	[tilespmem:s28+$0xE0F0] =	vst v0  }
0x45c: {  	[tilespmem:s28+$0xE0E0] =	vst v0  }
0x45d: {  	[tilespmem:s28+$0xE020] =	vst v0  }
0x45e: {  	[tilespmem:s15+$0xE000] =	vst v0;
	s15 =	sor.u32 $0x410, s0  }
0x45f: {  	[tilespmem:s15+$0xE000] =	vst v0;
	s15 =	sor.u32 $0x420, s0  }
0x460: {  	[tilespmem:s15+$0xE000] =	vst v0;
	s15 =	sor.u32 $0x430, s0  }
0x461: {  	[tilespmem:s15+$0xE000] =	vst v0;
	s15 =	sor.u32 $0x440, s0  }
0x462: {  	s0 =	sor.u32 $0x450, s0;
	[tilespmem:s15+$0xE000] =	vst v0  }
0x463: {  	[tilespmem:s0+$0xE000] =	vst v0  }
0x464: {  	[tilespmem:s28+$0xE090] =	vst v0  }
0x465: {  	[tilespmem:s28+$0xE080] =	vst v0  }
0x466: {  	[tilespmem:s28+$0xE0D0] =	vst v0  }
0x467: {  	[tilespmem:s28+$0xE0A0] =	vst v0  }
0x468: {  	[tilespmem:s13+$0xE000] =	vst v0  }
0x469: {  	[tilespmem:s14+$0xE000] =	vst v0  }
0x46a: {  	s0 =	sor.u32 $0x440, s26;
	[tilespmem:s20+$0xE000] =	vst v0  }
0x46b: {  	[tilespmem:s0+$0xE000] =	vst v0  }
0x46c: {  	[tilespmem:s28+$0xE0B0] =	vst v0  }
.Ltmp2:
0x46d: {  	[tilespmem:s29+$0xE000] =	vst v0;
	(pc) =	sbr.rel @p1 .LBB2_7-.Ltmp2, $4  }
0x46e: {  	[tilespmem:s1+$0xE000] =	vst v0  }
0x46f: {  	[tilespmem:s8+$0xE000] =	vst v0  }
0x470: {  	p0 =	por !p0, !p0;
	[tilespmem:s9+$0xE000] =	vst v0  }
0x471: {  	s24 =	sadd.s32 $0x200, s24;
	s25 =	sadd.s32 $0x400, s25;
	s0 =	sor.u32 $0x450, s26;
	[tilespmem:s12+$0xE000] =	vst v0  }
0x472: {  	[tilespmem:s30+$0xE000] =	vst v0  }
0x473: {  	[tilespmem:s0+$0xE000] =	vst v0  }
0x474: {  	_ =	swait.ge [sflag:s19], $0x3800  }
0x475: {  	[sflag:s19] =	ssyncset.done $0x0  }
0x476: {  	[sflag:s19] =	ssyncadd.s32 $0xFFFFC800  }
0x477: {  	_ =	swait.ge [sflag:s19], $0x3800  }
0x478: {  	[sflag:s19] =	ssyncset.done $0x0  }
0x479: {  	s29 =	simm.s32 $0xA900;
	[sflag:s19] =	ssyncadd.s32 $0xFFFFC800  }
0x47a: {  	v1 =	vld [tilespmem:s29+$0x80]  }
0x47b: {  	v2 =	vld [tilespmem:s29+$0xFFFFFF80]  }
0x47c: {  	v3 =	vld [tilespmem:s29+$0x0]  }
0x47d: {  	v5 =	vld [tilespmem:s29+$0xFFFFFF00];
	_ =	sdelay $0x2  }
0x47e: {  	v4 =	vshrl.u32 v1, $0xB;
	v1 =	vshrl.u32 v1, $0x6  }
0x47f: {  	v6 =	vshrl.u32 v2, $0xB;
	v7 =	vshrl.u32 v3, $0xB;
	v4 =	vcvt.s32.f32 v4  }
0x480: {  	v8 =	vshrl.u32 v5, $0xB;
	v1 =	vcvt.s32.f32 v1;
	v6 =	vcvt.s32.f32 v6  }
0x481: {  	v5 =	vshrl.u32 v5, $0x6;
	v8 =	vcvt.s32.f32 v8;
	v4 =	vmul.f32 $4.761904850e-02, v4  }
0x482: {  	v7 =	vcvt.s32.f32 v7;
	v5 =	vcvt.s32.f32 v5  }
0x483: {  	v2 =	vshrl.u32 v2, $0x6;
	v1 =	vmul.f32 $3.333333430e-01, v1;
	v4 =	vtrunc.f32 v4  }
0x484: {  	v3 =	vshrl.u32 v3, $0x6;
	v2 =	vcvt.s32.f32 v2;
	v4 =	vcvt.f32.s32 v4  }
0x485: {  	v3 =	vcvt.s32.f32 v3;
	v1 =	vtrunc.f32 v1  }
0x486: {  	v8 =	vmul.f32 $4.761904850e-02, v8;
	v1 =	vcvt.f32.s32 v1;
	v9 =	vmul.u32 $0xFFFFFF20, v4  }
0x487: {  	v6 =	vmul.f32 $4.761904850e-02, v6;
	v7 =	vmul.f32 $4.761904850e-02, v7  }
0x488: {  	v2 =	vmul.f32 $3.333333430e-01, v2;
	v3 =	vmul.f32 $3.333333430e-01, v3;
	v1 =	vadd.s32 v1, v9  }
0x489: {  	v8 =	vtrunc.f32 v8;
	v9 =	vshll.u32 v4, $0x8;
	v10 =	vshll.u32 v1, $0x3  }
0x48a: {  	v4 =	vshll.u32 v4, $0x7;
	v9 =	vand.u32 $0xFFFFF800, v9;
	v10 =	vand.u32 $0xFFFFFC00, v10  }
0x48b: {  	v6 =	vtrunc.f32 v6;
	v4 =	vand.u32 $0x380, v4;
	v9 =	vadd.s32 v9, v10  }
0x48c: {  	s24 =	simm.s32 $0x3900;
	v7 =	vtrunc.f32 v7;
	v1 =	vand.u32 $0x7F, v1;
	v4 =	vor.u32 v4, v9  }
0x48d: {  	v2 =	vtrunc.f32 v2;
	v3 =	vtrunc.f32 v3;
	v9 =	vld [tilespmem:s24+$0x80];
	v1 =	vor.u32 v1, v4  }
0x48e: {  	v6 =	vcvt.f32.s32 v6;
	v7 =	vcvt.f32.s32 v7  }
0x48f: {  	v4 =	vmul.f32 $3.333333430e-01, v5;
	v5 =	vcvt.f32.s32 v8  }
0x490: {  	v2 =	vcvt.f32.s32 v2;
	v3 =	vcvt.f32.s32 v3;
	v12 =	vshll.u32 v7, $0x8  }
0x491: {  	v12 =	vand.u32 $0xFFFFF800, v12;
	v4 =	vtrunc.f32 v4;
	v8 =	vmul.u32 $0xFFFFFF20, v5  }
0x492: {  	v10 =	vshll.u32 v5, $0x8;
	v5 =	vshll.u32 v5, $0x7;
	v4 =	vcvt.f32.s32 v4;
	[tilespmem:v1+s17+$0x0] =	vst.idx.add.f32.msk $0xffff, v9  }
0x493: {  	v10 =	vand.u32 $0xFFFFF800, v10;
	v5 =	vand.u32 $0x380, v5;
	v1 =	vmul.u32 $0xFFFFFF20, v6;
	v11 =	vld [tilespmem:s29+$0x90]  }
0x494: {  	v9 =	vmul.u32 $0xFFFFFF20, v7;
	v4 =	vadd.s32 v4, v8;
	v8 =	vshll.u32 v6, $0x8  }
0x495: {  	v6 =	vshll.u32 v6, $0x7;
	v7 =	vshll.u32 v7, $0x7;
	v13 =	vshll.u32 v4, $0x3  }
0x496: {  	v8 =	vand.u32 $0xFFFFF800, v8;
	v6 =	vand.u32 $0x380, v6;
	v7 =	vand.u32 $0x380, v7  }
0x497: {  	v1 =	vadd.s32 v2, v1;
	v2 =	vadd.s32 v3, v9;
	v3 =	vand.u32 $0xFFFFFC00, v13  }
0x498: {  	v9 =	vshll.u32 v1, $0x3;
	v13 =	vshll.u32 v2, $0x3;
	v14 =	vshrl.u32 v11, $0xB  }
0x499: {  	v3 =	vadd.s32 v10, v3;
	v1 =	vand.u32 $0x7F, v1;
	v14 =	vcvt.s32.f32 v14  }
0x49a: {  	v2 =	vand.u32 $0x7F, v2;
	v9 =	vand.u32 $0xFFFFFC00, v9;
	v11 =	vshrl.u32 v11, $0x6  }
0x49b: {  	v13 =	vand.u32 $0xFFFFFC00, v13;
	v11 =	vcvt.s32.f32 v11;
	v14 =	vmul.f32 $4.761904850e-02, v14  }
0x49c: {  	v3 =	vor.u32 v5, v3;
	v8 =	vadd.s32 v8, v9;
	v9 =	vadd.s32 v12, v13  }
0x49d: {  	v6 =	vor.u32 v6, v8;
	v10 =	vmul.f32 $3.333333430e-01, v11;
	v11 =	vtrunc.f32 v14  }
0x49e: {  	v7 =	vor.u32 v7, v9;
	v1 =	vor.u32 v1, v6;
	v6 =	vld [tilespmem:s24+$0xFFFFFF80];
	v5 =	vcvt.f32.s32 v11  }
0x49f: {  	v9 =	vld [tilespmem:s24+$0x0];
	v2 =	vor.u32 v2, v7;
	v8 =	vtrunc.f32 v10  }
0x4a0: {  	v4 =	vand.u32 $0x7F, v4;
	v8 =	vcvt.f32.s32 v8;
	v10 =	vmul.u32 $0xFFFFFF20, v5  }
0x4a1: {  	v3 =	vor.u32 v4, v3;
	v11 =	vld [tilespmem:s24+$0xFFFFFF00]  }
0x4a2: {  	v4 =	vadd.s32 v8, v10  }
0x4a3: {  	[tilespmem:v1+s17+$0x0] =	vst.idx.add.f32.msk $0xffff, v6;
	v7 =	vshll.u32 v5, $0x8;
	v8 =	vshll.u32 v4, $0x3  }
0x4a4: {  	[tilespmem:v2+s17+$0x0] =	vst.idx.add.f32.msk $0xffff, v9;
	v5 =	vshll.u32 v5, $0x7;
	v7 =	vand.u32 $0xFFFFF800, v7;
	v8 =	vand.u32 $0xFFFFFC00, v8  }
0x4a5: {  	v2 =	vld [tilespmem:s29+$0xFFFFFF90];
	v5 =	vand.u32 $0x380, v5;
	v7 =	vadd.s32 v7, v8  }
0x4a6: {  	[tilespmem:v3+s17+$0x0] =	vst.idx.add.f32.msk $0xffff, v11;
	v3 =	vand.u32 $0x7F, v4;
	v4 =	vor.u32 v5, v7  }
0x4a7: {  	v5 =	vld [tilespmem:s24+$0x90];
	v3 =	vor.u32 v3, v4;
	_ =	sdelay $0x3  }
0x4a8: {  	v1 =	vld [tilespmem:s29+$0xFFFFFF10];
	v6 =	vshrl.u32 v2, $0xB  }
0x4a9: {  	v2 =	vshrl.u32 v2, $0x6;
	v6 =	vcvt.s32.f32 v6;
	[tilespmem:v3+s17+$0x0] =	vst.idx.add.f32.msk $0xffff, v5  }
0x4aa: {  	v2 =	vcvt.s32.f32 v2;
	v3 =	vld [tilespmem:s29+$0xA0]  }
0x4ab: {  	v4 =	vld [tilespmem:s29+$0x10];
	v6 =	vmul.f32 $4.761904850e-02, v6  }
0x4ac: {  	v2 =	vmul.f32 $3.333333430e-01, v2  }
0x4ad: {  	v6 =	vtrunc.f32 v6  }
0x4ae: {  	v2 =	vtrunc.f32 v2;
	v6 =	vcvt.f32.s32 v6  }
0x4af: {  	v2 =	vcvt.f32.s32 v2;
	v5 =	vshrl.u32 v1, $0xB;
	v7 =	vshrl.u32 v3, $0xB  }
0x4b0: {  	v1 =	vshrl.u32 v1, $0x6;
	v8 =	vshrl.u32 v4, $0xB;
	v7 =	vcvt.s32.f32 v7  }
0x4b1: {  	v5 =	vcvt.s32.f32 v5;
	v8 =	vcvt.s32.f32 v8;
	v3 =	vshrl.u32 v3, $0x6  }
0x4b2: {  	v4 =	vshrl.u32 v4, $0x6;
	v3 =	vcvt.s32.f32 v3;
	v7 =	vmul.f32 $4.761904850e-02, v7  }
0x4b3: {  	v1 =	vcvt.s32.f32 v1;
	v4 =	vcvt.s32.f32 v4  }
0x4b4: {  	v3 =	vmul.f32 $3.333333430e-01, v3;
	v7 =	vtrunc.f32 v7  }
0x4b5: {  	v5 =	vmul.f32 $4.761904850e-02, v5;
	v7 =	vcvt.f32.s32 v7  }
0x4b6: {  	v8 =	vmul.f32 $4.761904850e-02, v8;
	v3 =	vtrunc.f32 v3  }
0x4b7: {  	v1 =	vmul.f32 $3.333333430e-01, v1;
	v3 =	vcvt.f32.s32 v3;
	v9 =	vmul.u32 $0xFFFFFF20, v7  }
0x4b8: {  	v4 =	vmul.f32 $3.333333430e-01, v4;
	v5 =	vtrunc.f32 v5  }
0x4b9: {  	v8 =	vtrunc.f32 v8;
	v1 =	vtrunc.f32 v1;
	v3 =	vadd.s32 v3, v9  }
0x4ba: {  	v4 =	vtrunc.f32 v4;
	v9 =	vshll.u32 v7, $0x8;
	v10 =	vshll.u32 v3, $0x3  }
0x4bb: {  	v7 =	vshll.u32 v7, $0x7;
	v9 =	vand.u32 $0xFFFFF800, v9;
	v10 =	vand.u32 $0xFFFFFC00, v10  }
0x4bc: {  	v5 =	vcvt.f32.s32 v5;
	v7 =	vand.u32 $0x380, v7;
	v9 =	vadd.s32 v9, v10  }
0x4bd: {  	v8 =	vcvt.f32.s32 v8;
	v3 =	vand.u32 $0x7F, v3;
	v7 =	vor.u32 v7, v9  }
0x4be: {  	v1 =	vcvt.f32.s32 v1;
	v4 =	vcvt.f32.s32 v4;
	v9 =	vld [tilespmem:s24+$0xA0];
	v3 =	vor.u32 v3, v7  }
0x4bf: {  	v11 =	vmul.u32 $0xFFFFFF20, v8;
	v12 =	vshll.u32 v5, $0x8;
	v13 =	vshll.u32 v8, $0x8  }
0x4c0: {  	v8 =	vshll.u32 v8, $0x7;
	v12 =	vand.u32 $0xFFFFF800, v12;
	v10 =	vmul.u32 $0xFFFFFF20, v6  }
0x4c1: {  	v13 =	vand.u32 $0xFFFFF800, v13;
	v8 =	vand.u32 $0x380, v8;
	v4 =	vadd.s32 v4, v11  }
0x4c2: {  	v7 =	vmul.u32 $0xFFFFFF20, v5;
	v2 =	vadd.s32 v2, v10;
	v10 =	vshll.u32 v4, $0x3  }
0x4c3: {  	v5 =	vshll.u32 v5, $0x7;
	v4 =	vand.u32 $0x7F, v4;
	v10 =	vand.u32 $0xFFFFFC00, v10;
	[tilespmem:v3+s17+$0x0] =	vst.idx.add.f32.msk $0xffff, v9  }
0x4c4: {  	v5 =	vand.u32 $0x380, v5;
	v1 =	vadd.s32 v1, v7;
	v7 =	vshll.u32 v6, $0x8;
	v11 =	vld [tilespmem:s29+$0xB0]  }
0x4c5: {  	v6 =	vshll.u32 v6, $0x7;
	v14 =	vshll.u32 v1, $0x3;
	v7 =	vand.u32 $0xFFFFF800, v7  }
0x4c6: {  	v1 =	vand.u32 $0x7F, v1;
	v3 =	vand.u32 $0xFFFFFC00, v14;
	v9 =	vshll.u32 v2, $0x3  }
0x4c7: {  	v2 =	vand.u32 $0x7F, v2;
	v9 =	vand.u32 $0xFFFFFC00, v9;
	v3 =	vadd.s32 v12, v3  }
0x4c8: {  	v7 =	vadd.s32 v7, v9;
	v3 =	vor.u32 v5, v3;
	v5 =	vand.u32 $0x380, v6  }
0x4c9: {  	v9 =	vadd.s32 v13, v10;
	v5 =	vor.u32 v5, v7;
	v6 =	vshrl.u32 v11, $0xB  }
0x4ca: {  	v10 =	vld [tilespmem:s24+$0xFFFFFF10];
	v1 =	vor.u32 v1, v3;
	v8 =	vor.u32 v8, v9;
	v6 =	vcvt.s32.f32 v6  }
0x4cb: {  	v2 =	vor.u32 v2, v5;
	v5 =	vld [tilespmem:s24+$0x10];
	v4 =	vor.u32 v4, v8;
	v7 =	vshrl.u32 v11, $0x6  }
0x4cc: {  	v3 =	vcvt.s32.f32 v7;
	v7 =	vld [tilespmem:s24+$0xFFFFFF90];
	v6 =	vmul.f32 $4.761904850e-02, v6;
	_ =	sdelay $0x1  }
0x4cd: {  	v3 =	vmul.f32 $3.333333430e-01, v3;
	v6 =	vtrunc.f32 v6  }
0x4ce: {  	[tilespmem:v1+s17+$0x0] =	vst.idx.add.f32.msk $0xffff, v10;
	v6 =	vcvt.f32.s32 v6  }
0x4cf: {  	[tilespmem:v4+s17+$0x0] =	vst.idx.add.f32.msk $0xffff, v5;
	v3 =	vtrunc.f32 v3  }
0x4d0: {  	v1 =	vcvt.f32.s32 v3;
	[tilespmem:v2+s17+$0x0] =	vst.idx.add.f32.msk $0xffff, v7;
	v3 =	vmul.u32 $0xFFFFFF20, v6  }
0x4d1: {  	v7 =	vld [tilespmem:s29+$0x20]  }
0x4d2: {  	v5 =	vld [tilespmem:s29+$0xFFFFFFA0];
	v1 =	vadd.s32 v1, v3  }
0x4d3: {  	v2 =	vld [tilespmem:s29+$0xFFFFFF20];
	v3 =	vshll.u32 v6, $0x8;
	v4 =	vshll.u32 v1, $0x3  }
0x4d4: {  	v6 =	vshll.u32 v6, $0x7;
	v3 =	vand.u32 $0xFFFFF800, v3;
	v4 =	vand.u32 $0xFFFFFC00, v4  }
0x4d5: {  	v3 =	vadd.s32 v3, v4;
	v4 =	vand.u32 $0x380, v6  }
0x4d6: {  	v1 =	vand.u32 $0x7F, v1;
	v8 =	vshrl.u32 v7, $0xB;
	v3 =	vor.u32 v4, v3  }
0x4d7: {  	v8 =	vcvt.s32.f32 v8;
	v6 =	vshrl.u32 v5, $0xB;
	v4 =	vld [tilespmem:s24+$0xB0];
	v1 =	vor.u32 v1, v3  }
0x4d8: {  	v5 =	vshrl.u32 v5, $0x6;
	v6 =	vcvt.s32.f32 v6;
	v3 =	vshrl.u32 v2, $0xB  }
0x4d9: {  	v5 =	vcvt.s32.f32 v5;
	v2 =	vshrl.u32 v2, $0x6;
	v3 =	vcvt.s32.f32 v3  }
0x4da: {  	v6 =	vmul.f32 $4.761904850e-02, v6;
	v2 =	vcvt.s32.f32 v2  }
0x4db: {  	v5 =	vmul.f32 $3.333333430e-01, v5;
	v3 =	vmul.f32 $4.761904850e-02, v3  }
0x4dc: {  	v6 =	vtrunc.f32 v6;
	v2 =	vmul.f32 $3.333333430e-01, v2;
	[tilespmem:v1+s17+$0x0] =	vst.idx.add.f32.msk $0xffff, v4  }
0x4dd: {  	v5 =	vtrunc.f32 v5;
	v6 =	vcvt.f32.s32 v6;
	v1 =	vshrl.u32 v7, $0x6;
	v7 =	vld [tilespmem:s29+$0xC0]  }
0x4de: {  	v5 =	vcvt.f32.s32 v5;
	v4 =	vmul.f32 $4.761904850e-02, v8  }
0x4df: {  	v3 =	vtrunc.f32 v3;
	v2 =	vtrunc.f32 v2  }
0x4e0: {  	v1 =	vcvt.s32.f32 v1;
	v3 =	vcvt.f32.s32 v3  }
0x4e1: {  	v2 =	vcvt.f32.s32 v2;
	v10 =	vmul.u32 $0xFFFFFF20, v6;
	v4 =	vtrunc.f32 v4  }
0x4e2: {  	v1 =	vmul.f32 $3.333333430e-01, v1;
	v4 =	vcvt.f32.s32 v4;
	v8 =	vshrl.u32 v7, $0xB  }
0x4e3: {  	v9 =	vmul.u32 $0xFFFFFF20, v3;
	v12 =	vshll.u32 v3, $0x8;
	v8 =	vcvt.s32.f32 v8  }
0x4e4: {  	v5 =	vadd.s32 v5, v10;
	v1 =	vtrunc.f32 v1;
	v7 =	vshrl.u32 v7, $0x6  }
0x4e5: {  	v3 =	vshll.u32 v3, $0x7;
	v7 =	vcvt.s32.f32 v7;
	v8 =	vmul.f32 $4.761904850e-02, v8  }
0x4e6: {  	v12 =	vand.u32 $0xFFFFF800, v12;
	v11 =	vmul.u32 $0xFFFFFF20, v4;
	v1 =	vcvt.f32.s32 v1  }
0x4e7: {  	v2 =	vadd.s32 v2, v9;
	v7 =	vmul.f32 $3.333333430e-01, v7;
	v8 =	vtrunc.f32 v8  }
0x4e8: {  	v3 =	vand.u32 $0x380, v3;
	v13 =	vshll.u32 v2, $0x3;
	v8 =	vcvt.f32.s32 v8  }
0x4e9: {  	v2 =	vand.u32 $0x7F, v2;
	v1 =	vadd.s32 v1, v11;
	v7 =	vtrunc.f32 v7  }
0x4ea: {  	v14 =	vshll.u32 v1, $0x3;
	v7 =	vcvt.f32.s32 v7;
	v9 =	vmul.u32 $0xFFFFFF20, v8  }
0x4eb: {  	v14 =	vand.u32 $0xFFFFFC00, v14;
	v10 =	vshll.u32 v8, $0x8;
	v8 =	vshll.u32 v8, $0x7  }
0x4ec: {  	v10 =	vand.u32 $0xFFFFF800, v10;
	v8 =	vand.u32 $0x380, v8;
	v7 =	vadd.s32 v7, v9  }
0x4ed: {  	v9 =	vshll.u32 v5, $0x3;
	v5 =	vand.u32 $0x7F, v5;
	v11 =	vshll.u32 v7, $0x3  }
0x4ee: {  	v7 =	vand.u32 $0x7F, v7;
	v9 =	vand.u32 $0xFFFFFC00, v9;
	v11 =	vand.u32 $0xFFFFFC00, v11  }
0x4ef: {  	v10 =	vadd.s32 v10, v11;
	v11 =	vshll.u32 v6, $0x8;
	v6 =	vshll.u32 v6, $0x7  }
0x4f0: {  	v8 =	vor.u32 v8, v10;
	v10 =	vand.u32 $0xFFFFFC00, v13;
	v11 =	vand.u32 $0xFFFFF800, v11  }
0x4f1: {  	v13 =	vld [tilespmem:s24+$0xC0];
	v6 =	vand.u32 $0x380, v6;
	v7 =	vor.u32 v7, v8;
	v10 =	vadd.s32 v12, v10  }
0x4f2: {  	v8 =	vshll.u32 v4, $0x8;
	v9 =	vadd.s32 v11, v9;
	v3 =	vor.u32 v3, v10  }
0x4f3: {  	v15 =	vld [tilespmem:s24+$0xFFFFFF20];
	v4 =	vshll.u32 v4, $0x7;
	v2 =	vor.u32 v2, v3;
	v3 =	vand.u32 $0xFFFFF800, v8  }
0x4f4: {  	v11 =	vld [tilespmem:s24+$0xFFFFFFA0];
	v6 =	vor.u32 v6, v9;
	v4 =	vand.u32 $0x380, v4;
	v3 =	vadd.s32 v3, v14  }
0x4f5: {  	v1 =	vand.u32 $0x7F, v1;
	v5 =	vor.u32 v5, v6;
	v3 =	vor.u32 v4, v3;
	v4 =	vld [tilespmem:s24+$0x20]  }
0x4f6: {  	[tilespmem:v7+s17+$0x0] =	vst.idx.add.f32.msk $0xffff, v13;
	v1 =	vor.u32 v1, v3  }
0x4f7: {  	v6 =	vld [tilespmem:s29+$0xD0]  }
0x4f8: {  	[tilespmem:v2+s17+$0x0] =	vst.idx.add.f32.msk $0xffff, v15  }
0x4f9: {  	v3 =	vld [tilespmem:s29+$0xFFFFFF30]  }
0x4fa: {  	[tilespmem:v5+s17+$0x0] =	vst.idx.add.f32.msk $0xffff, v11  }
0x4fb: {  	[tilespmem:v1+s17+$0x0] =	vst.idx.add.f32.msk $0xffff, v4  }
0x4fc: {  	v2 =	vshrl.u32 v6, $0xB;
	v5 =	vshrl.u32 v6, $0x6;
	v6 =	vld [tilespmem:s29+$0xFFFFFFB0]  }
0x4fd: {  	v4 =	vld [tilespmem:s29+$0x30];
	v2 =	vcvt.s32.f32 v2;
	v1 =	vcvt.s32.f32 v5  }
0x4fe: {  	v5 =	vshrl.u32 v3, $0x6  }
0x4ff: {  	v3 =	vshrl.u32 v3, $0xB;
	v2 =	vmul.f32 $4.761904850e-02, v2;
	v1 =	vmul.f32 $3.333333430e-01, v1  }
0x500: {  	v3 =	vcvt.s32.f32 v3;
	v5 =	vcvt.s32.f32 v5  }
0x501: {  	v2 =	vtrunc.f32 v2;
	v1 =	vtrunc.f32 v1;
	v7 =	vshrl.u32 v6, $0xB  }
0x502: {  	v9 =	vshrl.u32 v4, $0xB;
	v3 =	vmul.f32 $4.761904850e-02, v3;
	v5 =	vmul.f32 $3.333333430e-01, v5  }
0x503: {  	v6 =	vshrl.u32 v6, $0x6;
	v2 =	vcvt.f32.s32 v2;
	v1 =	vcvt.f32.s32 v1  }
0x504: {  	v4 =	vshrl.u32 v4, $0x6;
	v7 =	vcvt.s32.f32 v7;
	v9 =	vcvt.s32.f32 v9  }
0x505: {  	v6 =	vcvt.s32.f32 v6;
	v4 =	vcvt.s32.f32 v4  }
0x506: {  	v3 =	vtrunc.f32 v3;
	v5 =	vtrunc.f32 v5  }
0x507: {  	v8 =	vmul.u32 $0xFFFFFF20, v2;
	v7 =	vmul.f32 $4.761904850e-02, v7;
	v9 =	vmul.f32 $4.761904850e-02, v9  }
0x508: {  	v6 =	vmul.f32 $3.333333430e-01, v6;
	v4 =	vmul.f32 $3.333333430e-01, v4  }
0x509: {  	v3 =	vcvt.f32.s32 v3;
	v5 =	vcvt.f32.s32 v5;
	v1 =	vadd.s32 v1, v8  }
0x50a: {  	v8 =	vshll.u32 v2, $0x8;
	v7 =	vtrunc.f32 v7;
	v9 =	vtrunc.f32 v9  }
0x50b: {  	v2 =	vshll.u32 v2, $0x7;
	v6 =	vtrunc.f32 v6;
	v4 =	vtrunc.f32 v4  }
0x50c: {  	v11 =	vshll.u32 v3, $0x8;
	v10 =	vshll.u32 v1, $0x3;
	v8 =	vand.u32 $0xFFFFF800, v8  }
0x50d: {  	v2 =	vand.u32 $0x380, v2;
	v1 =	vand.u32 $0x7F, v1;
	v10 =	vand.u32 $0xFFFFFC00, v10  }
0x50e: {  	v7 =	vcvt.f32.s32 v7;
	v6 =	vcvt.f32.s32 v6;
	v8 =	vadd.s32 v8, v10  }
0x50f: {  	v4 =	vcvt.f32.s32 v4;
	v11 =	vand.u32 $0xFFFFF800, v11;
	v2 =	vor.u32 v2, v8  }
0x510: {  	v8 =	vmul.u32 $0xFFFFFF20, v3;
	v3 =	vshll.u32 v3, $0x7;
	v1 =	vor.u32 v1, v2  }
0x511: {  	v14 =	vld [tilespmem:s24+$0xD0];
	v2 =	vcvt.f32.s32 v9;
	v9 =	vmul.u32 $0xFFFFFF20, v7;
	v3 =	vand.u32 $0x380, v3  }
0x512: {  	v5 =	vadd.s32 v5, v8;
	v8 =	vshll.u32 v7, $0x8;
	v7 =	vshll.u32 v7, $0x7  }
0x513: {  	v10 =	vmul.u32 $0xFFFFFF20, v2;
	v12 =	vshll.u32 v2, $0x8;
	v6 =	vadd.s32 v6, v9  }
0x514: {  	v9 =	vshll.u32 v5, $0x3;
	v8 =	vand.u32 $0xFFFFF800, v8;
	v2 =	vshll.u32 v2, $0x7  }
0x515: {  	v9 =	vand.u32 $0xFFFFFC00, v9;
	v4 =	vadd.s32 v4, v10;
	v10 =	vshll.u32 v6, $0x3  }
0x516: {  	v5 =	vand.u32 $0x7F, v5;
	v9 =	vadd.s32 v11, v9;
	v10 =	vand.u32 $0xFFFFFC00, v10;
	[tilespmem:v1+s17+$0x0] =	vst.idx.add.f32.msk $0xffff, v14  }
0x517: {  	v13 =	vshll.u32 v4, $0x3;
	v3 =	vor.u32 v3, v9;
	v8 =	vadd.s32 v8, v10;
	v10 =	vld [tilespmem:s24+$0xFFFFFF30]  }
0x518: {  	s26 =	simm.s32 $0xAB00;
	v12 =	vand.u32 $0xFFFFF800, v12;
	v13 =	vand.u32 $0xFFFFFC00, v13;
	v3 =	vor.u32 v5, v3;
	v5 =	vld [tilespmem:s29+$0xE0]  }
0x519: {  	v7 =	vand.u32 $0x380, v7;
	v2 =	vand.u32 $0x380, v2;
	v11 =	vadd.s32 v12, v13;
	v13 =	vld [tilespmem:s26+$0xFFFFFF00]  }
0x51a: {  	v6 =	vand.u32 $0x7F, v6;
	v7 =	vor.u32 v7, v8;
	v1 =	vor.u32 v2, v11;
	v11 =	vld [tilespmem:s26+$0xFFFFFF80]  }
0x51b: {  	v12 =	vld [tilespmem:s24+$0xFFFFFFB0];
	v2 =	vand.u32 $0x7F, v4;
	v4 =	vor.u32 v6, v7  }
0x51c: {  	v9 =	vld [tilespmem:s24+$0x30];
	v1 =	vor.u32 v2, v1;
	_ =	sdelay $0x1  }
0x51d: {  	[tilespmem:v3+s17+$0x0] =	vst.idx.add.f32.msk $0xffff, v10;
	v2 =	vshrl.u32 v5, $0xB  }
0x51e: {  	v3 =	vld [tilespmem:s29+$0xFFFFFF40];
	v16 =	vshrl.u32 v13, $0xB;
	v13 =	vshrl.u32 v13, $0x6;
	v14 =	vshrl.u32 v11, $0xB  }
0x51f: {  	[tilespmem:v4+s17+$0x0] =	vst.idx.add.f32.msk $0xffff, v12;
	v11 =	vshrl.u32 v11, $0x6;
	v16 =	vcvt.s32.f32 v16;
	v13 =	vcvt.s32.f32 v13  }
0x520: {  	[tilespmem:v1+s17+$0x0] =	vst.idx.add.f32.msk $0xffff, v9;
	v1 =	vcvt.s32.f32 v2;
	v2 =	vshrl.u32 v5, $0x6;
	v11 =	vcvt.s32.f32 v11  }
0x521: {  	v2 =	vcvt.s32.f32 v2;
	v5 =	vld [tilespmem:s29+$0x40];
	v16 =	vmul.f32 $4.761904850e-02, v16  }
0x522: {  	v4 =	vld [tilespmem:s29+$0xFFFFFFC0];
	v1 =	vmul.f32 $4.761904850e-02, v1;
	v11 =	vmul.f32 $3.333333430e-01, v11  }
0x523: {  	v2 =	vmul.f32 $3.333333430e-01, v2;
	v6 =	vshrl.u32 v3, $0xB;
	v16 =	vtrunc.f32 v16  }
0x524: {  	v3 =	vshrl.u32 v3, $0x6;
	v1 =	vtrunc.f32 v1;
	v6 =	vcvt.s32.f32 v6  }
0x525: {  	v3 =	vcvt.s32.f32 v3;
	v16 =	vcvt.f32.s32 v16  }
0x526: {  	v11 =	vtrunc.f32 v11;
	v1 =	vcvt.f32.s32 v1;
	v8 =	vshrl.u32 v5, $0xB  }
0x527: {  	v9 =	vld [tilespmem:s26+$0x80];
	v2 =	vtrunc.f32 v2;
	v7 =	vshrl.u32 v4, $0xB;
	v8 =	vcvt.s32.f32 v8  }
0x528: {  	v4 =	vshrl.u32 v4, $0x6;
	v11 =	vcvt.f32.s32 v11;
	v7 =	vcvt.s32.f32 v7  }
0x529: {  	v6 =	vmul.f32 $4.761904850e-02, v6;
	v5 =	vshrl.u32 v5, $0x6;
	v8 =	vmul.f32 $4.761904850e-02, v8  }
0x52a: {  	v4 =	vcvt.s32.f32 v4;
	v5 =	vcvt.s32.f32 v5  }
0x52b: {  	v3 =	vmul.f32 $3.333333430e-01, v3;
	v8 =	vtrunc.f32 v8  }
0x52c: {  	v12 =	vmul.f32 $3.333333430e-01, v5;
	v5 =	vcvt.f32.s32 v8;
	v8 =	vshrl.u32 v9, $0xB  }
0x52d: {  	v7 =	vmul.f32 $4.761904850e-02, v7;
	v8 =	vcvt.s32.f32 v8  }
0x52e: {  	v6 =	vtrunc.f32 v6;
	v10 =	vmul.f32 $3.333333430e-01, v4;
	v9 =	vshrl.u32 v9, $0x6  }
0x52f: {  	v9 =	vcvt.s32.f32 v9;
	v8 =	vmul.f32 $4.761904850e-02, v8  }
0x530: {  	v4 =	vcvt.f32.s32 v6;
	v7 =	vtrunc.f32 v7  }
0x531: {  	v9 =	vmul.f32 $3.333333430e-01, v9;
	v8 =	vtrunc.f32 v8  }
0x532: {  	v6 =	vcvt.f32.s32 v7;
	v7 =	vld [tilespmem:s26+$0x0];
	v8 =	vcvt.f32.s32 v8  }
0x533: {  	v2 =	vcvt.f32.s32 v2;
	v21 =	vmul.u32 $0xFFFFFF20, v16;
	v9 =	vtrunc.f32 v9  }
0x534: {  	v3 =	vtrunc.f32 v3;
	v9 =	vcvt.f32.s32 v9;
	v17 =	vmul.u32 $0xFFFFFF20, v8  }
0x535: {  	v22 =	vshll.u32 v16, $0x8;
	v15 =	vcvt.f32.s32 v3;
	v3 =	vcvt.s32.f32 v14  }
0x536: {  	v10 =	vtrunc.f32 v10;
	v12 =	vtrunc.f32 v12;
	v9 =	vadd.s32 v9, v17  }
0x537: {  	v14 =	vshrl.u32 v7, $0xB;
	v17 =	vshll.u32 v8, $0x8;
	v18 =	vshll.u32 v9, $0x3  }
0x538: {  	v8 =	vshll.u32 v8, $0x7;
	v17 =	vand.u32 $0xFFFFF800, v17;
	v18 =	vand.u32 $0xFFFFFC00, v18  }
0x539: {  	v7 =	vshrl.u32 v7, $0x6;
	v8 =	vand.u32 $0x380, v8;
	v17 =	vadd.s32 v17, v18  }
0x53a: {  	s28 =	simm.s32 $0x3B00;
	v14 =	vcvt.s32.f32 v14;
	v9 =	vand.u32 $0x7F, v9;
	v8 =	vor.u32 v8, v17  }
0x53b: {  	v3 =	vmul.f32 $4.761904850e-02, v3;
	v7 =	vcvt.s32.f32 v7;
	v18 =	vld [tilespmem:s28+$0x80];
	v8 =	vor.u32 v9, v8  }
0x53c: {  	v16 =	vshll.u32 v16, $0x7;
	v10 =	vcvt.f32.s32 v10;
	v14 =	vmul.f32 $4.761904850e-02, v14  }
0x53d: {  	v22 =	vand.u32 $0xFFFFF800, v22;
	v12 =	vcvt.f32.s32 v12;
	v7 =	vmul.f32 $3.333333430e-01, v7  }
0x53e: {  	v16 =	vand.u32 $0x380, v16;
	v14 =	vtrunc.f32 v14;
	v9 =	vmul.f32 $3.333333430e-01, v13  }
0x53f: {  	v19 =	vmul.u32 $0xFFFFFF20, v6;
	v14 =	vcvt.f32.s32 v14;
	v17 =	vtrunc.f32 v3  }
0x540: {  	v20 =	vmul.u32 $0xFFFFFF20, v5;
	v17 =	vcvt.f32.s32 v17;
	v9 =	vtrunc.f32 v9;
	[tilespmem:v8+s17+$0x0] =	vst.idx.add.f32.msk $0xffff, v18  }
0x541: {  	v7 =	vtrunc.f32 v7;
	v24 =	vshll.u32 v14, $0x8;
	v9 =	vcvt.f32.s32 v9;
	v23 =	vld [tilespmem:s26+$0x90]  }
0x542: {  	v7 =	vcvt.f32.s32 v7;
	v24 =	vand.u32 $0xFFFFF800, v24;
	v8 =	vmul.u32 $0xFFFFFF20, v17  }
0x543: {  	v18 =	vmul.u32 $0xFFFFFF20, v14;
	v9 =	vadd.s32 v9, v21;
	v21 =	vshll.u32 v17, $0x8  }
0x544: {  	v17 =	vshll.u32 v17, $0x7;
	v14 =	vshll.u32 v14, $0x7;
	v25 =	vshll.u32 v9, $0x3  }
0x545: {  	v21 =	vand.u32 $0xFFFFF800, v21;
	v17 =	vand.u32 $0x380, v17;
	v14 =	vand.u32 $0x380, v14  }
0x546: {  	v9 =	vand.u32 $0x7F, v9;
	v8 =	vadd.s32 v11, v8;
	v26 =	vshrl.u32 v23, $0xB  }
0x547: {  	v7 =	vadd.s32 v7, v18;
	v11 =	vand.u32 $0xFFFFFC00, v25;
	v26 =	vcvt.s32.f32 v26  }
0x548: {  	v18 =	vshll.u32 v8, $0x3;
	v25 =	vshll.u32 v7, $0x3;
	v23 =	vshrl.u32 v23, $0x6  }
0x549: {  	v11 =	vadd.s32 v22, v11;
	v23 =	vcvt.s32.f32 v23;
	v26 =	vmul.f32 $4.761904850e-02, v26  }
0x54a: {  	v7 =	vand.u32 $0x7F, v7;
	v18 =	vand.u32 $0xFFFFFC00, v18;
	v25 =	vand.u32 $0xFFFFFC00, v25  }
0x54b: {  	v11 =	vor.u32 v16, v11;
	v22 =	vmul.f32 $3.333333430e-01, v23;
	v23 =	vtrunc.f32 v26  }
0x54c: {  	v18 =	vadd.s32 v21, v18;
	v21 =	vadd.s32 v24, v25;
	v16 =	vcvt.f32.s32 v23  }
0x54d: {  	v17 =	vor.u32 v17, v18;
	v14 =	vor.u32 v14, v21;
	v18 =	vtrunc.f32 v22  }
0x54e: {  	v21 =	vld [tilespmem:s28+$0x0];
	v7 =	vor.u32 v7, v14;
	v18 =	vcvt.f32.s32 v18;
	v22 =	vmul.u32 $0xFFFFFF20, v16  }
0x54f: {  	v10 =	vadd.s32 v10, v19;
	v3 =	vmul.u32 $0xFFFFFF20, v1;
	v9 =	vor.u32 v9, v11;
	v23 =	vld [tilespmem:s28+$0xFFFFFF00]  }
0x550: {  	v13 =	vmul.u32 $0xFFFFFF20, v4;
	v8 =	vand.u32 $0x7F, v8;
	v11 =	vadd.s32 v18, v22  }
0x551: {  	v8 =	vor.u32 v8, v17;
	v17 =	vld [tilespmem:s28+$0xFFFFFF80];
	v14 =	vshll.u32 v16, $0x8;
	v18 =	vshll.u32 v11, $0x3  }
0x552: {  	v16 =	vshll.u32 v16, $0x7;
	v14 =	vand.u32 $0xFFFFF800, v14;
	v18 =	vand.u32 $0xFFFFFC00, v18  }
0x553: {  	v13 =	vadd.s32 v15, v13;
	[tilespmem:v7+s17+$0x0] =	vst.idx.add.f32.msk $0xffff, v21;
	v16 =	vand.u32 $0x380, v16;
	v14 =	vadd.s32 v14, v18  }
0x554: {  	v15 =	vshll.u32 v13, $0x3;
	[tilespmem:v9+s17+$0x0] =	vst.idx.add.f32.msk $0xffff, v23;
	v9 =	vand.u32 $0x7F, v11;
	v11 =	vor.u32 v16, v14  }
0x555: {  	v7 =	vadd.s32 v12, v20;
	v22 =	vshll.u32 v4, $0x8;
	v16 =	vld [tilespmem:s28+$0x90];
	v9 =	vor.u32 v9, v11  }
0x556: {  	[tilespmem:v8+s17+$0x0] =	vst.idx.add.f32.msk $0xffff, v17;
	v12 =	vand.u32 $0xFFFFFC00, v15;
	v4 =	vshll.u32 v4, $0x7;
	v8 =	vand.u32 $0xFFFFF800, v22  }
0x557: {  	v17 =	vshll.u32 v10, $0x3;
	v19 =	vld [tilespmem:s26+$0xFFFFFF90];
	v4 =	vand.u32 $0x380, v4;
	v8 =	vadd.s32 v8, v12  }
0x558: {  	v15 =	vand.u32 $0xFFFFFC00, v17;
	v17 =	vld [tilespmem:s26+$0xFFFFFF10];
	v18 =	vshll.u32 v7, $0x3;
	v4 =	vor.u32 v4, v8  }
0x559: {  	v8 =	vand.u32 $0x7F, v13;
	v7 =	vand.u32 $0x7F, v7;
	v14 =	vshll.u32 v6, $0x8  }
0x55a: {  	v18 =	vand.u32 $0xFFFFFC00, v18;
	v6 =	vshll.u32 v6, $0x7;
	v11 =	vshll.u32 v5, $0x8;
	[tilespmem:v9+s17+$0x0] =	vst.idx.add.f32.msk $0xffff, v16  }
0x55b: {  	v14 =	vand.u32 $0xFFFFF800, v14;
	v5 =	vshll.u32 v5, $0x7;
	v11 =	vand.u32 $0xFFFFF800, v11;
	v12 =	vld [tilespmem:s26+$0xA0]  }
0x55c: {  	v6 =	vand.u32 $0x380, v6;
	v5 =	vand.u32 $0x380, v5;
	v11 =	vadd.s32 v11, v18  }
0x55d: {  	v13 =	vshrl.u32 v17, $0x6;
	v5 =	vor.u32 v5, v11;
	v11 =	vshrl.u32 v19, $0xB  }
0x55e: {  	v13 =	vcvt.s32.f32 v13;
	v11 =	vcvt.s32.f32 v11;
	v9 =	vadd.s32 v14, v15  }
0x55f: {  	v6 =	vor.u32 v6, v9;
	v9 =	vshrl.u32 v17, $0xB;
	v17 =	vshrl.u32 v19, $0x6  }
0x560: {  	v11 =	vmul.f32 $4.761904850e-02, v11;
	v9 =	vcvt.s32.f32 v9;
	v15 =	vshrl.u32 v12, $0xB  }
0x561: {  	v5 =	vor.u32 v7, v5;
	v14 =	vld [tilespmem:s26+$0x10];
	v17 =	vcvt.s32.f32 v17;
	v15 =	vcvt.s32.f32 v15  }
0x562: {  	v7 =	vtrunc.f32 v11;
	v11 =	vmul.f32 $3.333333430e-01, v13;
	v12 =	vshrl.u32 v12, $0x6  }
0x563: {  	v10 =	vand.u32 $0x7F, v10;
	v12 =	vcvt.s32.f32 v12;
	v15 =	vmul.f32 $4.761904850e-02, v15  }
0x564: {  	v4 =	vor.u32 v8, v4;
	v9 =	vmul.f32 $4.761904850e-02, v9;
	v7 =	vcvt.f32.s32 v7  }
0x565: {  	v6 =	vor.u32 v10, v6;
	v8 =	vmul.f32 $3.333333430e-01, v12;
	v12 =	vtrunc.f32 v15  }
0x566: {  	v16 =	vshrl.u32 v14, $0xB;
	v11 =	vtrunc.f32 v11;
	v12 =	vcvt.f32.s32 v12  }
0x567: {  	v14 =	vshrl.u32 v14, $0x6;
	v16 =	vcvt.s32.f32 v16;
	v8 =	vtrunc.f32 v8  }
0x568: {  	v10 =	vcvt.s32.f32 v14;
	v8 =	vcvt.f32.s32 v8;
	v14 =	vmul.u32 $0xFFFFFF20, v12  }
0x569: {  	v2 =	vadd.s32 v2, v3;
	v9 =	vtrunc.f32 v9;
	v11 =	vcvt.f32.s32 v11  }
0x56a: {  	v9 =	vcvt.f32.s32 v9;
	v10 =	vmul.f32 $3.333333430e-01, v10;
	v8 =	vadd.s32 v8, v14  }
0x56b: {  	v15 =	vmul.f32 $4.761904850e-02, v16;
	v14 =	vshll.u32 v12, $0x8;
	v16 =	vshll.u32 v8, $0x3  }
0x56c: {  	v12 =	vshll.u32 v12, $0x7;
	v14 =	vand.u32 $0xFFFFF800, v14;
	v16 =	vand.u32 $0xFFFFFC00, v16  }
0x56d: {  	v13 =	vtrunc.f32 v15;
	v12 =	vand.u32 $0x380, v12;
	v14 =	vadd.s32 v14, v16  }
0x56e: {  	v18 =	vld [tilespmem:s24+$0xFFFFFF40];
	v13 =	vcvt.f32.s32 v13;
	v8 =	vand.u32 $0x7F, v8;
	v12 =	vor.u32 v12, v14  }
0x56f: {  	v10 =	vtrunc.f32 v10;
	v15 =	vmul.f32 $3.333333430e-01, v17;
	v14 =	vld [tilespmem:s28+$0xA0];
	v8 =	vor.u32 v8, v12  }
0x570: {  	v19 =	vshll.u32 v9, $0x8;
	v10 =	vcvt.f32.s32 v10;
	v17 =	vmul.u32 $0xFFFFFF20, v13  }
0x571: {  	v21 =	vshll.u32 v13, $0x8;
	v12 =	vtrunc.f32 v15;
	v15 =	vmul.u32 $0xFFFFFF20, v9  }
0x572: {  	v20 =	vld [tilespmem:s24+$0xFFFFFFC0];
	v19 =	vand.u32 $0xFFFFF800, v19;
	v13 =	vshll.u32 v13, $0x7;
	v21 =	vand.u32 $0xFFFFF800, v21  }
0x573: {  	[tilespmem:v4+s17+$0x0] =	vst.idx.add.f32.msk $0xffff, v18;
	v10 =	vadd.s32 v10, v17;
	v16 =	vmul.u32 $0xFFFFFF20, v7;
	v11 =	vadd.s32 v11, v15  }
0x574: {  	v9 =	vshll.u32 v9, $0x7;
	v12 =	vcvt.f32.s32 v12;
	v22 =	vshll.u32 v11, $0x3;
	[tilespmem:v8+s17+$0x0] =	vst.idx.add.f32.msk $0xffff, v14  }
0x575: {  	v4 =	vand.u32 $0x380, v9;
	v15 =	vshll.u32 v7, $0x8;
	v8 =	vand.u32 $0xFFFFFC00, v22;
	v22 =	vld [tilespmem:s24+$0x40]  }
0x576: {  	v7 =	vshll.u32 v7, $0x7;
	v12 =	vadd.s32 v12, v16;
	v16 =	vshll.u32 v10, $0x3;
	v17 =	vld [tilespmem:s26+$0xB0]  }
0x577: {  	[tilespmem:v6+s17+$0x0] =	vst.idx.add.f32.msk $0xffff, v20;
	v15 =	vand.u32 $0xFFFFF800, v15;
	v6 =	vand.u32 $0x380, v7;
	v14 =	vshll.u32 v12, $0x3  }
0x578: {  	v10 =	vand.u32 $0x7F, v10;
	v14 =	vand.u32 $0xFFFFFC00, v14;
	v8 =	vadd.s32 v19, v8  }
0x579: {  	v9 =	vadd.s32 v15, v14;
	v4 =	vor.u32 v4, v8;
	v8 =	vand.u32 $0x7F, v11;
	v11 =	vld [tilespmem:s29+$0xFFFFFF50]  }
0x57a: {  	v24 =	vld [tilespmem:s28+$0xFFFFFF90];
	v16 =	vand.u32 $0xFFFFFC00, v16;
	v6 =	vor.u32 v6, v9;
	v9 =	vand.u32 $0x7F, v12  }
0x57b: {  	v14 =	vadd.s32 v21, v16;
	v6 =	vor.u32 v9, v6;
	[tilespmem:v5+s17+$0x0] =	vst.idx.add.f32.msk $0xffff, v22;
	v7 =	vshrl.u32 v17, $0xB  }
0x57c: {  	v5 =	vand.u32 $0x380, v13;
	v13 =	vld [tilespmem:s29+$0xFFFFFFD0];
	v12 =	vshrl.u32 v17, $0x6;
	v7 =	vcvt.s32.f32 v7  }
0x57d: {  	v23 =	vld [tilespmem:s28+$0xFFFFFF10];
	v4 =	vor.u32 v8, v4;
	v5 =	vor.u32 v5, v14;
	v8 =	vcvt.s32.f32 v12  }
0x57e: {  	v9 =	vld [tilespmem:s28+$0x10];
	v5 =	vor.u32 v10, v5;
	v14 =	vshrl.u32 v11, $0xB;
	v7 =	vmul.f32 $4.761904850e-02, v7  }
0x57f: {  	v3 =	vshll.u32 v1, $0x8;
	v1 =	vshll.u32 v1, $0x7;
	v12 =	vld [tilespmem:s29+$0x50];
	v14 =	vcvt.s32.f32 v14  }
0x580: {  	v3 =	vand.u32 $0xFFFFF800, v3;
	v8 =	vmul.f32 $3.333333430e-01, v8;
	v7 =	vtrunc.f32 v7  }
0x581: {  	[tilespmem:v6+s17+$0x0] =	vst.idx.add.f32.msk $0xffff, v24;
	v6 =	vshrl.u32 v11, $0x6;
	v15 =	vshrl.u32 v13, $0xB;
	v7 =	vcvt.f32.s32 v7  }
0x582: {  	[tilespmem:v4+s17+$0x0] =	vst.idx.add.f32.msk $0xffff, v23;
	v11 =	vshrl.u32 v13, $0x6;
	v6 =	vcvt.s32.f32 v6;
	v8 =	vtrunc.f32 v8  }
0x583: {  	v11 =	vcvt.s32.f32 v11;
	v4 =	vcvt.f32.s32 v8;
	[tilespmem:v5+s17+$0x0] =	vst.idx.add.f32.msk $0xffff, v9;
	v8 =	vmul.u32 $0xFFFFFF20, v7  }
0x584: {  	v16 =	vshrl.u32 v12, $0xB;
	v5 =	vcvt.s32.f32 v15;
	v6 =	vmul.f32 $3.333333430e-01, v6;
	v17 =	vld [tilespmem:s26+$0x20]  }
0x585: {  	v16 =	vcvt.s32.f32 v16;
	v9 =	vshll.u32 v7, $0x8;
	v4 =	vadd.s32 v4, v8  }
0x586: {  	v15 =	vld [tilespmem:s26+$0xFFFFFFA0];
	v7 =	vshll.u32 v7, $0x7;
	v5 =	vmul.f32 $4.761904850e-02, v5;
	v13 =	vshll.u32 v4, $0x3  }
0x587: {  	v9 =	vand.u32 $0xFFFFF800, v9;
	v7 =	vand.u32 $0x380, v7;
	v8 =	vld [tilespmem:s26+$0xFFFFFF20];
	v13 =	vand.u32 $0xFFFFFC00, v13  }
0x588: {  	v5 =	vtrunc.f32 v5;
	v4 =	vand.u32 $0x7F, v4;
	v9 =	vadd.s32 v9, v13  }
0x589: {  	v18 =	vshrl.u32 v17, $0xB;
	v13 =	vmul.f32 $4.761904850e-02, v14;
	v7 =	vor.u32 v7, v9  }
0x58a: {  	v14 =	vld [tilespmem:s28+$0xB0];
	v18 =	vcvt.s32.f32 v18;
	v9 =	vmul.f32 $4.761904850e-02, v16;
	v4 =	vor.u32 v4, v7  }
0x58b: {  	v16 =	vshrl.u32 v15, $0xB;
	v15 =	vshrl.u32 v15, $0x6;
	v7 =	vshrl.u32 v12, $0x6  }
0x58c: {  	v12 =	vtrunc.f32 v13;
	v13 =	vshrl.u32 v8, $0xB;
	v16 =	vcvt.s32.f32 v16  }
0x58d: {  	v8 =	vshrl.u32 v8, $0x6;
	v15 =	vcvt.s32.f32 v15;
	v13 =	vcvt.s32.f32 v13  }
0x58e: {  	v1 =	vand.u32 $0x380, v1;
	v8 =	vcvt.s32.f32 v8;
	v16 =	vmul.f32 $4.761904850e-02, v16  }
0x58f: {  	v10 =	vshll.u32 v2, $0x3;
	v7 =	vcvt.s32.f32 v7;
	v13 =	vmul.f32 $4.761904850e-02, v13;
	[tilespmem:v4+s17+$0x0] =	vst.idx.add.f32.msk $0xffff, v14  }
0x590: {  	v8 =	vmul.f32 $3.333333430e-01, v8;
	v16 =	vtrunc.f32 v16;
	v4 =	vshrl.u32 v17, $0x6;
	v17 =	vld [tilespmem:s26+$0xC0]  }
0x591: {  	v2 =	vand.u32 $0x7F, v2;
	v14 =	vmul.f32 $4.761904850e-02, v18;
	v13 =	vtrunc.f32 v13  }
0x592: {  	v10 =	vand.u32 $0xFFFFFC00, v10;
	v8 =	vtrunc.f32 v8;
	v4 =	vcvt.s32.f32 v4  }
0x593: {  	v3 =	vadd.s32 v3, v10;
	v13 =	vcvt.f32.s32 v13;
	v8 =	vcvt.f32.s32 v8  }
0x594: {  	v1 =	vor.u32 v1, v3;
	v10 =	vtrunc.f32 v14;
	v14 =	vmul.f32 $3.333333430e-01, v15  }
0x595: {  	v15 =	vcvt.f32.s32 v16;
	v4 =	vmul.f32 $3.333333430e-01, v4;
	v16 =	vshrl.u32 v17, $0xB  }
0x596: {  	v10 =	vcvt.f32.s32 v10;
	v20 =	vshll.u32 v13, $0x8;
	v16 =	vcvt.s32.f32 v16  }
0x597: {  	v14 =	vtrunc.f32 v14;
	v4 =	vtrunc.f32 v4;
	v17 =	vshrl.u32 v17, $0x6  }
0x598: {  	v18 =	vmul.u32 $0xFFFFFF20, v15;
	v3 =	vcvt.s32.f32 v17;
	v16 =	vmul.f32 $4.761904850e-02, v16  }
0x599: {  	v20 =	vand.u32 $0xFFFFF800, v20;
	v14 =	vcvt.f32.s32 v14;
	v4 =	vcvt.f32.s32 v4  }
0x59a: {  	v19 =	vmul.u32 $0xFFFFFF20, v10;
	v3 =	vmul.f32 $3.333333430e-01, v3;
	v16 =	vtrunc.f32 v16  }
0x59b: {  	v17 =	vmul.u32 $0xFFFFFF20, v13;
	v14 =	vadd.s32 v14, v18;
	v16 =	vcvt.f32.s32 v16  }
0x59c: {  	v13 =	vshll.u32 v13, $0x7;
	v4 =	vadd.s32 v4, v19;
	v3 =	vtrunc.f32 v3  }
0x59d: {  	v8 =	vadd.s32 v8, v17;
	v3 =	vcvt.f32.s32 v3;
	v17 =	vmul.u32 $0xFFFFFF20, v16  }
0x59e: {  	v18 =	vshll.u32 v14, $0x3;
	v13 =	vand.u32 $0x380, v13;
	v14 =	vand.u32 $0x7F, v14  }
0x59f: {  	v19 =	vshll.u32 v4, $0x3;
	v18 =	vand.u32 $0xFFFFFC00, v18;
	v3 =	vadd.s32 v3, v17  }
0x5a0: {  	v21 =	vshll.u32 v8, $0x3;
	v22 =	vshll.u32 v16, $0x8;
	v23 =	vshll.u32 v3, $0x3  }
0x5a1: {  	v16 =	vshll.u32 v16, $0x7;
	v22 =	vand.u32 $0xFFFFF800, v22;
	v23 =	vand.u32 $0xFFFFFC00, v23  }
0x5a2: {  	v21 =	vand.u32 $0xFFFFFC00, v21;
	v16 =	vand.u32 $0x380, v16;
	v22 =	vadd.s32 v22, v23  }
0x5a3: {  	v17 =	vshll.u32 v15, $0x8;
	v3 =	vand.u32 $0x7F, v3;
	v16 =	vor.u32 v16, v22  }
0x5a4: {  	v15 =	vshll.u32 v15, $0x7;
	v17 =	vand.u32 $0xFFFFF800, v17;
	v23 =	vld [tilespmem:s28+$0xC0];
	v3 =	vor.u32 v3, v16  }
0x5a5: {  	v20 =	vadd.s32 v20, v21;
	v15 =	vand.u32 $0x380, v15;
	v17 =	vadd.s32 v17, v18  }
0x5a6: {  	v8 =	vand.u32 $0x7F, v8;
	v13 =	vor.u32 v13, v20;
	v15 =	vor.u32 v15, v17  }
0x5a7: {  	v8 =	vor.u32 v8, v13;
	v18 =	vld [tilespmem:s28+$0xFFFFFFA0];
	v22 =	vshll.u32 v10, $0x8;
	v13 =	vor.u32 v14, v15  }
0x5a8: {  	v10 =	vshll.u32 v10, $0x7;
	v16 =	vand.u32 $0xFFFFFC00, v19;
	v19 =	vand.u32 $0xFFFFF800, v22;
	v22 =	vld [tilespmem:s28+$0xFFFFFF20]  }
0x5a9: {  	v7 =	vmul.f32 $3.333333430e-01, v7;
	v10 =	vand.u32 $0x380, v10;
	[tilespmem:v3+s17+$0x0] =	vst.idx.add.f32.msk $0xffff, v23;
	v3 =	vadd.s32 v19, v16  }
0x5aa: {  	v9 =	vtrunc.f32 v9;
	v4 =	vand.u32 $0x7F, v4;
	v14 =	vld [tilespmem:s26+$0xD0];
	v3 =	vor.u32 v10, v3  }
0x5ab: {  	v7 =	vtrunc.f32 v7;
	v10 =	vmul.f32 $3.333333430e-01, v11;
	v11 =	vld [tilespmem:s28+$0x20];
	v15 =	vor.u32 v4, v3  }
0x5ac: {  	v1 =	vor.u32 v2, v1;
	v2 =	vcvt.f32.s32 v9;
	v7 =	vcvt.f32.s32 v7;
	[tilespmem:v13+s17+$0x0] =	vst.idx.add.f32.msk $0xffff, v18  }
0x5ad: {  	[tilespmem:v8+s17+$0x0] =	vst.idx.add.f32.msk $0xffff, v22;
	v3 =	vcvt.f32.s32 v12;
	v4 =	vcvt.f32.s32 v5  }
0x5ae: {  	v5 =	vtrunc.f32 v6;
	v6 =	vtrunc.f32 v10;
	v10 =	vld [tilespmem:s26+$0xFFFFFF30]  }
0x5af: {  	v5 =	vcvt.f32.s32 v5;
	v8 =	vshrl.u32 v14, $0xB;
	v13 =	vshrl.u32 v14, $0x6;
	v14 =	vld [tilespmem:s26+$0xFFFFFFB0]  }
0x5b0: {  	v9 =	vmul.u32 $0xFFFFFF20, v3;
	v8 =	vcvt.s32.f32 v8;
	[tilespmem:v15+s17+$0x0] =	vst.idx.add.f32.msk $0xffff, v11;
	v11 =	vcvt.s32.f32 v13  }
0x5b1: {  	v16 =	vmul.u32 $0xFFFFFF20, v2;
	v12 =	vmul.u32 $0xFFFFFF20, v4;
	v13 =	vcvt.f32.s32 v6  }
0x5b2: {  	v6 =	vadd.s32 v5, v9;
	v5 =	vld [tilespmem:s26+$0x30];
	v8 =	vmul.f32 $4.761904850e-02, v8;
	v11 =	vmul.f32 $3.333333430e-01, v11  }
0x5b3: {  	v12 =	vadd.s32 v13, v12;
	v13 =	vshrl.u32 v10, $0x6;
	v10 =	vshrl.u32 v10, $0xB  }
0x5b4: {  	v9 =	vshll.u32 v3, $0x8;
	v3 =	vshll.u32 v3, $0x7;
	v10 =	vcvt.s32.f32 v10  }
0x5b5: {  	v8 =	vtrunc.f32 v8;
	v11 =	vtrunc.f32 v11;
	v15 =	vshrl.u32 v14, $0xB  }
0x5b6: {  	v14 =	vshrl.u32 v14, $0x6;
	v8 =	vcvt.f32.s32 v8;
	v11 =	vcvt.f32.s32 v11  }
0x5b7: {  	v15 =	vcvt.s32.f32 v15;
	v10 =	vmul.f32 $4.761904850e-02, v10;
	v18 =	vshrl.u32 v5, $0xB  }
0x5b8: {  	v3 =	vand.u32 $0x380, v3;
	v14 =	vcvt.s32.f32 v14;
	v18 =	vcvt.s32.f32 v18  }
0x5b9: {  	v17 =	vmul.u32 $0xFFFFFF20, v8;
	v15 =	vmul.f32 $4.761904850e-02, v15;
	v10 =	vtrunc.f32 v10  }
0x5ba: {  	v19 =	vshrl.u32 v5, $0x6;
	v14 =	vmul.f32 $3.333333430e-01, v14;
	v10 =	vcvt.f32.s32 v10  }
0x5bb: {  	v11 =	vadd.s32 v11, v17;
	v17 =	vshll.u32 v8, $0x8;
	v8 =	vshll.u32 v8, $0x7  }
0x5bc: {  	v15 =	vtrunc.f32 v15;
	v14 =	vtrunc.f32 v14;
	v5 =	vshll.u32 v11, $0x3  }
0x5bd: {  	v17 =	vand.u32 $0xFFFFF800, v17;
	v8 =	vand.u32 $0x380, v8;
	v11 =	vand.u32 $0x7F, v11  }
0x5be: {  	v15 =	vcvt.f32.s32 v15;
	v23 =	vshll.u32 v10, $0x8;
	v5 =	vand.u32 $0xFFFFFC00, v5  }
0x5bf: {  	v14 =	vcvt.f32.s32 v14;
	v23 =	vand.u32 $0xFFFFF800, v23;
	v5 =	vadd.s32 v17, v5  }
0x5c0: {  	v21 =	vmul.u32 $0xFFFFFF20, v15;
	v5 =	vor.u32 v8, v5;
	v8 =	vcvt.s32.f32 v13  }
0x5c1: {  	v17 =	vld [tilespmem:s28+$0xD0];
	v13 =	vmul.f32 $4.761904850e-02, v18;
	v18 =	vshll.u32 v4, $0x8;
	v11 =	vor.u32 v11, v5  }
0x5c2: {  	v4 =	vshll.u32 v4, $0x7;
	v5 =	vadd.s32 v7, v16;
	v7 =	vcvt.s32.f32 v19  }
0x5c3: {  	v16 =	vshll.u32 v6, $0x3;
	v19 =	vshll.u32 v12, $0x3;
	v8 =	vmul.f32 $3.333333430e-01, v8  }
0x5c4: {  	v14 =	vadd.s32 v14, v21;
	v13 =	vtrunc.f32 v13;
	v7 =	vmul.f32 $3.333333430e-01, v7  }
0x5c5: {  	v25 =	vshll.u32 v14, $0x3;
	v14 =	vand.u32 $0x7F, v14;
	v8 =	vtrunc.f32 v8  }
0x5c6: {  	v25 =	vand.u32 $0xFFFFFC00, v25;
	v7 =	vtrunc.f32 v7;
	[tilespmem:v11+s17+$0x0] =	vst.idx.add.f32.msk $0xffff, v17;
	v11 =	vcvt.f32.s32 v13  }
0x5c7: {  	v8 =	vcvt.f32.s32 v8;
	v17 =	vmul.u32 $0xFFFFFF20, v10;
	v10 =	vshll.u32 v10, $0x7  }
0x5c8: {  	v7 =	vcvt.f32.s32 v7;
	v10 =	vand.u32 $0x380, v10;
	v22 =	vmul.u32 $0xFFFFFF20, v11  }
0x5c9: {  	v13 =	vld [tilespmem:s26+$0xE0];
	v8 =	vadd.s32 v8, v17;
	v17 =	vshll.u32 v15, $0x8;
	v24 =	vshll.u32 v11, $0x8  }
0x5ca: {  	v15 =	vshll.u32 v15, $0x7;
	v11 =	vshll.u32 v11, $0x7;
	v17 =	vand.u32 $0xFFFFF800, v17  }
0x5cb: {  	v24 =	vand.u32 $0xFFFFF800, v24;
	v7 =	vadd.s32 v7, v22;
	v22 =	vshll.u32 v8, $0x3  }
0x5cc: {  	v15 =	vand.u32 $0x380, v15;
	v11 =	vand.u32 $0x380, v11;
	v22 =	vand.u32 $0xFFFFFC00, v22  }
0x5cd: {  	v17 =	vadd.s32 v17, v25;
	v8 =	vand.u32 $0x7F, v8;
	v22 =	vadd.s32 v23, v22  }
0x5ce: {  	v26 =	vshll.u32 v7, $0x3;
	v21 =	vshrl.u32 v13, $0xB;
	v10 =	vor.u32 v10, v22  }
0x5cf: {  	v15 =	vor.u32 v15, v17;
	v21 =	vcvt.s32.f32 v21;
	v22 =	vld [tilespmem:s28+$0xFFFFFF30];
	v8 =	vor.u32 v8, v10  }
0x5d0: {  	v13 =	vshrl.u32 v13, $0x6;
	v26 =	vand.u32 $0xFFFFFC00, v26;
	v14 =	vor.u32 v14, v15;
	v10 =	vld [tilespmem:s28+$0xFFFFFFB0]  }
0x5d1: {  	v13 =	vcvt.s32.f32 v13;
	v17 =	vadd.s32 v24, v26;
	v21 =	vmul.f32 $4.761904850e-02, v21  }
0x5d2: {  	v4 =	vand.u32 $0x380, v4;
	v7 =	vand.u32 $0x7F, v7;
	v23 =	vld [tilespmem:s24+$0xFFFFFF50];
	v11 =	vor.u32 v11, v17  }
0x5d3: {  	v13 =	vmul.f32 $3.333333430e-01, v13;
	v11 =	vor.u32 v7, v11;
	v15 =	vtrunc.f32 v21;
	v21 =	vld [tilespmem:s28+$0x30]  }
0x5d4: {  	v20 =	vshll.u32 v5, $0x3;
	v16 =	vand.u32 $0xFFFFFC00, v16;
	v19 =	vand.u32 $0xFFFFFC00, v19;
	[tilespmem:v8+s17+$0x0] =	vst.idx.add.f32.msk $0xffff, v22  }
0x5d5: {  	v7 =	vtrunc.f32 v13;
	v13 =	vand.u32 $0xFFFFFC00, v20;
	v8 =	vand.u32 $0xFFFFF800, v9;
	[tilespmem:v14+s17+$0x0] =	vst.idx.add.f32.msk $0xffff, v10  }
0x5d6: {  	v15 =	vcvt.f32.s32 v15;
	v9 =	vand.u32 $0xFFFFF800, v18;
	v14 =	vld [tilespmem:s26+$0xFFFFFF40];
	v8 =	vadd.s32 v8, v16  }
0x5d7: {  	v9 =	vadd.s32 v9, v19;
	v3 =	vor.u32 v3, v8;
	v8 =	vand.u32 $0x7F, v12;
	v12 =	vld [tilespmem:s24+$0xFFFFFFD0]  }
0x5d8: {  	v7 =	vcvt.f32.s32 v7;
	v20 =	vmul.u32 $0xFFFFFF20, v15;
	v4 =	vor.u32 v4, v9;
	[tilespmem:v11+s17+$0x0] =	vst.idx.add.f32.msk $0xffff, v21  }
0x5d9: {  	s23 =	simm.s32 $0xAD00;
	v6 =	vand.u32 $0x7F, v6;
	v11 =	vld [tilespmem:s26+$0xFFFFFFC0];
	v4 =	vor.u32 v8, v4  }
0x5da: {  	v17 =	vshll.u32 v2, $0x8;
	v7 =	vadd.s32 v7, v20;
	v3 =	vor.u32 v6, v3;
	v20 =	vld [tilespmem:s23+$0x80]  }
0x5db: {  	v2 =	vshll.u32 v2, $0x7;
	v17 =	vand.u32 $0xFFFFF800, v17;
	v9 =	vshll.u32 v15, $0x8;
	v6 =	vld [tilespmem:s26+$0x40]  }
0x5dc: {  	v13 =	vadd.s32 v17, v13;
	v8 =	vand.u32 $0xFFFFF800, v9;
	v16 =	vshrl.u32 v14, $0xB  }
0x5dd: {  	v9 =	vshll.u32 v15, $0x7;
	v14 =	vshrl.u32 v14, $0x6;
	v15 =	vcvt.s32.f32 v16  }
0x5de: {  	v16 =	vshrl.u32 v11, $0xB;
	v11 =	vshrl.u32 v11, $0x6;
	[tilespmem:v4+s17+$0x0] =	vst.idx.add.f32.msk $0xffff, v12;
	v12 =	vcvt.s32.f32 v14  }
0x5df: {  	[tilespmem:v3+s17+$0x0] =	vst.idx.add.f32.msk $0xffff, v23;
	v14 =	vand.u32 $0x380, v2;
	v27 =	vshrl.u32 v20, $0xB;
	v3 =	vcvt.s32.f32 v16  }
0x5e0: {  	v16 =	vshrl.u32 v6, $0xB;
	v15 =	vmul.f32 $4.761904850e-02, v15;
	v11 =	vcvt.s32.f32 v11  }
0x5e1: {  	v6 =	vshrl.u32 v6, $0x6;
	v27 =	vcvt.s32.f32 v27;
	v4 =	vcvt.s32.f32 v16  }
0x5e2: {  	v13 =	vor.u32 v14, v13;
	v14 =	vcvt.s32.f32 v6;
	v19 =	vmul.f32 $3.333333430e-01, v12  }
0x5e3: {  	v16 =	vmul.f32 $4.761904850e-02, v3;
	v15 =	vtrunc.f32 v15  }
0x5e4: {  	v2 =	vld [tilespmem:s29+$0xFFFFFF60];
	v11 =	vmul.f32 $3.333333430e-01, v11;
	v27 =	vmul.f32 $4.761904850e-02, v27  }
0x5e5: {  	v4 =	vmul.f32 $4.761904850e-02, v4;
	v6 =	vcvt.f32.s32 v15  }
0x5e6: {  	v14 =	vmul.f32 $3.333333430e-01, v14;
	v15 =	vtrunc.f32 v19  }
0x5e7: {  	v5 =	vand.u32 $0x7F, v5;
	v17 =	vtrunc.f32 v16;
	v11 =	vtrunc.f32 v11  }
0x5e8: {  	v3 =	vld [tilespmem:s29+$0xFFFFFFE0];
	v16 =	vor.u32 v5, v13;
	v15 =	vcvt.f32.s32 v15;
	v18 =	vtrunc.f32 v4  }
0x5e9: {  	v4 =	vshrl.u32 v2, $0xB;
	v13 =	vcvt.f32.s32 v17;
	v17 =	vmul.u32 $0xFFFFFF20, v6  }
0x5ea: {  	v14 =	vtrunc.f32 v14;
	v22 =	vshll.u32 v6, $0x8;
	v11 =	vcvt.f32.s32 v11  }
0x5eb: {  	v6 =	vshll.u32 v6, $0x7;
	v2 =	vshrl.u32 v2, $0x6;
	v12 =	vcvt.f32.s32 v18  }
0x5ec: {  	v24 =	vcvt.f32.s32 v14;
	v6 =	vand.u32 $0x380, v6;
	v4 =	vcvt.s32.f32 v4  }
0x5ed: {  	v21 =	vld [tilespmem:s23+$0xFFFFFF80];
	v5 =	vshrl.u32 v3, $0xB;
	v18 =	vmul.u32 $0xFFFFFF20, v13;
	v23 =	vshll.u32 v13, $0x8  }
0x5ee: {  	v26 =	vld [tilespmem:s23+$0x0];
	v14 =	vadd.s32 v15, v17;
	v17 =	vand.u32 $0xFFFFF800, v22;
	v13 =	vshll.u32 v13, $0x7  }
0x5ef: {  	v3 =	vshrl.u32 v3, $0x6;
	v19 =	vmul.u32 $0xFFFFFF20, v12;
	v25 =	vshll.u32 v12, $0x8  }
0x5f0: {  	v23 =	vand.u32 $0xFFFFF800, v23;
	v12 =	vshll.u32 v12, $0x7;
	v13 =	vand.u32 $0x380, v13  }
0x5f1: {  	v22 =	vld [tilespmem:s23+$0xFFFFFF00];
	v5 =	vcvt.s32.f32 v5;
	v15 =	vadd.s32 v11, v18;
	v11 =	vshrl.u32 v20, $0x6  }
0x5f2: {  	v20 =	vshrl.u32 v21, $0xB;
	v28 =	vcvt.s32.f32 v11;
	v11 =	vadd.s32 v24, v19  }
0x5f3: {  	v19 =	vcvt.s32.f32 v20;
	v24 =	vtrunc.f32 v27;
	v27 =	vshrl.u32 v26, $0xB  }
0x5f4: {  	v20 =	vshrl.u32 v21, $0x6;
	v24 =	vcvt.f32.s32 v24;
	v27 =	vcvt.s32.f32 v27  }
0x5f5: {  	v26 =	vshrl.u32 v26, $0x6;
	v20 =	vcvt.s32.f32 v20;
	v21 =	vmul.f32 $3.333333430e-01, v28  }
0x5f6: {  	v26 =	vcvt.s32.f32 v26;
	v28 =	vshrl.u32 v22, $0xB;
	v19 =	vmul.f32 $4.761904850e-02, v19  }
0x5f7: {  	v22 =	vshrl.u32 v22, $0x6;
	v28 =	vcvt.s32.f32 v28;
	v21 =	vtrunc.f32 v21  }
0x5f8: {  	v30 =	vmul.u32 $0xFFFFFF20, v24;
	v27 =	vmul.f32 $4.761904850e-02, v27;
	v21 =	vcvt.f32.s32 v21  }
0x5f9: {  	v18 =	vshll.u32 v14, $0x3;
	v22 =	vcvt.s32.f32 v22;
	v20 =	vmul.f32 $3.333333430e-01, v20  }
0x5fa: {  	v26 =	vmul.f32 $3.333333430e-01, v26;
	v19 =	vtrunc.f32 v19;
	v21 =	vadd.s32 v21, v30  }
0x5fb: {  	v28 =	vmul.f32 $4.761904850e-02, v28;
	v30 =	vshll.u32 v24, $0x8;
	v31 =	vshll.u32 v21, $0x3  }
0x5fc: {  	v24 =	vshll.u32 v24, $0x7;
	v30 =	vand.u32 $0xFFFFF800, v30;
	v31 =	vand.u32 $0xFFFFFC00, v31  }
0x5fd: {  	v27 =	vtrunc.f32 v27;
	v24 =	vand.u32 $0x380, v24;
	v30 =	vadd.s32 v30, v31  }
0x5fe: {  	s25 =	simm.s32 $0x3D00;
	v22 =	vmul.f32 $3.333333430e-01, v22;
	v21 =	vand.u32 $0x7F, v21;
	v24 =	vor.u32 v24, v30  }
0x5ff: {  	v19 =	vcvt.f32.s32 v19;
	v20 =	vtrunc.f32 v20;
	v30 =	vld [tilespmem:s25+$0x80];
	v21 =	vor.u32 v21, v24  }
0x600: {  	v25 =	vand.u32 $0xFFFFF800, v25;
	v26 =	vtrunc.f32 v26;
	v27 =	vcvt.f32.s32 v27  }
0x601: {  	v12 =	vand.u32 $0x380, v12;
	v20 =	vcvt.f32.s32 v20;
	v28 =	vtrunc.f32 v28  }
0x602: {  	v29 =	vshll.u32 v15, $0x3;
	v22 =	vtrunc.f32 v22;
	v28 =	vcvt.f32.s32 v28  }
0x603: {  	v18 =	vand.u32 $0xFFFFFC00, v18;
	v26 =	vcvt.f32.s32 v26;
	v22 =	vcvt.f32.s32 v22  }
0x604: {  	v34 =	vshll.u32 v27, $0x8;
	v31 =	vmul.u32 $0xFFFFFF20, v28;
	v32 =	vshll.u32 v28, $0x8;
	[tilespmem:v21+s17+$0x0] =	vst.idx.add.f32.msk $0xffff, v30  }
0x605: {  	v34 =	vand.u32 $0xFFFFF800, v34;
	v28 =	vshll.u32 v28, $0x7;
	v32 =	vand.u32 $0xFFFFF800, v32;
	v33 =	vld [tilespmem:s23+$0x90]  }
0x606: {  	v28 =	vand.u32 $0x380, v28;
	v22 =	vadd.s32 v22, v31;
	v21 =	vmul.u32 $0xFFFFFF20, v19  }
0x607: {  	v31 =	vshll.u32 v19, $0x8;
	v35 =	vshll.u32 v22, $0x3;
	v30 =	vmul.u32 $0xFFFFFF20, v27  }
0x608: {  	v31 =	vand.u32 $0xFFFFF800, v31;
	v22 =	vand.u32 $0x7F, v22;
	v20 =	vadd.s32 v20, v21  }
0x609: {  	v19 =	vshll.u32 v19, $0x7;
	v21 =	vadd.s32 v26, v30;
	v30 =	vshll.u32 v20, $0x3  }
0x60a: {  	v27 =	vshll.u32 v27, $0x7;
	v30 =	vand.u32 $0xFFFFFC00, v30;
	v36 =	vshrl.u32 v33, $0xB  }
0x60b: {  	v19 =	vand.u32 $0x380, v19;
	v30 =	vadd.s32 v31, v30;
	v31 =	vld [tilespmem:s24+$0x50];
	v36 =	vcvt.s32.f32 v36  }
0x60c: {  	v27 =	vand.u32 $0x380, v27;
	v26 =	vand.u32 $0xFFFFFC00, v35;
	v33 =	vshrl.u32 v33, $0x6  }
0x60d: {  	v53 =	vshll.u32 v21, $0x3;
	v33 =	vcvt.s32.f32 v33;
	v36 =	vmul.f32 $4.761904850e-02, v36  }
0x60e: {  	v26 =	vadd.s32 v32, v26;
	v20 =	vand.u32 $0x7F, v20;
	v35 =	vand.u32 $0xFFFFFC00, v53  }
0x60f: {  	v57 =	vld [tilespmem:s25+$0xFFFFFF00];
	v26 =	vor.u32 v28, v26;
	v33 =	vmul.f32 $3.333333430e-01, v33;
	v55 =	vtrunc.f32 v36  }
0x610: {  	v22 =	vor.u32 v22, v26;
	v19 =	vor.u32 v19, v30;
	[tilespmem:v16+s17+$0x0] =	vst.idx.add.f32.msk $0xffff, v31;
	v28 =	vcvt.f32.s32 v55  }
0x611: {  	v19 =	vor.u32 v20, v19;
	v16 =	vand.u32 $0x7F, v21;
	v21 =	vld [tilespmem:s25+$0xFFFFFF80];
	v30 =	vtrunc.f32 v33  }
0x612: {  	v54 =	vadd.s32 v34, v35;
	v30 =	vcvt.f32.s32 v30;
	v56 =	vmul.u32 $0xFFFFFF20, v28  }
0x613: {  	v17 =	vadd.s32 v17, v18;
	v24 =	vand.u32 $0xFFFFFC00, v29;
	v27 =	vor.u32 v27, v54;
	v31 =	vld [tilespmem:s29+$0x60]  }
0x614: {  	v29 =	vshll.u32 v11, $0x3;
	v16 =	vor.u32 v16, v27;
	v20 =	vadd.s32 v30, v56;
	v30 =	vld [tilespmem:s25+$0x0]  }
0x615: {  	v18 =	vadd.s32 v23, v24;
	[tilespmem:v22+s17+$0x0] =	vst.idx.add.f32.msk $0xffff, v57;
	v26 =	vshll.u32 v28, $0x8;
	v27 =	vshll.u32 v20, $0x3  }
0x616: {  	v28 =	vshll.u32 v28, $0x7;
	v26 =	vand.u32 $0xFFFFF800, v26;
	[tilespmem:v19+s17+$0x0] =	vst.idx.add.f32.msk $0xffff, v21;
	v27 =	vand.u32 $0xFFFFFC00, v27  }
0x617: {  	v13 =	vor.u32 v13, v18;
	v18 =	vld [tilespmem:s23+$0xFFFFFF90];
	v26 =	vadd.s32 v26, v27;
	v27 =	vand.u32 $0x380, v28  }
0x618: {  	v20 =	vand.u32 $0x7F, v20;
	v28 =	vand.u32 $0xFFFFFC00, v29;
	v22 =	vor.u32 v27, v26;
	v26 =	vld [tilespmem:s25+$0x90]  }
0x619: {  	v20 =	vor.u32 v20, v22;
	[tilespmem:v16+s17+$0x0] =	vst.idx.add.f32.msk $0xffff, v30;
	v16 =	vor.u32 v6, v17;
	v6 =	vshrl.u32 v31, $0xB  }
0x61a: {  	v15 =	vand.u32 $0x7F, v15;
	v19 =	vadd.s32 v25, v28;
	v17 =	vld [tilespmem:s23+$0xFFFFFF10];
	v6 =	vcvt.s32.f32 v6  }
0x61b: {  	v21 =	vmul.f32 $4.761904850e-02, v5;
	v12 =	vor.u32 v12, v19;
	v19 =	vmul.f32 $4.761904850e-02, v4;
	v22 =	vld [tilespmem:s23+$0x10]  }
0x61c: {  	v11 =	vand.u32 $0x7F, v11;
	v4 =	vcvt.s32.f32 v2;
	v23 =	vmul.f32 $4.761904850e-02, v6  }
0x61d: {  	v6 =	vcvt.s32.f32 v3;
	v3 =	vtrunc.f32 v21;
	v21 =	vshrl.u32 v18, $0xB  }
0x61e: {  	v5 =	vtrunc.f32 v19;
	v18 =	vshrl.u32 v18, $0x6;
	v21 =	vcvt.s32.f32 v21;
	[tilespmem:v20+s17+$0x0] =	vst.idx.add.f32.msk $0xffff, v26  }
0x61f: {  	v18 =	vcvt.s32.f32 v18;
	v19 =	vshrl.u32 v17, $0xB;
	v17 =	vshrl.u32 v17, $0x6;
	v20 =	vld [tilespmem:s23+$0xA0]  }
0x620: {  	v19 =	vcvt.s32.f32 v19;
	v25 =	vshrl.u32 v22, $0xB;
	v17 =	vcvt.s32.f32 v17  }
0x621: {  	v21 =	vmul.f32 $4.761904850e-02, v21;
	v22 =	vshrl.u32 v22, $0x6;
	v18 =	vmul.f32 $3.333333430e-01, v18  }
0x622: {  	v13 =	vor.u32 v15, v13;
	v25 =	vcvt.s32.f32 v25;
	v15 =	vcvt.s32.f32 v22  }
0x623: {  	v11 =	vor.u32 v11, v12;
	v19 =	vmul.f32 $4.761904850e-02, v19;
	v12 =	vtrunc.f32 v21  }
0x624: {  	v17 =	vmul.f32 $3.333333430e-01, v17;
	v18 =	vtrunc.f32 v18;
	v24 =	vshrl.u32 v20, $0xB  }
0x625: {  	v15 =	vmul.f32 $3.333333430e-01, v15;
	v24 =	vcvt.s32.f32 v24  }
0x626: {  	v12 =	vcvt.f32.s32 v12;
	v19 =	vtrunc.f32 v19;
	v20 =	vshrl.u32 v20, $0x6  }
0x627: {  	v20 =	vcvt.s32.f32 v20;
	v24 =	vmul.f32 $4.761904850e-02, v24  }
0x628: {  	v14 =	vand.u32 $0x7F, v14;
	v18 =	vcvt.f32.s32 v18;
	v19 =	vcvt.f32.s32 v19  }
0x629: {  	v14 =	vor.u32 v14, v16;
	v16 =	vmul.f32 $3.333333430e-01, v20;
	v20 =	vtrunc.f32 v24  }
0x62a: {  	v2 =	vshrl.u32 v31, $0x6;
	v17 =	vtrunc.f32 v17;
	v20 =	vcvt.f32.s32 v20  }
0x62b: {  	v15 =	vtrunc.f32 v15;
	v28 =	vshll.u32 v19, $0x8;
	v16 =	vtrunc.f32 v16  }
0x62c: {  	v24 =	vmul.f32 $4.761904850e-02, v25;
	v16 =	vcvt.f32.s32 v16;
	v22 =	vmul.u32 $0xFFFFFF20, v20  }
0x62d: {  	v17 =	vcvt.f32.s32 v17;
	v15 =	vcvt.f32.s32 v15;
	v28 =	vand.u32 $0xFFFFF800, v28  }
0x62e: {  	v25 =	vmul.u32 $0xFFFFFF20, v12;
	v21 =	vtrunc.f32 v24;
	v16 =	vadd.s32 v16, v22  }
0x62f: {  	v21 =	vcvt.f32.s32 v21;
	v22 =	vshll.u32 v20, $0x8;
	v24 =	vshll.u32 v16, $0x3  }
0x630: {  	v20 =	vshll.u32 v20, $0x7;
	v22 =	vand.u32 $0xFFFFF800, v22;
	v24 =	vand.u32 $0xFFFFFC00, v24  }
0x631: {  	v26 =	vmul.u32 $0xFFFFFF20, v21;
	v20 =	vand.u32 $0x380, v20;
	v22 =	vadd.s32 v22, v24;
	v24 =	vld [tilespmem:s28+$0xFFFFFF40]  }
0x632: {  	v27 =	vld [tilespmem:s28+$0xFFFFFFC0];
	v18 =	vadd.s32 v18, v25;
	v16 =	vand.u32 $0x7F, v16;
	v20 =	vor.u32 v20, v22  }
0x633: {  	v15 =	vadd.s32 v15, v26;
	v22 =	vld [tilespmem:s25+$0xA0];
	v16 =	vor.u32 v16, v20;
	v20 =	vmul.u32 $0xFFFFFF20, v19  }
0x634: {  	v29 =	vld [tilespmem:s28+$0x40];
	v30 =	vshll.u32 v21, $0x8;
	v25 =	vshll.u32 v15, $0x3;
	v15 =	vand.u32 $0x7F, v15  }
0x635: {  	v25 =	vand.u32 $0xFFFFFC00, v25;
	v17 =	vadd.s32 v17, v20;
	v20 =	vshll.u32 v12, $0x8  }
0x636: {  	v12 =	vshll.u32 v12, $0x7;
	v31 =	vshll.u32 v17, $0x3;
	[tilespmem:v14+s17+$0x0] =	vst.idx.add.f32.msk $0xffff, v24;
	v14 =	vshll.u32 v19, $0x7  }
0x637: {  	[tilespmem:v13+s17+$0x0] =	vst.idx.add.f32.msk $0xffff, v27;
	v19 =	vand.u32 $0xFFFFF800, v20;
	v20 =	vand.u32 $0xFFFFF800, v30;
	v12 =	vand.u32 $0x380, v12  }
0x638: {  	v17 =	vand.u32 $0x7F, v17;
	[tilespmem:v16+s17+$0x0] =	vst.idx.add.f32.msk $0xffff, v22;
	v16 =	vand.u32 $0xFFFFFC00, v31;
	v22 =	vshll.u32 v18, $0x3  }
0x639: {  	[tilespmem:v11+s17+$0x0] =	vst.idx.add.f32.msk $0xffff, v29;
	v11 =	vand.u32 $0x380, v14;
	v22 =	vand.u32 $0xFFFFFC00, v22;
	v13 =	vadd.s32 v28, v16  }
0x63a: {  	v26 =	vld [tilespmem:s23+$0xB0];
	v16 =	vshll.u32 v21, $0x7;
	v14 =	vadd.s32 v19, v22;
	v19 =	vadd.s32 v20, v25  }
0x63b: {  	v24 =	vld [tilespmem:s25+$0xFFFFFF10];
	v11 =	vor.u32 v11, v13;
	v16 =	vand.u32 $0x380, v16;
	v12 =	vor.u32 v12, v14  }
0x63c: {  	v20 =	vld [tilespmem:s26+$0xFFFFFF50];
	v14 =	vand.u32 $0x7F, v18;
	v17 =	vor.u32 v17, v11;
	v16 =	vor.u32 v16, v19  }
0x63d: {  	v12 =	vor.u32 v14, v12;
	v14 =	vld [tilespmem:s25+$0x10];
	v15 =	vor.u32 v15, v16  }
0x63e: {  	v21 =	vld [tilespmem:s26+$0xFFFFFFD0]  }
0x63f: {  	v22 =	vld [tilespmem:s26+$0x50];
	v13 =	vshrl.u32 v26, $0xB;
	v18 =	vshrl.u32 v26, $0x6  }
0x640: {  	v13 =	vcvt.s32.f32 v13;
	v11 =	vcvt.s32.f32 v18;
	v18 =	vld [tilespmem:s25+$0xFFFFFF90]  }
0x641: {  	v2 =	vcvt.s32.f32 v2;
	v4 =	vmul.f32 $3.333333430e-01, v4;
	v19 =	vshrl.u32 v20, $0xB;
	[tilespmem:v17+s17+$0x0] =	vst.idx.add.f32.msk $0xffff, v24  }
0x642: {  	v19 =	vcvt.s32.f32 v19;
	v13 =	vmul.f32 $4.761904850e-02, v13;
	[tilespmem:v15+s17+$0x0] =	vst.idx.add.f32.msk $0xffff, v14  }
0x643: {  	v16 =	vmul.f32 $3.333333430e-01, v11;
	v11 =	vtrunc.f32 v23;
	v23 =	vshrl.u32 v21, $0xB;
	v24 =	vld [tilespmem:s23+$0x20]  }
0x644: {  	v25 =	vshrl.u32 v22, $0xB;
	v23 =	vcvt.s32.f32 v23;
	v13 =	vtrunc.f32 v13  }
0x645: {  	v20 =	vshrl.u32 v20, $0x6;
	v15 =	vmul.f32 $4.761904850e-02, v19;
	v13 =	vcvt.f32.s32 v13  }
0x646: {  	v21 =	vshrl.u32 v21, $0x6;
	v16 =	vtrunc.f32 v16;
	[tilespmem:v12+s17+$0x0] =	vst.idx.add.f32.msk $0xffff, v18;
	v12 =	vcvt.s32.f32 v25  }
0x647: {  	v16 =	vcvt.f32.s32 v16;
	v18 =	vshrl.u32 v22, $0x6;
	v17 =	vmul.u32 $0xFFFFFF20, v13  }
0x648: {  	v23 =	vmul.f32 $4.761904850e-02, v23;
	v22 =	vld [tilespmem:s23+$0xFFFFFFA0];
	v12 =	vmul.f32 $4.761904850e-02, v12;
	v25 =	vshrl.u32 v24, $0xB  }
0x649: {  	v14 =	vadd.s32 v16, v17;
	v17 =	vshll.u32 v13, $0x8;
	v13 =	vshll.u32 v13, $0x7  }
0x64a: {  	v12 =	vtrunc.f32 v12;
	v25 =	vcvt.s32.f32 v25;
	v19 =	vshll.u32 v14, $0x3  }
0x64b: {  	v16 =	vld [tilespmem:s23+$0xFFFFFF20];
	v17 =	vand.u32 $0xFFFFF800, v17;
	v13 =	vand.u32 $0x380, v13;
	v19 =	vand.u32 $0xFFFFFC00, v19  }
0x64c: {  	v14 =	vand.u32 $0x7F, v14;
	v17 =	vadd.s32 v17, v19;
	v19 =	vcvt.s32.f32 v21  }
0x64d: {  	v21 =	vtrunc.f32 v23;
	v23 =	vshrl.u32 v22, $0xB;
	v13 =	vor.u32 v13, v17  }
0x64e: {  	v22 =	vshrl.u32 v22, $0x6;
	v17 =	vcvt.s32.f32 v20;
	v20 =	vld [tilespmem:s25+$0xB0];
	v13 =	vor.u32 v14, v13  }
0x64f: {  	v23 =	vcvt.s32.f32 v23;
	v22 =	vcvt.s32.f32 v22  }
0x650: {  	v14 =	vtrunc.f32 v15;
	v15 =	vcvt.s32.f32 v18;
	v18 =	vshrl.u32 v16, $0xB  }
0x651: {  	v16 =	vshrl.u32 v16, $0x6;
	v18 =	vcvt.s32.f32 v18;
	v23 =	vmul.f32 $4.761904850e-02, v23  }
0x652: {  	v10 =	vshll.u32 v7, $0x3;
	v16 =	vcvt.s32.f32 v16;
	v22 =	vmul.f32 $3.333333430e-01, v22  }
0x653: {  	v9 =	vand.u32 $0x380, v9;
	v14 =	vcvt.f32.s32 v14;
	v15 =	vmul.f32 $3.333333430e-01, v15;
	[tilespmem:v13+s17+$0x0] =	vst.idx.add.f32.msk $0xffff, v20  }
0x654: {  	v18 =	vmul.f32 $4.761904850e-02, v18;
	v16 =	vmul.f32 $3.333333430e-01, v16;
	v13 =	vshrl.u32 v24, $0x6;
	v24 =	vld [tilespmem:s23+$0xC0]  }
0x655: {  	v10 =	vand.u32 $0xFFFFFC00, v10;
	v15 =	vtrunc.f32 v15;
	v20 =	vmul.f32 $4.761904850e-02, v25  }
0x656: {  	v8 =	vadd.s32 v8, v10;
	v16 =	vtrunc.f32 v16;
	v10 =	vcvt.s32.f32 v13  }
0x657: {  	v7 =	vand.u32 $0x7F, v7;
	v13 =	vtrunc.f32 v18;
	v18 =	vtrunc.f32 v23  }
0x658: {  	v8 =	vor.u32 v9, v8;
	v16 =	vcvt.f32.s32 v16;
	v9 =	vmul.f32 $3.333333430e-01, v10  }
0x659: {  	v10 =	vcvt.f32.s32 v13;
	v13 =	vcvt.f32.s32 v18;
	v18 =	vshrl.u32 v24, $0xB  }
0x65a: {  	v7 =	vor.u32 v7, v8;
	v20 =	vtrunc.f32 v20;
	v18 =	vcvt.s32.f32 v18  }
0x65b: {  	v8 =	vcvt.f32.s32 v20;
	v20 =	vtrunc.f32 v22;
	v22 =	vshrl.u32 v24, $0x6  }
0x65c: {  	v22 =	vcvt.s32.f32 v22;
	v18 =	vmul.f32 $4.761904850e-02, v18  }
0x65d: {  	v20 =	vcvt.f32.s32 v20;
	v9 =	vtrunc.f32 v9  }
0x65e: {  	v22 =	vmul.f32 $3.333333430e-01, v22;
	v18 =	vtrunc.f32 v18  }
0x65f: {  	v23 =	vmul.u32 $0xFFFFFF20, v10;
	v25 =	vmul.u32 $0xFFFFFF20, v8;
	v18 =	vcvt.f32.s32 v18  }
0x660: {  	v24 =	vmul.u32 $0xFFFFFF20, v13;
	v9 =	vcvt.f32.s32 v9;
	v22 =	vtrunc.f32 v22  }
0x661: {  	v16 =	vadd.s32 v16, v23;
	v22 =	vcvt.f32.s32 v22;
	v23 =	vmul.u32 $0xFFFFFF20, v18  }
0x662: {  	v26 =	vshll.u32 v10, $0x8;
	v28 =	vshll.u32 v13, $0x8;
	v20 =	vadd.s32 v20, v24  }
0x663: {  	v9 =	vadd.s32 v9, v25;
	v25 =	vshll.u32 v20, $0x3;
	v22 =	vadd.s32 v22, v23  }
0x664: {  	v23 =	vand.u32 $0xFFFFFC00, v25;
	v25 =	vshll.u32 v18, $0x8;
	v29 =	vshll.u32 v22, $0x3  }
0x665: {  	v18 =	vshll.u32 v18, $0x7;
	v25 =	vand.u32 $0xFFFFF800, v25;
	v29 =	vand.u32 $0xFFFFFC00, v29  }
0x666: {  	v30 =	vshll.u32 v8, $0x8;
	v18 =	vand.u32 $0x380, v18;
	v25 =	vadd.s32 v25, v29  }
0x667: {  	v27 =	vshll.u32 v9, $0x3;
	v22 =	vand.u32 $0x7F, v22;
	v18 =	vor.u32 v18, v25  }
0x668: {  	v25 =	vand.u32 $0xFFFFFC00, v27;
	v27 =	vand.u32 $0xFFFFF800, v28;
	v28 =	vld [tilespmem:s25+$0xC0];
	v18 =	vor.u32 v22, v18  }
0x669: {  	v10 =	vshll.u32 v10, $0x7;
	v8 =	vshll.u32 v8, $0x7;
	v26 =	vand.u32 $0xFFFFF800, v26  }
0x66a: {  	v13 =	vshll.u32 v13, $0x7;
	v10 =	vand.u32 $0x380, v10;
	v24 =	vshll.u32 v16, $0x3  }
0x66b: {  	v13 =	vand.u32 $0x380, v13;
	v24 =	vand.u32 $0xFFFFFC00, v24;
	v22 =	vand.u32 $0xFFFFF800, v30  }
0x66c: {  	v16 =	vand.u32 $0x7F, v16;
	v24 =	vadd.s32 v26, v24;
	v22 =	vadd.s32 v22, v25;
	v25 =	vld [tilespmem:s25+$0xFFFFFF20]  }
0x66d: {  	v20 =	vand.u32 $0x7F, v20;
	v10 =	vor.u32 v10, v24;
	v23 =	vadd.s32 v27, v23;
	[tilespmem:v18+s17+$0x0] =	vst.idx.add.f32.msk $0xffff, v28  }
0x66e: {  	v10 =	vor.u32 v16, v10;
	v16 =	vmul.f32 $3.333333430e-01, v17;
	v13 =	vor.u32 v13, v23;
	v17 =	vld [tilespmem:s23+$0xD0]  }
0x66f: {  	v8 =	vand.u32 $0x380, v8;
	v13 =	vor.u32 v20, v13;
	v18 =	vmul.f32 $3.333333430e-01, v19;
	v19 =	vld [tilespmem:s25+$0xFFFFFFA0]  }
0x670: {  	v9 =	vand.u32 $0x7F, v9;
	v16 =	vtrunc.f32 v16;
	v8 =	vor.u32 v8, v22  }
0x671: {  	v16 =	vcvt.f32.s32 v16;
	v20 =	vcvt.f32.s32 v21;
	v21 =	vor.u32 v9, v8  }
0x672: {  	v8 =	vcvt.f32.s32 v12;
	v12 =	vmul.u32 $0xFFFFFF20, v14;
	v9 =	vtrunc.f32 v18;
	v18 =	vld [tilespmem:s25+$0x20]  }
0x673: {  	v22 =	vmul.u32 $0xFFFFFF20, v20;
	[tilespmem:v10+s17+$0x0] =	vst.idx.add.f32.msk $0xffff, v25;
	v9 =	vcvt.f32.s32 v9;
	v10 =	vshrl.u32 v17, $0xB  }
0x674: {  	v23 =	vmul.u32 $0xFFFFFF20, v8;
	[tilespmem:v13+s17+$0x0] =	vst.idx.add.f32.msk $0xffff, v19;
	v13 =	vcvt.f32.s32 v15;
	v15 =	vcvt.s32.f32 v10  }
0x675: {  	v19 =	vld [tilespmem:s23+$0xFFFFFF30];
	v17 =	vshrl.u32 v17, $0x6;
	v10 =	vadd.s32 v16, v12;
	v12 =	vadd.s32 v9, v22  }
0x676: {  	v9 =	vadd.s32 v13, v23;
	v13 =	vld [tilespmem:s23+$0xFFFFFFB0];
	v17 =	vcvt.s32.f32 v17;
	v15 =	vmul.f32 $4.761904850e-02, v15  }
0x677: {  	v2 =	vmul.f32 $3.333333430e-01, v2;
	v6 =	vmul.f32 $3.333333430e-01, v6;
	[tilespmem:v21+s17+$0x0] =	vst.idx.add.f32.msk $0xffff, v18  }
0x678: {  	v16 =	vshll.u32 v14, $0x8;
	v22 =	vld [tilespmem:s23+$0x30];
	v17 =	vmul.f32 $3.333333430e-01, v17;
	v15 =	vtrunc.f32 v15  }
0x679: {  	v18 =	vshll.u32 v10, $0x3;
	v24 =	vshll.u32 v9, $0x3;
	v15 =	vcvt.f32.s32 v15  }
0x67a: {  	v26 =	vshrl.u32 v19, $0x6;
	v19 =	vshrl.u32 v19, $0xB;
	v17 =	vtrunc.f32 v17  }
0x67b: {  	v19 =	vcvt.s32.f32 v19;
	v17 =	vcvt.f32.s32 v17;
	v28 =	vmul.u32 $0xFFFFFF20, v15  }
0x67c: {  	v26 =	vcvt.s32.f32 v26;
	v27 =	vshrl.u32 v13, $0xB;
	v13 =	vshrl.u32 v13, $0x6  }
0x67d: {  	v27 =	vcvt.s32.f32 v27;
	v29 =	vshrl.u32 v22, $0xB;
	v17 =	vadd.s32 v17, v28  }
0x67e: {  	v19 =	vmul.f32 $4.761904850e-02, v19;
	v28 =	vshll.u32 v15, $0x8;
	v30 =	vshll.u32 v17, $0x3  }
0x67f: {  	v15 =	vshll.u32 v15, $0x7;
	v28 =	vand.u32 $0xFFFFF800, v28;
	v30 =	vand.u32 $0xFFFFFC00, v30  }
0x680: {  	v29 =	vcvt.s32.f32 v29;
	v15 =	vand.u32 $0x380, v15;
	v28 =	vadd.s32 v28, v30  }
0x681: {  	v13 =	vcvt.s32.f32 v13;
	v17 =	vand.u32 $0x7F, v17;
	v15 =	vor.u32 v15, v28  }
0x682: {  	v26 =	vmul.f32 $3.333333430e-01, v26;
	v28 =	vmul.f32 $4.761904850e-02, v29;
	v29 =	vld [tilespmem:s25+$0xD0];
	v15 =	vor.u32 v17, v15  }
0x683: {  	v16 =	vand.u32 $0xFFFFF800, v16;
	v19 =	vtrunc.f32 v19;
	v13 =	vmul.f32 $3.333333430e-01, v13  }
0x684: {  	v22 =	vshrl.u32 v22, $0x6;
	v27 =	vmul.f32 $4.761904850e-02, v27;
	v19 =	vcvt.f32.s32 v19  }
0x685: {  	v18 =	vand.u32 $0xFFFFFC00, v18;
	v13 =	vtrunc.f32 v13;
	v17 =	vcvt.s32.f32 v22  }
0x686: {  	v22 =	vand.u32 $0xFFFFFC00, v24;
	v24 =	vtrunc.f32 v27;
	v27 =	vtrunc.f32 v28  }
0x687: {  	v16 =	vadd.s32 v16, v18;
	v24 =	vcvt.f32.s32 v24;
	v17 =	vmul.f32 $3.333333430e-01, v17;
	[tilespmem:v15+s17+$0x0] =	vst.idx.add.f32.msk $0xffff, v29  }
0x688: {  	v31 =	vshll.u32 v19, $0x8;
	v15 =	vtrunc.f32 v26;
	v26 =	vcvt.f32.s32 v27;
	v27 =	vld [tilespmem:s23+$0xE0]  }
0x689: {  	v13 =	vcvt.f32.s32 v13;
	v31 =	vand.u32 $0xFFFFF800, v31;
	v28 =	vmul.u32 $0xFFFFFF20, v19  }
0x68a: {  	v19 =	vshll.u32 v19, $0x7;
	v17 =	vtrunc.f32 v17;
	v29 =	vmul.u32 $0xFFFFFF20, v24  }
0x68b: {  	v19 =	vand.u32 $0x380, v19;
	v17 =	vcvt.f32.s32 v17;
	v15 =	vcvt.f32.s32 v15  }
0x68c: {  	v30 =	vmul.u32 $0xFFFFFF20, v26;
	v58 =	vshll.u32 v26, $0x8;
	v13 =	vadd.s32 v13, v29  }
0x68d: {  	v26 =	vshll.u32 v26, $0x7;
	v15 =	vadd.s32 v15, v28;
	v29 =	vshrl.u32 v27, $0xB  }
0x68e: {  	v28 =	vshll.u32 v24, $0x8;
	v59 =	vshll.u32 v13, $0x3;
	v29 =	vcvt.s32.f32 v29  }
0x68f: {  	v32 =	vand.u32 $0xFFFFF800, v58;
	v24 =	vshll.u32 v24, $0x7;
	v27 =	vshrl.u32 v27, $0x6  }
0x690: {  	v26 =	vand.u32 $0x380, v26;
	v27 =	vcvt.s32.f32 v27;
	v29 =	vmul.f32 $4.761904850e-02, v29  }
0x691: {  	v17 =	vadd.s32 v17, v30;
	v30 =	vshll.u32 v15, $0x3;
	v33 =	vand.u32 $0xFFFFFC00, v59  }
0x692: {  	v28 =	vand.u32 $0xFFFFF800, v28;
	v27 =	vmul.f32 $3.333333430e-01, v27;
	v29 =	vtrunc.f32 v29  }
0x693: {  	v24 =	vand.u32 $0x380, v24;
	v15 =	vand.u32 $0x7F, v15;
	v29 =	vcvt.f32.s32 v29  }
0x694: {  	v62 =	vld [tilespmem:s28+$0xE0];
	v30 =	vand.u32 $0xFFFFFC00, v30;
	v60 =	vshll.u32 v17, $0x3;
	v27 =	vtrunc.f32 v27  }
0x695: {  	v30 =	vadd.s32 v31, v30;
	v31 =	vld [tilespmem:s24+$0xE0];
	v27 =	vcvt.f32.s32 v27;
	v61 =	vmul.u32 $0xFFFFFF20, v29  }
0x696: {  	v28 =	vadd.s32 v28, v33;
	v17 =	vand.u32 $0x7F, v17;
	v34 =	vand.u32 $0xFFFFFC00, v60  }
0x697: {  	v24 =	vor.u32 v24, v28;
	v32 =	vadd.s32 v32, v34;
	v27 =	vadd.s32 v27, v61  }
0x698: {  	v19 =	vor.u32 v19, v30;
	v30 =	vshll.u32 v29, $0x8;
	v28 =	vshll.u32 v27, $0x3  }
0x699: {  	[tilespmem:v7+s17+$0x0] =	vst.idx.add.f32.msk $0xffff, v62;
	v29 =	vshll.u32 v29, $0x7;
	v30 =	vand.u32 $0xFFFFF800, v30;
	v28 =	vand.u32 $0xFFFFFC00, v28  }
0x69a: {  	v26 =	vor.u32 v26, v32;
	[tilespmem:v1+s17+$0x0] =	vst.idx.add.f32.msk $0xffff, v31;
	v1 =	vadd.s32 v30, v28;
	v28 =	vand.u32 $0x380, v29  }
0x69b: {  	v18 =	vld [tilespmem:s25+$0x30];
	v17 =	vor.u32 v17, v26;
	v7 =	vand.u32 $0x7F, v27;
	v1 =	vor.u32 v28, v1  }
0x69c: {  	v13 =	vand.u32 $0x7F, v13;
	v27 =	vld [tilespmem:s25+$0xFFFFFF30];
	v28 =	vor.u32 v7, v1;
	v7 =	vor.u32 v15, v19  }
0x69d: {  	v6 =	vtrunc.f32 v6;
	v14 =	vshll.u32 v14, $0x7;
	v13 =	vor.u32 v13, v24;
	v15 =	vld [tilespmem:s25+$0xFFFFFFB0]  }
0x69e: {  	v6 =	vcvt.f32.s32 v6;
	v25 =	vshll.u32 v8, $0x8;
	v14 =	vand.u32 $0x380, v14  }
0x69f: {  	v8 =	vshll.u32 v8, $0x7;
	v25 =	vand.u32 $0xFFFFF800, v25;
	v14 =	vor.u32 v14, v16;
	v16 =	vld [tilespmem:s28+$0xFFFFFF50]  }
0x6a0: {  	v21 =	vshll.u32 v20, $0x8;
	v23 =	vshll.u32 v12, $0x3;
	v10 =	vand.u32 $0x7F, v10;
	[tilespmem:v17+s17+$0x0] =	vst.idx.add.f32.msk $0xffff, v18  }
0x6a1: {  	v21 =	vand.u32 $0xFFFFF800, v21;
	v23 =	vand.u32 $0xFFFFFC00, v23;
	v10 =	vor.u32 v10, v14;
	[tilespmem:v7+s17+$0x0] =	vst.idx.add.f32.msk $0xffff, v27  }
0x6a2: {  	v8 =	vand.u32 $0x380, v8;
	v19 =	vadd.s32 v21, v23;
	v21 =	vadd.s32 v25, v22;
	[tilespmem:v13+s17+$0x0] =	vst.idx.add.f32.msk $0xffff, v15  }
0x6a3: {  	v20 =	vshll.u32 v20, $0x7;
	v8 =	vor.u32 v8, v21;
	v7 =	vand.u32 $0x7F, v9;
	v9 =	vld [tilespmem:s23+$0x40]  }
0x6a4: {  	v20 =	vand.u32 $0x380, v20;
	v21 =	vcvt.f32.s32 v5;
	v5 =	vor.u32 v7, v8;
	v7 =	vld [tilespmem:s23+$0xFFFFFF40]  }
0x6a5: {  	v12 =	vand.u32 $0x7F, v12;
	v19 =	vor.u32 v20, v19;
	v20 =	vcvt.f32.s32 v3;
	v8 =	vld [tilespmem:s23+$0xFFFFFFC0]  }
0x6a6: {  	v3 =	vtrunc.f32 v4;
	v14 =	vor.u32 v12, v19;
	v19 =	vcvt.f32.s32 v11  }
0x6a7: {  	[tilespmem:v10+s17+$0x0] =	vst.idx.add.f32.msk $0xffff, v16;
	v23 =	vcvt.f32.s32 v3;
	v4 =	vmul.u32 $0xFFFFFF20, v21;
	v13 =	vtrunc.f32 v2  }
0x6a8: {  	v18 =	vld [tilespmem:s28+$0xFFFFFFD0];
	v17 =	vmul.u32 $0xFFFFFF20, v19;
	v13 =	vcvt.f32.s32 v13;
	v16 =	vshrl.u32 v9, $0x6  }
0x6a9: {  	v1 =	vld [tilespmem:s24+$0xFFFFFF60];
	v24 =	vshrl.u32 v7, $0x6;
	v25 =	vshrl.u32 v7, $0xB;
	v7 =	vadd.s32 v23, v4  }
0x6aa: {  	v27 =	vld [tilespmem:s28+$0x50];
	v23 =	vcvt.s32.f32 v25;
	v25 =	vshrl.u32 v8, $0x6;
	v8 =	vshrl.u32 v8, $0xB  }
0x6ab: {  	v3 =	vld [tilespmem:s24+$0x60];
	v11 =	vmul.u32 $0xFFFFFF20, v20;
	v16 =	vcvt.s32.f32 v16;
	v10 =	vcvt.s32.f32 v8  }
0x6ac: {  	v4 =	vld [tilespmem:s25+$0xE0];
	v8 =	vshrl.u32 v9, $0xB;
	v9 =	vadd.s32 v13, v17;
	v17 =	vcvt.s32.f32 v25  }
0x6ad: {  	v12 =	vshll.u32 v21, $0x8;
	[tilespmem:v14+s17+$0x0] =	vst.idx.add.f32.msk $0xffff, v18;
	v29 =	vmul.f32 $3.333333430e-01, v16;
	v14 =	vmul.f32 $4.761904850e-02, v23  }
0x6ae: {  	v2 =	vld [tilespmem:s24+$0xFFFFFFE0];
	v18 =	vcvt.s32.f32 v8;
	v8 =	vadd.s32 v6, v11;
	v6 =	vcvt.s32.f32 v24  }
0x6af: {  	v22 =	vshll.u32 v19, $0x8;
	[tilespmem:v5+s17+$0x0] =	vst.idx.add.f32.msk $0xffff, v27;
	v23 =	vmul.f32 $4.761904850e-02, v10;
	v29 =	vtrunc.f32 v29  }
0x6b0: {  	v15 =	vshll.u32 v20, $0x8;
	v11 =	vld [tilespmem:s26+$0xFFFFFFE0];
	v18 =	vmul.f32 $4.761904850e-02, v18;
	v25 =	vtrunc.f32 v14  }
0x6b1: {  	v24 =	vshll.u32 v7, $0x3;
	[tilespmem:v28+s17+$0x0] =	vst.idx.add.f32.msk $0xffff, v4;
	v6 =	vmul.f32 $3.333333430e-01, v6;
	v28 =	vmul.f32 $3.333333430e-01, v17  }
0x6b2: {  	v10 =	vld [tilespmem:s26+$0xFFFFFF60];
	v13 =	vshll.u32 v8, $0x3;
	v36 =	vcvt.f32.s32 v29;
	v4 =	vtrunc.f32 v23  }
0x6b3: {  	v16 =	vld [tilespmem:s26+$0x60];
	v14 =	vshll.u32 v9, $0x3;
	v30 =	vcvt.f32.s32 v25;
	v26 =	vtrunc.f32 v18  }
0x6b4: {  	v17 =	vand.u32 $0xFFFFFC00, v24;
	v24 =	vld [tilespmem:s25+$0xFFFFFFC0];
	v31 =	vcvt.f32.s32 v4;
	v4 =	vtrunc.f32 v6  }
0x6b5: {  	v23 =	vld [tilespmem:s25+$0xFFFFFF40];
	v5 =	vtrunc.f32 v28;
	v32 =	vcvt.f32.s32 v26;
	v26 =	vshrl.u32 v11, $0xB  }
0x6b6: {  	v25 =	vld [tilespmem:s25+$0x40];
	v27 =	vmul.u32 $0xFFFFFF20, v30;
	v63 =	vcvt.f32.s32 v4;
	v38 =	vshll.u32 v30, $0x8  }
0x6b7: {  	v6 =	vld [tilespmem:s28+$0xFFFFFF60];
	v39 =	vcvt.f32.s32 v5;
	v18 =	vshrl.u32 v10, $0xB;
	v37 =	vmul.u32 $0xFFFFFF20, v31  }
0x6b8: {  	v4 =	vld [tilespmem:s28+$0xFFFFFFE0];
	v34 =	vshll.u32 v31, $0x8;
	v33 =	vand.u32 $0xFFFFF800, v38;
	v28 =	vmul.u32 $0xFFFFFF20, v32  }
0x6b9: {  	s24 =	simm.s32 $0x3D00;
	s26 =	simm.s32 $0x8;
	v5 =	vld [tilespmem:s28+$0x60];
	s28 =	simm.s32 $0xAF00;
	v35 =	vshll.u32 v32, $0x8;
	v29 =	vadd.s32 v63, v27;
	v27 =	vadd.s32 v39, v37  }
.LBB2_9:
0x6ba: {  	v37 =	vld [tilespmem:s28+$0x80];
	s26 =	sadd.s32 $0x4, s26;
	v38 =	vshll.u32 v29, $0x3;
	v39 =	vshll.u32 v27, $0x3;
	v28 =	vadd.s32 v36, v28  }
0x6bb: {  	v36 =	vld [tilespmem:s28+$0xFFFFFF80];
	p0 =	slt.u32 s26, $0x6C;
	v38 =	vand.u32 $0xFFFFFC00, v38;
	v39 =	vand.u32 $0xFFFFFC00, v39;
	v40 =	vshll.u32 v28, $0x3  }
0x6bc: {  	v34 =	vand.u32 $0xFFFFF800, v34;
	v35 =	vand.u32 $0xFFFFF800, v35;
	v41 =	vld [tilespmem:s28+$0x0];
	v40 =	vand.u32 $0xFFFFFC00, v40  }
0x6bd: {  	v30 =	vshll.u32 v30, $0x7;
	v31 =	vshll.u32 v31, $0x7;
	v32 =	vshll.u32 v32, $0x7;
	v42 =	vld [tilespmem:s28+$0xFFFFFF00]  }
0x6be: {  	v33 =	vadd.s32 v33, v38;
	v34 =	vadd.s32 v34, v39;
	v35 =	vadd.s32 v35, v40  }
0x6bf: {  	v30 =	vand.u32 $0x380, v30;
	v31 =	vand.u32 $0x380, v31;
	v38 =	vshrl.u32 v37, $0xB  }
0x6c0: {  	v39 =	vshrl.u32 v36, $0x6;
	v36 =	vshrl.u32 v36, $0xB;
	v38 =	vcvt.s32.f32 v38  }
0x6c1: {  	v37 =	vshrl.u32 v37, $0x6;
	v36 =	vcvt.s32.f32 v36;
	v40 =	vshrl.u32 v41, $0xB  }
0x6c2: {  	v37 =	vcvt.s32.f32 v37;
	v43 =	vshrl.u32 v42, $0xB;
	v38 =	vmul.f32 $4.761904850e-02, v38  }
0x6c3: {  	v42 =	vshrl.u32 v42, $0x6;
	v40 =	vcvt.s32.f32 v40;
	v43 =	vcvt.s32.f32 v43  }
0x6c4: {  	v41 =	vshrl.u32 v41, $0x6;
	v37 =	vmul.f32 $3.333333430e-01, v37;
	v38 =	vtrunc.f32 v38  }
0x6c5: {  	v32 =	vand.u32 $0x380, v32;
	v43 =	vmul.f32 $4.761904850e-02, v43;
	v38 =	vcvt.f32.s32 v38  }
0x6c6: {  	v30 =	vor.u32 v30, v33;
	v36 =	vmul.f32 $4.761904850e-02, v36;
	v37 =	vtrunc.f32 v37  }
0x6c7: {  	v33 =	vmul.f32 $4.761904850e-02, v40;
	v37 =	vcvt.f32.s32 v37;
	v40 =	vmul.u32 $0xFFFFFF20, v38  }
0x6c8: {  	v31 =	vor.u32 v31, v34;
	v39 =	vcvt.s32.f32 v39;
	v42 =	vcvt.s32.f32 v42  }
0x6c9: {  	v41 =	vcvt.s32.f32 v41;
	v34 =	vtrunc.f32 v43;
	v37 =	vadd.s32 v37, v40  }
0x6ca: {  	v36 =	vtrunc.f32 v36;
	v40 =	vshll.u32 v38, $0x8;
	v43 =	vshll.u32 v37, $0x3  }
0x6cb: {  	v38 =	vshll.u32 v38, $0x7;
	v40 =	vand.u32 $0xFFFFF800, v40;
	v43 =	vand.u32 $0xFFFFFC00, v43  }
0x6cc: {  	v33 =	vtrunc.f32 v33;
	v38 =	vand.u32 $0x380, v38;
	v40 =	vadd.s32 v40, v43  }
0x6cd: {  	s25 =	sadd.s32 $0x200, s25;
	v42 =	vmul.f32 $3.333333430e-01, v42;
	v37 =	vand.u32 $0x7F, v37;
	v38 =	vor.u32 v38, v40  }
0x6ce: {  	v39 =	vmul.f32 $3.333333430e-01, v39;
	v40 =	vmul.f32 $3.333333430e-01, v41;
	v41 =	vld [tilespmem:s25+$0x80];
	v37 =	vor.u32 v37, v38  }
0x6cf: {  	v32 =	vor.u32 v32, v35;
	v36 =	vcvt.f32.s32 v36;
	v34 =	vcvt.f32.s32 v34;
	v38 =	vld [tilespmem:s25+$0xFFFFFF00]  }
0x6d0: {  	v29 =	vand.u32 $0x7F, v29;
	v35 =	vtrunc.f32 v42;
	v33 =	vcvt.f32.s32 v33;
	v42 =	vld [tilespmem:s25+$0xFFFFFF80]  }
0x6d1: {  	v39 =	vtrunc.f32 v39;
	v43 =	vmul.u32 $0xFFFFFF20, v34;
	v40 =	vtrunc.f32 v40;
	v44 =	vld [tilespmem:s25+$0x0]  }
0x6d2: {  	v35 =	vcvt.f32.s32 v35;
	v45 =	vmul.u32 $0xFFFFFF20, v36;
	v46 =	vmul.u32 $0xFFFFFF20, v33  }
0x6d3: {  	v39 =	vcvt.f32.s32 v39;
	v47 =	vshll.u32 v34, $0x8;
	v40 =	vcvt.f32.s32 v40;
	[tilespmem:v37+s17+$0x0] =	vst.idx.add.f32.msk $0xffff, v41  }
0x6d4: {  	v35 =	vadd.s32 v35, v43;
	v37 =	vshll.u32 v36, $0x8;
	v41 =	vshll.u32 v33, $0x8;
	v43 =	vld [tilespmem:s28+$0x90]  }
0x6d5: {  	v39 =	vadd.s32 v39, v45;
	v48 =	vshll.u32 v35, $0x3;
	v40 =	vadd.s32 v40, v46  }
0x6d6: {  	v45 =	vand.u32 $0xFFFFFC00, v48;
	v46 =	vshll.u32 v39, $0x3;
	v48 =	vshll.u32 v40, $0x3  }
0x6d7: {  	v47 =	vand.u32 $0xFFFFF800, v47;
	v46 =	vand.u32 $0xFFFFFC00, v46;
	v48 =	vand.u32 $0xFFFFFC00, v48  }
0x6d8: {  	v34 =	vshll.u32 v34, $0x7;
	v37 =	vand.u32 $0xFFFFF800, v37;
	v41 =	vand.u32 $0xFFFFF800, v41  }
0x6d9: {  	v36 =	vshll.u32 v36, $0x7;
	v33 =	vshll.u32 v33, $0x7;
	v49 =	vshrl.u32 v43, $0xB  }
0x6da: {  	v45 =	vadd.s32 v47, v45;
	v37 =	vadd.s32 v37, v46;
	v46 =	vcvt.s32.f32 v49  }
0x6db: {  	v34 =	vand.u32 $0x380, v34;
	v41 =	vadd.s32 v41, v48;
	v43 =	vshrl.u32 v43, $0x6  }
0x6dc: {  	v36 =	vand.u32 $0x380, v36;
	v43 =	vcvt.s32.f32 v43;
	v46 =	vmul.f32 $4.761904850e-02, v46  }
0x6dd: {  	v34 =	vor.u32 v34, v45;
	v33 =	vand.u32 $0x380, v33;
	v36 =	vor.u32 v36, v37  }
0x6de: {  	v33 =	vor.u32 v33, v41;
	v37 =	vmul.f32 $3.333333430e-01, v43;
	v41 =	vtrunc.f32 v46  }
0x6df: {  	v35 =	vand.u32 $0x7F, v35;
	v39 =	vand.u32 $0x7F, v39;
	v41 =	vcvt.f32.s32 v41  }
0x6e0: {  	v34 =	vor.u32 v35, v34;
	v35 =	vand.u32 $0x7F, v40;
	v37 =	vtrunc.f32 v37  }
0x6e1: {  	v36 =	vor.u32 v39, v36;
	v37 =	vcvt.f32.s32 v37;
	v39 =	vmul.u32 $0xFFFFFF20, v41  }
0x6e2: {  	v27 =	vand.u32 $0x7F, v27;
	v28 =	vand.u32 $0x7F, v28;
	v33 =	vor.u32 v35, v33  }
0x6e3: {  	v30 =	vor.u32 v29, v30;
	v31 =	vor.u32 v27, v31;
	v35 =	vadd.s32 v37, v39  }
0x6e4: {  	v32 =	vor.u32 v28, v32;
	v27 =	vshll.u32 v41, $0x8;
	v29 =	vshll.u32 v35, $0x3  }
0x6e5: {  	v27 =	vand.u32 $0xFFFFF800, v27;
	[tilespmem:v34+s17+$0x0] =	vst.idx.add.f32.msk $0xffff, v38;
	v28 =	vand.u32 $0xFFFFFC00, v29;
	v29 =	vshll.u32 v41, $0x7  }
0x6e6: {  	[tilespmem:v36+s17+$0x0] =	vst.idx.add.f32.msk $0xffff, v42;
	v27 =	vadd.s32 v27, v28;
	v28 =	vand.u32 $0x380, v29;
	v29 =	vshrl.u32 v16, $0xB  }
0x6e7: {  	v18 =	vcvt.s32.f32 v18;
	[tilespmem:v33+s17+$0x0] =	vst.idx.add.f32.msk $0xffff, v44;
	v33 =	vand.u32 $0x7F, v35;
	v27 =	vor.u32 v28, v27  }
0x6e8: {  	v26 =	vcvt.s32.f32 v26;
	v28 =	vld [tilespmem:s25+$0x90];
	v33 =	vor.u32 v33, v27;
	v27 =	vcvt.s32.f32 v29  }
0x6e9: {  	v10 =	vshrl.u32 v10, $0x6;
	v11 =	vshrl.u32 v11, $0x6;
	v16 =	vshrl.u32 v16, $0x6;
	v29 =	vld [tilespmem:s28+$0xFFFFFF10]  }
0x6ea: {  	v18 =	vmul.f32 $4.761904850e-02, v18;
	v36 =	vand.u32 $0xFFFFFC00, v13;
	v35 =	vmul.f32 $4.761904850e-02, v26;
	v34 =	vld [tilespmem:s28+$0xFFFFFF90]  }
0x6eb: {  	v10 =	vcvt.s32.f32 v10;
	v26 =	vand.u32 $0xFFFFFC00, v14;
	v38 =	vmul.f32 $4.761904850e-02, v27;
	v37 =	vld [tilespmem:s28+$0x10]  }
0x6ec: {  	v39 =	vand.u32 $0xFFFFF800, v12;
	v13 =	vcvt.s32.f32 v11;
	v11 =	vcvt.s32.f32 v16;
	v27 =	vld [tilespmem:s25+$0xFFFFFF10]  }
0x6ed: {  	v14 =	vtrunc.f32 v18;
	v18 =	vand.u32 $0xFFFFF800, v15;
	v12 =	vtrunc.f32 v35;
	[tilespmem:v33+s17+$0x0] =	vst.idx.add.f32.msk $0xffff, v28  }
0x6ee: {  	v15 =	vtrunc.f32 v38;
	v16 =	vshrl.u32 v29, $0x6;
	v28 =	vshrl.u32 v29, $0xB;
	v33 =	vld [tilespmem:s28+$0xA0]  }
0x6ef: {  	v35 =	vcvt.s32.f32 v28;
	v28 =	vld [tilespmem:s25+$0xFFFFFF90];
	v38 =	vshrl.u32 v34, $0x6;
	v29 =	vshrl.u32 v34, $0xB  }
0x6f0: {  	v34 =	vcvt.s32.f32 v29;
	v29 =	vld [tilespmem:s25+$0x10];
	v40 =	vshrl.u32 v37, $0x6;
	v37 =	vshrl.u32 v37, $0xB  }
0x6f1: {  	v35 =	vmul.f32 $4.761904850e-02, v35;
	v37 =	vcvt.s32.f32 v37;
	[tilespmem:v30+s17+$0x0] =	vst.idx.add.f32.msk $0xffff, v23;
	v30 =	vand.u32 $0xFFFFF800, v22  }
0x6f2: {  	v16 =	vcvt.s32.f32 v16;
	v22 =	vshll.u32 v21, $0x7;
	v34 =	vmul.f32 $4.761904850e-02, v34;
	[tilespmem:v31+s17+$0x0] =	vst.idx.add.f32.msk $0xffff, v24  }
0x6f3: {  	v24 =	vcvt.s32.f32 v38;
	v21 =	vmul.f32 $4.761904850e-02, v37;
	v23 =	vshrl.u32 v33, $0xB;
	[tilespmem:v32+s17+$0x0] =	vst.idx.add.f32.msk $0xffff, v25  }
0x6f4: {  	v25 =	vcvt.s32.f32 v40;
	v31 =	vcvt.s32.f32 v23;
	v32 =	vld [tilespmem:s23+$0xFFFFFF50];
	v23 =	vshll.u32 v20, $0x7  }
0x6f5: {  	v35 =	vtrunc.f32 v35;
	v34 =	vtrunc.f32 v34;
	v20 =	vshrl.u32 v33, $0x6;
	v33 =	vld [tilespmem:s23+$0xFFFFFFD0]  }
0x6f6: {  	v19 =	vshll.u32 v19, $0x7;
	v37 =	vcvt.s32.f32 v20;
	v31 =	vmul.f32 $4.761904850e-02, v31;
	v38 =	vld [tilespmem:s23+$0x50]  }
0x6f7: {  	v40 =	vmul.f32 $3.333333430e-01, v16;
	v41 =	vtrunc.f32 v21;
	v20 =	vadd.s32 v39, v17;
	v16 =	vld [tilespmem:s24+$0xFFFFFF50]  }
0x6f8: {  	v21 =	vadd.s32 v18, v36;
	v37 =	vmul.f32 $3.333333430e-01, v37;
	v31 =	vtrunc.f32 v31;
	v17 =	vld [tilespmem:s24+$0xFFFFFFD0]  }
0x6f9: {  	v24 =	vmul.f32 $3.333333430e-01, v24;
	v31 =	vcvt.f32.s32 v31;
	v36 =	vshrl.u32 v32, $0xB;
	v18 =	vld [tilespmem:s24+$0x50]  }
0x6fa: {  	v25 =	vmul.f32 $3.333333430e-01, v25;
	v37 =	vtrunc.f32 v37;
	v39 =	vshrl.u32 v33, $0xB  }
0x6fb: {  	v35 =	vcvt.f32.s32 v35;
	v37 =	vcvt.f32.s32 v37;
	v42 =	vmul.u32 $0xFFFFFF20, v31  }
0x6fc: {  	v34 =	vcvt.f32.s32 v34;
	v41 =	vcvt.f32.s32 v41;
	v43 =	vshrl.u32 v38, $0xB  }
0x6fd: {  	v40 =	vtrunc.f32 v40;
	v24 =	vtrunc.f32 v24;
	v37 =	vadd.s32 v37, v42  }
0x6fe: {  	v25 =	vtrunc.f32 v25;
	v42 =	vshll.u32 v31, $0x8;
	v44 =	vshll.u32 v37, $0x3  }
0x6ff: {  	v31 =	vshll.u32 v31, $0x7;
	v42 =	vand.u32 $0xFFFFF800, v42;
	v44 =	vand.u32 $0xFFFFFC00, v44  }
0x700: {  	v45 =	vmul.u32 $0xFFFFFF20, v35;
	v31 =	vand.u32 $0x380, v31;
	v42 =	vadd.s32 v42, v44  }
0x701: {  	v37 =	vand.u32 $0x7F, v37;
	v44 =	vmul.u32 $0xFFFFFF20, v34;
	v31 =	vor.u32 v31, v42  }
0x702: {  	v40 =	vcvt.f32.s32 v40;
	v42 =	vmul.u32 $0xFFFFFF20, v41;
	v46 =	vld [tilespmem:s25+$0xA0];
	v31 =	vor.u32 v37, v31  }
0x703: {  	v24 =	vcvt.f32.s32 v24;
	v25 =	vcvt.f32.s32 v25;
	v37 =	vshll.u32 v35, $0x8  }
0x704: {  	v40 =	vadd.s32 v40, v45;
	v45 =	vshll.u32 v34, $0x8;
	v47 =	vshll.u32 v41, $0x8  }
0x705: {  	v48 =	vshll.u32 v40, $0x3;
	v24 =	vadd.s32 v24, v44;
	v25 =	vadd.s32 v25, v42  }
0x706: {  	v42 =	vand.u32 $0xFFFFFC00, v48;
	v44 =	vshll.u32 v24, $0x3;
	v48 =	vshll.u32 v25, $0x3  }
0x707: {  	v37 =	vand.u32 $0xFFFFF800, v37;
	v44 =	vand.u32 $0xFFFFFC00, v44;
	v48 =	vand.u32 $0xFFFFFC00, v48;
	[tilespmem:v31+s17+$0x0] =	vst.idx.add.f32.msk $0xffff, v46  }
0x708: {  	v31 =	vshll.u32 v35, $0x7;
	v35 =	vand.u32 $0xFFFFF800, v45;
	v45 =	vand.u32 $0xFFFFF800, v47;
	v46 =	vld [tilespmem:s28+$0xB0]  }
0x709: {  	v34 =	vshll.u32 v34, $0x7;
	v41 =	vshll.u32 v41, $0x7;
	v37 =	vadd.s32 v37, v42  }
0x70a: {  	v31 =	vand.u32 $0x380, v31;
	v35 =	vadd.s32 v35, v44;
	v42 =	vadd.s32 v45, v48  }
0x70b: {  	v34 =	vand.u32 $0x380, v34;
	v31 =	vor.u32 v31, v37;
	v37 =	vand.u32 $0x380, v41  }
0x70c: {  	v40 =	vand.u32 $0x7F, v40;
	v34 =	vor.u32 v34, v35;
	v35 =	vor.u32 v37, v42  }
0x70d: {  	v24 =	vand.u32 $0x7F, v24;
	v25 =	vand.u32 $0x7F, v25;
	v37 =	vshrl.u32 v46, $0xB  }
0x70e: {  	v31 =	vor.u32 v40, v31;
	v24 =	vor.u32 v24, v34;
	v34 =	vcvt.s32.f32 v37  }
0x70f: {  	v36 =	vcvt.s32.f32 v36;
	v25 =	vor.u32 v25, v35;
	v35 =	vshrl.u32 v46, $0x6  }
0x710: {  	v32 =	vshrl.u32 v32, $0x6;
	v35 =	vcvt.s32.f32 v35;
	v34 =	vmul.f32 $4.761904850e-02, v34  }
0x711: {  	v33 =	vshrl.u32 v33, $0x6;
	v37 =	vcvt.s32.f32 v39;
	v39 =	vcvt.s32.f32 v43  }
0x712: {  	v38 =	vshrl.u32 v38, $0x6;
	v35 =	vmul.f32 $3.333333430e-01, v35;
	v34 =	vtrunc.f32 v34  }
0x713: {  	[tilespmem:v31+s17+$0x0] =	vst.idx.add.f32.msk $0xffff, v27;
	v31 =	vcvt.f32.s32 v34;
	v34 =	vmul.f32 $4.761904850e-02, v36;
	v36 =	vadd.s32 v30, v26  }
0x714: {  	v30 =	vmul.f32 $4.761904850e-02, v37;
	[tilespmem:v24+s17+$0x0] =	vst.idx.add.f32.msk $0xffff, v28;
	v24 =	vtrunc.f32 v35;
	v35 =	vand.u32 $0x380, v22  }
0x715: {  	v37 =	vmul.f32 $4.761904850e-02, v39;
	[tilespmem:v25+s17+$0x0] =	vst.idx.add.f32.msk $0xffff, v29;
	v22 =	vcvt.f32.s32 v24;
	v24 =	vmul.u32 $0xFFFFFF20, v31  }
0x716: {  	v27 =	vcvt.s32.f32 v32;
	v32 =	vand.u32 $0x380, v23;
	v25 =	vcvt.s32.f32 v33;
	v39 =	vld [tilespmem:s28+$0xFFFFFF20]  }
0x717: {  	v28 =	vcvt.s32.f32 v38;
	v26 =	vtrunc.f32 v34;
	v33 =	vld [tilespmem:s28+$0xFFFFFFA0];
	v40 =	vadd.s32 v22, v24  }
0x718: {  	v23 =	vshll.u32 v31, $0x8;
	v29 =	vtrunc.f32 v30;
	v34 =	vld [tilespmem:s28+$0x20];
	v24 =	vshll.u32 v40, $0x3  }
0x719: {  	v31 =	vshll.u32 v31, $0x7;
	v30 =	vand.u32 $0xFFFFF800, v23;
	v22 =	vld [tilespmem:s25+$0xFFFFFF20];
	v24 =	vand.u32 $0xFFFFFC00, v24  }
0x71a: {  	v31 =	vand.u32 $0x380, v31;
	v23 =	vld [tilespmem:s25+$0xFFFFFFA0];
	v38 =	vadd.s32 v30, v24;
	v30 =	vtrunc.f32 v37  }
0x71b: {  	v40 =	vand.u32 $0x7F, v40;
	v37 =	vshrl.u32 v39, $0xB;
	v24 =	vld [tilespmem:s25+$0x20];
	v31 =	vor.u32 v31, v38  }
0x71c: {  	v37 =	vcvt.s32.f32 v37;
	v38 =	vshrl.u32 v33, $0xB;
	v41 =	vld [tilespmem:s25+$0xB0];
	v31 =	vor.u32 v40, v31  }
0x71d: {  	v39 =	vshrl.u32 v39, $0x6;
	v38 =	vcvt.s32.f32 v38;
	v40 =	vshrl.u32 v34, $0xB  }
0x71e: {  	v33 =	vshrl.u32 v33, $0x6;
	v34 =	vshrl.u32 v34, $0x6;
	v40 =	vcvt.s32.f32 v40  }
0x71f: {  	v19 =	vand.u32 $0x380, v19;
	v37 =	vmul.f32 $4.761904850e-02, v37;
	v38 =	vmul.f32 $4.761904850e-02, v38  }
0x720: {  	v20 =	vor.u32 v35, v20;
	v39 =	vcvt.s32.f32 v39;
	v40 =	vmul.f32 $4.761904850e-02, v40  }
0x721: {  	v21 =	vor.u32 v32, v21;
	v33 =	vcvt.s32.f32 v33;
	v34 =	vcvt.s32.f32 v34;
	[tilespmem:v31+s17+$0x0] =	vst.idx.add.f32.msk $0xffff, v41  }
0x722: {  	v19 =	vor.u32 v19, v36;
	v31 =	vtrunc.f32 v37;
	v32 =	vtrunc.f32 v38;
	v35 =	vld [tilespmem:s28+$0xC0]  }
0x723: {  	v7 =	vand.u32 $0x7F, v7;
	v36 =	vmul.f32 $3.333333430e-01, v39;
	v37 =	vtrunc.f32 v40  }
0x724: {  	v8 =	vand.u32 $0x7F, v8;
	v33 =	vmul.f32 $3.333333430e-01, v33;
	v34 =	vmul.f32 $3.333333430e-01, v34  }
0x725: {  	v9 =	vand.u32 $0x7F, v9;
	v31 =	vcvt.f32.s32 v31;
	v32 =	vcvt.f32.s32 v32  }
0x726: {  	v7 =	vor.u32 v7, v20;
	v36 =	vtrunc.f32 v36;
	v37 =	vcvt.f32.s32 v37  }
0x727: {  	v20 =	vtrunc.f32 v33;
	v33 =	vtrunc.f32 v34;
	v34 =	vshrl.u32 v35, $0xB  }
0x728: {  	v38 =	vmul.u32 $0xFFFFFF20, v31;
	v39 =	vmul.u32 $0xFFFFFF20, v32;
	v34 =	vcvt.s32.f32 v34  }
0x729: {  	v36 =	vcvt.f32.s32 v36;
	v40 =	vmul.u32 $0xFFFFFF20, v37;
	v35 =	vshrl.u32 v35, $0x6  }
0x72a: {  	v41 =	vshll.u32 v31, $0x8;
	v35 =	vcvt.s32.f32 v35;
	v34 =	vmul.f32 $4.761904850e-02, v34  }
0x72b: {  	v20 =	vcvt.f32.s32 v20;
	v33 =	vcvt.f32.s32 v33;
	v36 =	vadd.s32 v36, v38;
	[tilespmem:v7+s17+$0x0] =	vst.idx.add.f32.msk $0xffff, v1;
	v1 =	vmovc v6  }
0x72c: {  	v6 =	vshll.u32 v36, $0x3;
	v7 =	vmul.f32 $3.333333430e-01, v35;
	v34 =	vtrunc.f32 v34  }
0x72d: {  	v20 =	vadd.s32 v20, v39;
	v33 =	vadd.s32 v33, v40;
	v34 =	vcvt.f32.s32 v34  }
0x72e: {  	v38 =	vshll.u32 v33, $0x3;
	v35 =	vshll.u32 v20, $0x3;
	v7 =	vtrunc.f32 v7  }
0x72f: {  	v39 =	vshll.u32 v32, $0x8;
	v7 =	vcvt.f32.s32 v7;
	v40 =	vmul.u32 $0xFFFFFF20, v34  }
0x730: {  	v42 =	vshll.u32 v37, $0x8;
	v6 =	vand.u32 $0xFFFFFC00, v6;
	v35 =	vand.u32 $0xFFFFFC00, v35  }
0x731: {  	v41 =	vand.u32 $0xFFFFF800, v41;
	v38 =	vand.u32 $0xFFFFFC00, v38;
	v7 =	vadd.s32 v7, v40  }
0x732: {  	v39 =	vand.u32 $0xFFFFF800, v39;
	v40 =	vshll.u32 v34, $0x8;
	v43 =	vshll.u32 v7, $0x3  }
0x733: {  	v34 =	vshll.u32 v34, $0x7;
	v40 =	vand.u32 $0xFFFFF800, v40;
	v43 =	vand.u32 $0xFFFFFC00, v43  }
0x734: {  	v42 =	vand.u32 $0xFFFFF800, v42;
	v34 =	vand.u32 $0x380, v34;
	v40 =	vadd.s32 v40, v43  }
0x735: {  	v31 =	vshll.u32 v31, $0x7;
	v7 =	vand.u32 $0x7F, v7;
	v34 =	vor.u32 v34, v40  }
0x736: {  	v37 =	vshll.u32 v37, $0x7;
	v32 =	vshll.u32 v32, $0x7;
	v40 =	vld [tilespmem:s25+$0xC0];
	v7 =	vor.u32 v7, v34  }
0x737: {  	v6 =	vadd.s32 v41, v6;
	v34 =	vadd.s32 v39, v35;
	v35 =	vadd.s32 v42, v38  }
0x738: {  	v31 =	vand.u32 $0x380, v31;
	v37 =	vand.u32 $0x380, v37;
	v32 =	vand.u32 $0x380, v32  }
0x739: {  	v6 =	vor.u32 v31, v6;
	v31 =	vor.u32 v32, v34;
	v32 =	vor.u32 v37, v35  }
0x73a: {  	v33 =	vand.u32 $0x7F, v33;
	v20 =	vand.u32 $0x7F, v20;
	v34 =	vand.u32 $0x7F, v36  }
0x73b: {  	v34 =	vor.u32 v34, v6;
	v20 =	vor.u32 v20, v31;
	v6 =	vmul.f32 $3.333333430e-01, v27;
	[tilespmem:v7+s17+$0x0] =	vst.idx.add.f32.msk $0xffff, v40  }
0x73c: {  	v28 =	vmul.f32 $3.333333430e-01, v28;
	v25 =	vmul.f32 $3.333333430e-01, v25;
	v7 =	vor.u32 v33, v32;
	v27 =	vld [tilespmem:s28+$0xD0]  }
0x73d: {  	v26 =	vcvt.f32.s32 v26;
	v29 =	vcvt.f32.s32 v29;
	v31 =	vor.u32 v8, v21  }
0x73e: {  	v8 =	vtrunc.f32 v6;
	v6 =	vcvt.f32.s32 v30;
	v30 =	vor.u32 v9, v19  }
0x73f: {  	v21 =	vtrunc.f32 v28;
	v9 =	vmul.u32 $0xFFFFFF20, v26;
	v19 =	vtrunc.f32 v25  }
0x740: {  	v8 =	vcvt.f32.s32 v8;
	v25 =	vmul.u32 $0xFFFFFF20, v6;
	[tilespmem:v34+s17+$0x0] =	vst.idx.add.f32.msk $0xffff, v22;
	v22 =	vmul.u32 $0xFFFFFF20, v29  }
0x741: {  	v21 =	vcvt.f32.s32 v21;
	v19 =	vcvt.f32.s32 v19;
	[tilespmem:v20+s17+$0x0] =	vst.idx.add.f32.msk $0xffff, v23;
	v20 =	vshrl.u32 v27, $0xB  }
0x742: {  	v8 =	vadd.s32 v8, v9;
	[tilespmem:v7+s17+$0x0] =	vst.idx.add.f32.msk $0xffff, v24;
	v20 =	vcvt.s32.f32 v20;
	v24 =	vshll.u32 v26, $0x8  }
0x743: {  	v23 =	vshrl.u32 v27, $0x6;
	v9 =	vadd.s32 v19, v22;
	v7 =	vadd.s32 v21, v25;
	v28 =	vld [tilespmem:s28+$0xFFFFFF30]  }
0x744: {  	v21 =	vcvt.s32.f32 v23;
	v22 =	vshll.u32 v8, $0x3;
	v25 =	vld [tilespmem:s28+$0xFFFFFFB0];
	v20 =	vmul.f32 $4.761904850e-02, v20  }
0x745: {  	v32 =	vshll.u32 v29, $0x8;
	v23 =	vshll.u32 v9, $0x3;
	v33 =	vshll.u32 v7, $0x3;
	v27 =	vld [tilespmem:s28+$0x30]  }
0x746: {  	v35 =	vshll.u32 v6, $0x8;
	v34 =	vmul.f32 $3.333333430e-01, v21;
	v19 =	vld [tilespmem:s25+$0xFFFFFF30];
	v21 =	vtrunc.f32 v20  }
0x747: {  	v22 =	vand.u32 $0xFFFFFC00, v22;
	v23 =	vand.u32 $0xFFFFFC00, v23;
	v20 =	vld [tilespmem:s25+$0xFFFFFFB0];
	v36 =	vcvt.f32.s32 v21  }
0x748: {  	v34 =	vtrunc.f32 v34;
	v37 =	vshrl.u32 v28, $0x6;
	v28 =	vshrl.u32 v28, $0xB;
	v21 =	vld [tilespmem:s25+$0x30]  }
0x749: {  	v34 =	vcvt.f32.s32 v34;
	v38 =	vshrl.u32 v25, $0xB;
	v39 =	vmul.u32 $0xFFFFFF20, v36;
	[tilespmem:v31+s17+$0x0] =	vst.idx.add.f32.msk $0xffff, v2;
	v2 =	vmovc v4  }
0x74a: {  	v4 =	vcvt.s32.f32 v28;
	v28 =	vcvt.s32.f32 v38;
	v31 =	vshrl.u32 v27, $0xB;
	[tilespmem:v30+s17+$0x0] =	vst.idx.add.f32.msk $0xffff, v3;
	v3 =	vmovc v5  }
0x74b: {  	v5 =	vshrl.u32 v25, $0x6;
	v25 =	vcvt.s32.f32 v31;
	v30 =	vadd.s32 v34, v39  }
0x74c: {  	v27 =	vshrl.u32 v27, $0x6;
	v31 =	vshll.u32 v36, $0x8;
	v34 =	vshll.u32 v30, $0x3  }
0x74d: {  	v36 =	vshll.u32 v36, $0x7;
	v31 =	vand.u32 $0xFFFFF800, v31;
	v34 =	vand.u32 $0xFFFFFC00, v34  }
0x74e: {  	v4 =	vmul.f32 $4.761904850e-02, v4;
	v31 =	vadd.s32 v31, v34;
	v34 =	vand.u32 $0x380, v36  }
0x74f: {  	v28 =	vmul.f32 $4.761904850e-02, v28;
	v30 =	vand.u32 $0x7F, v30;
	v31 =	vor.u32 v34, v31  }
0x750: {  	v25 =	vmul.f32 $4.761904850e-02, v25;
	v34 =	vcvt.s32.f32 v37;
	v36 =	vld [tilespmem:s25+$0xD0];
	v30 =	vor.u32 v30, v31  }
0x751: {  	v5 =	vcvt.s32.f32 v5;
	v27 =	vcvt.s32.f32 v27;
	v31 =	vand.u32 $0xFFFFFC00, v33  }
0x752: {  	v24 =	vand.u32 $0xFFFFF800, v24;
	v4 =	vtrunc.f32 v4;
	v28 =	vtrunc.f32 v28  }
0x753: {  	v32 =	vand.u32 $0xFFFFF800, v32;
	v25 =	vtrunc.f32 v25;
	v33 =	vmul.f32 $3.333333430e-01, v34  }
0x754: {  	v5 =	vmul.f32 $3.333333430e-01, v5;
	v27 =	vmul.f32 $3.333333430e-01, v27;
	v34 =	vand.u32 $0xFFFFF800, v35  }
0x755: {  	v26 =	vshll.u32 v26, $0x7;
	v4 =	vcvt.f32.s32 v4;
	v28 =	vcvt.f32.s32 v28;
	[tilespmem:v30+s17+$0x0] =	vst.idx.add.f32.msk $0xffff, v36  }
0x756: {  	v29 =	vshll.u32 v29, $0x7;
	v25 =	vcvt.f32.s32 v25;
	v30 =	vtrunc.f32 v33;
	v33 =	vld [tilespmem:s28+$0xE0]  }
0x757: {  	v5 =	vtrunc.f32 v5;
	v27 =	vtrunc.f32 v27;
	v35 =	vmul.u32 $0xFFFFFF20, v4  }
0x758: {  	v37 =	vmul.u32 $0xFFFFFF20, v25;
	v36 =	vmul.u32 $0xFFFFFF20, v28;
	v30 =	vcvt.f32.s32 v30  }
0x759: {  	v38 =	vshll.u32 v4, $0x8;
	v5 =	vcvt.f32.s32 v5;
	v27 =	vcvt.f32.s32 v27  }
0x75a: {  	v39 =	vshll.u32 v25, $0x8;
	v30 =	vadd.s32 v30, v35;
	v35 =	vshll.u32 v28, $0x8  }
0x75b: {  	v27 =	vadd.s32 v27, v37;
	v5 =	vadd.s32 v5, v36;
	v36 =	vshrl.u32 v33, $0xB  }
0x75c: {  	v40 =	vshll.u32 v5, $0x3;
	v37 =	vshll.u32 v30, $0x3;
	v36 =	vcvt.s32.f32 v36  }
0x75d: {  	v41 =	vshll.u32 v27, $0x3;
	v37 =	vand.u32 $0xFFFFFC00, v37;
	v33 =	vshrl.u32 v33, $0x6  }
0x75e: {  	v40 =	vand.u32 $0xFFFFFC00, v40;
	v33 =	vcvt.s32.f32 v33;
	v36 =	vmul.f32 $4.761904850e-02, v36  }
0x75f: {  	v38 =	vand.u32 $0xFFFFF800, v38;
	v41 =	vand.u32 $0xFFFFFC00, v41;
	v35 =	vand.u32 $0xFFFFF800, v35  }
0x760: {  	v39 =	vand.u32 $0xFFFFF800, v39;
	v33 =	vmul.f32 $3.333333430e-01, v33;
	v36 =	vtrunc.f32 v36  }
0x761: {  	v4 =	vshll.u32 v4, $0x7;
	v28 =	vshll.u32 v28, $0x7;
	v36 =	vcvt.f32.s32 v36  }
0x762: {  	v25 =	vshll.u32 v25, $0x7;
	v37 =	vadd.s32 v38, v37;
	v33 =	vtrunc.f32 v33  }
0x763: {  	v35 =	vadd.s32 v35, v40;
	v33 =	vcvt.f32.s32 v33;
	v38 =	vmul.u32 $0xFFFFFF20, v36  }
0x764: {  	v4 =	vand.u32 $0x380, v4;
	v39 =	vadd.s32 v39, v41;
	v28 =	vand.u32 $0x380, v28  }
0x765: {  	v25 =	vand.u32 $0x380, v25;
	v4 =	vor.u32 v4, v37;
	v33 =	vadd.s32 v33, v38  }
0x766: {  	v28 =	vor.u32 v28, v35;
	v35 =	vshll.u32 v36, $0x8;
	v37 =	vshll.u32 v33, $0x3  }
0x767: {  	v36 =	vshll.u32 v36, $0x7;
	v35 =	vand.u32 $0xFFFFF800, v35;
	v37 =	vand.u32 $0xFFFFFC00, v37  }
0x768: {  	v25 =	vor.u32 v25, v39;
	v36 =	vand.u32 $0x380, v36;
	v35 =	vadd.s32 v35, v37  }
0x769: {  	v30 =	vand.u32 $0x7F, v30;
	v33 =	vand.u32 $0x7F, v33;
	v35 =	vor.u32 v36, v35  }
0x76a: {  	v27 =	vand.u32 $0x7F, v27;
	v5 =	vand.u32 $0x7F, v5;
	v36 =	vld [tilespmem:s25+$0xE0];
	v33 =	vor.u32 v33, v35  }
0x76b: {  	v25 =	vor.u32 v27, v25;
	v5 =	vor.u32 v5, v28;
	v4 =	vor.u32 v30, v4  }
0x76c: {  	v6 =	vshll.u32 v6, $0x7;
	v22 =	vadd.s32 v24, v22;
	v23 =	vadd.s32 v32, v23  }
0x76d: {  	v24 =	vand.u32 $0x380, v26;
	v26 =	vand.u32 $0x380, v29;
	v27 =	vadd.s32 v34, v31  }
0x76e: {  	v6 =	vand.u32 $0x380, v6;
	v22 =	vor.u32 v24, v22;
	v23 =	vor.u32 v26, v23  }
0x76f: {  	v8 =	vand.u32 $0x7F, v8;
	v9 =	vand.u32 $0x7F, v9;
	v6 =	vor.u32 v6, v27;
	[tilespmem:v33+s17+$0x0] =	vst.idx.add.f32.msk $0xffff, v36  }
0x770: {  	v7 =	vand.u32 $0x7F, v7;
	[tilespmem:v4+s17+$0x0] =	vst.idx.add.f32.msk $0xffff, v19;
	v4 =	vor.u32 v8, v22;
	v8 =	vor.u32 v9, v23  }
0x771: {  	[tilespmem:v5+s17+$0x0] =	vst.idx.add.f32.msk $0xffff, v20;
	v5 =	vor.u32 v7, v6;
	v6 =	vmul.f32 $3.333333430e-01, v10;
	v7 =	vmul.f32 $3.333333430e-01, v13  }
0x772: {  	v9 =	vmul.f32 $3.333333430e-01, v11;
	[tilespmem:v25+s17+$0x0] =	vst.idx.add.f32.msk $0xffff, v21;
	v21 =	vcvt.f32.s32 v14  }
0x773: {  	v19 =	vcvt.f32.s32 v15;
	v20 =	vcvt.f32.s32 v12;
	v10 =	vld [tilespmem:s28+$0xFFFFFF40]  }
0x774: {  	v6 =	vtrunc.f32 v6;
	v7 =	vtrunc.f32 v7;
	v11 =	vld [tilespmem:s28+$0xFFFFFFC0];
	v13 =	vmul.u32 $0xFFFFFF20, v21  }
0x775: {  	v9 =	vtrunc.f32 v9;
	v27 =	vmul.u32 $0xFFFFFF20, v19;
	v26 =	vmul.u32 $0xFFFFFF20, v20;
	v14 =	vld [tilespmem:s28+$0x40]  }
0x776: {  	v6 =	vcvt.f32.s32 v6;
	v12 =	vshll.u32 v21, $0x8;
	v28 =	vcvt.f32.s32 v7;
	v23 =	vld [tilespmem:s25+$0xFFFFFF40]  }
0x777: {  	v22 =	vshll.u32 v19, $0x8;
	v15 =	vshll.u32 v20, $0x8;
	v9 =	vcvt.f32.s32 v9;
	v24 =	vld [tilespmem:s25+$0xFFFFFFC0]  }
0x778: {  	v7 =	vadd.s32 v6, v13;
	v29 =	vshrl.u32 v10, $0x6;
	v10 =	vshrl.u32 v10, $0xB;
	v25 =	vld [tilespmem:s25+$0x40]  }
0x779: {  	v6 =	vcvt.s32.f32 v10;
	v13 =	vshrl.u32 v11, $0x6;
	v10 =	vshrl.u32 v11, $0xB;
	[tilespmem:v4+s17+$0x0] =	vst.idx.add.f32.msk $0xffff, v16  }
0x77a: {  	v4 =	vcvt.s32.f32 v10;
	v16 =	vshrl.u32 v14, $0x6;
	v10 =	vshrl.u32 v14, $0xB;
	[tilespmem:v8+s17+$0x0] =	vst.idx.add.f32.msk $0xffff, v17  }
0x77b: {  	v8 =	vadd.s32 v28, v26;
	v6 =	vmul.f32 $4.761904850e-02, v6;
	v11 =	vcvt.s32.f32 v10;
	[tilespmem:v5+s17+$0x0] =	vst.idx.add.f32.msk $0xffff, v18  }
0x77c: {  	v9 =	vadd.s32 v9, v27;
	v5 =	vcvt.s32.f32 v29;
	v4 =	vmul.f32 $4.761904850e-02, v4;
	v10 =	vld [tilespmem:s23+$0xFFFFFF60]  }
0x77d: {  	v17 =	vcvt.s32.f32 v13;
	v18 =	vshll.u32 v7, $0x3;
	v14 =	vmul.f32 $4.761904850e-02, v11;
	v11 =	vld [tilespmem:s23+$0xFFFFFFE0]  }
0x77e: {  	v27 =	vcvt.s32.f32 v16;
	v13 =	vshll.u32 v8, $0x3;
	v26 =	vtrunc.f32 v6;
	v16 =	vld [tilespmem:s23+$0x60];
	s23 =	smov.u32 s28  }
0x77f: {  	v28 =	vtrunc.f32 v4;
	v29 =	vtrunc.f32 v14;
	v6 =	vld [tilespmem:s24+$0xFFFFFF60];
	v14 =	vshll.u32 v9, $0x3  }
0x780: {  	v34 =	vmul.f32 $3.333333430e-01, v17;
	v17 =	vand.u32 $0xFFFFFC00, v18;
	v33 =	vmul.f32 $3.333333430e-01, v5;
	v4 =	vld [tilespmem:s24+$0xFFFFFFE0]  }
0x781: {  	v27 =	vmul.f32 $3.333333430e-01, v27;
	v30 =	vcvt.f32.s32 v26;
	v18 =	vshrl.u32 v10, $0xB;
	v5 =	vld [tilespmem:s24+$0x60];
	s24 =	smov.u32 s25  }
0x782: {  	v31 =	vcvt.f32.s32 v28;
	v32 =	vcvt.f32.s32 v29;
	v26 =	vshrl.u32 v11, $0xB  }
.Ltmp3:
0x783: {  	v34 =	vtrunc.f32 v34;
	v29 =	vtrunc.f32 v33;
	v33 =	vmul.u32 $0xFFFFFF20, v30;
	(pc) =	sbr.rel @p0 .LBB2_9-.Ltmp3, $4  }
0x784: {  	v27 =	vtrunc.f32 v27;
	v37 =	vmul.u32 $0xFFFFFF20, v31;
	v28 =	vmul.u32 $0xFFFFFF20, v32  }
0x785: {  	v39 =	vcvt.f32.s32 v34;
	v38 =	vshll.u32 v30, $0x8;
	v29 =	vcvt.f32.s32 v29  }
0x786: {  	v36 =	vcvt.f32.s32 v27;
	v34 =	vshll.u32 v31, $0x8;
	v35 =	vshll.u32 v32, $0x8  }
0x787: {  	s28 =	sadd.s32 $0x200, s28;
	v29 =	vadd.s32 v29, v33;
	v33 =	vand.u32 $0xFFFFF800, v38;
	v27 =	vadd.s32 v39, v37  }
0x788: {  	v37 =	vshll.u32 v29, $0x3;
	v38 =	vshll.u32 v27, $0x3;
	v28 =	vadd.s32 v36, v28  }
0x789: {  	v34 =	vand.u32 $0xFFFFF800, v34;
	v35 =	vand.u32 $0xFFFFF800, v35;
	v30 =	vshll.u32 v30, $0x7  }
0x78a: {  	v31 =	vshll.u32 v31, $0x7;
	v32 =	vshll.u32 v32, $0x7;
	v62 =	vand.u32 $0x7F, v29  }
0x78b: {  	v63 =	vand.u32 $0x7F, v27;
	v18 =	vcvt.s32.f32 v18;
	v36 =	vcvt.s32.f32 v26  }
0x78c: {  	v10 =	vshrl.u32 v10, $0x6;
	v11 =	vshrl.u32 v11, $0x6;
	v13 =	vand.u32 $0xFFFFFC00, v13  }
0x78d: {  	v14 =	vand.u32 $0xFFFFFC00, v14;
	v12 =	vand.u32 $0xFFFFF800, v12;
	v59 =	vand.u32 $0xFFFFFC00, v37  }
0x78e: {  	v60 =	vand.u32 $0xFFFFFC00, v38;
	v61 =	vshll.u32 v28, $0x3;
	v30 =	vand.u32 $0x380, v30  }
0x78f: {  	v31 =	vand.u32 $0x380, v31;
	v32 =	vand.u32 $0x380, v32;
	v33 =	vadd.s32 v33, v59  }
0x790: {  	v38 =	vand.u32 $0xFFFFFC00, v61;
	v34 =	vadd.s32 v34, v60;
	v30 =	vor.u32 v30, v33  }
0x791: {  	v35 =	vadd.s32 v35, v38;
	v31 =	vor.u32 v31, v34;
	v29 =	vor.u32 v62, v30  }
0x792: {  	v28 =	vand.u32 $0x7F, v28;
	v33 =	vor.u32 v32, v35;
	v27 =	vor.u32 v63, v31  }
0x793: {  	v15 =	vand.u32 $0xFFFFF800, v15;
	v22 =	vand.u32 $0xFFFFF800, v22;
	v28 =	vor.u32 v28, v33  }
0x794: {  	v21 =	vshll.u32 v21, $0x7;
	v20 =	vshll.u32 v20, $0x7;
	v19 =	vshll.u32 v19, $0x7  }
0x795: {  	v7 =	vand.u32 $0x7F, v7;
	v8 =	vand.u32 $0x7F, v8;
	v10 =	vcvt.s32.f32 v10  }
0x796: {  	v11 =	vcvt.s32.f32 v11;
	v18 =	vmul.f32 $4.761904850e-02, v18;
	v38 =	vshrl.u32 v16, $0x6;
	[tilespmem:v29+s17+$0x0] =	vst.idx.add.f32.msk $0xffff, v23  }
0x797: {  	v34 =	vshrl.u32 v16, $0xB;
	v10 =	vmul.f32 $3.333333430e-01, v10;
	v16 =	vcvt.s32.f32 v38;
	[tilespmem:v27+s17+$0x0] =	vst.idx.add.f32.msk $0xffff, v24  }
0x798: {  	v13 =	vadd.s32 v15, v13;
	v11 =	vmul.f32 $3.333333430e-01, v11;
	v18 =	vtrunc.f32 v18;
	[tilespmem:v28+s17+$0x0] =	vst.idx.add.f32.msk $0xffff, v25  }
0x799: {  	v20 =	vand.u32 $0x380, v20;
	v61 =	vcvt.f32.s32 v18;
	v62 =	vmul.f32 $3.333333430e-01, v16;
	v35 =	vld [tilespmem:s23+$0xFFFFFF50]  }
0x79a: {  	v13 =	vor.u32 v20, v13;
	v10 =	vtrunc.f32 v10;
	v11 =	vtrunc.f32 v11;
	v37 =	vld [tilespmem:s23+$0xFFFFFFD0]  }
0x79b: {  	v8 =	vor.u32 v8, v13;
	v10 =	vcvt.f32.s32 v10;
	v13 =	vtrunc.f32 v62;
	v39 =	vld [tilespmem:s23+$0x50]  }
0x79c: {  	v9 =	vand.u32 $0x7F, v9;
	v23 =	vcvt.s32.f32 v34;
	v25 =	vmul.f32 $4.761904850e-02, v36  }
0x79d: {  	v12 =	vadd.s32 v12, v17;
	v11 =	vcvt.f32.s32 v11;
	v13 =	vcvt.f32.s32 v13  }
0x79e: {  	v23 =	vmul.f32 $4.761904850e-02, v23;
	v25 =	vtrunc.f32 v25;
	v40 =	vshrl.u32 v35, $0xB  }
0x79f: {  	v41 =	vshrl.u32 v37, $0xB;
	v24 =	vshrl.u32 v35, $0x6;
	v26 =	vshrl.u32 v37, $0x6  }
0x7a0: {  	v42 =	vshrl.u32 v39, $0xB;
	v28 =	vcvt.s32.f32 v40;
	v29 =	vcvt.s32.f32 v41  }
0x7a1: {  	v27 =	vshrl.u32 v39, $0x6;
	v24 =	vcvt.s32.f32 v24;
	v26 =	vcvt.s32.f32 v26  }
0x7a2: {  	v14 =	vadd.s32 v22, v14;
	v30 =	vcvt.s32.f32 v42;
	v27 =	vcvt.s32.f32 v27  }
0x7a3: {  	v21 =	vand.u32 $0x380, v21;
	v28 =	vmul.f32 $4.761904850e-02, v28;
	v29 =	vmul.f32 $4.761904850e-02, v29  }
0x7a4: {  	v19 =	vand.u32 $0x380, v19;
	v24 =	vmul.f32 $3.333333430e-01, v24;
	v26 =	vmul.f32 $3.333333430e-01, v26  }
0x7a5: {  	v12 =	vor.u32 v21, v12;
	v30 =	vmul.f32 $4.761904850e-02, v30;
	v43 =	vmul.f32 $3.333333430e-01, v27  }
0x7a6: {  	v14 =	vor.u32 v19, v14;
	v28 =	vtrunc.f32 v28;
	v29 =	vtrunc.f32 v29  }
0x7a7: {  	v7 =	vor.u32 v7, v12;
	v24 =	vtrunc.f32 v24;
	v26 =	vtrunc.f32 v26  }
0x7a8: {  	v9 =	vor.u32 v9, v14;
	v30 =	vtrunc.f32 v30;
	v44 =	vcvt.f32.s32 v28  }
0x7a9: {  	v12 =	vshll.u32 v61, $0x7;
	v45 =	vcvt.f32.s32 v29;
	v17 =	vtrunc.f32 v43  }
0x7aa: {  	v12 =	vand.u32 $0x380, v12;
	v24 =	vcvt.f32.s32 v24;
	v26 =	vcvt.f32.s32 v26  }
0x7ab: {  	v46 =	vcvt.f32.s32 v30;
	v17 =	vcvt.f32.s32 v17;
	v47 =	vmul.u32 $0xFFFFFF20, v44  }
0x7ac: {  	v48 =	vmul.u32 $0xFFFFFF20, v45;
	v51 =	vshll.u32 v44, $0x8;
	v52 =	vshll.u32 v45, $0x8  }
0x7ad: {  	v27 =	vshll.u32 v44, $0x7;
	v15 =	vshll.u32 v45, $0x7;
	v49 =	vmul.u32 $0xFFFFFF20, v46  }
0x7ae: {  	v55 =	vshll.u32 v46, $0x8;
	v30 =	vand.u32 $0xFFFFF800, v52;
	v28 =	vshll.u32 v46, $0x7  }
0x7af: {  	v27 =	vand.u32 $0x380, v27;
	v15 =	vand.u32 $0x380, v15;
	v50 =	vadd.s32 v24, v47  }
0x7b0: {  	v26 =	vadd.s32 v26, v48;
	v24 =	vand.u32 $0xFFFFF800, v51;
	v29 =	vshll.u32 v50, $0x3  }
0x7b1: {  	v17 =	vadd.s32 v17, v49;
	v53 =	vshll.u32 v26, $0x3;
	v29 =	vand.u32 $0xFFFFFC00, v29  }
0x7b2: {  	v22 =	vand.u32 $0x7F, v50;
	v31 =	vand.u32 $0xFFFFFC00, v53;
	v24 =	vadd.s32 v24, v29  }
0x7b3: {  	v26 =	vand.u32 $0x7F, v26;
	v56 =	vadd.s32 v30, v31;
	v24 =	vor.u32 v27, v24  }
0x7b4: {  	v58 =	vld [tilespmem:s24+$0xFFFFFF50];
	v54 =	vshll.u32 v17, $0x3;
	v15 =	vor.u32 v15, v56;
	v22 =	vor.u32 v22, v24  }
0x7b5: {  	v59 =	vld [tilespmem:s24+$0xFFFFFFD0];
	v33 =	vand.u32 $0xFFFFF800, v55;
	v32 =	vand.u32 $0xFFFFFC00, v54;
	v15 =	vor.u32 v26, v15  }
0x7b6: {  	v63 =	vcvt.f32.s32 v25;
	v28 =	vand.u32 $0x380, v28;
	v57 =	vadd.s32 v33, v32  }
0x7b7: {  	v23 =	vtrunc.f32 v23;
	v17 =	vand.u32 $0x7F, v17;
	v28 =	vor.u32 v28, v57  }
0x7b8: {  	v60 =	vld [tilespmem:s24+$0x50];
	v37 =	vshll.u32 v61, $0x8;
	v38 =	vshll.u32 v63, $0x8;
	v17 =	vor.u32 v17, v28  }
0x7b9: {  	v14 =	vshll.u32 v63, $0x7;
	v30 =	vcvt.f32.s32 v23;
	v31 =	vmul.u32 $0xFFFFFF20, v61;
	[tilespmem:v22+s17+$0x0] =	vst.idx.add.f32.msk $0xffff, v58  }
0x7ba: {  	v14 =	vand.u32 $0x380, v14;
	v23 =	vand.u32 $0xFFFFF800, v38;
	v33 =	vmul.u32 $0xFFFFFF20, v63;
	[tilespmem:v15+s17+$0x0] =	vst.idx.add.f32.msk $0xffff, v59  }
0x7bb: {  	v35 =	vmul.u32 $0xFFFFFF20, v30;
	v39 =	vshll.u32 v30, $0x8;
	v10 =	vadd.s32 v10, v31;
	v32 =	vld [tilespmem:s23+$0xFFFFFF60]  }
0x7bc: {  	v11 =	vadd.s32 v11, v33;
	v16 =	vshll.u32 v10, $0x3;
	v24 =	vand.u32 $0xFFFFF800, v39;
	v34 =	vld [tilespmem:s23+$0xFFFFFFE0]  }
0x7bd: {  	v10 =	vand.u32 $0x7F, v10;
	v13 =	vadd.s32 v13, v35;
	v18 =	vshll.u32 v11, $0x3;
	[tilespmem:v17+s17+$0x0] =	vst.idx.add.f32.msk $0xffff, v60  }
0x7be: {  	v16 =	vand.u32 $0xFFFFFC00, v16;
	v11 =	vand.u32 $0x7F, v11;
	v20 =	vshll.u32 v13, $0x3;
	v36 =	vld [tilespmem:s23+$0x60]  }
0x7bf: {  	v18 =	vand.u32 $0xFFFFFC00, v18;
	v13 =	vand.u32 $0x7F, v13;
	v20 =	vand.u32 $0xFFFFFC00, v20  }
0x7c0: {  	v18 =	vadd.s32 v23, v18;
	v22 =	vand.u32 $0xFFFFF800, v37;
	v15 =	vshll.u32 v30, $0x7  }
0x7c1: {  	v20 =	vadd.s32 v24, v20;
	v40 =	vshrl.u32 v32, $0xB;
	v41 =	vshrl.u32 v34, $0xB  }
0x7c2: {  	v17 =	vshrl.u32 v32, $0x6;
	v19 =	vshrl.u32 v34, $0x6;
	v25 =	vcvt.s32.f32 v40  }
0x7c3: {  	v42 =	vshrl.u32 v36, $0xB;
	v26 =	vcvt.s32.f32 v41;
	v17 =	vcvt.s32.f32 v17  }
0x7c4: {  	v21 =	vshrl.u32 v36, $0x6;
	v19 =	vcvt.s32.f32 v19;
	v27 =	vcvt.s32.f32 v42  }
0x7c5: {  	v14 =	vor.u32 v14, v18;
	v21 =	vcvt.s32.f32 v21;
	v25 =	vmul.f32 $4.761904850e-02, v25  }
0x7c6: {  	v16 =	vadd.s32 v22, v16;
	v26 =	vmul.f32 $4.761904850e-02, v26;
	v43 =	vmul.f32 $3.333333430e-01, v17  }
0x7c7: {  	v15 =	vand.u32 $0x380, v15;
	v44 =	vmul.f32 $3.333333430e-01, v19;
	v27 =	vmul.f32 $4.761904850e-02, v27  }
0x7c8: {  	v12 =	vor.u32 v12, v16;
	v46 =	vmul.f32 $3.333333430e-01, v21;
	v25 =	vtrunc.f32 v25  }
0x7c9: {  	v10 =	vor.u32 v10, v12;
	v26 =	vtrunc.f32 v26;
	v12 =	vtrunc.f32 v43  }
0x7ca: {  	v11 =	vor.u32 v11, v14;
	v14 =	vtrunc.f32 v44;
	v27 =	vtrunc.f32 v27  }
0x7cb: {  	v15 =	vor.u32 v15, v20;
	v45 =	vcvt.f32.s32 v25;
	v47 =	vcvt.f32.s32 v26  }
0x7cc: {  	v13 =	vor.u32 v13, v15;
	v15 =	vtrunc.f32 v46;
	v12 =	vcvt.f32.s32 v12  }
0x7cd: {  	v14 =	vcvt.f32.s32 v14;
	v48 =	vcvt.f32.s32 v27  }
0x7ce: {  	v15 =	vcvt.f32.s32 v15;
	v49 =	vmul.u32 $0xFFFFFF20, v45;
	v50 =	vmul.u32 $0xFFFFFF20, v47  }
0x7cf: {  	v52 =	vshll.u32 v45, $0x8;
	v53 =	vshll.u32 v47, $0x8;
	v55 =	vshll.u32 v45, $0x7  }
0x7d0: {  	v56 =	vshll.u32 v47, $0x7;
	v51 =	vmul.u32 $0xFFFFFF20, v48;
	v54 =	vshll.u32 v48, $0x8  }
0x7d1: {  	[tilespmem:v8+s17+$0x0] =	vst.idx.add.f32.msk $0xffff, v2;
	v22 =	vand.u32 $0xFFFFF800, v52;
	v23 =	vand.u32 $0xFFFFF800, v53;
	v2 =	vshll.u32 v48, $0x7  }
0x7d2: {  	[tilespmem:v9+s17+$0x0] =	vst.idx.add.f32.msk $0xffff, v3;
	v3 =	vand.u32 $0x380, v55;
	v59 =	vand.u32 $0x380, v56;
	v12 =	vadd.s32 v12, v49  }
0x7d3: {  	[tilespmem:v7+s17+$0x0] =	vst.idx.add.f32.msk $0xffff, v1;
	v14 =	vadd.s32 v14, v50;
	v1 =	vand.u32 $0xFFFFF800, v54;
	v2 =	vand.u32 $0x380, v2  }
0x7d4: {  	v15 =	vadd.s32 v15, v51;
	v19 =	vshll.u32 v12, $0x3;
	v20 =	vshll.u32 v14, $0x3  }
0x7d5: {  	v61 =	vand.u32 $0x7F, v12;
	v14 =	vand.u32 $0x7F, v14;
	v19 =	vand.u32 $0xFFFFFC00, v19  }
0x7d6: {  	v21 =	vshll.u32 v15, $0x3;
	v20 =	vand.u32 $0xFFFFFC00, v20;
	v57 =	vadd.s32 v22, v19  }
0x7d7: {  	v60 =	vld [tilespmem:s24+$0xFFFFFF60];
	v21 =	vand.u32 $0xFFFFFC00, v21;
	v58 =	vadd.s32 v23, v20;
	v3 =	vor.u32 v3, v57  }
0x7d8: {  	v62 =	vld [tilespmem:s24+$0xFFFFFFE0];
	v1 =	vadd.s32 v1, v21;
	v7 =	vor.u32 v59, v58;
	v3 =	vor.u32 v61, v3  }
0x7d9: {  	v63 =	vld [tilespmem:s24+$0x60];
	v1 =	vor.u32 v2, v1;
	v2 =	vand.u32 $0x7F, v15;
	v7 =	vor.u32 v14, v7  }
0x7da: {  	[tilespmem:v11+s17+$0x0] =	vst.idx.add.f32.msk $0xffff, v4;
	v1 =	vor.u32 v2, v1  }
0x7db: {  	s0 =	smul.u32 $0xE000, s22;
	[tilespmem:v10+s17+$0x0] =	vst.idx.add.f32.msk $0xffff, v6  }
0x7dc: {  	[tilespmem:v13+s17+$0x0] =	vst.idx.add.f32.msk $0xffff, v5  }
0x7dd: {  	s21 =	sadd.s32 $0x1, s21;
	s0 =	sadd.s32 s10, s0;
	[tilespmem:v3+s17+$0x0] =	vst.idx.add.f32.msk $0xffff, v60  }
0x7de: {  	p0 =	sne.s32 s21, $0x18;
	s0 =	sshrl.u32 s0, $0x3;
	[tilespmem:v7+s17+$0x0] =	vst.idx.add.f32.msk $0xffff, v62  }
.Ltmp4:
0x7df: {  	s0 =	sadd.s32 s7, s0;
	[tilespmem:v1+s17+$0x0] =	vst.idx.add.f32.msk $0xffff, v63;
	(pc) =	sbr.rel @p0 .LBB2_2-.Ltmp4, $4  }
0x7e0: {  	[hbm4b:s0+s3] =	stream.linear.scatter [tilespmem:s17], [sflag:$0x3], $0xE000, $0x38;
	[tilespmem:$0x1C000] =	vst v63  }
0x7e1: {  	_ =	swait.ge [sflag:s18], $0xE000  }
0x7e2: {  	[sflag:s18] =	ssyncset.done $0x0  }
0x7e3: {  	[sflag:s18] =	ssyncadd.s32 $0xFFFF2000  }
0x7e4: {  	_ =	swait.ge [sflag:s16], $0x3800  }
0x7e5: {  	[sflag:s16] =	ssyncset.done $0x0  }
0x7e6: {  	[sflag:s16] =	ssyncadd.s32 $0xFFFFC800  }
0x7e7: {  	_ =	swait.ge [sflag:s16], $0x3800  }
0x7e8: {  	s1 =	rddreg [dreg:$0x6]  }
0x7e9: {  	s0 =	rddreg [dreg:$0x5];
	s1 =	sadd.s32 $0x1, s1  }
0x7ea: {  	p0 =	sne.s32 s1, s0  }
.Ltmp5:
0x7eb: {  	_ = 	snop;
	(pc) =	sbr.rel @p0 .LBB2_1-.Ltmp5, $3  }
0x7ec: {  	_ =	sdelay $0x1  }
0x7ed: {  	[sflag:s16] =	ssyncset.done $0x0  }
0x7ee: {  	[sflag:s16] =	ssyncadd.s32 $0xFFFFC800  }
0x7ef: {  	_ =	sfence.sel $0x180000  }
0x7f0: {  	[bflag:$0x0] =	sbarrier.arrive $0xFFFF  }
0x7f1: {  	_ =	strace $0x90000047  }
0x7f2: {  	s0 =	stileid.u32;
	[bflag:$0x2] =	sbarrier.arrive $0xFFFF  }
0x7f3: {  	p0 =	sne.s32 s0, $0x0;
	s0 =	rddreg [dreg:$0x2]  }
0x7f4: {  	s0 =	sadd.s32 @!p0 $0x100000, s0  }
0x7f5: {  	[sflag:s0] =	ssyncadd.tile.s32 @!p0 $0x1;
	_ =	shalt  }
.Lfunc_end2:
_tile_overlayer_lowered:
.L_overlay_start_2:
0x7f6: {  	(tag) =	ssettag $0x2  }
0x7f7: {  	s0 =	rddreg [dreg:$0x0];
	s2 =	stileid.u32  }
0x7f8: {  	s1 =	rddreg [dreg:$0x1];
	p0 =	sne.s32 s2, $0x0  }
0x7f9: {  	s3 =	rddreg [dreg:$0x2];
	[bflag:$0x3] =	sbarrier.arrive $0xFFFF;
	s2 =	simm.s32 @!p0 $0x1C03  }
0x7fa: {  	[timem:s3], [sflag:s2] =	dma.local @!p0 [hbm:s0], s1  }
0x7fb: {  	s0 =	simm.s32 @!p0 $0x3  }
0x7fc: {  	_ =	swait.ge @!p0 [sflag:s0], s1  }
0x7fd: {  	s1 =	ssub.s32 @!p0 $0x0, s1;
	[sflag:s0] =	ssyncset.done @!p0 $0x0  }
0x7fe: {  	[sflag:s0] =	ssyncadd.s32 @!p0 s1  }
0x7ff: {  	[bflag:$0x3] =	sbarrier.arrive $0xFFFF  }
0x800: {  	_ =	shalt  }

// kernel: sparse-core-data-format-call.cloned.1.call-start
scs
called_computation_lowered:
.L_overlay_start_0:
0x0: {  	s2 =	sld [smem:$0x3FD9]  }
0x1: {  	s3 =	sld [smem:$0x3FFE];
	_ =	sdelay $0x1  }
0x2: {  	s1 =	srdreg.scid  }
0x3: {  	s0 =	sand.u32 $0x1, s1  }
0x4: {  	s18 =	sshll.u32 s0, $0xA;
	s2 =	sadd.s32 s3, s2  }
0x5: {  	s2 =	sadd.s32 s2, s18  }
0x6: {  	[smem:$0x3FC6] =	sst s2  }
0x7: {  	_ = 	snop  }
0x8: {  	s2 =	sld [smem:$0x3FD0];
	(tm) =	ssettm $0x1  }
0x9: {  	s19 =	sld [smem:$0x3FFB];
	_ =	sdelay $0x3  }
0xa: {  	_ =	strace s19  }
0xb: {  	s3 =	sld [smem:$0x3FFC];
	_ =	sdelay $0x3  }
0xc: {  	_ =	strace s3  }
0xd: {  	s3 =	sld [smem:$0x3FFD];
	_ =	sdelay $0x3  }
0xe: {  	_ =	strace s3  }
0xf: {  	_ =	strace $0x8FFFFFFF  }
0x10: {  	s20 =	sld [smem:$0x3FDB];
	_ =	sdelay $0x1  }
0x11: {  	s4 =	simm.s32 $_scs_section_size  }
0x12: {  	s5 =	simm.s32 $_size__tile_overlayer_lowered;
	s6 =	simm.s32 $_tile_overlayer_lowered  }
0x13: {  	s23 =	simm.s32 $0x1BFF;
	s22 =	sshll.u32 s6, $0x1;
	s3 =	sadd.s32 s4, s20  }
0x14: {  	s7 =	simm.s32 $0x0;
	s21 =	sshll.u32 s5, $0x1;
	s5 =	sadd.s32 s22, s3  }
0x15: {  	[timem:s7], [sflag:s23] =	dma.local [hbm:s5], s21  }
0x16: {  	_ =	swait.ge [sflag:s23], s21  }
0x17: {  	s4 =	ssub.s32 $0x0, s21;
	[sflag:s23] =	ssyncset.done $0x0  }
0x18: {  	[sflag:s23] =	ssyncadd.s32 s4;
	_ =	sdelay $0x1  }
0x19: {  	s24 =	simm.s32 $0x1B8B  }
0x1a: {  	_ =	swait.ge [sflag:s24], $0x1  }
0x1b: {  	[sflag:s24] =	ssyncset.done $0x0  }
0x1c: {  	s26 =	simm.s32 $0x1B8E;
	s25 =	sld [smem:$0x3FFE];
	[sflag:s24] =	ssyncadd.s32 $0xFFFFFFFF  }
0x1d: {  	s27 =	simm.s32 $execute0_lowered;
	[smem:$0x3FD2] =	sst s26  }
0x1e: {  	s5 =	sshll.u32 s27, $0x1;
	_ =	strace $0x80000049;
	[dreg:$0x1] =	wrdreg $0xFFFFFFFF  }
0x1f: {  	s28 =	simm.s32 $_size_execute0_lowered;
	s3 =	sadd.s32 s3, s5;
	[dreg:$0x0] =	wrdreg $0x0  }
0x20: {  	s5 =	sshll.u32 s28, $0x1;
	[dreg:$0x2] =	wrdreg s3  }
0x21: {  	[dreg:$0x3] =	wrdreg s5  }
0x22: {  	[dreg:$0x4] =	wrdreg $0xC0  }
0x23: {  	_ =	task [dreg:s7], $0x5FFFF  }
0x24: {  	[dreg:$0x1] =	wrdreg $0xFFFFFFFF  }
0x25: {  	[dreg:$0x0] =	wrdreg $0x60  }
0x26: {  	[dreg:$0x2] =	wrdreg s25  }
0x27: {  	[dreg:$0x3] =	wrdreg s2  }
0x28: {  	[dreg:$0x4] =	wrdreg $0x9  }
0x29: {  	_ =	task.clear_ibuf [dreg:s7], $0x5FFFF;
	_ =	strace $0x90000049  }
0x2a: {  	s29 =	simm.s32 $0x9;
	_ =	strace $0x8000004B  }
0x2b: {  	_ =	swait.ge [sflag:s29], $0x1  }
0x2c: {  	[sflag:s29] =	ssyncadd.s32 $0xFFFFFFFF  }
0x2d: {  	_ =	strace $0x9000004B  }
0x2e: {  	_ =	sfence  }
0x2f: {  	s30 =	sld [smem:$0x0];
	_ =	sdelay $0x2  }
0x30: {  	s31 =	sshll.u32 s1, $0xD;
	s1 =	sshrl.u32 s1, $0x2  }
0x31: {  	s3 =	sand.u32 $0x4000, s31;
	s1 =	sadd.s32 s1, s30  }
0x32: {  	s0 =	sor.u32 s3, s0;
	s1 =	sshll.u32 s1, $0x11  }
0x33: {  	s0 =	sor.u32 s1, s0  }
0x34: {  	s0 =	sadd.s32 $0x8F2B, s0  }
0x35: {  	[sflag:s0] =	ssyncadd.remote.s32 $0x1  }
0x36: {  	_ =	sfence.sel $0xFFFF  }
0x37: {  	[dreg:$0x0] =	wrdreg $0xFFFFFFFF;
	(pc) =	sbr.abs _section_cstart, $3  }
0x38: {  	[dreg:$0x1] =	wrdreg $0xFFFFFFFF  }
0x39: {  	_ =	task.clear_ibuf [dreg:s7], $0x2FFFF;
	_ =	strace $0x9FFFFFFF  }
0x3a: {  	(tm) =	ssettm $0x7FFFFFFF  }
0x3b: {  	_ =	shalt  }
tec
execute0_lowered:
.L_overlay_start_1:
0x0: {  	(tag) =	ssettag $0x1  }
0x1: {  	s1 =	srdreg.scid;
	s6 =	rddreg [dreg:$0x0]  }
0x2: {  	s0 =	stileid.u32;
	s3 =	rddreg [dreg:$0x1];
	s1 =	sshll.u32 s1, $0x4  }
0x3: {  	s5 =	simm.s32 $0x1;
	_ =	strace $0x8000004A;
	s1 =	sor.u32 s0, s1  }
0x4: {  	s8 =	simm.s32 $0x2;
	s16 =	simm.s32 $0x0;
	s2 =	sand.u32 $0x18, s1  }
0x5: {  	s9 =	simm.s32 $0x800;
	s10 =	simm.s32 $0xC000;
	s1 =	ssub.s32 $0xE0, s2  }
0x6: {  	s11 =	simm.s32 $0x0;
	s17 =	simm.s32 $0x0;
	s4 =	sand.u32 $0x18, s1  }
0x7: {  	s18 =	simm.s32 $0x0;
	s13 =	simm.s32 $0x0;
	p0 =	sne.s32 s4, $0x0  }
.Ltmp0:
0x8: {  	s1 =	sshrl.u32 s1, $0x5;
	s5 =	simm.s32 @!p0 $0x0;
	(pc) =	sbr.rel .LBB1_1-.Ltmp0, $4  }
0x9: {  	s15 =	simm.s32 $0x0;
	s24 =	simm.s32 $0x0;
	s1 =	sadd.s32 s5, s1  }
0xa: {  	s7 =	sand.u32 $0x7, s0;
	s4 =	simm.s32 $0x1;
	s5 =	smul.u32 $0x18, s1  }
0xb: {  	s6 =	sadd.s32 $0x2A0800, s6;
	s14 =	smov.u32 s7;
	[sflag:s4] =	ssyncpa.u1 $0x0  }
0xc: {  	s12 =	smov.u32 s2;
	[sflag:s8] =	ssyncpa.u1 $0x0;
	s8 =	sor.u32 $0x1, s5  }
.LBB1_7:
0xd: {  	s1 =	sadd.s32 $0x20, s12  }
0xe: {  	s16 =	sadd.s32 $0x8, s13;
	s19 =	smov.u32 s13;
	p1 =	sgt.s32 s1, $0xDF  }
0xf: {  	s19 =	smov.u32 @p1 s16  }
0x10: {  	s21 =	smov.u32 s14;
	s16 =	sadd.s32 $0x8, s14;
	p2 =	sgt.s32 s19, $0xBF  }
0x11: {  	s21 =	smov.u32 @p2 s16  }
0x12: {  	s1 =	smov.u32 @p1 s2;
	p1 =	sgt.s32 s21, $0x7  }
0x13: {  	p0 =	slt.u32 s15, $0x2;
	s21 =	smov.u32 @p1 s7;
	p1 =	sne.s32 s15, s8  }
.Ltmp1:
0x14: {  	s20 =	simm.s32 @!p0 $0x2;
	(pc) =	sbr.rel @!p1 .LBB1_8-.Ltmp1, $4  }
0x15: {  	s17 =	smov.u32 s13;
	s18 =	smov.u32 s14;
	_ =	swait.ge @!p0 [sflag:s20], $0x4000  }
0x16: {  	s11 =	sadd.s32 $0x4000, s11;
	[sflag:s20] =	ssyncset.done @!p0 $0x0;
	s19 =	simm.s32 @p2 $0x0  }
0x17: {  	s16 =	smov.u32 s12;
	[sflag:s20] =	ssyncadd.s32 @!p0 $0xFFFFC000;
	s12 =	smov.u32 s1  }
0x18: {  	s13 =	smov.u32 s19;
	s15 =	sadd.s32 $0x1, s15;
	s14 =	smov.u32 s21  }
.LBB1_1:
0x19: {  	p0 =	sge.u32 s15, s5  }
0x1a: {  	s1 =	sshll.u32 @!p0 s12, $0x8;
	s19 =	sshll.u32 @!p0 s12, $0x7  }
0x1b: {  	s1 =	sand.u32 @!p0 $0xFFFFF800, s1;
	s19 =	sand.u32 @!p0 $0x300, s19  }
0x1c: {  	s1 =	sor.u32 @!p0 s19, s1  }
0x1d: {  	s1 =	sshrl.u32 @!p0 s1, $0x8  }
0x1e: {  	s19 =	smulhi.u32 @!p0 $0x124924A, s1  }
0x1f: {  	s20 =	smul.u32 @!p0 $0x150000, s14  }
0x20: {  	s19 =	smul.u32 @!p0 $0xE0, s19  }
0x21: {  	s31 =	sadd.s32 $0xFFFFFFFF, s15;
	s21 =	sxor.u32 @!p0 $0xFFFFFFFF, s15;
	s22 =	smul.u32 @!p0 $0x1C00, s13  }
0x22: {  	s20 =	sadd.s32 @!p0 s6, s20;
	s1 =	ssub.s32 @!p0 s1, s19;
	s19 =	sshll.u32 @!p0 s12, $0x4  }
0x23: {  	s21 =	sshll.u32 @!p0 s21, $0xE;
	s20 =	sadd.s32 @!p0 s22, s20;
	s19 =	sand.u32 @!p0 $0x10, s19  }
0x24: {  	s21 =	sand.u32 @!p0 $0x4000, s21;
	s1 =	sshll.u32 @!p0 s1, $0x5;
	s19 =	sadd.s32 @!p0 s19, s20  }
0x25: {  	s20 =	simm.s32 @!p0 $0xE000;
	s1 =	sadd.s32 @!p0 s1, s19;
	s19 =	simm.s32 @!p0 $0x800  }
0x26: {  	[tilespmem:s21], [sflag:$0x1] =	stream.strided.gather @!p0 [hbm4b:s1+s19], $0x4000, s20, s19, $0x38;
	[tilespmem:$0x10000] =	vst v63  }
0x27: {  	p0 =	sge.u32 s31, s5  }
.Ltmp2:
0x28: {  	_ = 	snop;
	(pc) =	sbr.rel @p0 .LBB1_7-.Ltmp2, $1  }
0x29: {  	_ =	sdelay $0x3  }
0x2a: {  	s1 =	sshll.u32 s11, $0x2;
	_ =	swait.ge [sflag:s4], $0x4000;
	s19 =	sshll.u32 s15, $0xE  }
0x2b: {  	p0 =	por $0x0, $0x0;
	s25 =	simm.s32 $0x0;
	s26 =	simm.s32 $0x0  }
0x2c: {  	s1 =	sand.u32 $0x10000, s1;
	[sflag:s4] =	ssyncset.done $0x0;
	s22 =	sand.u32 $0x4000, s19  }
0x2d: {  	s1 =	sshrl.u32 s1, $0x2;
	[sflag:s4] =	ssyncadd.s32 $0xFFFFC000;
	s19 =	sor.u32 $0x8000, s22  }
0x2e: {  	s20 =	sor.u32 $0x40, s1;
	s21 =	sor.u32 $0x8410, s1;
	s23 =	sadd.s32 $0x8400, s1  }
.LBB1_3:
0x2f: {  	v1 =	vld [tilespmem:s20+$0xFFFFFFD0]  }
0x30: {  	v2 =	vld [tilespmem:s20+$0x430]  }
0x31: {  	s1 =	sshll.u32 s26, $0xB;
	v4 =	vld [tilespmem:s20+$0xFFFFFFE0]  }
0x32: {  	v7 =	vld [tilespmem:s20+$0xFFFFFFF0];
	v0 =	vmov s1  }
0x33: {  	v8 =	vld [tilespmem:s20+$0x0]  }
0x34: {  	v9 =	vld [tilespmem:s20+$0x10];
	s1 =	sand.u32 $0x300, s24  }
0x35: {  	s27 =	sand.u32 $0x80, s24;
	v10 =	vld [tilespmem:s20+$0x20];
	s1 =	sadd.s32 s1, s22  }
0x36: {  	v11 =	vld [tilespmem:s20+$0x30];
	s1 =	sadd.s32 s27, s1;
	s27 =	simm.s32 $0x1;
	[tilespmem:s21+$0x60] =	vst v2  }
0x37: {  	s27 =	simm.s32 @!p0 $0x0;
	[tilespmem:s21+$0xFFFFFC00] =	vst v1;
	v3 =	vld.idx.msk [tilespmem:v0+s1+$0x400 ss:$0x1], $0xffff;
	s1 =	sshll.u32 s25, $0x2  }
0x38: {  	v6 =	vld [tilespmem:s20+$0x3D0];
	s27 =	sshll.u32 s27, $0x9;
	[tilespmem:s21+$0xFFFFFC10] =	vst v4;
	s1 =	sand.u32 $0xFFFFFC00, s1  }
0x39: {  	v5 =	vld [tilespmem:s20+$0x3E0];
	[tilespmem:s21+$0xFFFFFC20] =	vst v7;
	s1 =	sor.u32 s27, s1  }
0x3a: {  	[tilespmem:s21+$0xFFFFFC30] =	vst v8;
	v4 =	vld [tilespmem:s20+$0x400];
	s1 =	sshrl.u32 s1, $0x2  }
0x3b: {  	[tilespmem:s21+$0xFFFFFC40] =	vst v9;
	v1 =	vld [tilespmem:s20+$0x410];
	s27 =	sadd.s32 s1, s23  }
0x3c: {  	[tilespmem:s27+$0x0] =	vst v3;
	v3 =	vld [tilespmem:s20+$0x3F0]  }
0x3d: {  	s31 =	simm.s32 $0x80;
	s30 =	simm.s32 $0x100;
	[tilespmem:s21+$0xFFFFFC50] =	vst v10;
	v2 =	vld [tilespmem:s20+$0x420]  }
0x3e: {  	s28 =	sadd.s32 $0x80, s20;
	s29 =	smov.u32 s21;
	v7 =	vld [tilespmem:s20+$0xFFFFFFC0];
	[tilespmem:s21+$0xFFFFFC60] =	vst v11;
	s1 =	sand.u32 $0x300, s31  }
.LBB1_4:
0x3f: {  	p1 =	sne.s32 s30, $0x380;
	v8 =	vld [tilespmem:s28+$0xFFFFFFD0];
	s31 =	sand.u32 $0x80, s31;
	s1 =	sadd.s32 s1, s22;
	[tilespmem:s29+$0x0] =	vst v6  }
0x40: {  	s1 =	sadd.s32 s31, s1;
	v6 =	vld [tilespmem:s28+$0x430];
	[tilespmem:s29+$0x10] =	vst v5;
	s31 =	smov.u32 s30  }
0x41: {  	v5 =	vld.idx.msk [tilespmem:v0+s1+$0x400 ss:$0x1], $0xffff;
	[tilespmem:s29+$0x20] =	vst v3  }
0x42: {  	v3 =	vld [tilespmem:s28+$0xFFFFFFE0];
	[tilespmem:s29+$0x30] =	vst v4  }
0x43: {  	v4 =	vld [tilespmem:s28+$0xFFFFFFF0];
	[tilespmem:s29+$0xFFFFFBF0] =	vst v7  }
0x44: {  	v7 =	vld [tilespmem:s28+$0x0];
	[tilespmem:s29+$0x40] =	vst v1  }
0x45: {  	v1 =	vld [tilespmem:s28+$0x10];
	[tilespmem:s29+$0x50] =	vst v2;
	s29 =	sadd.s32 $0x800, s29  }
0x46: {  	s27 =	sadd.s32 $0x800, s27;
	v2 =	vld [tilespmem:s28+$0x20];
	[tilespmem:s29+$0x60] =	vst v6  }
0x47: {  	v9 =	vld [tilespmem:s28+$0x30];
	[tilespmem:s27+$0x0] =	vst v5  }
0x48: {  	[tilespmem:s29+$0xFFFFFC00] =	vst v8;
	v6 =	vld [tilespmem:s28+$0x3D0]  }
0x49: {  	[tilespmem:s29+$0xFFFFFC10] =	vst v3;
	v5 =	vld [tilespmem:s28+$0x3E0]  }
.Ltmp3:
0x4a: {  	[tilespmem:s29+$0xFFFFFC20] =	vst v4;
	v3 =	vld [tilespmem:s28+$0x3F0];
	(pc) =	sbr.rel @p1 .LBB1_4-.Ltmp3, $4  }
0x4b: {  	[tilespmem:s29+$0xFFFFFC30] =	vst v7;
	v4 =	vld [tilespmem:s28+$0x400]  }
0x4c: {  	[tilespmem:s29+$0xFFFFFC40] =	vst v1;
	v1 =	vld [tilespmem:s28+$0x410]  }
0x4d: {  	[tilespmem:s29+$0xFFFFFC50] =	vst v2;
	v2 =	vld [tilespmem:s28+$0x420]  }
0x4e: {  	s30 =	sadd.s32 $0x80, s30;
	s1 =	sand.u32 $0x300, s31;
	v7 =	vld [tilespmem:s28+$0xFFFFFFC0];
	[tilespmem:s29+$0xFFFFFC60] =	vst v9;
	s28 =	sadd.s32 $0x80, s28  }
0x4f: {  	[tilespmem:s29+$0x0] =	vst v6  }
0x50: {  	[tilespmem:s29+$0x10] =	vst v5  }
0x51: {  	v49 =	vld [tilespmem:s28+$0x430];
	[tilespmem:s29+$0x20] =	vst v3  }
0x52: {  	v50 =	vld [tilespmem:s28+$0xFFFFFFD0];
	[tilespmem:s29+$0x30] =	vst v4  }
0x53: {  	v51 =	vld [tilespmem:s28+$0xFFFFFFE0];
	[tilespmem:s29+$0x40] =	vst v1  }
0x54: {  	v52 =	vld [tilespmem:s28+$0xFFFFFFF0];
	[tilespmem:s29+$0x50] =	vst v2  }
0x55: {  	s30 =	sand.u32 $0x80, s31;
	s31 =	sadd.s32 $0x800, s29;
	v53 =	vld [tilespmem:s28+$0x0];
	[tilespmem:s29+$0xFFFFFBF0] =	vst v7  }
0x56: {  	v54 =	vld [tilespmem:s28+$0x10];
	[tilespmem:s31+$0x60] =	vst v49  }
0x57: {  	v55 =	vld [tilespmem:s28+$0x20];
	[tilespmem:s31+$0xFFFFFC00] =	vst v50  }
0x58: {  	v56 =	vld [tilespmem:s28+$0x30];
	[tilespmem:s31+$0xFFFFFC10] =	vst v51  }
0x59: {  	v57 =	vld [tilespmem:s28+$0x3D0];
	[tilespmem:s31+$0xFFFFFC20] =	vst v52  }
0x5a: {  	v58 =	vld [tilespmem:s28+$0x3E0];
	[tilespmem:s31+$0xFFFFFC30] =	vst v53  }
0x5b: {  	v59 =	vld [tilespmem:s28+$0x3F0];
	[tilespmem:s31+$0xFFFFFC40] =	vst v54  }
0x5c: {  	v60 =	vld [tilespmem:s28+$0x400];
	[tilespmem:s31+$0xFFFFFC50] =	vst v55  }
0x5d: {  	v61 =	vld [tilespmem:s28+$0xFFFFFFC0];
	[tilespmem:s31+$0xFFFFFC60] =	vst v56  }
0x5e: {  	s1 =	sadd.s32 s1, s22;
	v62 =	vld [tilespmem:s28+$0x410];
	[tilespmem:s31+$0x0] =	vst v57  }
0x5f: {  	v63 =	vld [tilespmem:s28+$0x420];
	s26 =	sadd.s32 $0x1, s26;
	s1 =	sadd.s32 s30, s1;
	[tilespmem:s31+$0x10] =	vst v58  }
0x60: {  	p1 =	sne.s32 s26, $0x8;
	v0 =	vld.idx.msk [tilespmem:v0+s1+$0x400 ss:$0x1], $0xffff;
	[tilespmem:s31+$0x20] =	vst v59  }
.Ltmp4:
0x61: {  	[tilespmem:s31+$0x30] =	vst v60;
	(pc) =	sbr.rel @p1 .LBB1_3-.Ltmp4, $4  }
0x62: {  	[tilespmem:s31+$0xFFFFFBF0] =	vst v61  }
0x63: {  	[tilespmem:s31+$0x40] =	vst v62  }
0x64: {  	s27 =	sadd.s32 $0x800, s27;
	s20 =	sadd.s32 $0x800, s20;
	[tilespmem:s31+$0x50] =	vst v63  }
0x65: {  	s25 =	sadd.s32 $0x80, s25;
	p0 =	por !p0, !p0;
	s21 =	sadd.s32 $0x80, s21;
	[tilespmem:s27+$0x0] =	vst v0  }
0x66: {  	s1 =	sshll.u32 s17, $0x8;
	s20 =	sshll.u32 s17, $0x7  }
0x67: {  	s1 =	sand.u32 $0xFFFFF800, s1;
	s20 =	sand.u32 $0x300, s20  }
0x68: {  	s1 =	sor.u32 s20, s1  }
0x69: {  	s18 =	smul.u32 $0x150000, s18;
	s1 =	sshrl.u32 s1, $0x8  }
0x6a: {  	s30 =	smulhi.u32 $0x1555556, s1  }
0x6b: {  	s16 =	smul.u32 $0x1800, s16  }
0x6c: {  	s20 =	smul.u32 $0xC0, s30  }
.Ltmp5:
0x6d: {  	s31 =	sshll.u32 s17, $0x4;
	s18 =	sadd.s32 s3, s18;
	(pc) =	sbr.rel .LBB1_7-.Ltmp5, $4  }
0x6e: {  	s17 =	sand.u32 $0x10, s31;
	s16 =	sadd.s32 s16, s18;
	s1 =	ssub.s32 s1, s20  }
0x6f: {  	s16 =	sadd.s32 s17, s16;
	s1 =	sshll.u32 s1, $0x5  }
0x70: {  	s1 =	sadd.s32 s1, s16  }
0x71: {  	[hbm4b:s1+s9] =	stream.strided.scatter [tilespmem:s19], [sflag:$0x2], $0x4000, s10, s9, $0x38;
	[tilespmem:$0x10000] =	vst v63  }
.LBB1_8:
0x72: {  	_ =	sfence.sel $0x180000  }
0x73: {  	s1 =	simm.s32 $0x1;
	[bflag:$0x0] =	sbarrier.arrive $0xFFFF  }
0x74: {  	s31 =	simm.s32 $0x2;
	[sflag:s1] =	ssyncpa.u1 $0x1  }
0x75: {  	[sflag:s31] =	ssyncpa.u1 $0x1  }
0x76: {  	_ =	strace $0x9000004A  }
0x77: {  	[bflag:$0x2] =	sbarrier.arrive $0xFFFF  }
0x78: {  	p0 =	sne.s32 s0, $0x0;
	s0 =	rddreg [dreg:$0x2]  }
0x79: {  	s0 =	sadd.s32 @!p0 $0x100000, s0  }
0x7a: {  	[sflag:s0] =	ssyncadd.tile.s32 @!p0 $0x1;
	_ =	shalt  }
.Lfunc_end1:
_tile_overlayer_lowered:
.L_overlay_start_2:
0x7b: {  	(tag) =	ssettag $0x2  }
0x7c: {  	s0 =	rddreg [dreg:$0x0];
	s2 =	stileid.u32  }
0x7d: {  	s1 =	rddreg [dreg:$0x1];
	p0 =	sne.s32 s2, $0x0  }
0x7e: {  	s3 =	rddreg [dreg:$0x2];
	[bflag:$0x3] =	sbarrier.arrive $0xFFFF;
	s2 =	simm.s32 @!p0 $0x1C01  }
0x7f: {  	[timem:s3], [sflag:s2] =	dma.local @!p0 [hbm:s0], s1  }
0x80: {  	s0 =	simm.s32 @!p0 $0x1  }
0x81: {  	_ =	swait.ge @!p0 [sflag:s0], s1  }
0x82: {  	s1 =	ssub.s32 @!p0 $0x0, s1;
	[sflag:s0] =	ssyncset.done @!p0 $0x0  }
0x83: {  	[sflag:s0] =	ssyncadd.s32 @!p0 s1  }
0x84: {  	[bflag:$0x3] =	sbarrier.arrive $0xFFFF  }
0x85: {  	_ =	shalt  }

</sc_bundles>
